<compile_context>
chip_gen: v7x
topology: tpu7x:2x2x1
jax: 0.10.2.dev20260603
libtpu: 0.0.44.dev20260713+nightly
codegen_flags: <defaults>
</compile_context>

<pallas_src>
import dataclasses

import jax
import jax.numpy as jnp
from jax import lax
from jax.experimental import pallas as pl
from jax.experimental.pallas import tpu as pltpu
from jax.experimental.pallas import tpu_sc as plsc

N = 10000
E = 320000
D = 128
C = 40
NCHUNKS = E // C
NC = 2
NS = 16
CPT = NCHUNKS // (NC * NS)
ACC_CHUNKS = N // C


def _node_tc_body(x_ref, wsgm_ref, bsgm_ref, wdg_ref, bdg_ref, sgm_ref, dg_ref):
    x = x_ref[...]
    sgm_ref[...] = (lax.dot_general(
        x, wsgm_ref[...], (((1,), (0,)), ((), ())),
        precision=lax.Precision.HIGHEST) + bsgm_ref[...]).astype(jnp.bfloat16)
    dg_ref[...] = (lax.dot_general(
        x, wdg_ref[...], (((1,), (0,)), ((), ())),
        precision=lax.Precision.HIGHEST) + bdg_ref[...]).astype(jnp.bfloat16)


def _combine_tc_body(p_ref, x_ref, wr_ref, br_ref, o_ref):
    r = lax.dot_general(
        x_ref[...], wr_ref[...], (((1,), (0,)), ((), ())),
        precision=lax.Precision.HIGHEST) + br_ref[...]
    o_ref[...] = p_ref[0] + p_ref[1] + r


def _edge_sc_body(sgm_hbm, dg_hbm, row_hbm, col_hbm, out_hbm,
                  acc, idx_r0, idx_r1, idx_c0, idx_c1, sidx0, sidx1,
                  sgm_v0, sgm_v1, dg_v0, dg_v1, msg_v0, msg_v1,
                  sem_ir0, sem_ir1, sem_ic0, sem_ic1, sem_si0, sem_si1,
                  sem_gs0, sem_gs1, sem_gd0, sem_gd1, sem_s0, sem_s1):
    cid = lax.axis_index("c")
    sid = lax.axis_index("s")
    tile = cid * NS + sid
    bufs = ((idx_r0, idx_c0, sgm_v0, dg_v0, msg_v0,
             sem_ir0, sem_ic0, sem_gs0, sem_gd0, sem_s0, sidx0, sem_si0),
            (idx_r1, idx_c1, sgm_v1, dg_v1, msg_v1,
             sem_ir1, sem_ic1, sem_gs1, sem_gd1, sem_s1, sidx1, sem_si1))
    base_chunk = tile * CPT

    @pl.loop(0, C)
    def _zero_rows(i):
        for j in range(D // 16):
            msg_v0[i, pl.ds(j * 16, 16)] = jnp.zeros((16,), jnp.float32)

    @pl.loop(0, (ACC_CHUNKS + NS - 1) // NS)
    def _zero_acc(k):
        chunk = sid + NS * k

        @pl.when(chunk < ACC_CHUNKS)
        def _():
            pltpu.sync_copy(msg_v0, acc.at[pl.ds(chunk * C, C)])

    plsc.subcore_barrier()

    def issue_idx(k, b):
        idx_r, idx_c = bufs[b][0], bufs[b][1]
        sir, sic = bufs[b][5], bufs[b][6]
        e0 = (base_chunk + k) * C
        pltpu.async_copy(row_hbm.at[pl.ds(e0, C)], idx_r, sir)
        pltpu.async_copy(col_hbm.at[pl.ds(e0, C)], idx_c, sic)

    def wait_idx(b):
        idx_r, idx_c = bufs[b][0], bufs[b][1]
        sir, sic = bufs[b][5], bufs[b][6]
        pltpu.make_async_copy(row_hbm.at[pl.ds(0, C)], idx_r, sir).wait()
        pltpu.make_async_copy(col_hbm.at[pl.ds(0, C)], idx_c, sic).wait()

    def issue_gather(b):
        idx_r, idx_c, sgm_v, dg_v = bufs[b][0], bufs[b][1], bufs[b][2], bufs[b][3]
        sgs, sgd = bufs[b][7], bufs[b][8]
        pltpu.async_copy(sgm_hbm.at[idx_r], sgm_v, sgs)
        pltpu.async_copy(dg_hbm.at[idx_c], dg_v, sgd)

    def wait_gather(b):
        idx_r, idx_c, sgm_v, dg_v = bufs[b][0], bufs[b][1], bufs[b][2], bufs[b][3]
        sgs, sgd = bufs[b][7], bufs[b][8]
        pltpu.make_async_copy(sgm_hbm.at[idx_r], sgm_v, sgs).wait()
        pltpu.make_async_copy(dg_hbm.at[idx_c], dg_v, sgd).wait()

    def compute(b):
        sgm_v, dg_v, msg_v = bufs[b][2], bufs[b][3], bufs[b][4]

        @plsc.parallel_loop(0, C, unroll=4)
        def _rows(i):
            for j in range(D // 32):
                nsg = plsc.bitcast(sgm_v[i, pl.ds(j * 16, 16)], jnp.bfloat16)
                m = plsc.bitcast(sgm_v[i, pl.ds(D // 2 + j * 16, 16)], jnp.bfloat16)
                ndg = plsc.bitcast(dg_v[i, pl.ds(j * 16, 16)], jnp.bfloat16)
                den = jnp.exp(nsg + ndg) + jnp.bfloat16(1.0)
                lo, hi = plsc.unpack(m / den, format=plsc.PackFormat.INTERLEAVED)
                msg_v[i, pl.ds(j * 32, 16)] = lo
                msg_v[i, pl.ds(j * 32 + 16, 16)] = hi

    def issue_sidx(k, b):
        sidx, ssi = bufs[b][10], bufs[b][11]
        e0 = (base_chunk + k) * C
        pltpu.async_copy(col_hbm.at[pl.ds(e0, C)], sidx, ssi)

    def wait_sidx(b):
        sidx, ssi = bufs[b][10], bufs[b][11]
        pltpu.make_async_copy(col_hbm.at[pl.ds(0, C)], sidx, ssi).wait()

    def issue_scatter(b):
        msg_v, ss, sidx = bufs[b][4], bufs[b][9], bufs[b][10]
        pltpu.async_copy(msg_v, acc.at[sidx], ss, add=True)

    def wait_scatter(b):
        msg_v, ss, sidx = bufs[b][4], bufs[b][9], bufs[b][10]
        pltpu.make_async_copy(msg_v, acc.at[sidx], ss).wait()

    issue_idx(0, 0)
    issue_idx(1, 1)
    wait_idx(0)
    issue_gather(0)

    for k in (0, 1):
        b = k % 2
        wait_idx(1 - b)
        issue_gather(1 - b)
        wait_gather(b)
        issue_sidx(k, b)
        issue_idx(k + 2, b)
        compute(b)
        wait_sidx(b)
        issue_scatter(b)

    @pl.loop(1, CPT // 2)
    def _pipe(t):
        for b in range(2):
            k = 2 * t + b

            @pl.when(k + 1 < CPT)
            def _():
                wait_idx(1 - b)
                issue_gather(1 - b)

            wait_gather(b)
            wait_scatter(b)
            issue_sidx(k, b)

            @pl.when(k + 2 < CPT)
            def _():
                issue_idx(k + 2, b)

            compute(b)
            wait_sidx(b)
            issue_scatter(b)

    wait_scatter(0)
    wait_scatter(1)

    plsc.subcore_barrier()

    @pl.loop(0, (ACC_CHUNKS + NS - 1) // NS)
    def _write(k):
        chunk = sid + NS * k

        @pl.when(chunk < ACC_CHUNKS)
        def _():
            pltpu.sync_copy(acc.at[pl.ds(chunk * C, C)],
                            out_hbm.at[cid, pl.ds(chunk * C, C)])


def kernel(x, edge_index, Wsg, bsg, Wdg, bdg, Wm, bm, Wr, br):
    row = edge_index[0].astype(jnp.int32)
    col = edge_index[1].astype(jnp.int32)
    blk = jnp.arange(D).reshape(-1, 2, 16)
    perm = jnp.swapaxes(blk, 1, 2).reshape(-1)
    wsgm = jnp.concatenate([-Wsg[:, perm], Wm[:, perm]], axis=1)
    bsgm = jnp.concatenate([-bsg[perm], bm[perm]]).reshape(1, 2 * D)

    sgm, dg = pl.pallas_call(
        _node_tc_body,
        out_shape=(jax.ShapeDtypeStruct((N, 2 * D), jnp.bfloat16),
                   jax.ShapeDtypeStruct((N, D), jnp.bfloat16)),
    )(x, wsgm, bsgm, -Wdg[:, perm], -bdg[perm].reshape(1, D))

    cp = pltpu.CompilerParams()
    if "needs_layout_passes" in pltpu.CompilerParams.__dataclass_fields__:
        cp = dataclasses.replace(cp, needs_layout_passes=False)
    edge_sc = pl.kernel(
        _edge_sc_body,
        out_type=jax.ShapeDtypeStruct((NC, N, D), jnp.float32),
        mesh=plsc.VectorSubcoreMesh(core_axis_name="c", subcore_axis_name="s"),
        compiler_params=cp,
        scratch_types=[
            pltpu.VMEM_SHARED((N, D), jnp.float32),
            pltpu.VMEM((C,), jnp.int32),
            pltpu.VMEM((C,), jnp.int32),
            pltpu.VMEM((C,), jnp.int32),
            pltpu.VMEM((C,), jnp.int32),
            pltpu.VMEM((C,), jnp.int32),
            pltpu.VMEM((C,), jnp.int32),
            pltpu.VMEM((C, D), jnp.int32),
            pltpu.VMEM((C, D), jnp.int32),
            pltpu.VMEM((C, D), jnp.int32),
            pltpu.VMEM((C, D), jnp.int32),
            pltpu.VMEM((C, D), jnp.float32),
            pltpu.VMEM((C, D), jnp.float32),
            pltpu.SemaphoreType.DMA,
            pltpu.SemaphoreType.DMA,
            pltpu.SemaphoreType.DMA,
            pltpu.SemaphoreType.DMA,
            pltpu.SemaphoreType.DMA,
            pltpu.SemaphoreType.DMA,
            pltpu.SemaphoreType.DMA,
            pltpu.SemaphoreType.DMA,
            pltpu.SemaphoreType.DMA,
            pltpu.SemaphoreType.DMA,
            pltpu.SemaphoreType.DMA,
            pltpu.SemaphoreType.DMA,
        ],
    )
    sgm_i = lax.bitcast_convert_type(sgm.reshape(N, D, 2), jnp.int32)
    dg_i = lax.bitcast_convert_type(dg.reshape(N, D // 2, 2), jnp.int32)
    dg_i = jnp.concatenate([dg_i, jnp.zeros((N, D // 2), jnp.int32)], axis=1)
    partials = edge_sc(sgm_i, dg_i, row, col)

    out = pl.pallas_call(
        _combine_tc_body,
        out_shape=jax.ShapeDtypeStruct((N, D), jnp.float32),
    )(partials, x, Wr, br.reshape(1, D))
    return out

# --- scband reference (transcript-rebuilt; emitter-appended) ---
"""Pipeline reference for scband-res-gated-graph-conv-936302871049 (READ-ONLY COPY).

The authoritative reference and input builder live on the scoring server;
editing this copy changes nothing except your own understanding.
"""

import jax, jax.numpy as jnp
import numpy as np

N_NODES = 10000
N_EDGES = 320000
D_IN = 128
D_OUT = 128


def setup_inputs(seed: int = 0) -> dict:
    key = jax.random.key(seed)
    ks = jax.random.split(key, 10)
    x = jax.random.normal(ks[0], (N_NODES, D_IN), dtype=jnp.float32)
    edge_index = jax.random.randint(ks[1], (2, N_EDGES), 0, N_NODES, dtype=jnp.int64)
    scale = 1.0 / np.sqrt(D_IN)
    # Weights stored as [in, out] so forward is x @ W + b (equivalent to nn.Linear with W.T)
    Wsg = jax.random.uniform(ks[2], (D_IN, D_OUT), jnp.float32, -scale, scale)
    bsg = jax.random.uniform(ks[3], (D_OUT,), jnp.float32, -scale, scale)
    Wdg = jax.random.uniform(ks[4], (D_IN, D_OUT), jnp.float32, -scale, scale)
    bdg = jax.random.uniform(ks[5], (D_OUT,), jnp.float32, -scale, scale)
    Wm = jax.random.uniform(ks[6], (D_IN, D_OUT), jnp.float32, -scale, scale)
    bm = jax.random.uniform(ks[7], (D_OUT,), jnp.float32, -scale, scale)
    Wr = jax.random.uniform(ks[8], (D_IN, D_OUT), jnp.float32, -scale, scale)
    br = jax.random.uniform(ks[9], (D_OUT,), jnp.float32, -scale, scale)
    return {"x": x, "edge_index": edge_index, "Wsg": Wsg, "bsg": bsg,
            "Wdg": Wdg, "bdg": bdg, "Wm": Wm, "bm": bm, "Wr": Wr, "br": br}


def reference(x, edge_index, Wsg, bsg, Wdg, bdg, Wm, bm, Wr, br):
    row = edge_index[0]
    col = edge_index[1]
    x_row = jnp.take(x, row, axis=0)
    x_col = jnp.take(x, col, axis=0)
    gate = jax.nn.sigmoid((x_row @ Wsg + bsg) + (x_col @ Wdg + bdg))
    messages = gate * (x_row @ Wm + bm)
    out = jnp.zeros((x.shape[0], Wm.shape[1]), dtype=x.dtype).at[col].add(messages)
    return out + (x @ Wr + br)

if __name__ == "__main__":
    import jax
    _d = setup_inputs()
    print(jax.jit(kernel)(*tuple(_d.values())))

</pallas_src>

<mosaic_0001>
#map = affine_map<(d0, d1) -> (0, 0)>
#map1 = affine_map<(d0, d1) -> (0)>
#map2 = affine_map<(d0, d1) -> (0, 0, 0)>
module attributes {stable_mosaic.version = 14 : i64} {
  func.func @_edge_sc_body(%arg0: i32, %arg1: i32, %arg2: memref<10000x128xi32, #tpu.memory_space<hbm>>, %arg3: memref<10000x128xi32, #tpu.memory_space<hbm>>, %arg4: memref<320000xi32, #tpu.memory_space<hbm>>, %arg5: memref<320000xi32, #tpu.memory_space<hbm>>, %arg6: memref<2x10000x128xf32, #tpu.memory_space<hbm>>, %arg7: memref<10000x128xf32, #tpu.memory_space<vmem_shared>>, %arg8: memref<40xi32, #tpu.memory_space<vmem>>, %arg9: memref<40xi32, #tpu.memory_space<vmem>>, %arg10: memref<40xi32, #tpu.memory_space<vmem>>, %arg11: memref<40xi32, #tpu.memory_space<vmem>>, %arg12: memref<40xi32, #tpu.memory_space<vmem>>, %arg13: memref<40xi32, #tpu.memory_space<vmem>>, %arg14: memref<40x128xi32, #tpu.memory_space<vmem>>, %arg15: memref<40x128xi32, #tpu.memory_space<vmem>>, %arg16: memref<40x128xi32, #tpu.memory_space<vmem>>, %arg17: memref<40x128xi32, #tpu.memory_space<vmem>>, %arg18: memref<40x128xf32, #tpu.memory_space<vmem>>, %arg19: memref<40x128xf32, #tpu.memory_space<vmem>>, %arg20: memref<!tpu.dma_semaphore, #tpu.memory_space<semaphore_mem>>, %arg21: memref<!tpu.dma_semaphore, #tpu.memory_space<semaphore_mem>>, %arg22: memref<!tpu.dma_semaphore, #tpu.memory_space<semaphore_mem>>, %arg23: memref<!tpu.dma_semaphore, #tpu.memory_space<semaphore_mem>>, %arg24: memref<!tpu.dma_semaphore, #tpu.memory_space<semaphore_mem>>, %arg25: memref<!tpu.dma_semaphore, #tpu.memory_space<semaphore_mem>>, %arg26: memref<!tpu.dma_semaphore, #tpu.memory_space<semaphore_mem>>, %arg27: memref<!tpu.dma_semaphore, #tpu.memory_space<semaphore_mem>>, %arg28: memref<!tpu.dma_semaphore, #tpu.memory_space<semaphore_mem>>, %arg29: memref<!tpu.dma_semaphore, #tpu.memory_space<semaphore_mem>>, %arg30: memref<!tpu.dma_semaphore, #tpu.memory_space<semaphore_mem>>, %arg31: memref<!tpu.dma_semaphore, #tpu.memory_space<semaphore_mem>>) attributes {dimension_semantics = [#tpu.dimension_semantics<core_parallel>, #tpu.dimension_semantics<subcore_parallel>], iteration_bounds = array<i64: 2, 16>, scalar_prefetch = 0 : i64, scratch_operands = 25 : i64, tpu.core_type = #tpu.core_type<sc_vector_subcore>, window_params = [{transform_indices = #map}, {transform_indices = #map}, {transform_indices = #map1}, {transform_indices = #map1}, {transform_indices = #map2}]} {
    %mul3A = arith.constant 16 : i32
    %mul3A_0 = arith.muli %arg0, %mul3A : i32
    %add3A = arith.addi %mul3A_0, %arg1 : i32
    %mul3A_1 = arith.constant 250 : i32
    %mul3A_2 = arith.muli %add3A, %mul3A_1 : i32
    %scan3A = arith.constant 0 : i32
    %scan3A_3 = arith.constant 40 : i32
    %scan3A_4 = arith.addi %scan3A, %scan3A_3 : i32
    %scan3A_5 = arith.constant 1 : i32
    scf.for %scan3A_144 = %scan3A to %scan3A_4 step %scan3A_5  : i32 {
      %mul3A_145 = arith.constant 1 : i32
      %mul3A_146 = arith.muli %scan3A_144, %mul3A_145 : i32
      %add3A_147 = arith.constant 0 : i32
      %add3A_148 = arith.addi %add3A_147, %mul3A_146 : i32
      %broadcast_in_dim3A = arith.constant 0.000000e+00 : f32
      %broadcast_in_dim3A_149 = vector.broadcast %broadcast_in_dim3A : f32 to vector<16xf32>
      %swap3A = arith.index_cast %add3A_148 : i32 to index
      %swap3A_150 = arith.constant 0 : index
      %swap3A_151 = tpu.vector_load %arg18[%swap3A, %swap3A_150] {strides = array<i32>} : memref<40x128xf32, #tpu.memory_space<vmem>>, vector<16xf32>,
      tpu.vector_store %arg18[%swap3A, %swap3A_150], %broadcast_in_dim3A_149 {strides = array<i32>} : memref<40x128xf32, #tpu.memory_space<vmem>>, vector<16xf32>,
      %broadcast_in_dim3A_152 = arith.constant 0.000000e+00 : f32
      %broadcast_in_dim3A_153 = vector.broadcast %broadcast_in_dim3A_152 : f32 to vector<16xf32>
      %swap3A_154 = arith.index_cast %add3A_148 : i32 to index
      %swap3A_155 = arith.constant 16 : index
      %swap3A_156 = tpu.vector_load %arg18[%swap3A_154, %swap3A_155] {strides = array<i32>} : memref<40x128xf32, #tpu.memory_space<vmem>>, vector<16xf32>,
      tpu.vector_store %arg18[%swap3A_154, %swap3A_155], %broadcast_in_dim3A_153 {strides = array<i32>} : memref<40x128xf32, #tpu.memory_space<vmem>>, vector<16xf32>,
      %broadcast_in_dim3A_157 = arith.constant 0.000000e+00 : f32
      %broadcast_in_dim3A_158 = vector.broadcast %broadcast_in_dim3A_157 : f32 to vector<16xf32>
      %swap3A_159 = arith.index_cast %add3A_148 : i32 to index
      %swap3A_160 = arith.constant 32 : index
      %swap3A_161 = tpu.vector_load %arg18[%swap3A_159, %swap3A_160] {strides = array<i32>} : memref<40x128xf32, #tpu.memory_space<vmem>>, vector<16xf32>,
      tpu.vector_store %arg18[%swap3A_159, %swap3A_160], %broadcast_in_dim3A_158 {strides = array<i32>} : memref<40x128xf32, #tpu.memory_space<vmem>>, vector<16xf32>,
      %broadcast_in_dim3A_162 = arith.constant 0.000000e+00 : f32
      %broadcast_in_dim3A_163 = vector.broadcast %broadcast_in_dim3A_162 : f32 to vector<16xf32>
      %swap3A_164 = arith.index_cast %add3A_148 : i32 to index
      %swap3A_165 = arith.constant 48 : index
      %swap3A_166 = tpu.vector_load %arg18[%swap3A_164, %swap3A_165] {strides = array<i32>} : memref<40x128xf32, #tpu.memory_space<vmem>>, vector<16xf32>,
      tpu.vector_store %arg18[%swap3A_164, %swap3A_165], %broadcast_in_dim3A_163 {strides = array<i32>} : memref<40x128xf32, #tpu.memory_space<vmem>>, vector<16xf32>,
      %broadcast_in_dim3A_167 = arith.constant 0.000000e+00 : f32
      %broadcast_in_dim3A_168 = vector.broadcast %broadcast_in_dim3A_167 : f32 to vector<16xf32>
      %swap3A_169 = arith.index_cast %add3A_148 : i32 to index
      %swap3A_170 = arith.constant 64 : index
      %swap3A_171 = tpu.vector_load %arg18[%swap3A_169, %swap3A_170] {strides = array<i32>} : memref<40x128xf32, #tpu.memory_space<vmem>>, vector<16xf32>,
      tpu.vector_store %arg18[%swap3A_169, %swap3A_170], %broadcast_in_dim3A_168 {strides = array<i32>} : memref<40x128xf32, #tpu.memory_space<vmem>>, vector<16xf32>,
      %broadcast_in_dim3A_172 = arith.constant 0.000000e+00 : f32
      %broadcast_in_dim3A_173 = vector.broadcast %broadcast_in_dim3A_172 : f32 to vector<16xf32>
      %swap3A_174 = arith.index_cast %add3A_148 : i32 to index
      %swap3A_175 = arith.constant 80 : index
      %swap3A_176 = tpu.vector_load %arg18[%swap3A_174, %swap3A_175] {strides = array<i32>} : memref<40x128xf32, #tpu.memory_space<vmem>>, vector<16xf32>,
      tpu.vector_store %arg18[%swap3A_174, %swap3A_175], %broadcast_in_dim3A_173 {strides = array<i32>} : memref<40x128xf32, #tpu.memory_space<vmem>>, vector<16xf32>,
      %broadcast_in_dim3A_177 = arith.constant 0.000000e+00 : f32
      %broadcast_in_dim3A_178 = vector.broadcast %broadcast_in_dim3A_177 : f32 to vector<16xf32>
      %swap3A_179 = arith.index_cast %add3A_148 : i32 to index
      %swap3A_180 = arith.constant 96 : index
      %swap3A_181 = tpu.vector_load %arg18[%swap3A_179, %swap3A_180] {strides = array<i32>} : memref<40x128xf32, #tpu.memory_space<vmem>>, vector<16xf32>,
      tpu.vector_store %arg18[%swap3A_179, %swap3A_180], %broadcast_in_dim3A_178 {strides = array<i32>} : memref<40x128xf32, #tpu.memory_space<vmem>>, vector<16xf32>,
      %broadcast_in_dim3A_182 = arith.constant 0.000000e+00 : f32
      %broadcast_in_dim3A_183 = vector.broadcast %broadcast_in_dim3A_182 : f32 to vector<16xf32>
      %swap3A_184 = arith.index_cast %add3A_148 : i32 to index
      %swap3A_185 = arith.constant 112 : index
      %swap3A_186 = tpu.vector_load %arg18[%swap3A_184, %swap3A_185] {strides = array<i32>} : memref<40x128xf32, #tpu.memory_space<vmem>>, vector<16xf32>,
      tpu.vector_store %arg18[%swap3A_184, %swap3A_185], %broadcast_in_dim3A_183 {strides = array<i32>} : memref<40x128xf32, #tpu.memory_space<vmem>>, vector<16xf32>,
    }
    %scan3A_6 = arith.constant 40 : i32
    %scan3A_7 = arith.constant 0 : i32
    %scan3A_8 = arith.constant 16 : i32
    %scan3A_9 = arith.addi %scan3A_7, %scan3A_8 : i32
    %scan3A_10 = arith.constant 1 : i32
    scf.for %scan3A_144 = %scan3A_7 to %scan3A_9 step %scan3A_10  : i32 {
      %mul3A_145 = arith.constant 1 : i32
      %mul3A_146 = arith.muli %scan3A_144, %mul3A_145 : i32
      %add3A_147 = arith.constant 0 : i32
      %add3A_148 = arith.addi %add3A_147, %mul3A_146 : i32
      %mul3A_149 = arith.constant 16 : i32
      %mul3A_150 = arith.muli %mul3A_149, %add3A_148 : i32
      %add3A_151 = arith.addi %arg1, %mul3A_150 : i32
      %lt3A = arith.constant 250 : i32
      %lt3A_152 = arith.cmpi slt, %add3A_151, %lt3A : i32
      %convert_element_type3A = arith.extui %lt3A_152 : i1 to i32
      %cond3A = arith.constant 0 : i32
      %cond3A_153 = arith.cmpi ne, %convert_element_type3A, %cond3A : i32
      scf.if %cond3A_153 {
        %mul3A_154 = arith.constant 40 : i32
        %mul3A_155 = arith.muli %add3A_151, %mul3A_154 : i32
        "tpu.region"() ({
          %run_scoped3A = tpu.sem_alloc : memref<!tpu.dma_semaphore, #tpu.memory_space<semaphore_mem>>
          %dma_start3A_156 = arith.constant 0 : i32
          %dma_start3A_157 = tpu.memref_slice %arg7[%mul3A_155, %dma_start3A_156] : memref<10000x128xf32, #tpu.memory_space<vmem_shared>> -> memref<40x128xf32, #tpu.memory_space<vmem_shared>>
          %dma_start3A_158 = arith.constant 0 : i32
          %dma_start3A_159 = tpu.memref_slice %arg7[%mul3A_155, %dma_start3A_158] : memref<10000x128xf32, #tpu.memory_space<vmem_shared>> -> memref<40x128xf32, #tpu.memory_space<vmem_shared>>
          tpu.enqueue_dma source(%arg18 : memref<40x128xf32, #tpu.memory_space<vmem>>) target(%dma_start3A_159 : memref<40x128xf32, #tpu.memory_space<vmem_shared>>) target_semaphore(%run_scoped3A : memref<!tpu.dma_semaphore, #tpu.memory_space<semaphore_mem>>)
          %dma_wait3A_160 = arith.constant 0 : i32
          %dma_wait3A_161 = tpu.memref_slice %arg7[%mul3A_155, %dma_wait3A_160] : memref<10000x128xf32, #tpu.memory_space<vmem_shared>> -> memref<40x128xf32, #tpu.memory_space<vmem_shared>>
          %dma_wait3A_162 = arith.constant 0 : i32
          %dma_wait3A_163 = tpu.memref_slice %arg7[%mul3A_155, %dma_wait3A_162] : memref<10000x128xf32, #tpu.memory_space<vmem_shared>> -> memref<40x128xf32, #tpu.memory_space<vmem_shared>>
          tpu.wait_dma2 semaphore(%run_scoped3A : memref<!tpu.dma_semaphore, #tpu.memory_space<semaphore_mem>>) src(%arg18 : memref<40x128xf32, #tpu.memory_space<vmem>>) dst(%dma_wait3A_163 : memref<40x128xf32, #tpu.memory_space<vmem_shared>>)
          tpu.yield
        }) : () -> ()
      } else {
      }
    }
    %scan3A_11 = arith.constant 16 : i32
    %barrier3A = arith.constant 0 : index
    tpu.barrier barrier_id(%barrier3A)
    %add3A_12 = arith.constant 0 : i32
    %add3A_13 = arith.addi %mul3A_2, %add3A_12 : i32
    %mul3A_14 = arith.constant 40 : i32
    %mul3A_15 = arith.muli %add3A_13, %mul3A_14 : i32
    %dma_start3A = tpu.memref_slice %arg4[%mul3A_15] : memref<320000xi32, #tpu.memory_space<hbm>> -> memref<40xi32, #tpu.memory_space<hbm>>
    %dma_start3A_16 = tpu.memref_slice %arg4[%mul3A_15] : memref<320000xi32, #tpu.memory_space<hbm>> -> memref<40xi32, #tpu.memory_space<hbm>>
    tpu.enqueue_dma source(%dma_start3A_16 : memref<40xi32, #tpu.memory_space<hbm>>) target(%arg8 : memref<40xi32, #tpu.memory_space<vmem>>) target_semaphore(%arg20 : memref<!tpu.dma_semaphore, #tpu.memory_space<semaphore_mem>>)
    %dma_start3A_17 = tpu.memref_slice %arg5[%mul3A_15] : memref<320000xi32, #tpu.memory_space<hbm>> -> memref<40xi32, #tpu.memory_space<hbm>>
    %dma_start3A_18 = tpu.memref_slice %arg5[%mul3A_15] : memref<320000xi32, #tpu.memory_space<hbm>> -> memref<40xi32, #tpu.memory_space<hbm>>
    tpu.enqueue_dma source(%dma_start3A_18 : memref<40xi32, #tpu.memory_space<hbm>>) target(%arg10 : memref<40xi32, #tpu.memory_space<vmem>>) target_semaphore(%arg22 : memref<!tpu.dma_semaphore, #tpu.memory_space<semaphore_mem>>)
    %add3A_19 = arith.constant 1 : i32
    %add3A_20 = arith.addi %mul3A_2, %add3A_19 : i32
    %mul3A_21 = arith.constant 40 : i32
    %mul3A_22 = arith.muli %add3A_20, %mul3A_21 : i32
    %dma_start3A_23 = tpu.memref_slice %arg4[%mul3A_22] : memref<320000xi32, #tpu.memory_space<hbm>> -> memref<40xi32, #tpu.memory_space<hbm>>
    %dma_start3A_24 = tpu.memref_slice %arg4[%mul3A_22] : memref<320000xi32, #tpu.memory_space<hbm>> -> memref<40xi32, #tpu.memory_space<hbm>>
    tpu.enqueue_dma source(%dma_start3A_24 : memref<40xi32, #tpu.memory_space<hbm>>) target(%arg9 : memref<40xi32, #tpu.memory_space<vmem>>) target_semaphore(%arg21 : memref<!tpu.dma_semaphore, #tpu.memory_space<semaphore_mem>>)
    %dma_start3A_25 = tpu.memref_slice %arg5[%mul3A_22] : memref<320000xi32, #tpu.memory_space<hbm>> -> memref<40xi32, #tpu.memory_space<hbm>>
    %dma_start3A_26 = tpu.memref_slice %arg5[%mul3A_22] : memref<320000xi32, #tpu.memory_space<hbm>> -> memref<40xi32, #tpu.memory_space<hbm>>
    tpu.enqueue_dma source(%dma_start3A_26 : memref<40xi32, #tpu.memory_space<hbm>>) target(%arg11 : memref<40xi32, #tpu.memory_space<vmem>>) target_semaphore(%arg23 : memref<!tpu.dma_semaphore, #tpu.memory_space<semaphore_mem>>)
    %dma_wait3A = arith.constant 0 : i32
    %dma_wait3A_27 = tpu.memref_slice %arg4[%dma_wait3A] : memref<320000xi32, #tpu.memory_space<hbm>> -> memref<40xi32, #tpu.memory_space<hbm>>
    %dma_wait3A_28 = arith.constant 0 : i32
    %dma_wait3A_29 = tpu.memref_slice %arg4[%dma_wait3A_28] : memref<320000xi32, #tpu.memory_space<hbm>> -> memref<40xi32, #tpu.memory_space<hbm>>
    tpu.wait_dma2 semaphore(%arg20 : memref<!tpu.dma_semaphore, #tpu.memory_space<semaphore_mem>>) src(%dma_wait3A_29 : memref<40xi32, #tpu.memory_space<hbm>>) dst(%arg8 : memref<40xi32, #tpu.memory_space<vmem>>)
    %dma_wait3A_30 = arith.constant 0 : i32
    %dma_wait3A_31 = tpu.memref_slice %arg5[%dma_wait3A_30] : memref<320000xi32, #tpu.memory_space<hbm>> -> memref<40xi32, #tpu.memory_space<hbm>>
    %dma_wait3A_32 = arith.constant 0 : i32
    %dma_wait3A_33 = tpu.memref_slice %arg5[%dma_wait3A_32] : memref<320000xi32, #tpu.memory_space<hbm>> -> memref<40xi32, #tpu.memory_space<hbm>>
    tpu.wait_dma2 semaphore(%arg22 : memref<!tpu.dma_semaphore, #tpu.memory_space<semaphore_mem>>) src(%dma_wait3A_33 : memref<40xi32, #tpu.memory_space<hbm>>) dst(%arg10 : memref<40xi32, #tpu.memory_space<vmem>>)
    %dma_start3A_34 = arith.constant 0 : i32
    %dma_start3A_35 = arith.constant 0 : i32
    %dma_start3A_36 = tpu.memref_slice %arg2[%dma_start3A_34, %dma_start3A_35] : memref<10000x128xi32, #tpu.memory_space<hbm>> -> memref<10000x128xi32, #tpu.memory_space<hbm>>
    tpu.enqueue_indirect_dma source(%dma_start3A_36 : memref<10000x128xi32, #tpu.memory_space<hbm>>) target(%arg14 : memref<40x128xi32, #tpu.memory_space<vmem>>) offsets(%arg8 : memref<40xi32, #tpu.memory_space<vmem>>) semaphore(%arg26 : memref<!tpu.dma_semaphore, #tpu.memory_space<semaphore_mem>>)
    %dma_start3A_37 = arith.constant 0 : i32
    %dma_start3A_38 = arith.constant 0 : i32
    %dma_start3A_39 = tpu.memref_slice %arg3[%dma_start3A_37, %dma_start3A_38] : memref<10000x128xi32, #tpu.memory_space<hbm>> -> memref<10000x128xi32, #tpu.memory_space<hbm>>
    tpu.enqueue_indirect_dma source(%dma_start3A_39 : memref<10000x128xi32, #tpu.memory_space<hbm>>) target(%arg16 : memref<40x128xi32, #tpu.memory_space<vmem>>) offsets(%arg10 : memref<40xi32, #tpu.memory_space<vmem>>) semaphore(%arg28 : memref<!tpu.dma_semaphore, #tpu.memory_space<semaphore_mem>>)
    %dma_wait3A_40 = arith.constant 0 : i32
    %dma_wait3A_41 = tpu.memref_slice %arg4[%dma_wait3A_40] : memref<320000xi32, #tpu.memory_space<hbm>> -> memref<40xi32, #tpu.memory_space<hbm>>
    %dma_wait3A_42 = arith.constant 0 : i32
    %dma_wait3A_43 = tpu.memref_slice %arg4[%dma_wait3A_42] : memref<320000xi32, #tpu.memory_space<hbm>> -> memref<40xi32, #tpu.memory_space<hbm>>
    tpu.wait_dma2 semaphore(%arg21 : memref<!tpu.dma_semaphore, #tpu.memory_space<semaphore_mem>>) src(%dma_wait3A_43 : memref<40xi32, #tpu.memory_space<hbm>>) dst(%arg9 : memref<40xi32, #tpu.memory_space<vmem>>)
    %dma_wait3A_44 = arith.constant 0 : i32
    %dma_wait3A_45 = tpu.memref_slice %arg5[%dma_wait3A_44] : memref<320000xi32, #tpu.memory_space<hbm>> -> memref<40xi32, #tpu.memory_space<hbm>>
    %dma_wait3A_46 = arith.constant 0 : i32
    %dma_wait3A_47 = tpu.memref_slice %arg5[%dma_wait3A_46] : memref<320000xi32, #tpu.memory_space<hbm>> -> memref<40xi32, #tpu.memory_space<hbm>>
    tpu.wait_dma2 semaphore(%arg23 : memref<!tpu.dma_semaphore, #tpu.memory_space<semaphore_mem>>) src(%dma_wait3A_47 : memref<40xi32, #tpu.memory_space<hbm>>) dst(%arg11 : memref<40xi32, #tpu.memory_space<vmem>>)
    %dma_start3A_48 = arith.constant 0 : i32
    %dma_start3A_49 = arith.constant 0 : i32
    %dma_start3A_50 = tpu.memref_slice %arg2[%dma_start3A_48, %dma_start3A_49] : memref<10000x128xi32, #tpu.memory_space<hbm>> -> memref<10000x128xi32, #tpu.memory_space<hbm>>
    tpu.enqueue_indirect_dma source(%dma_start3A_50 : memref<10000x128xi32, #tpu.memory_space<hbm>>) target(%arg15 : memref<40x128xi32, #tpu.memory_space<vmem>>) offsets(%arg9 : memref<40xi32, #tpu.memory_space<vmem>>) semaphore(%arg27 : memref<!tpu.dma_semaphore, #tpu.memory_space<semaphore_mem>>)
    %dma_start3A_51 = arith.constant 0 : i32
    %dma_start3A_52 = arith.constant 0 : i32
    %dma_start3A_53 = tpu.memref_slice %arg3[%dma_start3A_51, %dma_start3A_52] : memref<10000x128xi32, #tpu.memory_space<hbm>> -> memref<10000x128xi32, #tpu.memory_space<hbm>>
    tpu.enqueue_indirect_dma source(%dma_start3A_53 : memref<10000x128xi32, #tpu.memory_space<hbm>>) target(%arg17 : memref<40x128xi32, #tpu.memory_space<vmem>>) offsets(%arg11 : memref<40xi32, #tpu.memory_space<vmem>>) semaphore(%arg29 : memref<!tpu.dma_semaphore, #tpu.memory_space<semaphore_mem>>)
    %dma_wait3A_54 = arith.constant 0 : i32
    %dma_wait3A_55 = arith.constant 0 : i32
    %dma_wait3A_56 = tpu.memref_slice %arg2[%dma_wait3A_54, %dma_wait3A_55] : memref<10000x128xi32, #tpu.memory_space<hbm>> -> memref<10000x128xi32, #tpu.memory_space<hbm>>
    tpu.wait_indirect_dma semaphore(%arg26 : memref<!tpu.dma_semaphore, #tpu.memory_space<semaphore_mem>>) src(%dma_wait3A_56 : memref<10000x128xi32, #tpu.memory_space<hbm>>) dst(%arg14 : memref<40x128xi32, #tpu.memory_space<vmem>>)
    %dma_wait3A_57 = arith.constant 0 : i32
    %dma_wait3A_58 = arith.constant 0 : i32
    %dma_wait3A_59 = tpu.memref_slice %arg3[%dma_wait3A_57, %dma_wait3A_58] : memref<10000x128xi32, #tpu.memory_space<hbm>> -> memref<10000x128xi32, #tpu.memory_space<hbm>>
    tpu.wait_indirect_dma semaphore(%arg28 : memref<!tpu.dma_semaphore, #tpu.memory_space<semaphore_mem>>) src(%dma_wait3A_59 : memref<10000x128xi32, #tpu.memory_space<hbm>>) dst(%arg16 : memref<40x128xi32, #tpu.memory_space<vmem>>)
    %add3A_60 = arith.constant 0 : i32
    %add3A_61 = arith.addi %mul3A_2, %add3A_60 : i32
    %mul3A_62 = arith.constant 40 : i32
    %mul3A_63 = arith.muli %add3A_61, %mul3A_62 : i32
    %dma_start3A_64 = tpu.memref_slice %arg5[%mul3A_63] : memref<320000xi32, #tpu.memory_space<hbm>> -> memref<40xi32, #tpu.memory_space<hbm>>
    %dma_start3A_65 = tpu.memref_slice %arg5[%mul3A_63] : memref<320000xi32, #tpu.memory_space<hbm>> -> memref<40xi32, #tpu.memory_space<hbm>>
    tpu.enqueue_dma source(%dma_start3A_65 : memref<40xi32, #tpu.memory_space<hbm>>) target(%arg12 : memref<40xi32, #tpu.memory_space<vmem>>) target_semaphore(%arg24 : memref<!tpu.dma_semaphore, #tpu.memory_space<semaphore_mem>>)
    %add3A_66 = arith.constant 2 : i32
    %add3A_67 = arith.addi %mul3A_2, %add3A_66 : i32
    %mul3A_68 = arith.constant 40 : i32
    %mul3A_69 = arith.muli %add3A_67, %mul3A_68 : i32
    %dma_start3A_70 = tpu.memref_slice %arg4[%mul3A_69] : memref<320000xi32, #tpu.memory_space<hbm>> -> memref<40xi32, #tpu.memory_space<hbm>>
    %dma_start3A_71 = tpu.memref_slice %arg4[%mul3A_69] : memref<320000xi32, #tpu.memory_space<hbm>> -> memref<40xi32, #tpu.memory_space<hbm>>
    tpu.enqueue_dma source(%dma_start3A_71 : memref<40xi32, #tpu.memory_space<hbm>>) target(%arg8 : memref<40xi32, #tpu.memory_space<vmem>>) target_semaphore(%arg20 : memref<!tpu.dma_semaphore, #tpu.memory_space<semaphore_mem>>)
    %dma_start3A_72 = tpu.memref_slice %arg5[%mul3A_69] : memref<320000xi32, #tpu.memory_space<hbm>> -> memref<40xi32, #tpu.memory_space<hbm>>
    %dma_start3A_73 = tpu.memref_slice %arg5[%mul3A_69] : memref<320000xi32, #tpu.memory_space<hbm>> -> memref<40xi32, #tpu.memory_space<hbm>>
    tpu.enqueue_dma source(%dma_start3A_73 : memref<40xi32, #tpu.memory_space<hbm>>) target(%arg10 : memref<40xi32, #tpu.memory_space<vmem>>) target_semaphore(%arg22 : memref<!tpu.dma_semaphore, #tpu.memory_space<semaphore_mem>>)
    %parallel_loop3A = arith.constant 0 : i32
    %parallel_loop3A_74 = arith.constant 40 : i32
    %parallel_loop3A_75 = arith.constant 1 : i32
    scf.for %parallel_loop3A_144 = %parallel_loop3A to %parallel_loop3A_74 step %parallel_loop3A_75  : i32 {
      %parallel_loop3A_145 = arith.index_cast %parallel_loop3A_144 : i32 to index
      %parallel_loop3A_146 = arith.constant 0 : index
      %parallel_loop3A_147 = tpu.vector_load %arg14[%parallel_loop3A_145, %parallel_loop3A_146] {strides = array<i32>} : memref<40x128xi32, #tpu.memory_space<vmem>>, vector<16xi32>,
      %parallel_loop3A_148 = vector.bitcast %parallel_loop3A_147 : vector<16xi32> to vector<32xbf16>
      %parallel_loop3A_149 = arith.index_cast %parallel_loop3A_144 : i32 to index
      %parallel_loop3A_150 = arith.constant 64 : index
      %parallel_loop3A_151 = tpu.vector_load %arg14[%parallel_loop3A_149, %parallel_loop3A_150] {strides = array<i32>} : memref<40x128xi32, #tpu.memory_space<vmem>>, vector<16xi32>,
      %parallel_loop3A_152 = vector.bitcast %parallel_loop3A_151 : vector<16xi32> to vector<32xbf16>
      %parallel_loop3A_153 = arith.index_cast %parallel_loop3A_144 : i32 to index
      %parallel_loop3A_154 = arith.constant 0 : index
      %parallel_loop3A_155 = tpu.vector_load %arg16[%parallel_loop3A_153, %parallel_loop3A_154] {strides = array<i32>} : memref<40x128xi32, #tpu.memory_space<vmem>>, vector<16xi32>,
      %parallel_loop3A_156 = vector.bitcast %parallel_loop3A_155 : vector<16xi32> to vector<32xbf16>
      %parallel_loop3A_157 = arith.addf %parallel_loop3A_148, %parallel_loop3A_156 : vector<32xbf16>
      %parallel_loop3A_158 = math.exp %parallel_loop3A_157 : vector<32xbf16>
      %parallel_loop3A_159 = arith.constant 1.000000e+00 : bf16
      %parallel_loop3A_160 = vector.broadcast %parallel_loop3A_159 : bf16 to vector<32xbf16>
      %parallel_loop3A_161 = arith.addf %parallel_loop3A_158, %parallel_loop3A_160 : vector<32xbf16>
      %parallel_loop3A_162 = arith.divf %parallel_loop3A_152, %parallel_loop3A_161 : vector<32xbf16>
      %parallel_loop3A_163 = tpu.unpack_subelements %parallel_loop3A_162, 0 {pack_format = #tpu.pack_format<interleaved>} : vector<32xbf16> -> vector<16xf32>
      %parallel_loop3A_164 = tpu.unpack_subelements %parallel_loop3A_162, 1 {pack_format = #tpu.pack_format<interleaved>} : vector<32xbf16> -> vector<16xf32>
      %parallel_loop3A_165 = arith.index_cast %parallel_loop3A_144 : i32 to index
      %parallel_loop3A_166 = arith.constant 0 : index
      %parallel_loop3A_167 = tpu.vector_load %arg18[%parallel_loop3A_165, %parallel_loop3A_166] {strides = array<i32>} : memref<40x128xf32, #tpu.memory_space<vmem>>, vector<16xf32>,
      tpu.vector_store %arg18[%parallel_loop3A_165, %parallel_loop3A_166], %parallel_loop3A_163 {strides = array<i32>} : memref<40x128xf32, #tpu.memory_space<vmem>>, vector<16xf32>,
      %parallel_loop3A_168 = arith.index_cast %parallel_loop3A_144 : i32 to index
      %parallel_loop3A_169 = arith.constant 16 : index
      %parallel_loop3A_170 = tpu.vector_load %arg18[%parallel_loop3A_168, %parallel_loop3A_169] {strides = array<i32>} : memref<40x128xf32, #tpu.memory_space<vmem>>, vector<16xf32>,
      tpu.vector_store %arg18[%parallel_loop3A_168, %parallel_loop3A_169], %parallel_loop3A_164 {strides = array<i32>} : memref<40x128xf32, #tpu.memory_space<vmem>>, vector<16xf32>,
      %parallel_loop3A_171 = arith.index_cast %parallel_loop3A_144 : i32 to index
      %parallel_loop3A_172 = arith.constant 16 : index
      %parallel_loop3A_173 = tpu.vector_load %arg14[%parallel_loop3A_171, %parallel_loop3A_172] {strides = array<i32>} : memref<40x128xi32, #tpu.memory_space<vmem>>, vector<16xi32>,
      %parallel_loop3A_174 = vector.bitcast %parallel_loop3A_173 : vector<16xi32> to vector<32xbf16>
      %parallel_loop3A_175 = arith.index_cast %parallel_loop3A_144 : i32 to index
      %parallel_loop3A_176 = arith.constant 80 : index
      %parallel_loop3A_177 = tpu.vector_load %arg14[%parallel_loop3A_175, %parallel_loop3A_176] {strides = array<i32>} : memref<40x128xi32, #tpu.memory_space<vmem>>, vector<16xi32>,
      %parallel_loop3A_178 = vector.bitcast %parallel_loop3A_177 : vector<16xi32> to vector<32xbf16>
      %parallel_loop3A_179 = arith.index_cast %parallel_loop3A_144 : i32 to index
      %parallel_loop3A_180 = arith.constant 16 : index
      %parallel_loop3A_181 = tpu.vector_load %arg16[%parallel_loop3A_179, %parallel_loop3A_180] {strides = array<i32>} : memref<40x128xi32, #tpu.memory_space<vmem>>, vector<16xi32>,
      %parallel_loop3A_182 = vector.bitcast %parallel_loop3A_181 : vector<16xi32> to vector<32xbf16>
      %parallel_loop3A_183 = arith.addf %parallel_loop3A_174, %parallel_loop3A_182 : vector<32xbf16>
      %parallel_loop3A_184 = math.exp %parallel_loop3A_183 : vector<32xbf16>
      %parallel_loop3A_185 = arith.constant 1.000000e+00 : bf16
      %parallel_loop3A_186 = vector.broadcast %parallel_loop3A_185 : bf16 to vector<32xbf16>
      %parallel_loop3A_187 = arith.addf %parallel_loop3A_184, %parallel_loop3A_186 : vector<32xbf16>
      %parallel_loop3A_188 = arith.divf %parallel_loop3A_178, %parallel_loop3A_187 : vector<32xbf16>
      %parallel_loop3A_189 = tpu.unpack_subelements %parallel_loop3A_188, 0 {pack_format = #tpu.pack_format<interleaved>} : vector<32xbf16> -> vector<16xf32>
      %parallel_loop3A_190 = tpu.unpack_subelements %parallel_loop3A_188, 1 {pack_format = #tpu.pack_format<interleaved>} : vector<32xbf16> -> vector<16xf32>
      %parallel_loop3A_191 = arith.index_cast %parallel_loop3A_144 : i32 to index
      %parallel_loop3A_192 = arith.constant 32 : index
      %parallel_loop3A_193 = tpu.vector_load %arg18[%parallel_loop3A_191, %parallel_loop3A_192] {strides = array<i32>} : memref<40x128xf32, #tpu.memory_space<vmem>>, vector<16xf32>,
      tpu.vector_store %arg18[%parallel_loop3A_191, %parallel_loop3A_192], %parallel_loop3A_189 {strides = array<i32>} : memref<40x128xf32, #tpu.memory_space<vmem>>, vector<16xf32>,
      %parallel_loop3A_194 = arith.index_cast %parallel_loop3A_144 : i32 to index
      %parallel_loop3A_195 = arith.constant 48 : index
      %parallel_loop3A_196 = tpu.vector_load %arg18[%parallel_loop3A_194, %parallel_loop3A_195] {strides = array<i32>} : memref<40x128xf32, #tpu.memory_space<vmem>>, vector<16xf32>,
      tpu.vector_store %arg18[%parallel_loop3A_194, %parallel_loop3A_195], %parallel_loop3A_190 {strides = array<i32>} : memref<40x128xf32, #tpu.memory_space<vmem>>, vector<16xf32>,
      %parallel_loop3A_197 = arith.index_cast %parallel_loop3A_144 : i32 to index
      %parallel_loop3A_198 = arith.constant 32 : index
      %parallel_loop3A_199 = tpu.vector_load %arg14[%parallel_loop3A_197, %parallel_loop3A_198] {strides = array<i32>} : memref<40x128xi32, #tpu.memory_space<vmem>>, vector<16xi32>,
      %parallel_loop3A_200 = vector.bitcast %parallel_loop3A_199 : vector<16xi32> to vector<32xbf16>
      %parallel_loop3A_201 = arith.index_cast %parallel_loop3A_144 : i32 to index
      %parallel_loop3A_202 = arith.constant 96 : index
      %parallel_loop3A_203 = tpu.vector_load %arg14[%parallel_loop3A_201, %parallel_loop3A_202] {strides = array<i32>} : memref<40x128xi32, #tpu.memory_space<vmem>>, vector<16xi32>,
      %parallel_loop3A_204 = vector.bitcast %parallel_loop3A_203 : vector<16xi32> to vector<32xbf16>
      %parallel_loop3A_205 = arith.index_cast %parallel_loop3A_144 : i32 to index
      %parallel_loop3A_206 = arith.constant 32 : index
      %parallel_loop3A_207 = tpu.vector_load %arg16[%parallel_loop3A_205, %parallel_loop3A_206] {strides = array<i32>} : memref<40x128xi32, #tpu.memory_space<vmem>>, vector<16xi32>,
      %parallel_loop3A_208 = vector.bitcast %parallel_loop3A_207 : vector<16xi32> to vector<32xbf16>
      %parallel_loop3A_209 = arith.addf %parallel_loop3A_200, %parallel_loop3A_208 : vector<32xbf16>
      %parallel_loop3A_210 = math.exp %parallel_loop3A_209 : vector<32xbf16>
      %parallel_loop3A_211 = arith.constant 1.000000e+00 : bf16
      %parallel_loop3A_212 = vector.broadcast %parallel_loop3A_211 : bf16 to vector<32xbf16>
      %parallel_loop3A_213 = arith.addf %parallel_loop3A_210, %parallel_loop3A_212 : vector<32xbf16>
      %parallel_loop3A_214 = arith.divf %parallel_loop3A_204, %parallel_loop3A_213 : vector<32xbf16>
      %parallel_loop3A_215 = tpu.unpack_subelements %parallel_loop3A_214, 0 {pack_format = #tpu.pack_format<interleaved>} : vector<32xbf16> -> vector<16xf32>
      %parallel_loop3A_216 = tpu.unpack_subelements %parallel_loop3A_214, 1 {pack_format = #tpu.pack_format<interleaved>} : vector<32xbf16> -> vector<16xf32>
      %parallel_loop3A_217 = arith.index_cast %parallel_loop3A_144 : i32 to index
      %parallel_loop3A_218 = arith.constant 64 : index
      %parallel_loop3A_219 = tpu.vector_load %arg18[%parallel_loop3A_217, %parallel_loop3A_218] {strides = array<i32>} : memref<40x128xf32, #tpu.memory_space<vmem>>, vector<16xf32>,
      tpu.vector_store %arg18[%parallel_loop3A_217, %parallel_loop3A_218], %parallel_loop3A_215 {strides = array<i32>} : memref<40x128xf32, #tpu.memory_space<vmem>>, vector<16xf32>,
      %parallel_loop3A_220 = arith.index_cast %parallel_loop3A_144 : i32 to index
      %parallel_loop3A_221 = arith.constant 80 : index
      %parallel_loop3A_222 = tpu.vector_load %arg18[%parallel_loop3A_220, %parallel_loop3A_221] {strides = array<i32>} : memref<40x128xf32, #tpu.memory_space<vmem>>, vector<16xf32>,
      tpu.vector_store %arg18[%parallel_loop3A_220, %parallel_loop3A_221], %parallel_loop3A_216 {strides = array<i32>} : memref<40x128xf32, #tpu.memory_space<vmem>>, vector<16xf32>,
      %parallel_loop3A_223 = arith.index_cast %parallel_loop3A_144 : i32 to index
      %parallel_loop3A_224 = arith.constant 48 : index
      %parallel_loop3A_225 = tpu.vector_load %arg14[%parallel_loop3A_223, %parallel_loop3A_224] {strides = array<i32>} : memref<40x128xi32, #tpu.memory_space<vmem>>, vector<16xi32>,
      %parallel_loop3A_226 = vector.bitcast %parallel_loop3A_225 : vector<16xi32> to vector<32xbf16>
      %parallel_loop3A_227 = arith.index_cast %parallel_loop3A_144 : i32 to index
      %parallel_loop3A_228 = arith.constant 112 : index
      %parallel_loop3A_229 = tpu.vector_load %arg14[%parallel_loop3A_227, %parallel_loop3A_228] {strides = array<i32>} : memref<40x128xi32, #tpu.memory_space<vmem>>, vector<16xi32>,
      %parallel_loop3A_230 = vector.bitcast %parallel_loop3A_229 : vector<16xi32> to vector<32xbf16>
      %parallel_loop3A_231 = arith.index_cast %parallel_loop3A_144 : i32 to index
      %parallel_loop3A_232 = arith.constant 48 : index
      %parallel_loop3A_233 = tpu.vector_load %arg16[%parallel_loop3A_231, %parallel_loop3A_232] {strides = array<i32>} : memref<40x128xi32, #tpu.memory_space<vmem>>, vector<16xi32>,
      %parallel_loop3A_234 = vector.bitcast %parallel_loop3A_233 : vector<16xi32> to vector<32xbf16>
      %parallel_loop3A_235 = arith.addf %parallel_loop3A_226, %parallel_loop3A_234 : vector<32xbf16>
      %parallel_loop3A_236 = math.exp %parallel_loop3A_235 : vector<32xbf16>
      %parallel_loop3A_237 = arith.constant 1.000000e+00 : bf16
      %parallel_loop3A_238 = vector.broadcast %parallel_loop3A_237 : bf16 to vector<32xbf16>
      %parallel_loop3A_239 = arith.addf %parallel_loop3A_236, %parallel_loop3A_238 : vector<32xbf16>
      %parallel_loop3A_240 = arith.divf %parallel_loop3A_230, %parallel_loop3A_239 : vector<32xbf16>
      %parallel_loop3A_241 = tpu.unpack_subelements %parallel_loop3A_240, 0 {pack_format = #tpu.pack_format<interleaved>} : vector<32xbf16> -> vector<16xf32>
      %parallel_loop3A_242 = tpu.unpack_subelements %parallel_loop3A_240, 1 {pack_format = #tpu.pack_format<interleaved>} : vector<32xbf16> -> vector<16xf32>
      %parallel_loop3A_243 = arith.index_cast %parallel_loop3A_144 : i32 to index
      %parallel_loop3A_244 = arith.constant 96 : index
      %parallel_loop3A_245 = tpu.vector_load %arg18[%parallel_loop3A_243, %parallel_loop3A_244] {strides = array<i32>} : memref<40x128xf32, #tpu.memory_space<vmem>>, vector<16xf32>,
      tpu.vector_store %arg18[%parallel_loop3A_243, %parallel_loop3A_244], %parallel_loop3A_241 {strides = array<i32>} : memref<40x128xf32, #tpu.memory_space<vmem>>, vector<16xf32>,
      %parallel_loop3A_246 = arith.index_cast %parallel_loop3A_144 : i32 to index
      %parallel_loop3A_247 = arith.constant 112 : index
      %parallel_loop3A_248 = tpu.vector_load %arg18[%parallel_loop3A_246, %parallel_loop3A_247] {strides = array<i32>} : memref<40x128xf32, #tpu.memory_space<vmem>>, vector<16xf32>,
      tpu.vector_store %arg18[%parallel_loop3A_246, %parallel_loop3A_247], %parallel_loop3A_242 {strides = array<i32>} : memref<40x128xf32, #tpu.memory_space<vmem>>, vector<16xf32>,
    } {sc.loop_unroll_factor = 4 : i64, sc.parallel_access}
    %dma_wait3A_76 = arith.constant 0 : i32
    %dma_wait3A_77 = tpu.memref_slice %arg5[%dma_wait3A_76] : memref<320000xi32, #tpu.memory_space<hbm>> -> memref<40xi32, #tpu.memory_space<hbm>>
    %dma_wait3A_78 = arith.constant 0 : i32
    %dma_wait3A_79 = tpu.memref_slice %arg5[%dma_wait3A_78] : memref<320000xi32, #tpu.memory_space<hbm>> -> memref<40xi32, #tpu.memory_space<hbm>>
    tpu.wait_dma2 semaphore(%arg24 : memref<!tpu.dma_semaphore, #tpu.memory_space<semaphore_mem>>) src(%dma_wait3A_79 : memref<40xi32, #tpu.memory_space<hbm>>) dst(%arg12 : memref<40xi32, #tpu.memory_space<vmem>>)
    %dma_start3A_80 = arith.constant 0 : i32
    %dma_start3A_81 = arith.constant 0 : i32
    %dma_start3A_82 = tpu.memref_slice %arg7[%dma_start3A_80, %dma_start3A_81] : memref<10000x128xf32, #tpu.memory_space<vmem_shared>> -> memref<10000x128xf32, #tpu.memory_space<vmem_shared>>
    tpu.enqueue_indirect_dma source(%arg18 : memref<40x128xf32, #tpu.memory_space<vmem>>) target(%dma_start3A_82 : memref<10000x128xf32, #tpu.memory_space<vmem_shared>>) offsets(%arg12 : memref<40xi32, #tpu.memory_space<vmem>>) semaphore(%arg30 : memref<!tpu.dma_semaphore, #tpu.memory_space<semaphore_mem>>) {add = true}
    %dma_wait3A_83 = arith.constant 0 : i32
    %dma_wait3A_84 = tpu.memref_slice %arg4[%dma_wait3A_83] : memref<320000xi32, #tpu.memory_space<hbm>> -> memref<40xi32, #tpu.memory_space<hbm>>
    %dma_wait3A_85 = arith.constant 0 : i32
    %dma_wait3A_86 = tpu.memref_slice %arg4[%dma_wait3A_85] : memref<320000xi32, #tpu.memory_space<hbm>> -> memref<40xi32, #tpu.memory_space<hbm>>
    tpu.wait_dma2 semaphore(%arg20 : memref<!tpu.dma_semaphore, #tpu.memory_space<semaphore_mem>>) src(%dma_wait3A_86 : memref<40xi32, #tpu.memory_space<hbm>>) dst(%arg8 : memref<40xi32, #tpu.memory_space<vmem>>)
    %dma_wait3A_87 = arith.constant 0 : i32
    %dma_wait3A_88 = tpu.memref_slice %arg5[%dma_wait3A_87] : memref<320000xi32, #tpu.memory_space<hbm>> -> memref<40xi32, #tpu.memory_space<hbm>>
    %dma_wait3A_89 = arith.constant 0 : i32
    %dma_wait3A_90 = tpu.memref_slice %arg5[%dma_wait3A_89] : memref<320000xi32, #tpu.memory_space<hbm>> -> memref<40xi32, #tpu.memory_space<hbm>>
    tpu.wait_dma2 semaphore(%arg22 : memref<!tpu.dma_semaphore, #tpu.memory_space<semaphore_mem>>) src(%dma_wait3A_90 : memref<40xi32, #tpu.memory_space<hbm>>) dst(%arg10 : memref<40xi32, #tpu.memory_space<vmem>>)
    %dma_start3A_91 = arith.constant 0 : i32
    %dma_start3A_92 = arith.constant 0 : i32
    %dma_start3A_93 = tpu.memref_slice %arg2[%dma_start3A_91, %dma_start3A_92] : memref<10000x128xi32, #tpu.memory_space<hbm>> -> memref<10000x128xi32, #tpu.memory_space<hbm>>
    tpu.enqueue_indirect_dma source(%dma_start3A_93 : memref<10000x128xi32, #tpu.memory_space<hbm>>) target(%arg14 : memref<40x128xi32, #tpu.memory_space<vmem>>) offsets(%arg8 : memref<40xi32, #tpu.memory_space<vmem>>) semaphore(%arg26 : memref<!tpu.dma_semaphore, #tpu.memory_space<semaphore_mem>>)
    %dma_start3A_94 = arith.constant 0 : i32
    %dma_start3A_95 = arith.constant 0 : i32
    %dma_start3A_96 = tpu.memref_slice %arg3[%dma_start3A_94, %dma_start3A_95] : memref<10000x128xi32, #tpu.memory_space<hbm>> -> memref<10000x128xi32, #tpu.memory_space<hbm>>
    tpu.enqueue_indirect_dma source(%dma_start3A_96 : memref<10000x128xi32, #tpu.memory_space<hbm>>) target(%arg16 : memref<40x128xi32, #tpu.memory_space<vmem>>) offsets(%arg10 : memref<40xi32, #tpu.memory_space<vmem>>) semaphore(%arg28 : memref<!tpu.dma_semaphore, #tpu.memory_space<semaphore_mem>>)
    %dma_wait3A_97 = arith.constant 0 : i32
    %dma_wait3A_98 = arith.constant 0 : i32
    %dma_wait3A_99 = tpu.memref_slice %arg2[%dma_wait3A_97, %dma_wait3A_98] : memref<10000x128xi32, #tpu.memory_space<hbm>> -> memref<10000x128xi32, #tpu.memory_space<hbm>>
    tpu.wait_indirect_dma semaphore(%arg27 : memref<!tpu.dma_semaphore, #tpu.memory_space<semaphore_mem>>) src(%dma_wait3A_99 : memref<10000x128xi32, #tpu.memory_space<hbm>>) dst(%arg15 : memref<40x128xi32, #tpu.memory_space<vmem>>)
    %dma_wait3A_100 = arith.constant 0 : i32
    %dma_wait3A_101 = arith.constant 0 : i32
    %dma_wait3A_102 = tpu.memref_slice %arg3[%dma_wait3A_100, %dma_wait3A_101] : memref<10000x128xi32, #tpu.memory_space<hbm>> -> memref<10000x128xi32, #tpu.memory_space<hbm>>
    tpu.wait_indirect_dma semaphore(%arg29 : memref<!tpu.dma_semaphore, #tpu.memory_space<semaphore_mem>>) src(%dma_wait3A_102 : memref<10000x128xi32, #tpu.memory_space<hbm>>) dst(%arg17 : memref<40x128xi32, #tpu.memory_space<vmem>>)
    %add3A_103 = arith.constant 1 : i32
    %add3A_104 = arith.addi %mul3A_2, %add3A_103 : i32
    %mul3A_105 = arith.constant 40 : i32
    %mul3A_106 = arith.muli %add3A_104, %mul3A_105 : i32
    %dma_start3A_107 = tpu.memref_slice %arg5[%mul3A_106] : memref<320000xi32, #tpu.memory_space<hbm>> -> memref<40xi32, #tpu.memory_space<hbm>>
    %dma_start3A_108 = tpu.memref_slice %arg5[%mul3A_106] : memref<320000xi32, #tpu.memory_space<hbm>> -> memref<40xi32, #tpu.memory_space<hbm>>
    tpu.enqueue_dma source(%dma_start3A_108 : memref<40xi32, #tpu.memory_space<hbm>>) target(%arg13 : memref<40xi32, #tpu.memory_space<vmem>>) target_semaphore(%arg25 : memref<!tpu.dma_semaphore, #tpu.memory_space<semaphore_mem>>)
    %add3A_109 = arith.constant 3 : i32
    %add3A_110 = arith.addi %mul3A_2, %add3A_109 : i32
    %mul3A_111 = arith.constant 40 : i32
    %mul3A_112 = arith.muli %add3A_110, %mul3A_111 : i32
    %dma_start3A_113 = tpu.memref_slice %arg4[%mul3A_112] : memref<320000xi32, #tpu.memory_space<hbm>> -> memref<40xi32, #tpu.memory_space<hbm>>
    %dma_start3A_114 = tpu.memref_slice %arg4[%mul3A_112] : memref<320000xi32, #tpu.memory_space<hbm>> -> memref<40xi32, #tpu.memory_space<hbm>>
    tpu.enqueue_dma source(%dma_start3A_114 : memref<40xi32, #tpu.memory_space<hbm>>) target(%arg9 : memref<40xi32, #tpu.memory_space<vmem>>) target_semaphore(%arg21 : memref<!tpu.dma_semaphore, #tpu.memory_space<semaphore_mem>>)
    %dma_start3A_115 = tpu.memref_slice %arg5[%mul3A_112] : memref<320000xi32, #tpu.memory_space<hbm>> -> memref<40xi32, #tpu.memory_space<hbm>>
    %dma_start3A_116 = tpu.memref_slice %arg5[%mul3A_112] : memref<320000xi32, #tpu.memory_space<hbm>> -> memref<40xi32, #tpu.memory_space<hbm>>
    tpu.enqueue_dma source(%dma_start3A_116 : memref<40xi32, #tpu.memory_space<hbm>>) target(%arg11 : memref<40xi32, #tpu.memory_space<vmem>>) target_semaphore(%arg23 : memref<!tpu.dma_semaphore, #tpu.memory_space<semaphore_mem>>)
    %parallel_loop3A_117 = arith.constant 0 : i32
    %parallel_loop3A_118 = arith.constant 40 : i32
    %parallel_loop3A_119 = arith.constant 1 : i32
    scf.for %parallel_loop3A_144 = %parallel_loop3A_117 to %parallel_loop3A_118 step %parallel_loop3A_119  : i32 {
      %parallel_loop3A_145 = arith.index_cast %parallel_loop3A_144 : i32 to index
      %parallel_loop3A_146 = arith.constant 0 : index
      %parallel_loop3A_147 = tpu.vector_load %arg15[%parallel_loop3A_145, %parallel_loop3A_146] {strides = array<i32>} : memref<40x128xi32, #tpu.memory_space<vmem>>, vector<16xi32>,
      %parallel_loop3A_148 = vector.bitcast %parallel_loop3A_147 : vector<16xi32> to vector<32xbf16>
      %parallel_loop3A_149 = arith.index_cast %parallel_loop3A_144 : i32 to index
      %parallel_loop3A_150 = arith.constant 64 : index
      %parallel_loop3A_151 = tpu.vector_load %arg15[%parallel_loop3A_149, %parallel_loop3A_150] {strides = array<i32>} : memref<40x128xi32, #tpu.memory_space<vmem>>, vector<16xi32>,
      %parallel_loop3A_152 = vector.bitcast %parallel_loop3A_151 : vector<16xi32> to vector<32xbf16>
      %parallel_loop3A_153 = arith.index_cast %parallel_loop3A_144 : i32 to index
      %parallel_loop3A_154 = arith.constant 0 : index
      %parallel_loop3A_155 = tpu.vector_load %arg17[%parallel_loop3A_153, %parallel_loop3A_154] {strides = array<i32>} : memref<40x128xi32, #tpu.memory_space<vmem>>, vector<16xi32>,
      %parallel_loop3A_156 = vector.bitcast %parallel_loop3A_155 : vector<16xi32> to vector<32xbf16>
      %parallel_loop3A_157 = arith.addf %parallel_loop3A_148, %parallel_loop3A_156 : vector<32xbf16>
      %parallel_loop3A_158 = math.exp %parallel_loop3A_157 : vector<32xbf16>
      %parallel_loop3A_159 = arith.constant 1.000000e+00 : bf16
      %parallel_loop3A_160 = vector.broadcast %parallel_loop3A_159 : bf16 to vector<32xbf16>
      %parallel_loop3A_161 = arith.addf %parallel_loop3A_158, %parallel_loop3A_160 : vector<32xbf16>
      %parallel_loop3A_162 = arith.divf %parallel_loop3A_152, %parallel_loop3A_161 : vector<32xbf16>
      %parallel_loop3A_163 = tpu.unpack_subelements %parallel_loop3A_162, 0 {pack_format = #tpu.pack_format<interleaved>} : vector<32xbf16> -> vector<16xf32>
      %parallel_loop3A_164 = tpu.unpack_subelements %parallel_loop3A_162, 1 {pack_format = #tpu.pack_format<interleaved>} : vector<32xbf16> -> vector<16xf32>
      %parallel_loop3A_165 = arith.index_cast %parallel_loop3A_144 : i32 to index
      %parallel_loop3A_166 = arith.constant 0 : index
      %parallel_loop3A_167 = tpu.vector_load %arg19[%parallel_loop3A_165, %parallel_loop3A_166] {strides = array<i32>} : memref<40x128xf32, #tpu.memory_space<vmem>>, vector<16xf32>,
      tpu.vector_store %arg19[%parallel_loop3A_165, %parallel_loop3A_166], %parallel_loop3A_163 {strides = array<i32>} : memref<40x128xf32, #tpu.memory_space<vmem>>, vector<16xf32>,
      %parallel_loop3A_168 = arith.index_cast %parallel_loop3A_144 : i32 to index
      %parallel_loop3A_169 = arith.constant 16 : index
      %parallel_loop3A_170 = tpu.vector_load %arg19[%parallel_loop3A_168, %parallel_loop3A_169] {strides = array<i32>} : memref<40x128xf32, #tpu.memory_space<vmem>>, vector<16xf32>,
      tpu.vector_store %arg19[%parallel_loop3A_168, %parallel_loop3A_169], %parallel_loop3A_164 {strides = array<i32>} : memref<40x128xf32, #tpu.memory_space<vmem>>, vector<16xf32>,
      %parallel_loop3A_171 = arith.index_cast %parallel_loop3A_144 : i32 to index
      %parallel_loop3A_172 = arith.constant 16 : index
      %parallel_loop3A_173 = tpu.vector_load %arg15[%parallel_loop3A_171, %parallel_loop3A_172] {strides = array<i32>} : memref<40x128xi32, #tpu.memory_space<vmem>>, vector<16xi32>,
      %parallel_loop3A_174 = vector.bitcast %parallel_loop3A_173 : vector<16xi32> to vector<32xbf16>
      %parallel_loop3A_175 = arith.index_cast %parallel_loop3A_144 : i32 to index
      %parallel_loop3A_176 = arith.constant 80 : index
      %parallel_loop3A_177 = tpu.vector_load %arg15[%parallel_loop3A_175, %parallel_loop3A_176] {strides = array<i32>} : memref<40x128xi32, #tpu.memory_space<vmem>>, vector<16xi32>,
      %parallel_loop3A_178 = vector.bitcast %parallel_loop3A_177 : vector<16xi32> to vector<32xbf16>
      %parallel_loop3A_179 = arith.index_cast %parallel_loop3A_144 : i32 to index
      %parallel_loop3A_180 = arith.constant 16 : index
      %parallel_loop3A_181 = tpu.vector_load %arg17[%parallel_loop3A_179, %parallel_loop3A_180] {strides = array<i32>} : memref<40x128xi32, #tpu.memory_space<vmem>>, vector<16xi32>,
      %parallel_loop3A_182 = vector.bitcast %parallel_loop3A_181 : vector<16xi32> to vector<32xbf16>
      %parallel_loop3A_183 = arith.addf %parallel_loop3A_174, %parallel_loop3A_182 : vector<32xbf16>
      %parallel_loop3A_184 = math.exp %parallel_loop3A_183 : vector<32xbf16>
      %parallel_loop3A_185 = arith.constant 1.000000e+00 : bf16
      %parallel_loop3A_186 = vector.broadcast %parallel_loop3A_185 : bf16 to vector<32xbf16>
      %parallel_loop3A_187 = arith.addf %parallel_loop3A_184, %parallel_loop3A_186 : vector<32xbf16>
      %parallel_loop3A_188 = arith.divf %parallel_loop3A_178, %parallel_loop3A_187 : vector<32xbf16>
      %parallel_loop3A_189 = tpu.unpack_subelements %parallel_loop3A_188, 0 {pack_format = #tpu.pack_format<interleaved>} : vector<32xbf16> -> vector<16xf32>
      %parallel_loop3A_190 = tpu.unpack_subelements %parallel_loop3A_188, 1 {pack_format = #tpu.pack_format<interleaved>} : vector<32xbf16> -> vector<16xf32>
      %parallel_loop3A_191 = arith.index_cast %parallel_loop3A_144 : i32 to index
      %parallel_loop3A_192 = arith.constant 32 : index
      %parallel_loop3A_193 = tpu.vector_load %arg19[%parallel_loop3A_191, %parallel_loop3A_192] {strides = array<i32>} : memref<40x128xf32, #tpu.memory_space<vmem>>, vector<16xf32>,
      tpu.vector_store %arg19[%parallel_loop3A_191, %parallel_loop3A_192], %parallel_loop3A_189 {strides = array<i32>} : memref<40x128xf32, #tpu.memory_space<vmem>>, vector<16xf32>,
      %parallel_loop3A_194 = arith.index_cast %parallel_loop3A_144 : i32 to index
      %parallel_loop3A_195 = arith.constant 48 : index
      %parallel_loop3A_196 = tpu.vector_load %arg19[%parallel_loop3A_194, %parallel_loop3A_195] {strides = array<i32>} : memref<40x128xf32, #tpu.memory_space<vmem>>, vector<16xf32>,
      tpu.vector_store %arg19[%parallel_loop3A_194, %parallel_loop3A_195], %parallel_loop3A_190 {strides = array<i32>} : memref<40x128xf32, #tpu.memory_space<vmem>>, vector<16xf32>,
      %parallel_loop3A_197 = arith.index_cast %parallel_loop3A_144 : i32 to index
      %parallel_loop3A_198 = arith.constant 32 : index
      %parallel_loop3A_199 = tpu.vector_load %arg15[%parallel_loop3A_197, %parallel_loop3A_198] {strides = array<i32>} : memref<40x128xi32, #tpu.memory_space<vmem>>, vector<16xi32>,
      %parallel_loop3A_200 = vector.bitcast %parallel_loop3A_199 : vector<16xi32> to vector<32xbf16>
      %parallel_loop3A_201 = arith.index_cast %parallel_loop3A_144 : i32 to index
      %parallel_loop3A_202 = arith.constant 96 : index
      %parallel_loop3A_203 = tpu.vector_load %arg15[%parallel_loop3A_201, %parallel_loop3A_202] {strides = array<i32>} : memref<40x128xi32, #tpu.memory_space<vmem>>, vector<16xi32>,
      %parallel_loop3A_204 = vector.bitcast %parallel_loop3A_203 : vector<16xi32> to vector<32xbf16>
      %parallel_loop3A_205 = arith.index_cast %parallel_loop3A_144 : i32 to index
      %parallel_loop3A_206 = arith.constant 32 : index
      %parallel_loop3A_207 = tpu.vector_load %arg17[%parallel_loop3A_205, %parallel_loop3A_206] {strides = array<i32>} : memref<40x128xi32, #tpu.memory_space<vmem>>, vector<16xi32>,
      %parallel_loop3A_208 = vector.bitcast %parallel_loop3A_207 : vector<16xi32> to vector<32xbf16>
      %parallel_loop3A_209 = arith.addf %parallel_loop3A_200, %parallel_loop3A_208 : vector<32xbf16>
      %parallel_loop3A_210 = math.exp %parallel_loop3A_209 : vector<32xbf16>
      %parallel_loop3A_211 = arith.constant 1.000000e+00 : bf16
      %parallel_loop3A_212 = vector.broadcast %parallel_loop3A_211 : bf16 to vector<32xbf16>
      %parallel_loop3A_213 = arith.addf %parallel_loop3A_210, %parallel_loop3A_212 : vector<32xbf16>
      %parallel_loop3A_214 = arith.divf %parallel_loop3A_204, %parallel_loop3A_213 : vector<32xbf16>
      %parallel_loop3A_215 = tpu.unpack_subelements %parallel_loop3A_214, 0 {pack_format = #tpu.pack_format<interleaved>} : vector<32xbf16> -> vector<16xf32>
      %parallel_loop3A_216 = tpu.unpack_subelements %parallel_loop3A_214, 1 {pack_format = #tpu.pack_format<interleaved>} : vector<32xbf16> -> vector<16xf32>
      %parallel_loop3A_217 = arith.index_cast %parallel_loop3A_144 : i32 to index
      %parallel_loop3A_218 = arith.constant 64 : index
      %parallel_loop3A_219 = tpu.vector_load %arg19[%parallel_loop3A_217, %parallel_loop3A_218] {strides = array<i32>} : memref<40x128xf32, #tpu.memory_space<vmem>>, vector<16xf32>,
      tpu.vector_store %arg19[%parallel_loop3A_217, %parallel_loop3A_218], %parallel_loop3A_215 {strides = array<i32>} : memref<40x128xf32, #tpu.memory_space<vmem>>, vector<16xf32>,
      %parallel_loop3A_220 = arith.index_cast %parallel_loop3A_144 : i32 to index
      %parallel_loop3A_221 = arith.constant 80 : index
      %parallel_loop3A_222 = tpu.vector_load %arg19[%parallel_loop3A_220, %parallel_loop3A_221] {strides = array<i32>} : memref<40x128xf32, #tpu.memory_space<vmem>>, vector<16xf32>,
      tpu.vector_store %arg19[%parallel_loop3A_220, %parallel_loop3A_221], %parallel_loop3A_216 {strides = array<i32>} : memref<40x128xf32, #tpu.memory_space<vmem>>, vector<16xf32>,
      %parallel_loop3A_223 = arith.index_cast %parallel_loop3A_144 : i32 to index
      %parallel_loop3A_224 = arith.constant 48 : index
      %parallel_loop3A_225 = tpu.vector_load %arg15[%parallel_loop3A_223, %parallel_loop3A_224] {strides = array<i32>} : memref<40x128xi32, #tpu.memory_space<vmem>>, vector<16xi32>,
      %parallel_loop3A_226 = vector.bitcast %parallel_loop3A_225 : vector<16xi32> to vector<32xbf16>
      %parallel_loop3A_227 = arith.index_cast %parallel_loop3A_144 : i32 to index
      %parallel_loop3A_228 = arith.constant 112 : index
      %parallel_loop3A_229 = tpu.vector_load %arg15[%parallel_loop3A_227, %parallel_loop3A_228] {strides = array<i32>} : memref<40x128xi32, #tpu.memory_space<vmem>>, vector<16xi32>,
      %parallel_loop3A_230 = vector.bitcast %parallel_loop3A_229 : vector<16xi32> to vector<32xbf16>
      %parallel_loop3A_231 = arith.index_cast %parallel_loop3A_144 : i32 to index
      %parallel_loop3A_232 = arith.constant 48 : index
      %parallel_loop3A_233 = tpu.vector_load %arg17[%parallel_loop3A_231, %parallel_loop3A_232] {strides = array<i32>} : memref<40x128xi32, #tpu.memory_space<vmem>>, vector<16xi32>,
      %parallel_loop3A_234 = vector.bitcast %parallel_loop3A_233 : vector<16xi32> to vector<32xbf16>
      %parallel_loop3A_235 = arith.addf %parallel_loop3A_226, %parallel_loop3A_234 : vector<32xbf16>
      %parallel_loop3A_236 = math.exp %parallel_loop3A_235 : vector<32xbf16>
      %parallel_loop3A_237 = arith.constant 1.000000e+00 : bf16
      %parallel_loop3A_238 = vector.broadcast %parallel_loop3A_237 : bf16 to vector<32xbf16>
      %parallel_loop3A_239 = arith.addf %parallel_loop3A_236, %parallel_loop3A_238 : vector<32xbf16>
      %parallel_loop3A_240 = arith.divf %parallel_loop3A_230, %parallel_loop3A_239 : vector<32xbf16>
      %parallel_loop3A_241 = tpu.unpack_subelements %parallel_loop3A_240, 0 {pack_format = #tpu.pack_format<interleaved>} : vector<32xbf16> -> vector<16xf32>
      %parallel_loop3A_242 = tpu.unpack_subelements %parallel_loop3A_240, 1 {pack_format = #tpu.pack_format<interleaved>} : vector<32xbf16> -> vector<16xf32>
      %parallel_loop3A_243 = arith.index_cast %parallel_loop3A_144 : i32 to index
      %parallel_loop3A_244 = arith.constant 96 : index
      %parallel_loop3A_245 = tpu.vector_load %arg19[%parallel_loop3A_243, %parallel_loop3A_244] {strides = array<i32>} : memref<40x128xf32, #tpu.memory_space<vmem>>, vector<16xf32>,
      tpu.vector_store %arg19[%parallel_loop3A_243, %parallel_loop3A_244], %parallel_loop3A_241 {strides = array<i32>} : memref<40x128xf32, #tpu.memory_space<vmem>>, vector<16xf32>,
      %parallel_loop3A_246 = arith.index_cast %parallel_loop3A_144 : i32 to index
      %parallel_loop3A_247 = arith.constant 112 : index
      %parallel_loop3A_248 = tpu.vector_load %arg19[%parallel_loop3A_246, %parallel_loop3A_247] {strides = array<i32>} : memref<40x128xf32, #tpu.memory_space<vmem>>, vector<16xf32>,
      tpu.vector_store %arg19[%parallel_loop3A_246, %parallel_loop3A_247], %parallel_loop3A_242 {strides = array<i32>} : memref<40x128xf32, #tpu.memory_space<vmem>>, vector<16xf32>,
    } {sc.loop_unroll_factor = 4 : i64, sc.parallel_access}
    %dma_wait3A_120 = arith.constant 0 : i32
    %dma_wait3A_121 = tpu.memref_slice %arg5[%dma_wait3A_120] : memref<320000xi32, #tpu.memory_space<hbm>> -> memref<40xi32, #tpu.memory_space<hbm>>
    %dma_wait3A_122 = arith.constant 0 : i32
    %dma_wait3A_123 = tpu.memref_slice %arg5[%dma_wait3A_122] : memref<320000xi32, #tpu.memory_space<hbm>> -> memref<40xi32, #tpu.memory_space<hbm>>
    tpu.wait_dma2 semaphore(%arg25 : memref<!tpu.dma_semaphore, #tpu.memory_space<semaphore_mem>>) src(%dma_wait3A_123 : memref<40xi32, #tpu.memory_space<hbm>>) dst(%arg13 : memref<40xi32, #tpu.memory_space<vmem>>)
    %dma_start3A_124 = arith.constant 0 : i32
    %dma_start3A_125 = arith.constant 0 : i32
    %dma_start3A_126 = tpu.memref_slice %arg7[%dma_start3A_124, %dma_start3A_125] : memref<10000x128xf32, #tpu.memory_space<vmem_shared>> -> memref<10000x128xf32, #tpu.memory_space<vmem_shared>>
    tpu.enqueue_indirect_dma source(%arg19 : memref<40x128xf32, #tpu.memory_space<vmem>>) target(%dma_start3A_126 : memref<10000x128xf32, #tpu.memory_space<vmem_shared>>) offsets(%arg13 : memref<40xi32, #tpu.memory_space<vmem>>) semaphore(%arg31 : memref<!tpu.dma_semaphore, #tpu.memory_space<semaphore_mem>>) {add = true}
    %scan3A_127 = arith.constant 0 : i32
    %scan3A_128 = arith.constant 124 : i32
    %scan3A_129 = arith.addi %scan3A_127, %scan3A_128 : i32
    %scan3A_130 = arith.constant 1 : i32
    scf.for %scan3A_144 = %scan3A_127 to %scan3A_129 step %scan3A_130  : i32 {
      %mul3A_145 = arith.constant 1 : i32
      %mul3A_146 = arith.muli %scan3A_144, %mul3A_145 : i32
      %add3A_147 = arith.constant 1 : i32
      %add3A_148 = arith.addi %add3A_147, %mul3A_146 : i32
      %mul3A_149 = arith.constant 2 : i32
      %mul3A_150 = arith.muli %mul3A_149, %add3A_148 : i32
      %add3A_151 = arith.constant 0 : i32
      %add3A_152 = arith.addi %mul3A_150, %add3A_151 : i32
      %add3A_153 = arith.constant 1 : i32
      %add3A_154 = arith.addi %add3A_152, %add3A_153 : i32
      %lt3A = arith.constant 250 : i32
      %lt3A_155 = arith.cmpi slt, %add3A_154, %lt3A : i32
      %convert_element_type3A = arith.extui %lt3A_155 : i1 to i32
      %cond3A = arith.constant 0 : i32
      %cond3A_156 = arith.cmpi ne, %convert_element_type3A, %cond3A : i32
      scf.if %cond3A_156 {
        %dma_wait3A_230 = arith.constant 0 : i32
        %dma_wait3A_231 = tpu.memref_slice %arg4[%dma_wait3A_230] : memref<320000xi32, #tpu.memory_space<hbm>> -> memref<40xi32, #tpu.memory_space<hbm>>
        %dma_wait3A_232 = arith.constant 0 : i32
        %dma_wait3A_233 = tpu.memref_slice %arg4[%dma_wait3A_232] : memref<320000xi32, #tpu.memory_space<hbm>> -> memref<40xi32, #tpu.memory_space<hbm>>
        tpu.wait_dma2 semaphore(%arg21 : memref<!tpu.dma_semaphore, #tpu.memory_space<semaphore_mem>>) src(%dma_wait3A_233 : memref<40xi32, #tpu.memory_space<hbm>>) dst(%arg9 : memref<40xi32, #tpu.memory_space<vmem>>)
        %dma_wait3A_234 = arith.constant 0 : i32
        %dma_wait3A_235 = tpu.memref_slice %arg5[%dma_wait3A_234] : memref<320000xi32, #tpu.memory_space<hbm>> -> memref<40xi32, #tpu.memory_space<hbm>>
        %dma_wait3A_236 = arith.constant 0 : i32
        %dma_wait3A_237 = tpu.memref_slice %arg5[%dma_wait3A_236] : memref<320000xi32, #tpu.memory_space<hbm>> -> memref<40xi32, #tpu.memory_space<hbm>>
        tpu.wait_dma2 semaphore(%arg23 : memref<!tpu.dma_semaphore, #tpu.memory_space<semaphore_mem>>) src(%dma_wait3A_237 : memref<40xi32, #tpu.memory_space<hbm>>) dst(%arg11 : memref<40xi32, #tpu.memory_space<vmem>>)
        %dma_start3A_238 = arith.constant 0 : i32
        %dma_start3A_239 = arith.constant 0 : i32
        %dma_start3A_240 = tpu.memref_slice %arg2[%dma_start3A_238, %dma_start3A_239] : memref<10000x128xi32, #tpu.memory_space<hbm>> -> memref<10000x128xi32, #tpu.memory_space<hbm>>
        tpu.enqueue_indirect_dma source(%dma_start3A_240 : memref<10000x128xi32, #tpu.memory_space<hbm>>) target(%arg15 : memref<40x128xi32, #tpu.memory_space<vmem>>) offsets(%arg9 : memref<40xi32, #tpu.memory_space<vmem>>) semaphore(%arg27 : memref<!tpu.dma_semaphore, #tpu.memory_space<semaphore_mem>>)
        %dma_start3A_241 = arith.constant 0 : i32
        %dma_start3A_242 = arith.constant 0 : i32
        %dma_start3A_243 = tpu.memref_slice %arg3[%dma_start3A_241, %dma_start3A_242] : memref<10000x128xi32, #tpu.memory_space<hbm>> -> memref<10000x128xi32, #tpu.memory_space<hbm>>
        tpu.enqueue_indirect_dma source(%dma_start3A_243 : memref<10000x128xi32, #tpu.memory_space<hbm>>) target(%arg17 : memref<40x128xi32, #tpu.memory_space<vmem>>) offsets(%arg11 : memref<40xi32, #tpu.memory_space<vmem>>) semaphore(%arg29 : memref<!tpu.dma_semaphore, #tpu.memory_space<semaphore_mem>>)
      } else {
      }
      %dma_wait3A_157 = arith.constant 0 : i32
      %dma_wait3A_158 = arith.constant 0 : i32
      %dma_wait3A_159 = tpu.memref_slice %arg2[%dma_wait3A_157, %dma_wait3A_158] : memref<10000x128xi32, #tpu.memory_space<hbm>> -> memref<10000x128xi32, #tpu.memory_space<hbm>>
      tpu.wait_indirect_dma semaphore(%arg26 : memref<!tpu.dma_semaphore, #tpu.memory_space<semaphore_mem>>) src(%dma_wait3A_159 : memref<10000x128xi32, #tpu.memory_space<hbm>>) dst(%arg14 : memref<40x128xi32, #tpu.memory_space<vmem>>)
      %dma_wait3A_160 = arith.constant 0 : i32
      %dma_wait3A_161 = arith.constant 0 : i32
      %dma_wait3A_162 = tpu.memref_slice %arg3[%dma_wait3A_160, %dma_wait3A_161] : memref<10000x128xi32, #tpu.memory_space<hbm>> -> memref<10000x128xi32, #tpu.memory_space<hbm>>
      tpu.wait_indirect_dma semaphore(%arg28 : memref<!tpu.dma_semaphore, #tpu.memory_space<semaphore_mem>>) src(%dma_wait3A_162 : memref<10000x128xi32, #tpu.memory_space<hbm>>) dst(%arg16 : memref<40x128xi32, #tpu.memory_space<vmem>>)
      %dma_wait3A_163 = arith.constant 0 : i32
      %dma_wait3A_164 = arith.constant 0 : i32
      %dma_wait3A_165 = tpu.memref_slice %arg7[%dma_wait3A_163, %dma_wait3A_164] : memref<10000x128xf32, #tpu.memory_space<vmem_shared>> -> memref<10000x128xf32, #tpu.memory_space<vmem_shared>>
      tpu.wait_indirect_dma semaphore(%arg30 : memref<!tpu.dma_semaphore, #tpu.memory_space<semaphore_mem>>) src(%arg18 : memref<40x128xf32, #tpu.memory_space<vmem>>) dst(%dma_wait3A_165 : memref<10000x128xf32, #tpu.memory_space<vmem_shared>>)
      %add3A_166 = arith.addi %mul3A_2, %add3A_152 : i32
      %mul3A_167 = arith.constant 40 : i32
      %mul3A_168 = arith.muli %add3A_166, %mul3A_167 : i32
      %dma_start3A_169 = tpu.memref_slice %arg5[%mul3A_168] : memref<320000xi32, #tpu.memory_space<hbm>> -> memref<40xi32, #tpu.memory_space<hbm>>
      %dma_start3A_170 = tpu.memref_slice %arg5[%mul3A_168] : memref<320000xi32, #tpu.memory_space<hbm>> -> memref<40xi32, #tpu.memory_space<hbm>>
      tpu.enqueue_dma source(%dma_start3A_170 : memref<40xi32, #tpu.memory_space<hbm>>) target(%arg12 : memref<40xi32, #tpu.memory_space<vmem>>) target_semaphore(%arg24 : memref<!tpu.dma_semaphore, #tpu.memory_space<semaphore_mem>>)
      %add3A_171 = arith.constant 2 : i32
      %add3A_172 = arith.addi %add3A_152, %add3A_171 : i32
      %lt3A_173 = arith.constant 250 : i32
      %lt3A_174 = arith.cmpi slt, %add3A_172, %lt3A_173 : i32
      %convert_element_type3A_175 = arith.extui %lt3A_174 : i1 to i32
      %cond3A_176 = arith.constant 0 : i32
      %cond3A_177 = arith.cmpi ne, %convert_element_type3A_175, %cond3A_176 : i32
      scf.if %cond3A_177 {
        %add3A_230 = arith.constant 2 : i32
        %add3A_231 = arith.addi %add3A_152, %add3A_230 : i32
        %add3A_232 = arith.addi %mul3A_2, %add3A_231 : i32
        %mul3A_233 = arith.constant 40 : i32
        %mul3A_234 = arith.muli %add3A_232, %mul3A_233 : i32
        %dma_start3A_235 = tpu.memref_slice %arg4[%mul3A_234] : memref<320000xi32, #tpu.memory_space<hbm>> -> memref<40xi32, #tpu.memory_space<hbm>>
        %dma_start3A_236 = tpu.memref_slice %arg4[%mul3A_234] : memref<320000xi32, #tpu.memory_space<hbm>> -> memref<40xi32, #tpu.memory_space<hbm>>
        tpu.enqueue_dma source(%dma_start3A_236 : memref<40xi32, #tpu.memory_space<hbm>>) target(%arg8 : memref<40xi32, #tpu.memory_space<vmem>>) target_semaphore(%arg20 : memref<!tpu.dma_semaphore, #tpu.memory_space<semaphore_mem>>)
        %dma_start3A_237 = tpu.memref_slice %arg5[%mul3A_234] : memref<320000xi32, #tpu.memory_space<hbm>> -> memref<40xi32, #tpu.memory_space<hbm>>
        %dma_start3A_238 = tpu.memref_slice %arg5[%mul3A_234] : memref<320000xi32, #tpu.memory_space<hbm>> -> memref<40xi32, #tpu.memory_space<hbm>>
        tpu.enqueue_dma source(%dma_start3A_238 : memref<40xi32, #tpu.memory_space<hbm>>) target(%arg10 : memref<40xi32, #tpu.memory_space<vmem>>) target_semaphore(%arg22 : memref<!tpu.dma_semaphore, #tpu.memory_space<semaphore_mem>>)
      } else {
      }
      %parallel_loop3A_178 = arith.constant 0 : i32
      %parallel_loop3A_179 = arith.constant 40 : i32
      %parallel_loop3A_180 = arith.constant 1 : i32
      scf.for %parallel_loop3A_230 = %parallel_loop3A_178 to %parallel_loop3A_179 step %parallel_loop3A_180  : i32 {
        %parallel_loop3A_231 = arith.index_cast %parallel_loop3A_230 : i32 to index
        %parallel_loop3A_232 = arith.constant 0 : index
        %parallel_loop3A_233 = tpu.vector_load %arg14[%parallel_loop3A_231, %parallel_loop3A_232] {strides = array<i32>} : memref<40x128xi32, #tpu.memory_space<vmem>>, vector<16xi32>,
        %parallel_loop3A_234 = vector.bitcast %parallel_loop3A_233 : vector<16xi32> to vector<32xbf16>
        %parallel_loop3A_235 = arith.index_cast %parallel_loop3A_230 : i32 to index
        %parallel_loop3A_236 = arith.constant 64 : index
        %parallel_loop3A_237 = tpu.vector_load %arg14[%parallel_loop3A_235, %parallel_loop3A_236] {strides = array<i32>} : memref<40x128xi32, #tpu.memory_space<vmem>>, vector<16xi32>,
        %parallel_loop3A_238 = vector.bitcast %parallel_loop3A_237 : vector<16xi32> to vector<32xbf16>
        %parallel_loop3A_239 = arith.index_cast %parallel_loop3A_230 : i32 to index
        %parallel_loop3A_240 = arith.constant 0 : index
        %parallel_loop3A_241 = tpu.vector_load %arg16[%parallel_loop3A_239, %parallel_loop3A_240] {strides = array<i32>} : memref<40x128xi32, #tpu.memory_space<vmem>>, vector<16xi32>,
        %parallel_loop3A_242 = vector.bitcast %parallel_loop3A_241 : vector<16xi32> to vector<32xbf16>
        %parallel_loop3A_243 = arith.addf %parallel_loop3A_234, %parallel_loop3A_242 : vector<32xbf16>
        %parallel_loop3A_244 = math.exp %parallel_loop3A_243 : vector<32xbf16>
        %parallel_loop3A_245 = arith.constant 1.000000e+00 : bf16
        %parallel_loop3A_246 = vector.broadcast %parallel_loop3A_245 : bf16 to vector<32xbf16>
        %parallel_loop3A_247 = arith.addf %parallel_loop3A_244, %parallel_loop3A_246 : vector<32xbf16>
        %parallel_loop3A_248 = arith.divf %parallel_loop3A_238, %parallel_loop3A_247 : vector<32xbf16>
        %parallel_loop3A_249 = tpu.unpack_subelements %parallel_loop3A_248, 0 {pack_format = #tpu.pack_format<interleaved>} : vector<32xbf16> -> vector<16xf32>
        %parallel_loop3A_250 = tpu.unpack_subelements %parallel_loop3A_248, 1 {pack_format = #tpu.pack_format<interleaved>} : vector<32xbf16> -> vector<16xf32>
        %parallel_loop3A_251 = arith.index_cast %parallel_loop3A_230 : i32 to index
        %parallel_loop3A_252 = arith.constant 0 : index
        %parallel_loop3A_253 = tpu.vector_load %arg18[%parallel_loop3A_251, %parallel_loop3A_252] {strides = array<i32>} : memref<40x128xf32, #tpu.memory_space<vmem>>, vector<16xf32>,
        tpu.vector_store %arg18[%parallel_loop3A_251, %parallel_loop3A_252], %parallel_loop3A_249 {strides = array<i32>} : memref<40x128xf32, #tpu.memory_space<vmem>>, vector<16xf32>,
        %parallel_loop3A_254 = arith.index_cast %parallel_loop3A_230 : i32 to index
        %parallel_loop3A_255 = arith.constant 16 : index
        %parallel_loop3A_256 = tpu.vector_load %arg18[%parallel_loop3A_254, %parallel_loop3A_255] {strides = array<i32>} : memref<40x128xf32, #tpu.memory_space<vmem>>, vector<16xf32>,
        tpu.vector_store %arg18[%parallel_loop3A_254, %parallel_loop3A_255], %parallel_loop3A_250 {strides = array<i32>} : memref<40x128xf32, #tpu.memory_space<vmem>>, vector<16xf32>,
        %parallel_loop3A_257 = arith.index_cast %parallel_loop3A_230 : i32 to index
        %parallel_loop3A_258 = arith.constant 16 : index
        %parallel_loop3A_259 = tpu.vector_load %arg14[%parallel_loop3A_257, %parallel_loop3A_258] {strides = array<i32>} : memref<40x128xi32, #tpu.memory_space<vmem>>, vector<16xi32>,
        %parallel_loop3A_260 = vector.bitcast %parallel_loop3A_259 : vector<16xi32> to vector<32xbf16>
        %parallel_loop3A_261 = arith.index_cast %parallel_loop3A_230 : i32 to index
        %parallel_loop3A_262 = arith.constant 80 : index
        %parallel_loop3A_263 = tpu.vector_load %arg14[%parallel_loop3A_261, %parallel_loop3A_262] {strides = array<i32>} : memref<40x128xi32, #tpu.memory_space<vmem>>, vector<16xi32>,
        %parallel_loop3A_264 = vector.bitcast %parallel_loop3A_263 : vector<16xi32> to vector<32xbf16>
        %parallel_loop3A_265 = arith.index_cast %parallel_loop3A_230 : i32 to index
        %parallel_loop3A_266 = arith.constant 16 : index
        %parallel_loop3A_267 = tpu.vector_load %arg16[%parallel_loop3A_265, %parallel_loop3A_266] {strides = array<i32>} : memref<40x128xi32, #tpu.memory_space<vmem>>, vector<16xi32>,
        %parallel_loop3A_268 = vector.bitcast %parallel_loop3A_267 : vector<16xi32> to vector<32xbf16>
        %parallel_loop3A_269 = arith.addf %parallel_loop3A_260, %parallel_loop3A_268 : vector<32xbf16>
        %parallel_loop3A_270 = math.exp %parallel_loop3A_269 : vector<32xbf16>
        %parallel_loop3A_271 = arith.constant 1.000000e+00 : bf16
        %parallel_loop3A_272 = vector.broadcast %parallel_loop3A_271 : bf16 to vector<32xbf16>
        %parallel_loop3A_273 = arith.addf %parallel_loop3A_270, %parallel_loop3A_272 : vector<32xbf16>
        %parallel_loop3A_274 = arith.divf %parallel_loop3A_264, %parallel_loop3A_273 : vector<32xbf16>
        %parallel_loop3A_275 = tpu.unpack_subelements %parallel_loop3A_274, 0 {pack_format = #tpu.pack_format<interleaved>} : vector<32xbf16> -> vector<16xf32>
        %parallel_loop3A_276 = tpu.unpack_subelements %parallel_loop3A_274, 1 {pack_format = #tpu.pack_format<interleaved>} : vector<32xbf16> -> vector<16xf32>
        %parallel_loop3A_277 = arith.index_cast %parallel_loop3A_230 : i32 to index
        %parallel_loop3A_278 = arith.constant 32 : index
        %parallel_loop3A_279 = tpu.vector_load %arg18[%parallel_loop3A_277, %parallel_loop3A_278] {strides = array<i32>} : memref<40x128xf32, #tpu.memory_space<vmem>>, vector<16xf32>,
        tpu.vector_store %arg18[%parallel_loop3A_277, %parallel_loop3A_278], %parallel_loop3A_275 {strides = array<i32>} : memref<40x128xf32, #tpu.memory_space<vmem>>, vector<16xf32>,
        %parallel_loop3A_280 = arith.index_cast %parallel_loop3A_230 : i32 to index
        %parallel_loop3A_281 = arith.constant 48 : index
        %parallel_loop3A_282 = tpu.vector_load %arg18[%parallel_loop3A_280, %parallel_loop3A_281] {strides = array<i32>} : memref<40x128xf32, #tpu.memory_space<vmem>>, vector<16xf32>,
        tpu.vector_store %arg18[%parallel_loop3A_280, %parallel_loop3A_281], %parallel_loop3A_276 {strides = array<i32>} : memref<40x128xf32, #tpu.memory_space<vmem>>, vector<16xf32>,
        %parallel_loop3A_283 = arith.index_cast %parallel_loop3A_230 : i32 to index
        %parallel_loop3A_284 = arith.constant 32 : index
        %parallel_loop3A_285 = tpu.vector_load %arg14[%parallel_loop3A_283, %parallel_loop3A_284] {strides = array<i32>} : memref<40x128xi32, #tpu.memory_space<vmem>>, vector<16xi32>,
        %parallel_loop3A_286 = vector.bitcast %parallel_loop3A_285 : vector<16xi32> to vector<32xbf16>
        %parallel_loop3A_287 = arith.index_cast %parallel_loop3A_230 : i32 to index
        %parallel_loop3A_288 = arith.constant 96 : index
        %parallel_loop3A_289 = tpu.vector_load %arg14[%parallel_loop3A_287, %parallel_loop3A_288] {strides = array<i32>} : memref<40x128xi32, #tpu.memory_space<vmem>>, vector<16xi32>,
        %parallel_loop3A_290 = vector.bitcast %parallel_loop3A_289 : vector<16xi32> to vector<32xbf16>
        %parallel_loop3A_291 = arith.index_cast %parallel_loop3A_230 : i32 to index
        %parallel_loop3A_292 = arith.constant 32 : index
        %parallel_loop3A_293 = tpu.vector_load %arg16[%parallel_loop3A_291, %parallel_loop3A_292] {strides = array<i32>} : memref<40x128xi32, #tpu.memory_space<vmem>>, vector<16xi32>,
        %parallel_loop3A_294 = vector.bitcast %parallel_loop3A_293 : vector<16xi32> to vector<32xbf16>
        %parallel_loop3A_295 = arith.addf %parallel_loop3A_286, %parallel_loop3A_294 : vector<32xbf16>
        %parallel_loop3A_296 = math.exp %parallel_loop3A_295 : vector<32xbf16>
        %parallel_loop3A_297 = arith.constant 1.000000e+00 : bf16
        %parallel_loop3A_298 = vector.broadcast %parallel_loop3A_297 : bf16 to vector<32xbf16>
        %parallel_loop3A_299 = arith.addf %parallel_loop3A_296, %parallel_loop3A_298 : vector<32xbf16>
        %parallel_loop3A_300 = arith.divf %parallel_loop3A_290, %parallel_loop3A_299 : vector<32xbf16>
        %parallel_loop3A_301 = tpu.unpack_subelements %parallel_loop3A_300, 0 {pack_format = #tpu.pack_format<interleaved>} : vector<32xbf16> -> vector<16xf32>
        %parallel_loop3A_302 = tpu.unpack_subelements %parallel_loop3A_300, 1 {pack_format = #tpu.pack_format<interleaved>} : vector<32xbf16> -> vector<16xf32>
        %parallel_loop3A_303 = arith.index_cast %parallel_loop3A_230 : i32 to index
        %parallel_loop3A_304 = arith.constant 64 : index
        %parallel_loop3A_305 = tpu.vector_load %arg18[%parallel_loop3A_303, %parallel_loop3A_304] {strides = array<i32>} : memref<40x128xf32, #tpu.memory_space<vmem>>, vector<16xf32>,
        tpu.vector_store %arg18[%parallel_loop3A_303, %parallel_loop3A_304], %parallel_loop3A_301 {strides = array<i32>} : memref<40x128xf32, #tpu.memory_space<vmem>>, vector<16xf32>,
        %parallel_loop3A_306 = arith.index_cast %parallel_loop3A_230 : i32 to index
        %parallel_loop3A_307 = arith.constant 80 : index
        %parallel_loop3A_308 = tpu.vector_load %arg18[%parallel_loop3A_306, %parallel_loop3A_307] {strides = array<i32>} : memref<40x128xf32, #tpu.memory_space<vmem>>, vector<16xf32>,
        tpu.vector_store %arg18[%parallel_loop3A_306, %parallel_loop3A_307], %parallel_loop3A_302 {strides = array<i32>} : memref<40x128xf32, #tpu.memory_space<vmem>>, vector<16xf32>,
        %parallel_loop3A_309 = arith.index_cast %parallel_loop3A_230 : i32 to index
        %parallel_loop3A_310 = arith.constant 48 : index
        %parallel_loop3A_311 = tpu.vector_load %arg14[%parallel_loop3A_309, %parallel_loop3A_310] {strides = array<i32>} : memref<40x128xi32, #tpu.memory_space<vmem>>, vector<16xi32>,
        %parallel_loop3A_312 = vector.bitcast %parallel_loop3A_311 : vector<16xi32> to vector<32xbf16>
        %parallel_loop3A_313 = arith.index_cast %parallel_loop3A_230 : i32 to index
        %parallel_loop3A_314 = arith.constant 112 : index
        %parallel_loop3A_315 = tpu.vector_load %arg14[%parallel_loop3A_313, %parallel_loop3A_314] {strides = array<i32>} : memref<40x128xi32, #tpu.memory_space<vmem>>, vector<16xi32>,
        %parallel_loop3A_316 = vector.bitcast %parallel_loop3A_315 : vector<16xi32> to vector<32xbf16>
        %parallel_loop3A_317 = arith.index_cast %parallel_loop3A_230 : i32 to index
        %parallel_loop3A_318 = arith.constant 48 : index
        %parallel_loop3A_319 = tpu.vector_load %arg16[%parallel_loop3A_317, %parallel_loop3A_318] {strides = array<i32>} : memref<40x128xi32, #tpu.memory_space<vmem>>, vector<16xi32>,
        %parallel_loop3A_320 = vector.bitcast %parallel_loop3A_319 : vector<16xi32> to vector<32xbf16>
        %parallel_loop3A_321 = arith.addf %parallel_loop3A_312, %parallel_loop3A_320 : vector<32xbf16>
        %parallel_loop3A_322 = math.exp %parallel_loop3A_321 : vector<32xbf16>
        %parallel_loop3A_323 = arith.constant 1.000000e+00 : bf16
        %parallel_loop3A_324 = vector.broadcast %parallel_loop3A_323 : bf16 to vector<32xbf16>
        %parallel_loop3A_325 = arith.addf %parallel_loop3A_322, %parallel_loop3A_324 : vector<32xbf16>
        %parallel_loop3A_326 = arith.divf %parallel_loop3A_316, %parallel_loop3A_325 : vector<32xbf16>
        %parallel_loop3A_327 = tpu.unpack_subelements %parallel_loop3A_326, 0 {pack_format = #tpu.pack_format<interleaved>} : vector<32xbf16> -> vector<16xf32>
        %parallel_loop3A_328 = tpu.unpack_subelements %parallel_loop3A_326, 1 {pack_format = #tpu.pack_format<interleaved>} : vector<32xbf16> -> vector<16xf32>
        %parallel_loop3A_329 = arith.index_cast %parallel_loop3A_230 : i32 to index
        %parallel_loop3A_330 = arith.constant 96 : index
        %parallel_loop3A_331 = tpu.vector_load %arg18[%parallel_loop3A_329, %parallel_loop3A_330] {strides = array<i32>} : memref<40x128xf32, #tpu.memory_space<vmem>>, vector<16xf32>,
        tpu.vector_store %arg18[%parallel_loop3A_329, %parallel_loop3A_330], %parallel_loop3A_327 {strides = array<i32>} : memref<40x128xf32, #tpu.memory_space<vmem>>, vector<16xf32>,
        %parallel_loop3A_332 = arith.index_cast %parallel_loop3A_230 : i32 to index
        %parallel_loop3A_333 = arith.constant 112 : index
        %parallel_loop3A_334 = tpu.vector_load %arg18[%parallel_loop3A_332, %parallel_loop3A_333] {strides = array<i32>} : memref<40x128xf32, #tpu.memory_space<vmem>>, vector<16xf32>,
        tpu.vector_store %arg18[%parallel_loop3A_332, %parallel_loop3A_333], %parallel_loop3A_328 {strides = array<i32>} : memref<40x128xf32, #tpu.memory_space<vmem>>, vector<16xf32>,
      } {sc.loop_unroll_factor = 4 : i64, sc.parallel_access}
      %dma_wait3A_181 = arith.constant 0 : i32
      %dma_wait3A_182 = tpu.memref_slice %arg5[%dma_wait3A_181] : memref<320000xi32, #tpu.memory_space<hbm>> -> memref<40xi32, #tpu.memory_space<hbm>>
      %dma_wait3A_183 = arith.constant 0 : i32
      %dma_wait3A_184 = tpu.memref_slice %arg5[%dma_wait3A_183] : memref<320000xi32, #tpu.memory_space<hbm>> -> memref<40xi32, #tpu.memory_space<hbm>>
      tpu.wait_dma2 semaphore(%arg24 : memref<!tpu.dma_semaphore, #tpu.memory_space<semaphore_mem>>) src(%dma_wait3A_184 : memref<40xi32, #tpu.memory_space<hbm>>) dst(%arg12 : memref<40xi32, #tpu.memory_space<vmem>>)
      %dma_start3A_185 = arith.constant 0 : i32
      %dma_start3A_186 = arith.constant 0 : i32
      %dma_start3A_187 = tpu.memref_slice %arg7[%dma_start3A_185, %dma_start3A_186] : memref<10000x128xf32, #tpu.memory_space<vmem_shared>> -> memref<10000x128xf32, #tpu.memory_space<vmem_shared>>
      tpu.enqueue_indirect_dma source(%arg18 : memref<40x128xf32, #tpu.memory_space<vmem>>) target(%dma_start3A_187 : memref<10000x128xf32, #tpu.memory_space<vmem_shared>>) offsets(%arg12 : memref<40xi32, #tpu.memory_space<vmem>>) semaphore(%arg30 : memref<!tpu.dma_semaphore, #tpu.memory_space<semaphore_mem>>) {add = true}
      %mul3A_188 = arith.constant 2 : i32
      %mul3A_189 = arith.muli %mul3A_188, %add3A_148 : i32
      %add3A_190 = arith.constant 1 : i32
      %add3A_191 = arith.addi %mul3A_189, %add3A_190 : i32
      %add3A_192 = arith.constant 1 : i32
      %add3A_193 = arith.addi %add3A_191, %add3A_192 : i32
      %lt3A_194 = arith.constant 250 : i32
      %lt3A_195 = arith.cmpi slt, %add3A_193, %lt3A_194 : i32
      %convert_element_type3A_196 = arith.extui %lt3A_195 : i1 to i32
      %cond3A_197 = arith.constant 0 : i32
      %cond3A_198 = arith.cmpi ne, %convert_element_type3A_196, %cond3A_197 : i32
      scf.if %cond3A_198 {
        %dma_wait3A_230 = arith.constant 0 : i32
        %dma_wait3A_231 = tpu.memref_slice %arg4[%dma_wait3A_230] : memref<320000xi32, #tpu.memory_space<hbm>> -> memref<40xi32, #tpu.memory_space<hbm>>
        %dma_wait3A_232 = arith.constant 0 : i32
        %dma_wait3A_233 = tpu.memref_slice %arg4[%dma_wait3A_232] : memref<320000xi32, #tpu.memory_space<hbm>> -> memref<40xi32, #tpu.memory_space<hbm>>
        tpu.wait_dma2 semaphore(%arg20 : memref<!tpu.dma_semaphore, #tpu.memory_space<semaphore_mem>>) src(%dma_wait3A_233 : memref<40xi32, #tpu.memory_space<hbm>>) dst(%arg8 : memref<40xi32, #tpu.memory_space<vmem>>)
        %dma_wait3A_234 = arith.constant 0 : i32
        %dma_wait3A_235 = tpu.memref_slice %arg5[%dma_wait3A_234] : memref<320000xi32, #tpu.memory_space<hbm>> -> memref<40xi32, #tpu.memory_space<hbm>>
        %dma_wait3A_236 = arith.constant 0 : i32
        %dma_wait3A_237 = tpu.memref_slice %arg5[%dma_wait3A_236] : memref<320000xi32, #tpu.memory_space<hbm>> -> memref<40xi32, #tpu.memory_space<hbm>>
        tpu.wait_dma2 semaphore(%arg22 : memref<!tpu.dma_semaphore, #tpu.memory_space<semaphore_mem>>) src(%dma_wait3A_237 : memref<40xi32, #tpu.memory_space<hbm>>) dst(%arg10 : memref<40xi32, #tpu.memory_space<vmem>>)
        %dma_start3A_238 = arith.constant 0 : i32
        %dma_start3A_239 = arith.constant 0 : i32
        %dma_start3A_240 = tpu.memref_slice %arg2[%dma_start3A_238, %dma_start3A_239] : memref<10000x128xi32, #tpu.memory_space<hbm>> -> memref<10000x128xi32, #tpu.memory_space<hbm>>
        tpu.enqueue_indirect_dma source(%dma_start3A_240 : memref<10000x128xi32, #tpu.memory_space<hbm>>) target(%arg14 : memref<40x128xi32, #tpu.memory_space<vmem>>) offsets(%arg8 : memref<40xi32, #tpu.memory_space<vmem>>) semaphore(%arg26 : memref<!tpu.dma_semaphore, #tpu.memory_space<semaphore_mem>>)
        %dma_start3A_241 = arith.constant 0 : i32
        %dma_start3A_242 = arith.constant 0 : i32
        %dma_start3A_243 = tpu.memref_slice %arg3[%dma_start3A_241, %dma_start3A_242] : memref<10000x128xi32, #tpu.memory_space<hbm>> -> memref<10000x128xi32, #tpu.memory_space<hbm>>
        tpu.enqueue_indirect_dma source(%dma_start3A_243 : memref<10000x128xi32, #tpu.memory_space<hbm>>) target(%arg16 : memref<40x128xi32, #tpu.memory_space<vmem>>) offsets(%arg10 : memref<40xi32, #tpu.memory_space<vmem>>) semaphore(%arg28 : memref<!tpu.dma_semaphore, #tpu.memory_space<semaphore_mem>>)
      } else {
      }
      %dma_wait3A_199 = arith.constant 0 : i32
      %dma_wait3A_200 = arith.constant 0 : i32
      %dma_wait3A_201 = tpu.memref_slice %arg2[%dma_wait3A_199, %dma_wait3A_200] : memref<10000x128xi32, #tpu.memory_space<hbm>> -> memref<10000x128xi32, #tpu.memory_space<hbm>>
      tpu.wait_indirect_dma semaphore(%arg27 : memref<!tpu.dma_semaphore, #tpu.memory_space<semaphore_mem>>) src(%dma_wait3A_201 : memref<10000x128xi32, #tpu.memory_space<hbm>>) dst(%arg15 : memref<40x128xi32, #tpu.memory_space<vmem>>)
      %dma_wait3A_202 = arith.constant 0 : i32
      %dma_wait3A_203 = arith.constant 0 : i32
      %dma_wait3A_204 = tpu.memref_slice %arg3[%dma_wait3A_202, %dma_wait3A_203] : memref<10000x128xi32, #tpu.memory_space<hbm>> -> memref<10000x128xi32, #tpu.memory_space<hbm>>
      tpu.wait_indirect_dma semaphore(%arg29 : memref<!tpu.dma_semaphore, #tpu.memory_space<semaphore_mem>>) src(%dma_wait3A_204 : memref<10000x128xi32, #tpu.memory_space<hbm>>) dst(%arg17 : memref<40x128xi32, #tpu.memory_space<vmem>>)
      %dma_wait3A_205 = arith.constant 0 : i32
      %dma_wait3A_206 = arith.constant 0 : i32
      %dma_wait3A_207 = tpu.memref_slice %arg7[%dma_wait3A_205, %dma_wait3A_206] : memref<10000x128xf32, #tpu.memory_space<vmem_shared>> -> memref<10000x128xf32, #tpu.memory_space<vmem_shared>>
      tpu.wait_indirect_dma semaphore(%arg31 : memref<!tpu.dma_semaphore, #tpu.memory_space<semaphore_mem>>) src(%arg19 : memref<40x128xf32, #tpu.memory_space<vmem>>) dst(%dma_wait3A_207 : memref<10000x128xf32, #tpu.memory_space<vmem_shared>>)
      %add3A_208 = arith.addi %mul3A_2, %add3A_191 : i32
      %mul3A_209 = arith.constant 40 : i32
      %mul3A_210 = arith.muli %add3A_208, %mul3A_209 : i32
      %dma_start3A_211 = tpu.memref_slice %arg5[%mul3A_210] : memref<320000xi32, #tpu.memory_space<hbm>> -> memref<40xi32, #tpu.memory_space<hbm>>
      %dma_start3A_212 = tpu.memref_slice %arg5[%mul3A_210] : memref<320000xi32, #tpu.memory_space<hbm>> -> memref<40xi32, #tpu.memory_space<hbm>>
      tpu.enqueue_dma source(%dma_start3A_212 : memref<40xi32, #tpu.memory_space<hbm>>) target(%arg13 : memref<40xi32, #tpu.memory_space<vmem>>) target_semaphore(%arg25 : memref<!tpu.dma_semaphore, #tpu.memory_space<semaphore_mem>>)
      %add3A_213 = arith.constant 2 : i32
      %add3A_214 = arith.addi %add3A_191, %add3A_213 : i32
      %lt3A_215 = arith.constant 250 : i32
      %lt3A_216 = arith.cmpi slt, %add3A_214, %lt3A_215 : i32
      %convert_element_type3A_217 = arith.extui %lt3A_216 : i1 to i32
      %cond3A_218 = arith.constant 0 : i32
      %cond3A_219 = arith.cmpi ne, %convert_element_type3A_217, %cond3A_218 : i32
      scf.if %cond3A_219 {
        %add3A_230 = arith.constant 2 : i32
        %add3A_231 = arith.addi %add3A_191, %add3A_230 : i32
        %add3A_232 = arith.addi %mul3A_2, %add3A_231 : i32
        %mul3A_233 = arith.constant 40 : i32
        %mul3A_234 = arith.muli %add3A_232, %mul3A_233 : i32
        %dma_start3A_235 = tpu.memref_slice %arg4[%mul3A_234] : memref<320000xi32, #tpu.memory_space<hbm>> -> memref<40xi32, #tpu.memory_space<hbm>>
        %dma_start3A_236 = tpu.memref_slice %arg4[%mul3A_234] : memref<320000xi32, #tpu.memory_space<hbm>> -> memref<40xi32, #tpu.memory_space<hbm>>
        tpu.enqueue_dma source(%dma_start3A_236 : memref<40xi32, #tpu.memory_space<hbm>>) target(%arg9 : memref<40xi32, #tpu.memory_space<vmem>>) target_semaphore(%arg21 : memref<!tpu.dma_semaphore, #tpu.memory_space<semaphore_mem>>)
        %dma_start3A_237 = tpu.memref_slice %arg5[%mul3A_234] : memref<320000xi32, #tpu.memory_space<hbm>> -> memref<40xi32, #tpu.memory_space<hbm>>
        %dma_start3A_238 = tpu.memref_slice %arg5[%mul3A_234] : memref<320000xi32, #tpu.memory_space<hbm>> -> memref<40xi32, #tpu.memory_space<hbm>>
        tpu.enqueue_dma source(%dma_start3A_238 : memref<40xi32, #tpu.memory_space<hbm>>) target(%arg11 : memref<40xi32, #tpu.memory_space<vmem>>) target_semaphore(%arg23 : memref<!tpu.dma_semaphore, #tpu.memory_space<semaphore_mem>>)
      } else {
      }
      %parallel_loop3A_220 = arith.constant 0 : i32
      %parallel_loop3A_221 = arith.constant 40 : i32
      %parallel_loop3A_222 = arith.constant 1 : i32
      scf.for %parallel_loop3A_230 = %parallel_loop3A_220 to %parallel_loop3A_221 step %parallel_loop3A_222  : i32 {
        %parallel_loop3A_231 = arith.index_cast %parallel_loop3A_230 : i32 to index
        %parallel_loop3A_232 = arith.constant 0 : index
        %parallel_loop3A_233 = tpu.vector_load %arg15[%parallel_loop3A_231, %parallel_loop3A_232] {strides = array<i32>} : memref<40x128xi32, #tpu.memory_space<vmem>>, vector<16xi32>,
        %parallel_loop3A_234 = vector.bitcast %parallel_loop3A_233 : vector<16xi32> to vector<32xbf16>
        %parallel_loop3A_235 = arith.index_cast %parallel_loop3A_230 : i32 to index
        %parallel_loop3A_236 = arith.constant 64 : index
        %parallel_loop3A_237 = tpu.vector_load %arg15[%parallel_loop3A_235, %parallel_loop3A_236] {strides = array<i32>} : memref<40x128xi32, #tpu.memory_space<vmem>>, vector<16xi32>,
        %parallel_loop3A_238 = vector.bitcast %parallel_loop3A_237 : vector<16xi32> to vector<32xbf16>
        %parallel_loop3A_239 = arith.index_cast %parallel_loop3A_230 : i32 to index
        %parallel_loop3A_240 = arith.constant 0 : index
        %parallel_loop3A_241 = tpu.vector_load %arg17[%parallel_loop3A_239, %parallel_loop3A_240] {strides = array<i32>} : memref<40x128xi32, #tpu.memory_space<vmem>>, vector<16xi32>,
        %parallel_loop3A_242 = vector.bitcast %parallel_loop3A_241 : vector<16xi32> to vector<32xbf16>
        %parallel_loop3A_243 = arith.addf %parallel_loop3A_234, %parallel_loop3A_242 : vector<32xbf16>
        %parallel_loop3A_244 = math.exp %parallel_loop3A_243 : vector<32xbf16>
        %parallel_loop3A_245 = arith.constant 1.000000e+00 : bf16
        %parallel_loop3A_246 = vector.broadcast %parallel_loop3A_245 : bf16 to vector<32xbf16>
        %parallel_loop3A_247 = arith.addf %parallel_loop3A_244, %parallel_loop3A_246 : vector<32xbf16>
        %parallel_loop3A_248 = arith.divf %parallel_loop3A_238, %parallel_loop3A_247 : vector<32xbf16>
        %parallel_loop3A_249 = tpu.unpack_subelements %parallel_loop3A_248, 0 {pack_format = #tpu.pack_format<interleaved>} : vector<32xbf16> -> vector<16xf32>
        %parallel_loop3A_250 = tpu.unpack_subelements %parallel_loop3A_248, 1 {pack_format = #tpu.pack_format<interleaved>} : vector<32xbf16> -> vector<16xf32>
        %parallel_loop3A_251 = arith.index_cast %parallel_loop3A_230 : i32 to index
        %parallel_loop3A_252 = arith.constant 0 : index
        %parallel_loop3A_253 = tpu.vector_load %arg19[%parallel_loop3A_251, %parallel_loop3A_252] {strides = array<i32>} : memref<40x128xf32, #tpu.memory_space<vmem>>, vector<16xf32>,
        tpu.vector_store %arg19[%parallel_loop3A_251, %parallel_loop3A_252], %parallel_loop3A_249 {strides = array<i32>} : memref<40x128xf32, #tpu.memory_space<vmem>>, vector<16xf32>,
        %parallel_loop3A_254 = arith.index_cast %parallel_loop3A_230 : i32 to index
        %parallel_loop3A_255 = arith.constant 16 : index
        %parallel_loop3A_256 = tpu.vector_load %arg19[%parallel_loop3A_254, %parallel_loop3A_255] {strides = array<i32>} : memref<40x128xf32, #tpu.memory_space<vmem>>, vector<16xf32>,
        tpu.vector_store %arg19[%parallel_loop3A_254, %parallel_loop3A_255], %parallel_loop3A_250 {strides = array<i32>} : memref<40x128xf32, #tpu.memory_space<vmem>>, vector<16xf32>,
        %parallel_loop3A_257 = arith.index_cast %parallel_loop3A_230 : i32 to index
        %parallel_loop3A_258 = arith.constant 16 : index
        %parallel_loop3A_259 = tpu.vector_load %arg15[%parallel_loop3A_257, %parallel_loop3A_258] {strides = array<i32>} : memref<40x128xi32, #tpu.memory_space<vmem>>, vector<16xi32>,
        %parallel_loop3A_260 = vector.bitcast %parallel_loop3A_259 : vector<16xi32> to vector<32xbf16>
        %parallel_loop3A_261 = arith.index_cast %parallel_loop3A_230 : i32 to index
        %parallel_loop3A_262 = arith.constant 80 : index
        %parallel_loop3A_263 = tpu.vector_load %arg15[%parallel_loop3A_261, %parallel_loop3A_262] {strides = array<i32>} : memref<40x128xi32, #tpu.memory_space<vmem>>, vector<16xi32>,
        %parallel_loop3A_264 = vector.bitcast %parallel_loop3A_263 : vector<16xi32> to vector<32xbf16>
        %parallel_loop3A_265 = arith.index_cast %parallel_loop3A_230 : i32 to index
        %parallel_loop3A_266 = arith.constant 16 : index
        %parallel_loop3A_267 = tpu.vector_load %arg17[%parallel_loop3A_265, %parallel_loop3A_266] {strides = array<i32>} : memref<40x128xi32, #tpu.memory_space<vmem>>, vector<16xi32>,
        %parallel_loop3A_268 = vector.bitcast %parallel_loop3A_267 : vector<16xi32> to vector<32xbf16>
        %parallel_loop3A_269 = arith.addf %parallel_loop3A_260, %parallel_loop3A_268 : vector<32xbf16>
        %parallel_loop3A_270 = math.exp %parallel_loop3A_269 : vector<32xbf16>
        %parallel_loop3A_271 = arith.constant 1.000000e+00 : bf16
        %parallel_loop3A_272 = vector.broadcast %parallel_loop3A_271 : bf16 to vector<32xbf16>
        %parallel_loop3A_273 = arith.addf %parallel_loop3A_270, %parallel_loop3A_272 : vector<32xbf16>
        %parallel_loop3A_274 = arith.divf %parallel_loop3A_264, %parallel_loop3A_273 : vector<32xbf16>
        %parallel_loop3A_275 = tpu.unpack_subelements %parallel_loop3A_274, 0 {pack_format = #tpu.pack_format<interleaved>} : vector<32xbf16> -> vector<16xf32>
        %parallel_loop3A_276 = tpu.unpack_subelements %parallel_loop3A_274, 1 {pack_format = #tpu.pack_format<interleaved>} : vector<32xbf16> -> vector<16xf32>
        %parallel_loop3A_277 = arith.index_cast %parallel_loop3A_230 : i32 to index
        %parallel_loop3A_278 = arith.constant 32 : index
        %parallel_loop3A_279 = tpu.vector_load %arg19[%parallel_loop3A_277, %parallel_loop3A_278] {strides = array<i32>} : memref<40x128xf32, #tpu.memory_space<vmem>>, vector<16xf32>,
        tpu.vector_store %arg19[%parallel_loop3A_277, %parallel_loop3A_278], %parallel_loop3A_275 {strides = array<i32>} : memref<40x128xf32, #tpu.memory_space<vmem>>, vector<16xf32>,
        %parallel_loop3A_280 = arith.index_cast %parallel_loop3A_230 : i32 to index
        %parallel_loop3A_281 = arith.constant 48 : index
        %parallel_loop3A_282 = tpu.vector_load %arg19[%parallel_loop3A_280, %parallel_loop3A_281] {strides = array<i32>} : memref<40x128xf32, #tpu.memory_space<vmem>>, vector<16xf32>,
        tpu.vector_store %arg19[%parallel_loop3A_280, %parallel_loop3A_281], %parallel_loop3A_276 {strides = array<i32>} : memref<40x128xf32, #tpu.memory_space<vmem>>, vector<16xf32>,
        %parallel_loop3A_283 = arith.index_cast %parallel_loop3A_230 : i32 to index
        %parallel_loop3A_284 = arith.constant 32 : index
        %parallel_loop3A_285 = tpu.vector_load %arg15[%parallel_loop3A_283, %parallel_loop3A_284] {strides = array<i32>} : memref<40x128xi32, #tpu.memory_space<vmem>>, vector<16xi32>,
        %parallel_loop3A_286 = vector.bitcast %parallel_loop3A_285 : vector<16xi32> to vector<32xbf16>
        %parallel_loop3A_287 = arith.index_cast %parallel_loop3A_230 : i32 to index
        %parallel_loop3A_288 = arith.constant 96 : index
        %parallel_loop3A_289 = tpu.vector_load %arg15[%parallel_loop3A_287, %parallel_loop3A_288] {strides = array<i32>} : memref<40x128xi32, #tpu.memory_space<vmem>>, vector<16xi32>,
        %parallel_loop3A_290 = vector.bitcast %parallel_loop3A_289 : vector<16xi32> to vector<32xbf16>
        %parallel_loop3A_291 = arith.index_cast %parallel_loop3A_230 : i32 to index
        %parallel_loop3A_292 = arith.constant 32 : index
        %parallel_loop3A_293 = tpu.vector_load %arg17[%parallel_loop3A_291, %parallel_loop3A_292] {strides = array<i32>} : memref<40x128xi32, #tpu.memory_space<vmem>>, vector<16xi32>,
        %parallel_loop3A_294 = vector.bitcast %parallel_loop3A_293 : vector<16xi32> to vector<32xbf16>
        %parallel_loop3A_295 = arith.addf %parallel_loop3A_286, %parallel_loop3A_294 : vector<32xbf16>
        %parallel_loop3A_296 = math.exp %parallel_loop3A_295 : vector<32xbf16>
        %parallel_loop3A_297 = arith.constant 1.000000e+00 : bf16
        %parallel_loop3A_298 = vector.broadcast %parallel_loop3A_297 : bf16 to vector<32xbf16>
        %parallel_loop3A_299 = arith.addf %parallel_loop3A_296, %parallel_loop3A_298 : vector<32xbf16>
        %parallel_loop3A_300 = arith.divf %parallel_loop3A_290, %parallel_loop3A_299 : vector<32xbf16>
        %parallel_loop3A_301 = tpu.unpack_subelements %parallel_loop3A_300, 0 {pack_format = #tpu.pack_format<interleaved>} : vector<32xbf16> -> vector<16xf32>
        %parallel_loop3A_302 = tpu.unpack_subelements %parallel_loop3A_300, 1 {pack_format = #tpu.pack_format<interleaved>} : vector<32xbf16> -> vector<16xf32>
        %parallel_loop3A_303 = arith.index_cast %parallel_loop3A_230 : i32 to index
        %parallel_loop3A_304 = arith.constant 64 : index
        %parallel_loop3A_305 = tpu.vector_load %arg19[%parallel_loop3A_303, %parallel_loop3A_304] {strides = array<i32>} : memref<40x128xf32, #tpu.memory_space<vmem>>, vector<16xf32>,
        tpu.vector_store %arg19[%parallel_loop3A_303, %parallel_loop3A_304], %parallel_loop3A_301 {strides = array<i32>} : memref<40x128xf32, #tpu.memory_space<vmem>>, vector<16xf32>,
        %parallel_loop3A_306 = arith.index_cast %parallel_loop3A_230 : i32 to index
        %parallel_loop3A_307 = arith.constant 80 : index
        %parallel_loop3A_308 = tpu.vector_load %arg19[%parallel_loop3A_306, %parallel_loop3A_307] {strides = array<i32>} : memref<40x128xf32, #tpu.memory_space<vmem>>, vector<16xf32>,
        tpu.vector_store %arg19[%parallel_loop3A_306, %parallel_loop3A_307], %parallel_loop3A_302 {strides = array<i32>} : memref<40x128xf32, #tpu.memory_space<vmem>>, vector<16xf32>,
        %parallel_loop3A_309 = arith.index_cast %parallel_loop3A_230 : i32 to index
        %parallel_loop3A_310 = arith.constant 48 : index
        %parallel_loop3A_311 = tpu.vector_load %arg15[%parallel_loop3A_309, %parallel_loop3A_310] {strides = array<i32>} : memref<40x128xi32, #tpu.memory_space<vmem>>, vector<16xi32>,
        %parallel_loop3A_312 = vector.bitcast %parallel_loop3A_311 : vector<16xi32> to vector<32xbf16>
        %parallel_loop3A_313 = arith.index_cast %parallel_loop3A_230 : i32 to index
        %parallel_loop3A_314 = arith.constant 112 : index
        %parallel_loop3A_315 = tpu.vector_load %arg15[%parallel_loop3A_313, %parallel_loop3A_314] {strides = array<i32>} : memref<40x128xi32, #tpu.memory_space<vmem>>, vector<16xi32>,
        %parallel_loop3A_316 = vector.bitcast %parallel_loop3A_315 : vector<16xi32> to vector<32xbf16>
        %parallel_loop3A_317 = arith.index_cast %parallel_loop3A_230 : i32 to index
        %parallel_loop3A_318 = arith.constant 48 : index
        %parallel_loop3A_319 = tpu.vector_load %arg17[%parallel_loop3A_317, %parallel_loop3A_318] {strides = array<i32>} : memref<40x128xi32, #tpu.memory_space<vmem>>, vector<16xi32>,
        %parallel_loop3A_320 = vector.bitcast %parallel_loop3A_319 : vector<16xi32> to vector<32xbf16>
        %parallel_loop3A_321 = arith.addf %parallel_loop3A_312, %parallel_loop3A_320 : vector<32xbf16>
        %parallel_loop3A_322 = math.exp %parallel_loop3A_321 : vector<32xbf16>
        %parallel_loop3A_323 = arith.constant 1.000000e+00 : bf16
        %parallel_loop3A_324 = vector.broadcast %parallel_loop3A_323 : bf16 to vector<32xbf16>
        %parallel_loop3A_325 = arith.addf %parallel_loop3A_322, %parallel_loop3A_324 : vector<32xbf16>
        %parallel_loop3A_326 = arith.divf %parallel_loop3A_316, %parallel_loop3A_325 : vector<32xbf16>
        %parallel_loop3A_327 = tpu.unpack_subelements %parallel_loop3A_326, 0 {pack_format = #tpu.pack_format<interleaved>} : vector<32xbf16> -> vector<16xf32>
        %parallel_loop3A_328 = tpu.unpack_subelements %parallel_loop3A_326, 1 {pack_format = #tpu.pack_format<interleaved>} : vector<32xbf16> -> vector<16xf32>
        %parallel_loop3A_329 = arith.index_cast %parallel_loop3A_230 : i32 to index
        %parallel_loop3A_330 = arith.constant 96 : index
        %parallel_loop3A_331 = tpu.vector_load %arg19[%parallel_loop3A_329, %parallel_loop3A_330] {strides = array<i32>} : memref<40x128xf32, #tpu.memory_space<vmem>>, vector<16xf32>,
        tpu.vector_store %arg19[%parallel_loop3A_329, %parallel_loop3A_330], %parallel_loop3A_327 {strides = array<i32>} : memref<40x128xf32, #tpu.memory_space<vmem>>, vector<16xf32>,
        %parallel_loop3A_332 = arith.index_cast %parallel_loop3A_230 : i32 to index
        %parallel_loop3A_333 = arith.constant 112 : index
        %parallel_loop3A_334 = tpu.vector_load %arg19[%parallel_loop3A_332, %parallel_loop3A_333] {strides = array<i32>} : memref<40x128xf32, #tpu.memory_space<vmem>>, vector<16xf32>,
        tpu.vector_store %arg19[%parallel_loop3A_332, %parallel_loop3A_333], %parallel_loop3A_328 {strides = array<i32>} : memref<40x128xf32, #tpu.memory_space<vmem>>, vector<16xf32>,
      } {sc.loop_unroll_factor = 4 : i64, sc.parallel_access}
      %dma_wait3A_223 = arith.constant 0 : i32
      %dma_wait3A_224 = tpu.memref_slice %arg5[%dma_wait3A_223] : memref<320000xi32, #tpu.memory_space<hbm>> -> memref<40xi32, #tpu.memory_space<hbm>>
      %dma_wait3A_225 = arith.constant 0 : i32
      %dma_wait3A_226 = tpu.memref_slice %arg5[%dma_wait3A_225] : memref<320000xi32, #tpu.memory_space<hbm>> -> memref<40xi32, #tpu.memory_space<hbm>>
      tpu.wait_dma2 semaphore(%arg25 : memref<!tpu.dma_semaphore, #tpu.memory_space<semaphore_mem>>) src(%dma_wait3A_226 : memref<40xi32, #tpu.memory_space<hbm>>) dst(%arg13 : memref<40xi32, #tpu.memory_space<vmem>>)
      %dma_start3A_227 = arith.constant 0 : i32
      %dma_start3A_228 = arith.constant 0 : i32
      %dma_start3A_229 = tpu.memref_slice %arg7[%dma_start3A_227, %dma_start3A_228] : memref<10000x128xf32, #tpu.memory_space<vmem_shared>> -> memref<10000x128xf32, #tpu.memory_space<vmem_shared>>
      tpu.enqueue_indirect_dma source(%arg19 : memref<40x128xf32, #tpu.memory_space<vmem>>) target(%dma_start3A_229 : memref<10000x128xf32, #tpu.memory_space<vmem_shared>>) offsets(%arg13 : memref<40xi32, #tpu.memory_space<vmem>>) semaphore(%arg31 : memref<!tpu.dma_semaphore, #tpu.memory_space<semaphore_mem>>) {add = true}
    }
    %scan3A_131 = arith.constant 124 : i32
    %dma_wait3A_132 = arith.constant 0 : i32
    %dma_wait3A_133 = arith.constant 0 : i32
    %dma_wait3A_134 = tpu.memref_slice %arg7[%dma_wait3A_132, %dma_wait3A_133] : memref<10000x128xf32, #tpu.memory_space<vmem_shared>> -> memref<10000x128xf32, #tpu.memory_space<vmem_shared>>
    tpu.wait_indirect_dma semaphore(%arg30 : memref<!tpu.dma_semaphore, #tpu.memory_space<semaphore_mem>>) src(%arg18 : memref<40x128xf32, #tpu.memory_space<vmem>>) dst(%dma_wait3A_134 : memref<10000x128xf32, #tpu.memory_space<vmem_shared>>)
    %dma_wait3A_135 = arith.constant 0 : i32
    %dma_wait3A_136 = arith.constant 0 : i32
    %dma_wait3A_137 = tpu.memref_slice %arg7[%dma_wait3A_135, %dma_wait3A_136] : memref<10000x128xf32, #tpu.memory_space<vmem_shared>> -> memref<10000x128xf32, #tpu.memory_space<vmem_shared>>
    tpu.wait_indirect_dma semaphore(%arg31 : memref<!tpu.dma_semaphore, #tpu.memory_space<semaphore_mem>>) src(%arg19 : memref<40x128xf32, #tpu.memory_space<vmem>>) dst(%dma_wait3A_137 : memref<10000x128xf32, #tpu.memory_space<vmem_shared>>)
    %barrier3A_138 = arith.constant 0 : index
    tpu.barrier barrier_id(%barrier3A_138)
    %scan3A_139 = arith.constant 0 : i32
    %scan3A_140 = arith.constant 16 : i32
    %scan3A_141 = arith.addi %scan3A_139, %scan3A_140 : i32
    %scan3A_142 = arith.constant 1 : i32
    scf.for %scan3A_144 = %scan3A_139 to %scan3A_141 step %scan3A_142  : i32 {
      %mul3A_145 = arith.constant 1 : i32
      %mul3A_146 = arith.muli %scan3A_144, %mul3A_145 : i32
      %add3A_147 = arith.constant 0 : i32
      %add3A_148 = arith.addi %add3A_147, %mul3A_146 : i32
      %mul3A_149 = arith.constant 16 : i32
      %mul3A_150 = arith.muli %mul3A_149, %add3A_148 : i32
      %add3A_151 = arith.addi %arg1, %mul3A_150 : i32
      %lt3A = arith.constant 250 : i32
      %lt3A_152 = arith.cmpi slt, %add3A_151, %lt3A : i32
      %convert_element_type3A = arith.extui %lt3A_152 : i1 to i32
      %cond3A = arith.constant 0 : i32
      %cond3A_153 = arith.cmpi ne, %convert_element_type3A, %cond3A : i32
      scf.if %cond3A_153 {
        %mul3A_154 = arith.constant 40 : i32
        %mul3A_155 = arith.muli %add3A_151, %mul3A_154 : i32
        %mul3A_156 = arith.constant 40 : i32
        %mul3A_157 = arith.muli %add3A_151, %mul3A_156 : i32
        "tpu.region"() ({
          %run_scoped3A = tpu.sem_alloc : memref<!tpu.dma_semaphore, #tpu.memory_space<semaphore_mem>>
          %dma_start3A_158 = arith.constant 0 : i32
          %dma_start3A_159 = tpu.memref_slice %arg6[%arg0, %mul3A_157, %dma_start3A_158] : memref<2x10000x128xf32, #tpu.memory_space<hbm>> -> memref<1x40x128xf32, #tpu.memory_space<hbm>>
          %dma_start3A_160 = tpu.memref_squeeze %dma_start3A_159 : memref<1x40x128xf32, #tpu.memory_space<hbm>> -> memref<40x128xf32, #tpu.memory_space<hbm>>
          %dma_start3A_161 = arith.constant 0 : i32
          %dma_start3A_162 = tpu.memref_slice %arg7[%mul3A_155, %dma_start3A_161] : memref<10000x128xf32, #tpu.memory_space<vmem_shared>> -> memref<40x128xf32, #tpu.memory_space<vmem_shared>>
          tpu.enqueue_dma source(%dma_start3A_162 : memref<40x128xf32, #tpu.memory_space<vmem_shared>>) target(%dma_start3A_160 : memref<40x128xf32, #tpu.memory_space<hbm>>) target_semaphore(%run_scoped3A : memref<!tpu.dma_semaphore, #tpu.memory_space<semaphore_mem>>)
          %dma_wait3A_163 = arith.constant 0 : i32
          %dma_wait3A_164 = tpu.memref_slice %arg6[%arg0, %mul3A_157, %dma_wait3A_163] : memref<2x10000x128xf32, #tpu.memory_space<hbm>> -> memref<1x40x128xf32, #tpu.memory_space<hbm>>
          %dma_wait3A_165 = tpu.memref_squeeze %dma_wait3A_164 : memref<1x40x128xf32, #tpu.memory_space<hbm>> -> memref<40x128xf32, #tpu.memory_space<hbm>>
          %dma_wait3A_166 = arith.constant 0 : i32
          %dma_wait3A_167 = tpu.memref_slice %arg7[%mul3A_155, %dma_wait3A_166] : memref<10000x128xf32, #tpu.memory_space<vmem_shared>> -> memref<40x128xf32, #tpu.memory_space<vmem_shared>>
          tpu.wait_dma2 semaphore(%run_scoped3A : memref<!tpu.dma_semaphore, #tpu.memory_space<semaphore_mem>>) src(%dma_wait3A_167 : memref<40x128xf32, #tpu.memory_space<vmem_shared>>) dst(%dma_wait3A_165 : memref<40x128xf32, #tpu.memory_space<hbm>>)
          tpu.yield
        }) : () -> ()
      } else {
      }
    }
    %scan3A_143 = arith.constant 16 : i32
    return
  }
}

module attributes {stable_mosaic.version = 14 : i64} {
  func.func @_node_tc_body(%arg0: memref<10000x128xf32, #tpu.memory_space<vmem>>, %arg1: memref<128x256xf32, #tpu.memory_space<vmem>>, %arg2: memref<1x256xf32, #tpu.memory_space<vmem>>, %arg3: memref<128x128xf32, #tpu.memory_space<vmem>>, %arg4: memref<1x128xf32, #tpu.memory_space<vmem>>, %arg5: memref<10000x256xbf16, #tpu.memory_space<vmem>>, %arg6: memref<10000x128xbf16, #tpu.memory_space<vmem>>) attributes {dimension_semantics = [], scalar_prefetch = 0 : i64, scratch_operands = 0 : i64, tpu.core_type = #tpu.core_type<tc>} {
    %get3A = arith.constant 0 : index
    %get3A_0 = arith.constant 0 : index
    %get3A_1 = vector.load %arg0[%get3A, %get3A_0] : memref<10000x128xf32, #tpu.memory_space<vmem>>, vector<10000x128xf32>
    %get3A_2 = arith.constant 0 : index
    %get3A_3 = arith.constant 0 : index
    %get3A_4 = vector.load %arg1[%get3A_2, %get3A_3] : memref<128x256xf32, #tpu.memory_space<vmem>>, vector<128x256xf32>
    %dot_general3A = arith.constant dense<0.000000e+00> : vector<10000x256xf32>
    %dot_general3A_5 = tpu.matmul %get3A_1, %get3A_4, %dot_general3A {dimension_numbers = #tpu.dot_dimension_numbers<[1], [0], [0], [1], [0, 0, 1, 1], [], []>, precision = #tpu.contract_precision<fp32>, transpose_lhs_hint = false} : vector<10000x128xf32>, vector<128x256xf32>, vector<10000x256xf32> -> vector<10000x256xf32>
    %get3A_6 = arith.constant 0 : index
    %get3A_7 = arith.constant 0 : index
    %get3A_8 = vector.load %arg2[%get3A_6, %get3A_7] : memref<1x256xf32, #tpu.memory_space<vmem>>, vector<1x256xf32>
    %add3A = vector.broadcast %get3A_8 : vector<1x256xf32> to vector<10000x256xf32>
    %add3A_9 = arith.addf %dot_general3A_5, %add3A : vector<10000x256xf32>
    %convert_element_type3A = arith.truncf %add3A_9 : vector<10000x256xf32> to vector<10000x256xbf16>
    %swap3A = arith.constant 0 : index
    %swap3A_10 = arith.constant 0 : index
    %swap3A_11 = vector.load %arg5[%swap3A, %swap3A_10] : memref<10000x256xbf16, #tpu.memory_space<vmem>>, vector<10000x256xbf16>
    tpu.vector_store %arg5[%swap3A, %swap3A_10], %convert_element_type3A {strides = array<i32>} : memref<10000x256xbf16, #tpu.memory_space<vmem>>, vector<10000x256xbf16>,
    %get3A_12 = arith.constant 0 : index
    %get3A_13 = arith.constant 0 : index
    %get3A_14 = vector.load %arg3[%get3A_12, %get3A_13] : memref<128x128xf32, #tpu.memory_space<vmem>>, vector<128x128xf32>
    %dot_general3A_15 = arith.constant dense<0.000000e+00> : vector<10000x128xf32>
    %dot_general3A_16 = tpu.matmul %get3A_1, %get3A_14, %dot_general3A_15 {dimension_numbers = #tpu.dot_dimension_numbers<[1], [0], [0], [1], [0, 0, 1, 1], [], []>, precision = #tpu.contract_precision<fp32>, transpose_lhs_hint = false} : vector<10000x128xf32>, vector<128x128xf32>, vector<10000x128xf32> -> vector<10000x128xf32>
    %get3A_17 = arith.constant 0 : index
    %get3A_18 = arith.constant 0 : index
    %get3A_19 = vector.load %arg4[%get3A_17, %get3A_18] : memref<1x128xf32, #tpu.memory_space<vmem>>, vector<1x128xf32>
    %add3A_20 = vector.broadcast %get3A_19 : vector<1x128xf32> to vector<10000x128xf32>
    %add3A_21 = arith.addf %dot_general3A_16, %add3A_20 : vector<10000x128xf32>
    %convert_element_type3A_22 = arith.truncf %add3A_21 : vector<10000x128xf32> to vector<10000x128xbf16>
    %swap3A_23 = arith.constant 0 : index
    %swap3A_24 = arith.constant 0 : index
    %swap3A_25 = vector.load %arg6[%swap3A_23, %swap3A_24] : memref<10000x128xbf16, #tpu.memory_space<vmem>>, vector<10000x128xbf16>
    tpu.vector_store %arg6[%swap3A_23, %swap3A_24], %convert_element_type3A_22 {strides = array<i32>} : memref<10000x128xbf16, #tpu.memory_space<vmem>>, vector<10000x128xbf16>,
    return
  }
}

module attributes {stable_mosaic.version = 14 : i64} {
  func.func @_combine_tc_body(%arg0: memref<2x10000x128xf32, #tpu.memory_space<vmem>>, %arg1: memref<10000x128xf32, #tpu.memory_space<vmem>>, %arg2: memref<128x128xf32, #tpu.memory_space<vmem>>, %arg3: memref<1x128xf32, #tpu.memory_space<vmem>>, %arg4: memref<10000x128xf32, #tpu.memory_space<vmem>>) attributes {dimension_semantics = [], scalar_prefetch = 0 : i64, scratch_operands = 0 : i64, tpu.core_type = #tpu.core_type<tc>} {
    %get3A = arith.constant 0 : index
    %get3A_0 = arith.constant 0 : index
    %get3A_1 = vector.load %arg1[%get3A, %get3A_0] : memref<10000x128xf32, #tpu.memory_space<vmem>>, vector<10000x128xf32>
    %get3A_2 = arith.constant 0 : index
    %get3A_3 = arith.constant 0 : index
    %get3A_4 = vector.load %arg2[%get3A_2, %get3A_3] : memref<128x128xf32, #tpu.memory_space<vmem>>, vector<128x128xf32>
    %dot_general3A = arith.constant dense<0.000000e+00> : vector<10000x128xf32>
    %dot_general3A_5 = tpu.matmul %get3A_1, %get3A_4, %dot_general3A {dimension_numbers = #tpu.dot_dimension_numbers<[1], [0], [0], [1], [0, 0, 1, 1], [], []>, precision = #tpu.contract_precision<fp32>, transpose_lhs_hint = false} : vector<10000x128xf32>, vector<128x128xf32>, vector<10000x128xf32> -> vector<10000x128xf32>
    %get3A_6 = arith.constant 0 : index
    %get3A_7 = arith.constant 0 : index
    %get3A_8 = vector.load %arg3[%get3A_6, %get3A_7] : memref<1x128xf32, #tpu.memory_space<vmem>>, vector<1x128xf32>
    %add3A = vector.broadcast %get3A_8 : vector<1x128xf32> to vector<10000x128xf32>
    %add3A_9 = arith.addf %dot_general3A_5, %add3A : vector<10000x128xf32>
    %get3A_10 = arith.constant 0 : index
    %get3A_11 = arith.constant 0 : index
    %get3A_12 = arith.constant 0 : index
    %get3A_13 = vector.load %arg0[%get3A_10, %get3A_11, %get3A_12] : memref<2x10000x128xf32, #tpu.memory_space<vmem>>, vector<1x10000x128xf32>
    %get3A_14 = vector.shape_cast %get3A_13 : vector<1x10000x128xf32> to vector<10000x128xf32>
    %get3A_15 = arith.constant 1 : index
    %get3A_16 = arith.constant 0 : index
    %get3A_17 = arith.constant 0 : index
    %get3A_18 = vector.load %arg0[%get3A_15, %get3A_16, %get3A_17] : memref<2x10000x128xf32, #tpu.memory_space<vmem>>, vector<1x10000x128xf32>
    %get3A_19 = vector.shape_cast %get3A_18 : vector<1x10000x128xf32> to vector<10000x128xf32>
    %add3A_20 = arith.addf %get3A_14, %get3A_19 : vector<10000x128xf32>
    %add3A_21 = arith.addf %add3A_20, %add3A_9 : vector<10000x128xf32>
    %swap3A = arith.constant 0 : index
    %swap3A_22 = arith.constant 0 : index
    %swap3A_23 = vector.load %arg4[%swap3A, %swap3A_22] : memref<10000x128xf32, #tpu.memory_space<vmem>>, vector<10000x128xf32>
    tpu.vector_store %arg4[%swap3A, %swap3A_22], %add3A_21 {strides = array<i32>} : memref<10000x128xf32, #tpu.memory_space<vmem>>, vector<10000x128xf32>,
    return
  }
}

</mosaic_0001>

<sc_bundles>
// kernel: kernel.5.cloned.1.call-start
scs
__scs_entry_jumppad:
0x0: {  	(pc) =	sbr.rel $0x88, $3  }
0x1: {  	(tag) =	ssettag $0x0;
	lr =	simm.s32 $0x1  }
0x2: {  	[smem:$0x3F97] =	sst lr;
	_ =	strace $0xD0000000  }
0x3: {  	_ = 	snop  }
0x4: {  	_ = 	snop  }
0x5: {  	_ = 	snop  }
0x6: {  	_ = 	snop  }
0x7: {  	_ = 	snop  }
__scs_overlays_trampoline_lowered:
0x8: {  	[smem:$0x3FA6] =	sst s0  }
0x9: {  	[smem:$0x3FA7] =	sst s1  }
0xa: {  	[smem:$0x3FA8] =	sst s2  }
0xb: {  	[smem:$0x3FA9] =	sst s3  }
0xc: {  	[smem:$0x3FAA] =	sst s4  }
0xd: {  	[smem:$0x3FAB] =	sst s5  }
0xe: {  	[smem:$0x3FAC] =	sst s6  }
0xf: {  	[smem:$0x3FAD] =	sst s7  }
0x10: {  	[smem:$0x3FAE] =	sst s8  }
0x11: {  	[smem:$0x3FAF] =	sst s9;
	s0 =	simm.s32 @!p0 $0x0  }
0x12: {  	s1 =	sld [smem:$0x3F95];
	s0 =	simm.s32 @p0 $0x1  }
0x13: {  	[smem:$0x3FB0] =	sst s0;
	s0 =	simm.s32 @!p1 $0x0  }
0x14: {  	s2 =	sld [smem:$0x3F94];
	s0 =	simm.s32 @p1 $0x1  }
0x15: {  	[smem:$0x3FB1] =	sst s0;
	s0 =	simm.s32 @!p2 $0x0  }
0x16: {  	s3 =	sld [smem:$0x3FDB];
	s0 =	simm.s32 @p2 $0x1  }
0x17: {  	s4 =	simm.s32 $0x1BF5;
	[smem:$0x3FB3] =	sst s0  }
0x18: {  	s0 =	sld [smem:$0x3F96];
	_ =	swait.ge [sflag:s4], $0x0  }
0x19: {  	s7 =	sld [smem:$0x3F97]  }
0x1a: {  	s8 =	sadd.s32 $0xFFFFE003, lr  }
0x1b: {  	s9 =	sadd.s32 $0xFFFFFEF7, lr;
	s5 =	simm.s32 $0xFFFFFFFF;
	p2 =	slt.u32 s8, $0xFFFFF086  }
0x1c: {  	p1 =	slt.u32 s9, $0xF7A;
	s5 =	simm.s32 @!p2 $0x0  }
0x1d: {  	s5 =	simm.s32 @p1 $0x1;
	p0 =	seq.s32 s7, s2  }
0x1e: {  	s7 =	smul.u32 @!p0 $0xF7A, s2;
	p2 =	seq.s32 @!p0 s5, $0x0  }
0x1f: {  	s9 =	smul.u32 $0xF7A, s1;
	s8 =	simm.s32 @!p0 $0x1BF5;
	p2 =	por !p2, p0  }
0x20: {  	[sflag:s8] =	ssyncset.s32 @!p0 $0xFFFFF086;
	s6 =	sadd.s32 @!p0 s3, s7;
	s7 =	simm.s32 @!p0 $0x108  }
0x21: {  	s3 =	sadd.s32 s3, s9;
	s6 =	sadd.s32 @!p0 $0x88, s6;
	s7 =	simm.s32 @p2 $0x1082  }
0x22: {  	[simem:s7], [sflag:s8] =	dma.local @!p0 [hbm:s6], $0xF7A  }
0x23: {  	s9 =	sor.u32 $0xD0000000, s2;
	s6 =	simm.s32 $0x108;
	_ =	swait.ge @!p0 [sflag:s8], $0x0  }
0x24: {  	s3 =	sadd.s32 $0x88, s3;
	s6 =	simm.s32 @!p1 $0x1082;
	[sflag:s4] =	ssyncset.s32 $0xFFFFF086  }
0x25: {  	[simem:s6], [sflag:s4] =	dma.local [hbm:s3], $0xF7A  }
0x26: {  	[smem:$0x3F97] =	sst s1;
	(tag) =	ssettag s2;
	_ =	strace s9  }
0x27: {  	s1 =	sld [smem:$0x3FA7]  }
0x28: {  	s2 =	sld [smem:$0x3FA8]  }
0x29: {  	s4 =	sld [smem:$0x3FAA]  }
0x2a: {  	p0 =	seq.s32 s5, $0x0;
	s5 =	sld [smem:$0x3FAB]  }
0x2b: {  	s6 =	sld [smem:$0x3FAC]  }
0x2c: {  	s7 =	sld [smem:$0x3FAD]  }
0x2d: {  	s3 =	simm.s32 $0x108;
	s8 =	sld [smem:$0x3FAE]  }
0x2e: {  	s3 =	simm.s32 @!p0 $0x1082;
	s9 =	sld [smem:$0x3FAF]  }
0x2f: {  	lr =	sadd.s32 s0, s3;
	s0 =	sld [smem:$0x3FA6]  }
0x30: {  	s3 =	sld [smem:$0x3FA9]  }
0x31: {  	[smem:$0x3FB2] =	sst s10  }
0x32: {  	s10 =	sld [smem:$0x3FB0];
	_ =	sdelay $0x3  }
0x33: {  	p0 =	seq.s32 s10, $0x1;
	s10 =	sld [smem:$0x3FB2];
	_ =	sdelay $0x3  }
0x34: {  	[smem:$0x3FB2] =	sst s10  }
0x35: {  	s10 =	sld [smem:$0x3FB1];
	_ =	sdelay $0x3  }
0x36: {  	p1 =	seq.s32 s10, $0x1;
	s10 =	sld [smem:$0x3FB2];
	_ =	sdelay $0x3  }
0x37: {  	[smem:$0x3FB2] =	sst s10  }
0x38: {  	s10 =	sld [smem:$0x3FB3]  }
0x39: {  	_ = 	snop;
	(pc) =	sbr.ind lr, $3  }
0x3a: {  	_ = 	snop  }
0x3b: {  	_ = 	snop  }
0x3c: {  	p2 =	seq.s32 s10, $0x1;
	s10 =	sld [smem:$0x3FB2]  }
0x3d: {  	_ =	shalt  }
0x3e: {  	_ =	shalt  }
0x3f: {  	_ =	shalt  }
0x40: {  	_ =	shalt  }
0x41: {  	_ =	shalt  }
0x42: {  	_ =	shalt  }
0x43: {  	_ =	shalt  }
0x44: {  	_ =	shalt  }
0x45: {  	_ =	shalt  }
0x46: {  	_ =	shalt  }
0x47: {  	_ =	shalt  }
0x48: {  	_ =	shalt  }
0x49: {  	_ =	shalt  }
0x4a: {  	_ =	shalt  }
0x4b: {  	_ =	shalt  }
0x4c: {  	_ =	shalt  }
0x4d: {  	_ =	shalt  }
0x4e: {  	_ =	shalt  }
0x4f: {  	_ =	shalt  }
0x50: {  	_ =	shalt  }
0x51: {  	_ =	shalt  }
0x52: {  	_ =	shalt  }
0x53: {  	_ =	shalt  }
0x54: {  	_ =	shalt  }
0x55: {  	_ =	shalt  }
0x56: {  	_ =	shalt  }
0x57: {  	_ =	shalt  }
0x58: {  	_ =	shalt  }
0x59: {  	_ =	shalt  }
0x5a: {  	_ =	shalt  }
0x5b: {  	_ =	shalt  }
0x5c: {  	_ =	shalt  }
0x5d: {  	_ =	shalt  }
0x5e: {  	_ =	shalt  }
0x5f: {  	_ =	shalt  }
0x60: {  	_ =	shalt  }
0x61: {  	_ =	shalt  }
0x62: {  	_ =	shalt  }
0x63: {  	_ =	shalt  }
0x64: {  	_ =	shalt  }
0x65: {  	_ =	shalt  }
0x66: {  	_ =	shalt  }
0x67: {  	_ =	shalt  }
0x68: {  	_ =	shalt  }
0x69: {  	_ =	shalt  }
0x6a: {  	_ =	shalt  }
0x6b: {  	_ =	shalt  }
0x6c: {  	_ =	shalt  }
0x6d: {  	_ =	shalt  }
0x6e: {  	_ =	shalt  }
0x6f: {  	_ =	shalt  }
0x70: {  	_ =	shalt  }
0x71: {  	_ =	shalt  }
0x72: {  	_ =	shalt  }
0x73: {  	_ =	shalt  }
0x74: {  	_ =	shalt  }
0x75: {  	_ =	shalt  }
0x76: {  	_ =	shalt  }
0x77: {  	_ =	shalt  }
0x78: {  	_ =	shalt  }
0x79: {  	_ =	shalt  }
0x7a: {  	_ =	shalt  }
0x7b: {  	_ =	shalt  }
0x7c: {  	_ =	shalt  }
0x7d: {  	_ =	shalt  }
0x7e: {  	_ =	shalt  }
0x7f: {  	_ =	shalt  }
0x80: {  	_ =	shalt  }
0x81: {  	_ =	shalt  }
0x82: {  	_ =	shalt  }
0x83: {  	_ =	shalt  }
0x84: {  	_ =	shalt  }
0x85: {  	_ =	shalt  }
0x86: {  	_ =	shalt  }
0x87: {  	_ =	shalt  }
.Lfunc_end0:
.L_simem_size_0:
called_computation_lowered:
.L_overlay_start_0:
0x88: {  	s2 =	sld [smem:$0x3FD9]  }
0x89: {  	s3 =	sld [smem:$0x3FFE];
	_ =	sdelay $0x1  }
0x8a: {  	s1 =	srdreg.scid  }
0x8b: {  	s0 =	sand.u32 $0x1, s1  }
0x8c: {  	s17 =	sshll.u32 s0, $0xA;
	s2 =	sadd.s32 s3, s2  }
0x8d: {  	s2 =	sadd.s32 s2, s17  }
0x8e: {  	[smem:$0x3FBE] =	sst s2  }
0x8f: {  	_ = 	snop  }
0x90: {  	s2 =	sld [smem:$0x3FD0];
	(tm) =	ssettm $0x1  }
0x91: {  	s18 =	sld [smem:$0x3FFB];
	_ =	sdelay $0x3  }
0x92: {  	_ =	strace s18  }
0x93: {  	s3 =	sld [smem:$0x3FFC];
	_ =	sdelay $0x3  }
0x94: {  	_ =	strace s3  }
0x95: {  	s3 =	sld [smem:$0x3FFD];
	_ =	sdelay $0x3  }
0x96: {  	_ =	strace s3  }
0x97: {  	_ =	strace $0x8FFFFFFF  }
0x98: {  	s19 =	sld [smem:$0x3FDB];
	_ =	sdelay $0x1  }
0x99: {  	s4 =	simm.s32 $_scs_section_size  }
0x9a: {  	s5 =	simm.s32 $_size__tile_overlayer_lowered;
	s6 =	simm.s32 $_tile_overlayer_lowered  }
0x9b: {  	s22 =	simm.s32 $0x1BFF;
	s21 =	sshll.u32 s6, $0x1;
	s3 =	sadd.s32 s4, s19  }
0x9c: {  	s7 =	simm.s32 $0x0;
	s20 =	sshll.u32 s5, $0x1;
	s5 =	sadd.s32 s21, s3  }
0x9d: {  	[timem:s7], [sflag:s22] =	dma.local [hbm:s5], s20  }
0x9e: {  	_ =	swait.ge [sflag:s22], s20  }
0x9f: {  	s4 =	ssub.s32 $0x0, s20;
	[sflag:s22] =	ssyncset.done $0x0  }
0xa0: {  	[sflag:s22] =	ssyncadd.s32 s4;
	_ =	sdelay $0x1  }
0xa1: {  	s23 =	simm.s32 $0x1B8B  }
0xa2: {  	_ =	swait.ge [sflag:s23], $0x1  }
0xa3: {  	[sflag:s23] =	ssyncset.done $0x0  }
0xa4: {  	s25 =	simm.s32 $0x1B8E;
	s24 =	sld [smem:$0x3FFE];
	[sflag:s23] =	ssyncadd.s32 $0xFFFFFFFF  }
0xa5: {  	s26 =	simm.s32 $execute0_lowered;
	[smem:$0x3FD2] =	sst s25  }
0xa6: {  	s5 =	sshll.u32 s26, $0x1;
	_ =	strace $0x80000046;
	[dreg:$0x1] =	wrdreg $0xFFFFFFFF  }
0xa7: {  	s28 =	simm.s32 $_size_execute0_lowered;
	s3 =	sadd.s32 s3, s5;
	[dreg:$0x0] =	wrdreg $0x0  }
0xa8: {  	s5 =	sshll.u32 s28, $0x1;
	[dreg:$0x2] =	wrdreg s3  }
0xa9: {  	[dreg:$0x3] =	wrdreg s5  }
0xaa: {  	[dreg:$0x4] =	wrdreg $0xC0  }
0xab: {  	_ =	task [dreg:s7], $0x5FFFF  }
0xac: {  	[dreg:$0x1] =	wrdreg $0xFFFFFFFF  }
0xad: {  	[dreg:$0x0] =	wrdreg $0x60  }
0xae: {  	[dreg:$0x2] =	wrdreg s2  }
0xaf: {  	[dreg:$0x3] =	wrdreg s24  }
0xb0: {  	[dreg:$0x4] =	wrdreg $0x0  }
0xb1: {  	[dreg:$0x5] =	wrdreg $0x9  }
0xb2: {  	_ =	task.clear_ibuf [dreg:s7], $0x6FFFF;
	_ =	strace $0x90000046  }
0xb3: {  	s29 =	simm.s32 $0x9;
	_ =	strace $0x80000048  }
0xb4: {  	_ =	swait.ge [sflag:s29], $0x1  }
0xb5: {  	[sflag:s29] =	ssyncadd.s32 $0xFFFFFFFF  }
0xb6: {  	_ =	strace $0x90000048  }
0xb7: {  	_ =	sfence  }
0xb8: {  	s30 =	sld [smem:$0x0];
	_ =	sdelay $0x2  }
0xb9: {  	s31 =	sshll.u32 s1, $0xD;
	s1 =	sshrl.u32 s1, $0x2  }
0xba: {  	s3 =	sand.u32 $0x4000, s31;
	s1 =	sadd.s32 s1, s30  }
0xbb: {  	s0 =	sor.u32 s3, s0;
	s1 =	sshll.u32 s1, $0x11  }
0xbc: {  	s0 =	sor.u32 s1, s0  }
0xbd: {  	s0 =	sadd.s32 $0x8F2B, s0  }
0xbe: {  	[sflag:s0] =	ssyncadd.remote.s32 $0x1  }
0xbf: {  	_ =	sfence.sel $0xFFFF  }
0xc0: {  	[dreg:$0x0] =	wrdreg $0xFFFFFFFF;
	(pc) =	sbr.abs _section_cstart, $3  }
0xc1: {  	[dreg:$0x1] =	wrdreg $0xFFFFFFFF  }
0xc2: {  	_ =	task.clear_ibuf [dreg:s7], $0x2FFFF;
	_ =	strace $0x9FFFFFFF  }
0xc3: {  	(tm) =	ssettm $0x7FFFFFFF  }
tec
execute0_lowered:
.L_overlay_start_1:
0x0: {  	(tag) =	ssettag $0x1  }
0x1: {  	s1 =	rddreg [dreg:$0x0]  }
0x2: {  	s0 =	rddreg [dreg:$0x1]  }
0x3: {  	s26 =	rddreg [dreg:$0x2]  }
0x4: {  	s3 =	simm.s32 $0x0;
	s2 =	srdreg.scid;
	s4 =	stileid.u32  }
0x5: {  	s30 =	simm.s32 $0x28;
	s31 =	simm.s32 $0x2;
	s28 =	simm.s32 $0xB  }
0x6: {  	s29 =	simm.s32 $0xC;
	[smem:$0x7FF] =	sst s3;
	s2 =	sand.u32 $0x1, s2  }
0x7: {  	s5 =	sadd.s32 $0x14400, s0;
	s9 =	smul.u32 $0x1400, s4;
	s6 =	sadd.s32 $0xA600, s0  }
0x8: {  	s7 =	sadd.s32 $0x800, s0;
	s19 =	smul.u32 $0x5000, s4;
	s10 =	sshll.u32 s2, $0x4  }
0x9: {  	s8 =	smul.u32 $0x138800, s2;
	s2 =	ssub.s32 $0x2, s2;
	s10 =	sor.u32 s4, s10  }
0xa: {  	_ =	strace $0x80000047;
	s11 =	sshrl.u32 s2, $0x1;
	s25 =	smul.u32 $0x2710, s10  }
0xb: {  	s24 =	sshrl.u32 s19, $0x2;
	s8 =	sadd.s32 s9, s8;
	s13 =	smul.u32 $0xFA, s10  }
0xc: {  	s12 =	smul.u32 $0x4E2, s10;
	s2 =	ssub.s32 s2, s11;
	s8 =	sshrl.u32 s8, $0x3  }
0xd: {  	s2 =	smax.u32 s2, $0x1;
	s0 =	sadd.s32 s8, s0;
	[dreg:$0x4] =	wrdreg s13  }
0xe: {  	s11 =	sadd.s32 $0x28, s25;
	s14 =	sadd.s32 s6, s12;
	[dreg:$0x10] =	wrdreg s2  }
0xf: {  	s15 =	sadd.s32 s7, s12;
	s17 =	sshrl.u32 s25, $0x3;
	[dreg:$0x5] =	wrdreg s14  }
0x10: {  	s9 =	sadd.s32 $0x78, s25;
	s22 =	sadd.s32 $0x2, s13;
	[dreg:$0x6] =	wrdreg s15  }
0x11: {  	s23 =	sor.u32 $0x1, s13;
	s25 =	sadd.s32 $0x3, s13;
	[dreg:$0xd] =	wrdreg s22  }
0x12: {  	s13 =	simm.s32 $0x7;
	s12 =	simm.s32 $0x6;
	[dreg:$0xe] =	wrdreg s23  }
0x13: {  	s8 =	sshrl.u32 s11, $0x3;
	[dreg:$0xf] =	wrdreg s25;
	s0 =	sadd.s32 $0x3B600, s0  }
0x14: {  	s18 =	sadd.s32 $0xA, s17;
	s16 =	sadd.s32 s6, s8;
	[dreg:$0x12] =	wrdreg s0  }
0x15: {  	s9 =	sshrl.u32 s9, $0x3;
	s10 =	sadd.s32 s6, s18;
	[dreg:$0x7] =	wrdreg s16  }
0x16: {  	s15 =	sadd.s32 s7, s8;
	s8 =	sadd.s32 s7, s18;
	[dreg:$0x9] =	wrdreg s10  }
0x17: {  	s14 =	simm.s32 $0x9;
	s20 =	sadd.s32 s6, s9;
	[dreg:$0xa] =	wrdreg s8  }
0x18: {  	s23 =	simm.s32 $0x8;
	s21 =	sadd.s32 s7, s9;
	[dreg:$0xb] =	wrdreg s20  }
0x19: {  	s0 =	simm.s32 $0x4;
	[dreg:$0xc] =	wrdreg s21;
	s20 =	sadd.s32 s24, s26  }
0x1a: {  	s16 =	simm.s32 $0x5;
	s24 =	simm.s32 $0xA;
	[dreg:$0x8] =	wrdreg s15  }
0x1b: {  	v0 =	vimm.f32 $0.0e+00;
	v1 =	vimm.bf16 $1.4450e+00;
	v2 =	vimm.bf16 $1.0000e+00;
	s10 =	simm.s32 $0x13B00;
	s8 =	simm.s32 $0x0;
	[dreg:$0x11] =	wrdreg s20  }
.LBB2_1:
0x1c: {  	[dreg:$0x13] =	wrdreg s8;
	s2 =	simm.s32 $0x0;
	s8 =	simm.s32 $0x200  }
.LBB2_2:
0x1d: {  	p0 =	sne.s32 s8, $0x4E00;
	[tilespmem:s2+$0x18BF0] =	vst v0  }
0x1e: {  	[tilespmem:s2+$0x18B80] =	vst v0  }
0x1f: {  	[tilespmem:s2+$0x18B90] =	vst v0  }
.Ltmp0:
0x20: {  	[tilespmem:s2+$0x18BA0] =	vst v0;
	(pc) =	sbr.rel @p0 .LBB2_2-.Ltmp0, $4  }
0x21: {  	[tilespmem:s2+$0x18BB0] =	vst v0  }
0x22: {  	[tilespmem:s2+$0x18BC0] =	vst v0  }
0x23: {  	[tilespmem:s2+$0x18BD0] =	vst v0  }
0x24: {  	[tilespmem:s2+$0x18BE0] =	vst v0;
	s2 =	sshra.s32 s8, $0x2;
	s8 =	sadd.s32 $0x200, s8  }
0x25: {  	[tilespmem:s2+$0x18BF0] =	vst v0  }
0x26: {  	[tilespmem:s2+$0x18B80] =	vst v0  }
0x27: {  	[tilespmem:s2+$0x18B90] =	vst v0  }
0x28: {  	[tilespmem:s2+$0x18BA0] =	vst v0  }
0x29: {  	[tilespmem:s2+$0x18BB0] =	vst v0  }
0x2a: {  	[tilespmem:s2+$0x18BC0] =	vst v0;
	s8 =	sadd.s32 $0x0, s4  }
0x2b: {  	[tilespmem:s2+$0x18BD0] =	vst v0;
	p0 =	sgt.u32 s8, $0xF9  }
0x2c: {  	[tilespmem:s2+$0x18BE0] =	vst v0;
	s2 =	simm.s32 @!p0 $0x18B80;
	s11 =	simm.s32 @!p0 $0xD  }
0x2d: {  	[spmem:s20] =	stream.linear.scatter @!p0 [tilespmem:s2], [sflag:$0xD], $0x1400, $0x38;
	[tilespmem:$0x1B380] =	vst v63  }
0x2e: {  	s9 =	simm.s32 $0x20;
	_ =	swait.ge @!p0 [sflag:s11], $0x1400  }
0x2f: {  	s8 =	simm.s32 $0x10;
	s2 =	sadd.s32 $0x14000, s20;
	[sflag:s11] =	ssyncset.done @!p0 $0x0  }
.LBB2_4:
0x30: {  	s17 =	sadd.s32 s8, s4;
	s8 =	smov.u32 s9;
	s9 =	sadd.s32 $0x10, s9  }
0x31: {  	[sflag:s11] =	ssyncadd.s32 @!p0 $0xFFFFEC00;
	p1 =	sne.s32 s9, $0x100  }
.Ltmp1:
0x32: {  	p0 =	sgt.u32 s17, $0xF9;
	(pc) =	sbr.rel @p1 .LBB2_4-.Ltmp1, $4  }
0x33: {  	s17 =	simm.s32 @!p0 $0x18B80;
	s11 =	simm.s32 @!p0 $0xD  }
0x34: {  	[spmem:s2] =	stream.linear.scatter @!p0 [tilespmem:s17], [sflag:$0xD], $0x1400, $0x38;
	[tilespmem:$0x1B380] =	vst v63  }
0x35: {  	_ =	swait.ge @!p0 [sflag:s11], $0x1400  }
0x36: {  	s2 =	sadd.s32 $0x14000, s2;
	[sflag:s11] =	ssyncset.done @!p0 $0x0  }
0x37: {  	s8 =	sadd.s32 s8, s4  }
0x38: {  	p1 =	sgt.u32 s8, $0xF9  }
0x39: {  	[sflag:s11] =	ssyncadd.s32 @!p0 $0xFFFFEC00;
	s8 =	simm.s32 @!p1 $0x18B80;
	s9 =	simm.s32 @!p1 $0xD  }
0x3a: {  	[spmem:s2] =	stream.linear.scatter @!p1 [tilespmem:s8], [sflag:$0xD], $0x1400, $0x38;
	[tilespmem:$0x1B380] =	vst v63  }
0x3b: {  	_ =	swait.ge @!p1 [sflag:s9], $0x1400  }
0x3c: {  	[sflag:s9] =	ssyncset.done @!p1 $0x0  }
0x3d: {  	[sflag:s9] =	ssyncadd.s32 @!p1 $0xFFFFEC00  }
0x3e: {  	[bflag:$0x0] =	sbarrier.arrive $0xFFFF  }
0x3f: {  	s9 =	simm.s32 $0x13880;
	s21 =	rddreg [dreg:$0x5]  }
0x40: {  	[tilespmem:s9], [sflag:$0x1] =	stream.linear.gather [hbm4b:s21+s3], $0x28, $0x38;
	[tilespmem:$0x1B380] =	vst v63  }
0x41: {  	s11 =	simm.s32 $0x13980;
	s2 =	rddreg [dreg:$0x6]  }
0x42: {  	[tilespmem:s11], [sflag:$0x3] =	stream.linear.gather [hbm4b:s2+s3], $0x28, $0x38;
	[tilespmem:$0x1B380] =	vst v63  }
0x43: {  	s17 =	simm.s32 $0x13900;
	s22 =	rddreg [dreg:$0x7]  }
0x44: {  	[tilespmem:s17], [sflag:$0x2] =	stream.linear.gather [hbm4b:s22+s3], $0x28, $0x38;
	[tilespmem:$0x1B380] =	vst v63  }
0x45: {  	s18 =	simm.s32 $0x1;
	s8 =	simm.s32 $0x13A00  }
0x46: {  	[tilespmem:s8], [sflag:$0x4] =	stream.linear.gather [hbm4b:s15+s3], $0x28, $0x38;
	[tilespmem:$0x1B380] =	vst v63  }
0x47: {  	_ =	swait.ge [sflag:s18], $0x28  }
0x48: {  	[sflag:s18] =	ssyncset.done $0x0  }
0x49: {  	s25 =	simm.s32 $0x3;
	[sflag:s18] =	ssyncadd.s32 $0xFFFFFFD8  }
0x4a: {  	_ =	swait.ge [sflag:s25], $0x28  }
0x4b: {  	[sflag:s25] =	ssyncset.done $0x0  }
0x4c: {  	s19 =	simm.s32 $0x13B80;
	[sflag:s25] =	ssyncadd.s32 $0xFFFFFFD8  }
0x4d: {  	[tilespmem:s19], [sflag:$0x7] =	stream.indirect.gather [hbm4b:s1+s30], $0x80, s9, s30, $0xb8;
	[tilespmem:$0x1B380] =	vst v63  }
0x4e: {  	s20 =	simm.s32 $0x16380  }
0x4f: {  	[tilespmem:s20], [sflag:$0x9] =	stream.indirect.gather [hbm4b:s5+s30], $0x80, s11, s30, $0xb8;
	[tilespmem:$0x1B380] =	vst v63  }
0x50: {  	_ =	swait.ge [sflag:s31], $0x28  }
0x51: {  	[sflag:s31] =	ssyncset.done $0x0  }
0x52: {  	[sflag:s31] =	ssyncadd.s32 $0xFFFFFFD8  }
0x53: {  	_ =	swait.ge [sflag:s0], $0x28  }
0x54: {  	[sflag:s0] =	ssyncset.done $0x0  }
0x55: {  	s21 =	simm.s32 $0x14F80;
	[sflag:s0] =	ssyncadd.s32 $0xFFFFFFD8  }
0x56: {  	[tilespmem:s21], [sflag:$0x8] =	stream.indirect.gather [hbm4b:s1+s30], $0x80, s17, s30, $0xb8;
	[tilespmem:$0x1B380] =	vst v63  }
0x57: {  	s22 =	simm.s32 $0x17780  }
0x58: {  	[tilespmem:s22], [sflag:$0xA] =	stream.indirect.gather [hbm4b:s5+s30], $0x80, s8, s30, $0xb8;
	[tilespmem:$0x1B380] =	vst v63  }
0x59: {  	_ =	swait.ge [sflag:s13], $0x1400  }
0x5a: {  	[sflag:s13] =	ssyncset.done $0x0  }
0x5b: {  	[sflag:s13] =	ssyncadd.s32 $0xFFFFEC00  }
0x5c: {  	_ =	swait.ge [sflag:s14], $0x1400  }
0x5d: {  	[sflag:s14] =	ssyncset.done $0x0  }
0x5e: {  	s25 =	simm.s32 $0x13A80;
	[sflag:s14] =	ssyncadd.s32 $0xFFFFEC00  }
0x5f: {  	[tilespmem:s25], [sflag:$0x5] =	stream.linear.gather [hbm4b:s2+s3], $0x28, $0x38;
	[tilespmem:$0x1B380] =	vst v63  }
0x60: {  	s17 =	rddreg [dreg:$0x9]  }
0x61: {  	[tilespmem:s9], [sflag:$0x1] =	stream.linear.gather [hbm4b:s17+s3], $0x28, $0x38;
	[tilespmem:$0x1B380] =	vst v63  }
0x62: {  	s19 =	simm.s32 $0x13C80;
	s18 =	rddreg [dreg:$0xa]  }
0x63: {  	[tilespmem:s11], [sflag:$0x3] =	stream.linear.gather [hbm4b:s18+s3], $0x28, $0x38;
	[tilespmem:$0x1B380] =	vst v63  }
0x64: {  	s25 =	simm.s32 $0x16480;
	v3 =	vld [tilespmem:s19+$0x80]  }
0x65: {  	v4 =	vld [tilespmem:s25+$0x80];
	_ =	sdelay $0x4  }
0x66: {  	v5 =	vld [tilespmem:s25+$0xFFFFFF80];
	v3 =	vadd.bf16 v4, v3  }
0x67: {  	v4 =	vld [tilespmem:s19+$0xFFFFFF80]  }
0x68: {  	v6 =	vld [tilespmem:s25+$0xFFFFFF00];
	v3 =	vmul.bf16 v1, v3  }
0x69: {  	v7 =	vld [tilespmem:s19+$0xFFFFFF00]  }
0x6a: {  	(erf) = vpow2.bf16 v3  }
0x6b: {  	v8 =	vld [tilespmem:s25+$0x0]  }
0x6c: {  	v3 =	vld [tilespmem:s19+$0x0];
	v4 =	vadd.bf16 v5, v4;
	_ =	sdelay $0x1  }
0x6d: {  	v5 =	vadd.bf16 v6, v7;
	v4 =	vmul.bf16 v1, v4;
	_ =	sdelay $0x1  }
0x6e: {  	(erf) = vpow2.bf16 v4;
	v4 =	vmul.bf16 v1, v5  }
0x6f: {  	v3 =	vadd.bf16 v8, v3  }
0x70: {  	(erf) = vpow2.bf16 v4  }
0x71: {  	v3 =	vmul.bf16 v1, v3  }
0x72: {  	v4 =	vpop (erf)  }
0x73: {  	(erf) = vpow2.bf16 v3;
	v4 =	vadd.bf16 v2, v4;
	_ =	sdelay $0x1  }
0x74: {  	(erf) = vrcp.bf16 v4;
	_ =	sdelay $0x2  }
0x75: {  	v3 =	vpop (erf)  }
0x76: {  	v3 =	vadd.bf16 v2, v3  }
0x77: {  	v5 =	vpop (erf)  }
0x78: {  	v4 =	vld [tilespmem:s19+$0xC0];
	(erf) = vrcp.bf16 v3;
	v3 =	vadd.bf16 v2, v5;
	_ =	sdelay $0x1  }
0x79: {  	v5 =	vpop (erf);
	(erf) = vrcp.bf16 v3  }
0x7a: {  	v5 =	vadd.bf16 v2, v5  }
0x7b: {  	v3 =	vpop (erf)  }
0x7c: {  	(erf) = vrcp.bf16 v5;
	v3 =	vmul.bf16 v3, v4  }
0x7d: {  	v4 =	vld [tilespmem:s19+$0xFFFFFFC0]  }
0x7e: {  	s9 =	simm.s32 $0x18C80;
	v5 =	vunpack.i.l.bf16.f32 v3  }
0x7f: {  	v6 =	vld [tilespmem:s19+$0xFFFFFF40];
	v3 =	vunpack.i.u.bf16.f32 v3;
	[tilespmem:s9+$0x80] =	vst v5  }
0x80: {  	v5 =	vld [tilespmem:s19+$0x40];
	[tilespmem:s9+$0x90] =	vst v3  }
0x81: {  	v3 =	vld [tilespmem:s19+$0x90];
	v7 =	vpop (erf)  }
0x82: {  	v8 =	vld [tilespmem:s25+$0x90];
	v4 =	vmul.bf16 v7, v4  }
0x83: {  	v7 =	vpop (erf)  }
0x84: {  	v9 =	vunpack.i.l.bf16.f32 v4;
	v6 =	vmul.bf16 v7, v6  }
0x85: {  	v4 =	vunpack.i.u.bf16.f32 v4;
	[tilespmem:s9+$0xFFFFFF80] =	vst v9  }
0x86: {  	[tilespmem:s9+$0xFFFFFF90] =	vst v4;
	v7 =	vpop (erf);
	v4 =	vunpack.i.u.bf16.f32 v6  }
0x87: {  	v3 =	vadd.bf16 v8, v3;
	v6 =	vunpack.i.l.bf16.f32 v6;
	v5 =	vmul.bf16 v7, v5;
	v7 =	vld [tilespmem:s19+$0xFFFFFF90];
	[tilespmem:s9+$0xFFFFFF10] =	vst v4  }
0x88: {  	v4 =	vld [tilespmem:s25+$0xFFFFFF90];
	[tilespmem:s9+$0xFFFFFF00] =	vst v6  }
0x89: {  	v3 =	vmul.bf16 v1, v3;
	v8 =	vld [tilespmem:s19+$0xFFFFFF10];
	v6 =	vunpack.i.l.bf16.f32 v5  }
0x8a: {  	v5 =	vunpack.i.u.bf16.f32 v5;
	[tilespmem:s9+$0x0] =	vst v6;
	v6 =	vld [tilespmem:s25+$0xFFFFFF10]  }
0x8b: {  	[tilespmem:s9+$0x10] =	vst v5;
	(erf) = vpow2.bf16 v3  }
0x8c: {  	v3 =	vld [tilespmem:s19+$0x10]  }
0x8d: {  	v5 =	vld [tilespmem:s25+$0x10];
	v4 =	vadd.bf16 v4, v7;
	_ =	sdelay $0x1  }
0x8e: {  	v4 =	vmul.bf16 v1, v4;
	v6 =	vadd.bf16 v6, v8;
	_ =	sdelay $0x1  }
0x8f: {  	(erf) = vpow2.bf16 v4;
	v4 =	vmul.bf16 v1, v6  }
0x90: {  	v3 =	vadd.bf16 v5, v3;
	_ =	sdelay $0x1  }
0x91: {  	v3 =	vmul.bf16 v1, v3;
	(erf) = vpow2.bf16 v4  }
0x92: {  	v4 =	vpop (erf)  }
0x93: {  	(erf) = vpow2.bf16 v3;
	v4 =	vadd.bf16 v2, v4;
	_ =	sdelay $0x1  }
0x94: {  	(erf) = vrcp.bf16 v4;
	_ =	sdelay $0x3  }
0x95: {  	v3 =	vpop (erf)  }
0x96: {  	v3 =	vadd.bf16 v2, v3  }
0x97: {  	v4 =	vld [tilespmem:s19+$0xD0];
	_ =	sdelay $0x1  }
0x98: {  	s21 =	simm.s32 $0x16680;
	v5 =	vpop (erf);
	(erf) = vrcp.bf16 v3  }
0x99: {  	s11 =	simm.s32 $0x13E80;
	v7 =	vld [tilespmem:s21+$0x80];
	v3 =	vpop (erf)  }
0x9a: {  	v6 =	vld [tilespmem:s11+$0x80];
	v8 =	vpop (erf)  }
0x9b: {  	v4 =	vmul.bf16 v8, v4;
	_ =	sdelay $0x1  }
0x9c: {  	v10 =	vld [tilespmem:s11+$0xFFFFFF80];
	v5 =	vadd.bf16 v2, v5;
	v9 =	vunpack.i.l.bf16.f32 v4  }
0x9d: {  	v8 =	vld [tilespmem:s19+$0xFFFFFFD0];
	v4 =	vunpack.i.u.bf16.f32 v4;
	[tilespmem:s9+$0xA0] =	vst v9  }
0x9e: {  	v6 =	vadd.bf16 v7, v6;
	v3 =	vadd.bf16 v2, v3;
	(erf) = vrcp.bf16 v5;
	v5 =	vld [tilespmem:s21+$0xFFFFFF80];
	[tilespmem:s9+$0xB0] =	vst v4  }
0x9f: {  	v4 =	vld [tilespmem:s19+$0xA0]  }
0xa0: {  	(erf) = vrcp.bf16 v3;
	v3 =	vmul.bf16 v1, v6;
	v6 =	vld [tilespmem:s25+$0xA0]  }
0xa1: {  	v11 =	vld [tilespmem:s11+$0xFFFFFF00];
	v9 =	vpop (erf)  }
0xa2: {  	v7 =	vld [tilespmem:s21+$0xFFFFFF00];
	v8 =	vmul.bf16 v9, v8  }
0xa3: {  	(erf) = vpow2.bf16 v3;
	v3 =	vld [tilespmem:s11+$0x0];
	v5 =	vadd.bf16 v5, v10  }
0xa4: {  	v9 =	vld [tilespmem:s21+$0x0];
	v10 =	vunpack.i.l.bf16.f32 v8  }
0xa5: {  	v5 =	vmul.bf16 v1, v5;
	v4 =	vadd.bf16 v6, v4;
	v6 =	vunpack.i.u.bf16.f32 v8;
	[tilespmem:s9+$0xFFFFFFA0] =	vst v10  }
0xa6: {  	[tilespmem:s9+$0xFFFFFFB0] =	vst v6  }
0xa7: {  	(erf) = vpow2.bf16 v5;
	v5 =	vadd.bf16 v7, v11;
	v4 =	vmul.bf16 v1, v4;
	v6 =	vld [tilespmem:s19+$0xFFFFFFA0]  }
0xa8: {  	v7 =	vld [tilespmem:s25+$0xFFFFFFA0]  }
0xa9: {  	v5 =	vmul.bf16 v1, v5;
	v3 =	vadd.bf16 v9, v3;
	(erf) = vpow2.bf16 v4  }
0xaa: {  	v4 =	vld [tilespmem:s19+$0xFFFFFF50]  }
0xab: {  	v8 =	vpop (erf);
	v3 =	vmul.bf16 v1, v3;
	(erf) = vpow2.bf16 v5  }
0xac: {  	v9 =	vpop (erf)  }
0xad: {  	v5 =	vpop (erf);
	(erf) = vpow2.bf16 v3;
	v3 =	vadd.bf16 v7, v6  }
0xae: {  	v5 =	vadd.bf16 v2, v5  }
0xaf: {  	v4 =	vmul.bf16 v8, v4;
	v3 =	vmul.bf16 v1, v3  }
0xb0: {  	(erf) = vrcp.bf16 v5;
	v5 =	vld [tilespmem:s19+$0x50]  }
0xb1: {  	v7 =	vpop (erf);
	v6 =	vunpack.i.u.bf16.f32 v4  }
0xb2: {  	[tilespmem:s9+$0xFFFFFF30] =	vst v6;
	v6 =	vadd.bf16 v2, v7;
	(erf) = vpow2.bf16 v3  }
0xb3: {  	v4 =	vunpack.i.l.bf16.f32 v4;
	v3 =	vpop (erf)  }
0xb4: {  	[tilespmem:s9+$0xFFFFFF20] =	vst v4;
	(erf) = vrcp.bf16 v6;
	v3 =	vadd.bf16 v2, v3  }
0xb5: {  	v4 =	vld [tilespmem:s19+$0xFFFFFF20];
	v5 =	vmul.bf16 v9, v5;
	v7 =	vpop (erf)  }
0xb6: {  	v8 =	vld [tilespmem:s25+$0xFFFFFF20];
	v7 =	vadd.bf16 v2, v7;
	(erf) = vrcp.bf16 v3  }
0xb7: {  	v6 =	vld [tilespmem:s11+$0xC0];
	v3 =	vunpack.i.u.bf16.f32 v5;
	v5 =	vunpack.i.l.bf16.f32 v5;
	v9 =	vpop (erf)  }
0xb8: {  	[tilespmem:s9+$0x30] =	vst v3;
	v3 =	vadd.bf16 v2, v9;
	(erf) = vrcp.bf16 v7;
	_ =	sdelay $0x1  }
0xb9: {  	[tilespmem:s9+$0x20] =	vst v5;
	v7 =	vld [tilespmem:s11+$0xFFFFFFC0];
	v5 =	vpop (erf);
	(erf) = vrcp.bf16 v3  }
0xba: {  	v9 =	vld [tilespmem:s19+$0x20]  }
0xbb: {  	v4 =	vadd.bf16 v8, v4;
	v5 =	vmul.bf16 v5, v6;
	v3 =	vld [tilespmem:s25+$0x20]  }
0xbc: {  	v8 =	vld [tilespmem:s19+$0xE0]  }
0xbd: {  	s20 =	simm.s32 $0x18E80;
	v4 =	vmul.bf16 v1, v4;
	v11 =	vpop (erf);
	v6 =	vunpack.i.l.bf16.f32 v5  }
0xbe: {  	v10 =	vld [tilespmem:s11+$0xFFFFFF40];
	v5 =	vunpack.i.u.bf16.f32 v5;
	[tilespmem:s20+$0x80] =	vst v6;
	v12 =	vpop (erf)  }
0xbf: {  	v6 =	vld [tilespmem:s11+$0x40];
	[tilespmem:s20+$0x90] =	vst v5;
	(erf) = vpow2.bf16 v4;
	v4 =	vmul.bf16 v12, v7  }
0xc0: {  	v5 =	vld [tilespmem:s11+$0x90];
	v3 =	vadd.bf16 v3, v9;
	v9 =	vpop (erf)  }
0xc1: {  	v7 =	vld [tilespmem:s21+$0x90];
	v12 =	vunpack.i.l.bf16.f32 v4;
	v8 =	vmul.bf16 v9, v8  }
0xc2: {  	v4 =	vunpack.i.u.bf16.f32 v4;
	v3 =	vmul.bf16 v1, v3;
	[tilespmem:s20+$0xFFFFFF80] =	vst v12;
	v9 =	vpop (erf)  }
0xc3: {  	[tilespmem:s20+$0xFFFFFF90] =	vst v4;
	v4 =	vmul.bf16 v9, v10;
	v9 =	vunpack.i.l.bf16.f32 v8;
	v10 =	vadd.bf16 v2, v11;
	v11 =	vpop (erf)  }
0xc4: {  	(erf) = vpow2.bf16 v3;
	v3 =	vld [tilespmem:s11+$0xFFFFFF90];
	v8 =	vunpack.i.u.bf16.f32 v8;
	[tilespmem:s9+$0xC0] =	vst v9;
	v6 =	vmul.bf16 v11, v6  }
0xc5: {  	v9 =	vld [tilespmem:s21+$0xFFFFFF90];
	[tilespmem:s9+$0xD0] =	vst v8;
	v12 =	vunpack.i.u.bf16.f32 v4;
	v4 =	vunpack.i.l.bf16.f32 v4  }
0xc6: {  	v5 =	vadd.bf16 v7, v5;
	v7 =	vld [tilespmem:s19+$0xB0];
	[tilespmem:s20+$0xFFFFFF00] =	vst v4;
	v4 =	vunpack.i.l.bf16.f32 v6  }
0xc7: {  	v8 =	vld [tilespmem:s25+$0xB0];
	[tilespmem:s20+$0xFFFFFF10] =	vst v12  }
0xc8: {  	(erf) = vrcp.bf16 v10;
	v5 =	vmul.bf16 v1, v5;
	v10 =	vld [tilespmem:s11+$0xFFFFFF10]  }
0xc9: {  	v6 =	vunpack.i.u.bf16.f32 v6;
	v11 =	vld [tilespmem:s21+$0xFFFFFF10];
	[tilespmem:s20+$0x0] =	vst v4;
	v4 =	vpop (erf)  }
0xca: {  	(erf) = vpow2.bf16 v5;
	v3 =	vadd.bf16 v9, v3;
	v4 =	vadd.bf16 v2, v4  }
0xcb: {  	[tilespmem:s20+$0x10] =	vst v6  }
0xcc: {  	v5 =	vld [tilespmem:s11+$0x10];
	v3 =	vmul.bf16 v1, v3;
	(erf) = vrcp.bf16 v4;
	v4 =	vadd.bf16 v8, v7  }
0xcd: {  	v6 =	vld [tilespmem:s21+$0x10]  }
0xce: {  	(erf) = vpow2.bf16 v3;
	v3 =	vadd.bf16 v11, v10;
	v4 =	vmul.bf16 v1, v4;
	_ =	sdelay $0x1  }
0xcf: {  	v3 =	vmul.bf16 v1, v3;
	(erf) = vpow2.bf16 v4  }
0xd0: {  	v7 =	vld [tilespmem:s19+$0xFFFFFFE0]  }
0xd1: {  	v5 =	vadd.bf16 v6, v5;
	v4 =	vpop (erf);
	(erf) = vpow2.bf16 v3;
	v3 =	vld [tilespmem:s19+$0xFFFFFF60];
	_ =	sdelay $0x1  }
0xd2: {  	v5 =	vmul.bf16 v1, v5;
	v6 =	vpop (erf)  }
0xd3: {  	v8 =	vpop (erf)  }
0xd4: {  	(erf) = vpow2.bf16 v5;
	v5 =	vmul.bf16 v6, v7;
	v8 =	vadd.bf16 v2, v8;
	v7 =	vpop (erf)  }
0xd5: {  	v3 =	vmul.bf16 v7, v3  }
0xd6: {  	v6 =	vunpack.i.u.bf16.f32 v5;
	(erf) = vrcp.bf16 v8  }
0xd7: {  	v7 =	vunpack.i.u.bf16.f32 v3;
	v3 =	vunpack.i.l.bf16.f32 v3  }
0xd8: {  	v5 =	vunpack.i.l.bf16.f32 v5;
	[tilespmem:s9+$0xFFFFFFD0] =	vst v6  }
0xd9: {  	v4 =	vadd.bf16 v2, v4;
	[tilespmem:s9+$0xFFFFFFC0] =	vst v5;
	v6 =	vpop (erf)  }
0xda: {  	v5 =	vld [tilespmem:s19+$0xFFFFFFB0];
	[tilespmem:s9+$0xFFFFFF40] =	vst v3;
	v3 =	vpop (erf)  }
0xdb: {  	v8 =	vld [tilespmem:s25+$0xFFFFFFB0];
	(erf) = vrcp.bf16 v4;
	v6 =	vadd.bf16 v2, v6;
	v3 =	vadd.bf16 v2, v3  }
0xdc: {  	v4 =	vld [tilespmem:s11+$0xD0];
	[tilespmem:s9+$0xFFFFFF50] =	vst v7  }
0xdd: {  	v9 =	vld [tilespmem:s25+$0xFFFFFF30];
	(erf) = vrcp.bf16 v6  }
0xde: {  	s22 =	simm.s32 $0x14080;
	v6 =	vld [tilespmem:s19+$0xFFFFFF30];
	v7 =	vpop (erf)  }
0xdf: {  	s8 =	simm.s32 $0x16880;
	v10 =	vld [tilespmem:s22+$0x80];
	v7 =	vadd.bf16 v2, v7;
	(erf) = vrcp.bf16 v3;
	v3 =	vpop (erf)  }
0xe0: {  	v5 =	vadd.bf16 v8, v5;
	v8 =	vld [tilespmem:s8+$0x80];
	v11 =	vpop (erf)  }
0xe1: {  	(erf) = vrcp.bf16 v7;
	v3 =	vadd.bf16 v2, v3;
	v4 =	vmul.bf16 v11, v4  }
0xe2: {  	v13 =	vld [tilespmem:s22+$0x0];
	v5 =	vmul.bf16 v1, v5  }
0xe3: {  	v7 =	vld [tilespmem:s11+$0xFFFFFFD0];
	(erf) = vrcp.bf16 v3;
	v3 =	vadd.bf16 v9, v6;
	v6 =	vunpack.i.l.bf16.f32 v4  }
0xe4: {  	v9 =	vld [tilespmem:s22+$0xFFFFFF80];
	v4 =	vunpack.i.u.bf16.f32 v4;
	[tilespmem:s20+$0xA0] =	vst v6  }
0xe5: {  	(erf) = vpow2.bf16 v5;
	v5 =	vld [tilespmem:s8+$0xFFFFFF80];
	v3 =	vmul.bf16 v1, v3;
	v6 =	vadd.bf16 v8, v10;
	[tilespmem:s20+$0xB0] =	vst v4  }
0xe6: {  	v4 =	vld [tilespmem:s11+$0xA0]  }
0xe7: {  	v10 =	vpop (erf);
	(erf) = vpow2.bf16 v3;
	v3 =	vmul.bf16 v1, v6;
	v6 =	vld [tilespmem:s21+$0xA0]  }
0xe8: {  	v12 =	vld [tilespmem:s22+$0xFFFFFF00];
	v11 =	vpop (erf)  }
0xe9: {  	v8 =	vld [tilespmem:s8+$0xFFFFFF00];
	(erf) = vpow2.bf16 v3;
	v3 =	vmul.bf16 v11, v7  }
0xea: {  	v7 =	vld [tilespmem:s8+$0x0];
	v5 =	vadd.bf16 v5, v9  }
0xeb: {  	v9 =	vunpack.i.l.bf16.f32 v3  }
0xec: {  	v11 =	vunpack.i.u.bf16.f32 v3;
	v5 =	vmul.bf16 v1, v5;
	v4 =	vadd.bf16 v6, v4;
	v6 =	vld [tilespmem:s11+$0xFFFFFF50];
	[tilespmem:s20+$0xFFFFFFA0] =	vst v9  }
0xed: {  	v9 =	vld [tilespmem:s11+$0x50];
	[tilespmem:s20+$0xFFFFFFB0] =	vst v11  }
0xee: {  	v3 =	vpop (erf);
	v11 =	vld [tilespmem:s11+$0xFFFFFFA0];
	(erf) = vpow2.bf16 v5;
	v5 =	vadd.bf16 v8, v12;
	v4 =	vmul.bf16 v1, v4  }
0xef: {  	v7 =	vadd.bf16 v7, v13;
	v13 =	vld [tilespmem:s21+$0xFFFFFFA0]  }
0xf0: {  	v8 =	vpop (erf);
	v5 =	vmul.bf16 v1, v5;
	(erf) = vpow2.bf16 v4  }
0xf1: {  	v12 =	vpop (erf)  }
0xf2: {  	v4 =	vpop (erf);
	(erf) = vpow2.bf16 v5;
	v5 =	vmul.bf16 v8, v6  }
0xf3: {  	v7 =	vmul.bf16 v1, v7;
	v9 =	vmul.bf16 v12, v9;
	v14 =	vpop (erf)  }
0xf4: {  	v11 =	vadd.bf16 v13, v11;
	v6 =	vpop (erf);
	v8 =	vunpack.i.u.bf16.f32 v5;
	v5 =	vunpack.i.l.bf16.f32 v5  }
0xf5: {  	(erf) = vpow2.bf16 v7;
	v7 =	vld [tilespmem:s19+$0x60];
	v6 =	vadd.bf16 v2, v6;
	[tilespmem:s20+$0xFFFFFF20] =	vst v5;
	v5 =	vunpack.i.u.bf16.f32 v9;
	_ =	sdelay $0x1  }
0xf6: {  	[tilespmem:s20+$0xFFFFFF30] =	vst v8;
	(erf) = vrcp.bf16 v6;
	v6 =	vmul.bf16 v1, v11  }
0xf7: {  	v9 =	vunpack.i.l.bf16.f32 v9;
	[tilespmem:s20+$0x30] =	vst v5;
	v5 =	vpop (erf)  }
0xf8: {  	v8 =	vld [tilespmem:s11+$0xFFFFFF20];
	v5 =	vadd.bf16 v2, v5;
	(erf) = vpow2.bf16 v6  }
0xf9: {  	v11 =	vld [tilespmem:s21+$0xFFFFFF20];
	v6 =	vmul.bf16 v10, v7  }
0xfa: {  	[tilespmem:s20+$0x20] =	vst v9;
	v9 =	vpop (erf);
	(erf) = vrcp.bf16 v5  }
0xfb: {  	v7 =	vld [tilespmem:s11+$0x20];
	v5 =	vadd.bf16 v2, v9;
	v9 =	vunpack.i.u.bf16.f32 v6;
	v6 =	vunpack.i.l.bf16.f32 v6  }
0xfc: {  	v10 =	vld [tilespmem:s21+$0x20];
	v13 =	vpop (erf);
	[tilespmem:s9+$0x50] =	vst v9  }
0xfd: {  	v12 =	vld [tilespmem:s22+$0xC0];
	[tilespmem:s9+$0x40] =	vst v6;
	v9 =	vadd.bf16 v2, v13;
	(erf) = vrcp.bf16 v5  }
0xfe: {  	v5 =	vadd.bf16 v11, v8;
	v8 =	vld [tilespmem:s19+$0x30];
	v6 =	vpop (erf)  }
0xff: {  	v6 =	vadd.bf16 v2, v6;
	(erf) = vrcp.bf16 v9;
	v9 =	vld [tilespmem:s25+$0x30];
	_ =	sdelay $0x1  }
0x100: {  	v13 =	vld [tilespmem:s22+$0xFFFFFFC0];
	v7 =	vadd.bf16 v10, v7;
	v5 =	vmul.bf16 v1, v5;
	v11 =	vpop (erf);
	(erf) = vrcp.bf16 v6  }
0x101: {  	v10 =	vmul.bf16 v11, v12  }
0x102: {  	v6 =	vmul.bf16 v1, v7;
	(erf) = vpow2.bf16 v5;
	v12 =	vpop (erf)  }
0x103: {  	s25 =	simm.s32 $0x19080;
	v11 =	vld [tilespmem:s11+$0xE0];
	v7 =	vunpack.i.l.bf16.f32 v10;
	v8 =	vadd.bf16 v9, v8;
	v9 =	vadd.bf16 v2, v12  }
0x104: {  	v10 =	vunpack.i.u.bf16.f32 v10;
	[tilespmem:s25+$0x80] =	vst v7;
	v12 =	vpop (erf)  }
0x105: {  	v5 =	vld [tilespmem:s22+$0xFFFFFF40];
	[tilespmem:s25+$0x90] =	vst v10;
	(erf) = vpow2.bf16 v6;
	v6 =	vmul.bf16 v12, v13  }
0x106: {  	v10 =	vld [tilespmem:s22+$0x90]  }
0x107: {  	v12 =	vld [tilespmem:s8+$0x90];
	(erf) = vrcp.bf16 v9;
	v9 =	vpop (erf);
	v13 =	vunpack.i.l.bf16.f32 v6  }
0x108: {  	v9 =	vmul.bf16 v9, v11  }
0x109: {  	v7 =	vld [tilespmem:s22+$0x40];
	v8 =	vmul.bf16 v1, v8;
	v6 =	vunpack.i.u.bf16.f32 v6;
	[tilespmem:s25+$0xFFFFFF80] =	vst v13  }
0x10a: {  	v11 =	vadd.bf16 v2, v14;
	[tilespmem:s25+$0xFFFFFF90] =	vst v6;
	v13 =	vpop (erf);
	v6 =	vunpack.i.l.bf16.f32 v9  }
0x10b: {  	(erf) = vpow2.bf16 v8;
	v8 =	vld [tilespmem:s22+$0xFFFFFF90];
	v9 =	vunpack.i.u.bf16.f32 v9;
	v5 =	vmul.bf16 v13, v5;
	[tilespmem:s20+$0xC0] =	vst v6  }
0x10c: {  	v4 =	vadd.bf16 v2, v4;
	v10 =	vadd.bf16 v12, v10;
	v6 =	vld [tilespmem:s8+$0xFFFFFF90];
	[tilespmem:s20+$0xD0] =	vst v9  }
0x10d: {  	(erf) = vrcp.bf16 v11;
	v13 =	vpop (erf);
	v9 =	vld [tilespmem:s11+$0xB0];
	v11 =	vunpack.i.u.bf16.f32 v5;
	v5 =	vunpack.i.l.bf16.f32 v5  }
0x10e: {  	v7 =	vmul.bf16 v13, v7;
	[tilespmem:s25+$0xFFFFFF00] =	vst v5;
	v5 =	vmul.bf16 v1, v10;
	v10 =	vld [tilespmem:s21+$0xB0]  }
0x10f: {  	(erf) = vrcp.bf16 v4;
	[tilespmem:s25+$0xFFFFFF10] =	vst v11  }
0x110: {  	v4 =	vunpack.i.l.bf16.f32 v7;
	v12 =	vld [tilespmem:s22+$0xFFFFFF10];
	v11 =	vpop (erf)  }
0x111: {  	[tilespmem:s25+$0x0] =	vst v4;
	(erf) = vpow2.bf16 v5;
	v5 =	vadd.bf16 v6, v8;
	v4 =	vadd.bf16 v2, v11;
	v11 =	vld [tilespmem:s8+$0xFFFFFF10]  }
0x112: {  	v7 =	vunpack.i.u.bf16.f32 v7  }
0x113: {  	[tilespmem:s25+$0x10] =	vst v7;
	v5 =	vmul.bf16 v1, v5;
	(erf) = vrcp.bf16 v4;
	v4 =	vld [tilespmem:s11+$0xFFFFFFE0];
	v8 =	vadd.bf16 v10, v9  }
0x114: {  	v6 =	vld [tilespmem:s22+$0x10]  }
0x115: {  	v7 =	vld [tilespmem:s8+$0x10];
	(erf) = vpow2.bf16 v5;
	v8 =	vmul.bf16 v1, v8  }
0x116: {  	v9 =	vpop (erf);
	v5 =	vadd.bf16 v11, v12  }
0x117: {  	v10 =	vld [tilespmem:s19+$0xF0];
	v12 =	vpop (erf);
	(erf) = vpow2.bf16 v8  }
0x118: {  	v5 =	vmul.bf16 v1, v5;
	v4 =	vmul.bf16 v12, v4  }
0x119: {  	v13 =	vpop (erf)  }
0x11a: {  	v6 =	vadd.bf16 v7, v6;
	v7 =	vld [tilespmem:s11+$0xFFFFFF60];
	v14 =	vpop (erf);
	(erf) = vpow2.bf16 v5;
	v5 =	vunpack.i.u.bf16.f32 v4  }
0x11b: {  	v12 =	vld [tilespmem:s19+$0xFFFFFF70];
	v4 =	vunpack.i.l.bf16.f32 v4  }
0x11c: {  	v10 =	vmul.bf16 v3, v10;
	v15 =	vpop (erf)  }
0x11d: {  	v11 =	vld [tilespmem:s19+$0xFFFFFFF0];
	v8 =	vmul.bf16 v1, v6;
	[tilespmem:s20+$0xFFFFFFD0] =	vst v5;
	v5 =	vpop (erf)  }
0x11e: {  	v6 =	vld [tilespmem:s11+$0x60];
	v16 =	vunpack.i.u.bf16.f32 v10;
	[tilespmem:s20+$0xFFFFFFC0] =	vst v4;
	v4 =	vpop (erf)  }
0x11f: {  	(erf) = vpow2.bf16 v8;
	v17 =	vld [tilespmem:s11+$0xFFFFFFB0];
	v5 =	vadd.bf16 v2, v5;
	v4 =	vmul.bf16 v4, v7  }
0x120: {  	[tilespmem:s9+$0xF0] =	vst v16;
	v16 =	vld [tilespmem:s21+$0xFFFFFFB0];
	v12 =	vmul.bf16 v14, v12;
	v7 =	vunpack.i.l.bf16.f32 v10;
	v10 =	vadd.bf16 v2, v9  }
0x121: {  	v3 =	vld [tilespmem:s19+$0x70];
	[tilespmem:s9+$0xE0] =	vst v7;
	(erf) = vrcp.bf16 v5;
	v5 =	vunpack.i.u.bf16.f32 v4;
	v14 =	vunpack.i.l.bf16.f32 v4  }
0x122: {  	v15 =	vmul.bf16 v15, v11;
	v8 =	vld [tilespmem:s22+$0xFFFFFFD0];
	v11 =	vpop (erf);
	[tilespmem:s20+$0xFFFFFF50] =	vst v5  }
0x123: {  	v9 =	vld [tilespmem:s22+$0xFFFFFF50];
	v11 =	vadd.bf16 v2, v11;
	v5 =	vunpack.i.l.bf16.f32 v12;
	(erf) = vrcp.bf16 v10;
	[tilespmem:s20+$0xFFFFFF40] =	vst v14  }
0x124: {  	v7 =	vld [tilespmem:s22+$0x50];
	v10 =	vunpack.i.u.bf16.f32 v12;
	[tilespmem:s9+$0xFFFFFF60] =	vst v5;
	v5 =	vunpack.i.l.bf16.f32 v15;
	v14 =	vpop (erf)  }
0x125: {  	v4 =	vld [tilespmem:s11+$0xFFFFFFF0];
	[tilespmem:s9+$0xFFFFFF70] =	vst v10;
	v10 =	vadd.bf16 v16, v17;
	(erf) = vrcp.bf16 v11;
	v16 =	vadd.bf16 v2, v14  }
0x126: {  	v12 =	vld [tilespmem:s11+$0xFFFFFF30]  }
0x127: {  	v15 =	vunpack.i.u.bf16.f32 v15;
	[tilespmem:s9+$0xFFFFFFE0] =	vst v5;
	v14 =	vld [tilespmem:s22+$0xD0];
	v5 =	vpop (erf)  }
0x128: {  	v11 =	vadd.bf16 v2, v13;
	v13 =	vld [tilespmem:s21+$0xFFFFFF30];
	[tilespmem:s9+$0xFFFFFFF0] =	vst v15;
	v15 =	vadd.bf16 v2, v5;
	(erf) = vrcp.bf16 v16  }
0x129: {  	s17 =	simm.s32 $0x16880;
	s18 =	simm.s32 $0x8;
	s19 =	simm.s32 $0x14280;
	v10 =	vmul.bf16 v1, v10;
	v5 =	vld [tilespmem:s11+$0xFFFFFF70];
	v16 =	vpop (erf)  }
.LBB2_6:
0x12a: {  	v17 =	vld [tilespmem:s19+$0x80];
	v16 =	vadd.bf16 v2, v16;
	s8 =	sadd.s32 $0x200, s8;
	(erf) = vrcp.bf16 v15  }
0x12b: {  	v15 =	vld [tilespmem:s8+$0x80];
	v18 =	vpop (erf)  }
0x12c: {  	v19 =	vld [tilespmem:s8+$0xFFFFFF00];
	v14 =	vmul.bf16 v18, v14;
	(erf) = vrcp.bf16 v16  }
0x12d: {  	v16 =	vld [tilespmem:s19+$0xFFFFFF80];
	v12 =	vadd.bf16 v13, v12;
	v13 =	vpop (erf)  }
0x12e: {  	v20 =	vunpack.i.l.bf16.f32 v14;
	v6 =	vmul.bf16 v13, v6;
	v13 =	vld [tilespmem:s11+$0xF0];
	(erf) = vpow2.bf16 v10  }
0x12f: {  	v14 =	vunpack.i.u.bf16.f32 v14;
	v10 =	vld [tilespmem:s8+$0xFFFFFF80];
	[tilespmem:s25+$0xA0] =	vst v20;
	v18 =	vpop (erf);
	v12 =	vmul.bf16 v1, v12  }
0x130: {  	v20 =	vld [tilespmem:s19+$0x0];
	v15 =	vadd.bf16 v15, v17;
	v8 =	vmul.bf16 v18, v8;
	[tilespmem:s25+$0xB0] =	vst v14;
	v14 =	vunpack.i.u.bf16.f32 v6  }
0x131: {  	s18 =	sadd.s32 $0x4, s18;
	v18 =	vunpack.i.l.bf16.f32 v6;
	v17 =	vld [tilespmem:s22+$0xA0];
	[tilespmem:s20+$0x50] =	vst v14;
	(erf) = vpow2.bf16 v12  }
0x132: {  	p0 =	slt.u32 s18, $0x24;
	v21 =	vmul.bf16 v1, v15;
	v14 =	vunpack.i.u.bf16.f32 v8;
	v8 =	vunpack.i.l.bf16.f32 v8;
	v15 =	vld [tilespmem:s17+$0xA0];
	[tilespmem:s20+$0x40] =	vst v18;
	v6 =	vpop (erf)  }
0x133: {  	v18 =	vld [tilespmem:s8+$0x0];
	[tilespmem:s25+$0xFFFFFFA0] =	vst v8;
	v6 =	vmul.bf16 v6, v13  }
0x134: {  	v13 =	vld [tilespmem:s19+$0xFFFFFF00];
	v10 =	vadd.bf16 v10, v16;
	(erf) = vpow2.bf16 v21;
	[tilespmem:s25+$0xFFFFFFB0] =	vst v14;
	v12 =	vpop (erf)  }
0x135: {  	v8 =	vld [tilespmem:s19+$0xFFFFFF40];
	v21 =	vmul.bf16 v12, v9;
	v9 =	vunpack.i.u.bf16.f32 v6;
	v6 =	vunpack.i.l.bf16.f32 v6  }
0x136: {  	v14 =	vld [tilespmem:s19+$0xFFFFFFC0];
	v10 =	vmul.bf16 v1, v10;
	v16 =	vpop (erf);
	[tilespmem:s20+$0xF0] =	vst v9;
	(erf) = vrcp.bf16 v11  }
0x137: {  	v9 =	vld [tilespmem:s19+$0x40];
	v11 =	vunpack.i.u.bf16.f32 v21;
	v7 =	vmul.bf16 v16, v7;
	v15 =	vadd.bf16 v15, v17;
	[tilespmem:s20+$0xE0] =	vst v6  }
0x138: {  	v6 =	vadd.bf16 v18, v20;
	(erf) = vpow2.bf16 v10;
	v10 =	vunpack.i.l.bf16.f32 v21;
	[tilespmem:s25+$0xFFFFFF30] =	vst v11;
	v11 =	vld [tilespmem:s22+$0xFFFFFFA0];
	v12 =	vpop (erf)  }
0x139: {  	v13 =	vadd.bf16 v19, v13;
	[tilespmem:s25+$0xFFFFFF20] =	vst v10;
	v16 =	vld [tilespmem:s17+$0xFFFFFFA0];
	v10 =	vunpack.i.u.bf16.f32 v7;
	v15 =	vmul.bf16 v1, v15  }
0x13a: {  	v18 =	vunpack.i.l.bf16.f32 v7;
	v12 =	vadd.bf16 v2, v12;
	v6 =	vmul.bf16 v1, v6;
	v17 =	vld [tilespmem:s22+$0xFFFFFF20];
	[tilespmem:s25+$0x30] =	vst v10  }
0x13b: {  	v10 =	vmul.bf16 v1, v13;
	v13 =	vld [tilespmem:s17+$0xFFFFFF20];
	[tilespmem:s25+$0x20] =	vst v18;
	(erf) = vpow2.bf16 v15;
	v7 =	vpop (erf)  }
0x13c: {  	v15 =	vld [tilespmem:s22+$0x20];
	v18 =	vadd.bf16 v2, v7  }
0x13d: {  	(erf) = vpow2.bf16 v10;
	v19 =	vld [tilespmem:s17+$0x20]  }
0x13e: {  	v7 =	vpop (erf);
	v10 =	vld [tilespmem:s22+$0xFFFFFF60];
	v11 =	vadd.bf16 v16, v11  }
0x13f: {  	v16 =	vadd.bf16 v2, v7;
	(erf) = vpow2.bf16 v6;
	v7 =	vld [tilespmem:s22+$0xFFFFFFE0]  }
0x140: {  	v13 =	vadd.bf16 v13, v17;
	v11 =	vmul.bf16 v1, v11;
	v6 =	vld [tilespmem:s22+$0x60];
	v17 =	vpop (erf)  }
0x141: {  	(erf) = vrcp.bf16 v16;
	v16 =	vld [tilespmem:s11+$0x30];
	v17 =	vmul.bf16 v17, v3  }
0x142: {  	v3 =	vpop (erf);
	v13 =	vmul.bf16 v1, v13;
	v15 =	vadd.bf16 v19, v15;
	v19 =	vld [tilespmem:s21+$0x30];
	s21 =	smov.u32 s17;
	s17 =	smov.u32 s8  }
0x143: {  	v20 =	vadd.bf16 v2, v3;
	(erf) = vpow2.bf16 v11;
	v3 =	vld [tilespmem:s11+$0x70];
	v21 =	vunpack.i.u.bf16.f32 v17;
	s11 =	smov.u32 s22;
	s22 =	smov.u32 s19  }
0x144: {  	v17 =	vunpack.i.l.bf16.f32 v17;
	v15 =	vmul.bf16 v1, v15;
	[tilespmem:s9+$0x70] =	vst v21  }
0x145: {  	(erf) = vrcp.bf16 v20;
	v11 =	vpop (erf);
	[tilespmem:s9+$0x60] =	vst v17;
	s9 =	smov.u32 s20;
	s20 =	smov.u32 s25  }
0x146: {  	v21 =	vadd.bf16 v2, v11  }
0x147: {  	v17 =	vld [tilespmem:s19+$0xC0];
	v20 =	vpop (erf);
	v16 =	vadd.bf16 v19, v16  }
0x148: {  	v20 =	vadd.bf16 v2, v20;
	(erf) = vrcp.bf16 v21  }
0x149: {  	v11 =	vpop (erf);
	v16 =	vmul.bf16 v1, v16  }
0x14a: {  	v21 =	vadd.bf16 v2, v11;
	(erf) = vrcp.bf16 v20  }
0x14b: {  	v19 =	vpop (erf)  }
0x14c: {  	v22 =	vmul.bf16 v19, v17;
	(erf) = vrcp.bf16 v21  }
0x14d: {  	v11 =	vpop (erf)  }
0x14e: {  	s25 =	sadd.s32 $0x200, s25;
	v19 =	vunpack.i.l.bf16.f32 v22;
	v11 =	vadd.bf16 v2, v11;
	v20 =	vld [tilespmem:s11+$0xE0];
	(erf) = vpow2.bf16 v13  }
0x14f: {  	v13 =	vunpack.i.u.bf16.f32 v22;
	[tilespmem:s25+$0x80] =	vst v19;
	v17 =	vpop (erf)  }
0x150: {  	v14 =	vmul.bf16 v17, v14;
	[tilespmem:s25+$0x90] =	vst v13;
	(erf) = vpow2.bf16 v15  }
0x151: {  	v13 =	vld [tilespmem:s19+$0x90]  }
0x152: {  	v15 =	vunpack.i.u.bf16.f32 v14;
	v19 =	vunpack.i.l.bf16.f32 v14;
	v17 =	vld [tilespmem:s8+$0x90];
	(erf) = vrcp.bf16 v11;
	v11 =	vpop (erf)  }
0x153: {  	[tilespmem:s25+$0xFFFFFF80] =	vst v19;
	v11 =	vmul.bf16 v11, v20  }
0x154: {  	[tilespmem:s25+$0xFFFFFF90] =	vst v15;
	v14 =	vpop (erf);
	(erf) = vpow2.bf16 v16  }
0x155: {  	v14 =	vmul.bf16 v14, v8;
	v15 =	vld [tilespmem:s19+$0xFFFFFF90];
	v8 =	vunpack.i.l.bf16.f32 v11  }
0x156: {  	v11 =	vunpack.i.u.bf16.f32 v11;
	v16 =	vld [tilespmem:s8+$0xFFFFFF90];
	v19 =	vpop (erf);
	[tilespmem:s20+$0xC0] =	vst v8;
	(erf) = vrcp.bf16 v18  }
0x157: {  	v18 =	vunpack.i.u.bf16.f32 v14;
	v8 =	vld [tilespmem:s19+$0xFFFFFFD0];
	v9 =	vmul.bf16 v19, v9;
	v13 =	vadd.bf16 v17, v13;
	[tilespmem:s20+$0xD0] =	vst v11  }
0x158: {  	v11 =	vunpack.i.l.bf16.f32 v14;
	[tilespmem:s25+$0xFFFFFF10] =	vst v18;
	v14 =	vld [tilespmem:s11+$0xB0];
	v17 =	vpop (erf);
	(erf) = vrcp.bf16 v12  }
0x159: {  	[tilespmem:s25+$0xFFFFFF00] =	vst v11;
	v11 =	vunpack.i.u.bf16.f32 v9;
	v9 =	vunpack.i.l.bf16.f32 v9;
	v12 =	vmul.bf16 v1, v13;
	v13 =	vld [tilespmem:s21+$0xB0]  }
0x15a: {  	v18 =	vld [tilespmem:s19+$0xFFFFFF10];
	[tilespmem:s25+$0x0] =	vst v9;
	v9 =	vadd.bf16 v2, v17;
	v17 =	vpop (erf)  }
0x15b: {  	v19 =	vld [tilespmem:s8+$0xFFFFFF10];
	v15 =	vadd.bf16 v16, v15;
	[tilespmem:s25+$0x10] =	vst v11;
	(erf) = vpow2.bf16 v12;
	v12 =	vadd.bf16 v2, v17  }
0x15c: {  	v16 =	vld [tilespmem:s19+$0x10];
	v11 =	vpop (erf)  }
0x15d: {  	v15 =	vmul.bf16 v1, v15;
	v17 =	vld [tilespmem:s8+$0x10];
	(erf) = vrcp.bf16 v9  }
0x15e: {  	v20 =	vmul.bf16 v11, v7;
	v9 =	vld [tilespmem:s19+$0xFFFFFF50];
	v13 =	vadd.bf16 v13, v14;
	v11 =	vpop (erf)  }
0x15f: {  	v7 =	vld [tilespmem:s19+$0x50];
	(erf) = vpow2.bf16 v15;
	v11 =	vadd.bf16 v2, v11  }
0x160: {  	v15 =	vunpack.i.u.bf16.f32 v20;
	v14 =	vadd.bf16 v19, v18;
	v21 =	vmul.bf16 v1, v13;
	v18 =	vpop (erf)  }
0x161: {  	v19 =	vunpack.i.l.bf16.f32 v20;
	[tilespmem:s20+$0xFFFFFFD0] =	vst v15;
	v5 =	vmul.bf16 v18, v5  }
0x162: {  	v14 =	vmul.bf16 v1, v14;
	v15 =	vadd.bf16 v17, v16;
	[tilespmem:s20+$0xFFFFFFC0] =	vst v19;
	(erf) = vpow2.bf16 v21;
	v13 =	vpop (erf)  }
0x163: {  	v16 =	vld [tilespmem:s11+$0xFFFFFFB0];
	v17 =	vunpack.i.u.bf16.f32 v5;
	v18 =	vunpack.i.l.bf16.f32 v5;
	v13 =	vmul.bf16 v13, v4  }
0x164: {  	v15 =	vmul.bf16 v1, v15;
	(erf) = vpow2.bf16 v14;
	v14 =	vld [tilespmem:s21+$0xFFFFFFB0];
	[tilespmem:s9+$0xFFFFFF60] =	vst v18  }
0x165: {  	v5 =	vpop (erf);
	v4 =	vld [tilespmem:s11+$0xFFFFFFF0];
	[tilespmem:s9+$0xFFFFFF70] =	vst v17;
	v17 =	vunpack.i.u.bf16.f32 v13;
	v18 =	vunpack.i.l.bf16.f32 v13  }
0x166: {  	v5 =	vadd.bf16 v2, v5;
	(erf) = vpow2.bf16 v15;
	[tilespmem:s9+$0xFFFFFFE0] =	vst v18  }
0x167: {  	v13 =	vpop (erf);
	[tilespmem:s9+$0xFFFFFFF0] =	vst v17  }
0x168: {  	(erf) = vrcp.bf16 v5;
	v5 =	vmul.bf16 v13, v10  }
0x169: {  	v10 =	vpop (erf);
	v13 =	vadd.bf16 v14, v16  }
0x16a: {  	v14 =	vadd.bf16 v2, v10;
	v10 =	vunpack.i.u.bf16.f32 v5;
	(erf) = vrcp.bf16 v12  }
0x16b: {  	v12 =	vunpack.i.l.bf16.f32 v5;
	[tilespmem:s20+$0xFFFFFF50] =	vst v10;
	v10 =	vmul.bf16 v1, v13  }
.Ltmp2:
0x16c: {  	(erf) = vrcp.bf16 v14;
	[tilespmem:s20+$0xFFFFFF40] =	vst v12;
	v5 =	vpop (erf);
	(pc) =	sbr.rel @p0 .LBB2_6-.Ltmp2, $4  }
0x16d: {  	v12 =	vld [tilespmem:s11+$0xFFFFFF30];
	v5 =	vadd.bf16 v2, v5  }
0x16e: {  	v14 =	vld [tilespmem:s19+$0xD0];
	v13 =	vpop (erf)  }
0x16f: {  	v15 =	vadd.bf16 v2, v13;
	v13 =	vld [tilespmem:s21+$0xFFFFFF30];
	(erf) = vrcp.bf16 v5  }
0x170: {  	s19 =	sadd.s32 $0x200, s19;
	v16 =	vpop (erf);
	v5 =	vld [tilespmem:s11+$0xFFFFFF70]  }
0x171: {  	_ = 	snop  }
0x172: {  	v17 =	vpop (erf)  }
0x173: {  	v14 =	vmul.bf16 v17, v14;
	_ =	sdelay $0x1  }
0x174: {  	v17 =	vunpack.i.l.bf16.f32 v14  }
0x175: {  	v14 =	vunpack.i.u.bf16.f32 v14;
	[tilespmem:s25+$0xA0] =	vst v17  }
0x176: {  	[tilespmem:s25+$0xB0] =	vst v14  }
0x177: {  	(erf) = vrcp.bf16 v15;
	v14 =	vadd.bf16 v2, v16;
	v15 =	vld [tilespmem:s22+$0xA0]  }
0x178: {  	v12 =	vadd.bf16 v13, v12;
	v16 =	vld [tilespmem:s17+$0xA0]  }
0x179: {  	(erf) = vrcp.bf16 v14;
	_ =	sdelay $0x1  }
0x17a: {  	v13 =	vpop (erf);
	(erf) = vpow2.bf16 v10;
	v10 =	vmul.bf16 v1, v12  }
0x17b: {  	v12 =	vpop (erf)  }
0x17c: {  	v8 =	vmul.bf16 v12, v8;
	(erf) = vpow2.bf16 v10;
	v10 =	vadd.bf16 v16, v15;
	_ =	sdelay $0x1  }
0x17d: {  	v12 =	vunpack.i.l.bf16.f32 v8;
	(erf) = vrcp.bf16 v11;
	v10 =	vmul.bf16 v1, v10  }
0x17e: {  	v8 =	vunpack.i.u.bf16.f32 v8;
	[tilespmem:s25+$0xFFFFFFA0] =	vst v12  }
0x17f: {  	[tilespmem:s25+$0xFFFFFFB0] =	vst v8;
	(erf) = vpow2.bf16 v10  }
0x180: {  	v8 =	vld [tilespmem:s22+$0xFFFFFFA0]  }
0x181: {  	v10 =	vld [tilespmem:s17+$0xFFFFFFA0];
	_ =	sdelay $0x1  }
0x182: {  	v11 =	vpop (erf)  }
0x183: {  	v12 =	vpop (erf)  }
0x184: {  	v14 =	vpop (erf)  }
0x185: {  	v15 =	vpop (erf);
	v8 =	vadd.bf16 v10, v8  }
0x186: {  	v9 =	vmul.bf16 v12, v9;
	v10 =	vpop (erf)  }
0x187: {  	v8 =	vmul.bf16 v1, v8;
	v12 =	vpop (erf)  }
0x188: {  	v17 =	vunpack.i.u.bf16.f32 v9;
	v7 =	vmul.bf16 v14, v7;
	v16 =	vpop (erf)  }
0x189: {  	v9 =	vunpack.i.l.bf16.f32 v9;
	[tilespmem:s25+$0xFFFFFF30] =	vst v17;
	(erf) = vpow2.bf16 v8;
	v8 =	vadd.bf16 v2, v16  }
0x18a: {  	[tilespmem:s25+$0xFFFFFF20] =	vst v9  }
0x18b: {  	v9 =	vld [tilespmem:s22+$0xFFFFFF20];
	(erf) = vrcp.bf16 v8;
	v8 =	vunpack.i.u.bf16.f32 v7  }
0x18c: {  	v6 =	vmul.bf16 v13, v6;
	v7 =	vunpack.i.l.bf16.f32 v7;
	[tilespmem:s25+$0x30] =	vst v8;
	v8 =	vld [tilespmem:s17+$0xFFFFFF20]  }
0x18d: {  	[tilespmem:s25+$0x20] =	vst v7  }
0x18e: {  	v7 =	vunpack.i.u.bf16.f32 v6;
	v13 =	vld [tilespmem:s22+$0x20]  }
0x18f: {  	v6 =	vunpack.i.l.bf16.f32 v6;
	[tilespmem:s20+$0x50] =	vst v7;
	v7 =	vld [tilespmem:s17+$0x20]  }
0x190: {  	[tilespmem:s20+$0x40] =	vst v6;
	v6 =	vld [tilespmem:s22+$0xE0]  }
0x191: {  	v14 =	vld [tilespmem:s21+$0x30];
	v8 =	vadd.bf16 v8, v9  }
0x192: {  	v9 =	vld [tilespmem:s11+$0x30]  }
0x193: {  	v8 =	vmul.bf16 v1, v8  }
0x194: {  	v16 =	vpop (erf);
	v7 =	vadd.bf16 v7, v13  }
0x195: {  	v13 =	vpop (erf);
	(erf) = vpow2.bf16 v8  }
0x196: {  	v7 =	vmul.bf16 v1, v7;
	v6 =	vmul.bf16 v13, v6  }
0x197: {  	v8 =	vadd.bf16 v14, v9  }
0x198: {  	v13 =	vadd.bf16 v2, v16;
	(erf) = vpow2.bf16 v7;
	v9 =	vunpack.i.l.bf16.f32 v6  }
0x199: {  	v6 =	vunpack.i.u.bf16.f32 v6;
	[tilespmem:s25+$0xC0] =	vst v9  }
0x19a: {  	[tilespmem:s25+$0xD0] =	vst v6;
	v6 =	vmul.bf16 v1, v8;
	(erf) = vrcp.bf16 v13  }
0x19b: {  	v9 =	vadd.bf16 v2, v10;
	v7 =	vld [tilespmem:s22+$0xB0]  }
0x19c: {  	v8 =	vld [tilespmem:s17+$0xB0];
	(erf) = vpow2.bf16 v6;
	_ =	sdelay $0x1  }
0x19d: {  	v6 =	vadd.bf16 v2, v15;
	(erf) = vrcp.bf16 v9  }
0x19e: {  	v9 =	vpop (erf)  }
0x19f: {  	(erf) = vrcp.bf16 v6;
	v6 =	vadd.bf16 v2, v9  }
0x1a0: {  	v7 =	vadd.bf16 v8, v7  }
0x1a1: {  	(erf) = vrcp.bf16 v6;
	_ =	sdelay $0x1  }
0x1a2: {  	v6 =	vmul.bf16 v1, v7  }
0x1a3: {  	v7 =	vpop (erf)  }
0x1a4: {  	v7 =	vadd.bf16 v2, v7;
	(erf) = vpow2.bf16 v6;
	v6 =	vld [tilespmem:s22+$0xFFFFFFE0];
	_ =	sdelay $0x1  }
0x1a5: {  	v8 =	vpop (erf);
	(erf) = vrcp.bf16 v7;
	v7 =	vld [tilespmem:s22+$0xFFFFFF60]  }
0x1a6: {  	v9 =	vpop (erf)  }
0x1a7: {  	v10 =	vpop (erf)  }
0x1a8: {  	v6 =	vmul.bf16 v8, v6;
	v8 =	vpop (erf)  }
0x1a9: {  	v14 =	vpop (erf)  }
0x1aa: {  	v15 =	vunpack.i.u.bf16.f32 v6;
	v7 =	vmul.bf16 v14, v7  }
0x1ab: {  	v13 =	vld [tilespmem:s22+$0x60];
	v6 =	vunpack.i.l.bf16.f32 v6;
	[tilespmem:s25+$0xFFFFFFD0] =	vst v15  }
0x1ac: {  	[tilespmem:s25+$0xFFFFFFC0] =	vst v6;
	v6 =	vunpack.i.u.bf16.f32 v7  }
0x1ad: {  	v15 =	vld [tilespmem:s22+$0xFFFFFFB0];
	v7 =	vunpack.i.l.bf16.f32 v7;
	[tilespmem:s25+$0xFFFFFF50] =	vst v6  }
0x1ae: {  	v16 =	vld [tilespmem:s17+$0xFFFFFFB0];
	v14 =	vpop (erf);
	[tilespmem:s25+$0xFFFFFF40] =	vst v7  }
0x1af: {  	v7 =	vld [tilespmem:s22+$0xFFFFFF30];
	v6 =	vpop (erf)  }
0x1b0: {  	v6 =	vmul.bf16 v6, v13;
	v13 =	vld [tilespmem:s17+$0xFFFFFF30];
	_ =	sdelay $0x1  }
0x1b1: {  	v17 =	vunpack.i.u.bf16.f32 v6;
	v6 =	vunpack.i.l.bf16.f32 v6  }
0x1b2: {  	v14 =	vadd.bf16 v2, v14;
	[tilespmem:s25+$0x40] =	vst v6;
	v6 =	vadd.bf16 v16, v15  }
0x1b3: {  	[tilespmem:s25+$0x50] =	vst v17  }
0x1b4: {  	(erf) = vrcp.bf16 v14;
	v15 =	vld [tilespmem:s22+$0x30];
	v6 =	vmul.bf16 v1, v6;
	v7 =	vadd.bf16 v13, v7  }
0x1b5: {  	v16 =	vld [tilespmem:s17+$0x30]  }
0x1b6: {  	(erf) = vpow2.bf16 v6;
	v6 =	vmul.bf16 v1, v7;
	_ =	sdelay $0x1  }
0x1b7: {  	(erf) = vpow2.bf16 v6;
	_ =	sdelay $0x1  }
0x1b8: {  	v7 =	vadd.bf16 v2, v9;
	v6 =	vadd.bf16 v16, v15;
	_ =	sdelay $0x1  }
0x1b9: {  	(erf) = vrcp.bf16 v7;
	v6 =	vmul.bf16 v1, v6;
	_ =	sdelay $0x1  }
0x1ba: {  	(erf) = vpow2.bf16 v6  }
0x1bb: {  	v6 =	vld [tilespmem:s11+$0xF0]  }
0x1bc: {  	v7 =	vpop (erf)  }
0x1bd: {  	v9 =	vpop (erf)  }
0x1be: {  	v13 =	vpop (erf)  }
0x1bf: {  	v13 =	vadd.bf16 v2, v13  }
0x1c0: {  	v6 =	vmul.bf16 v11, v6  }
0x1c1: {  	(erf) = vrcp.bf16 v13  }
0x1c2: {  	v3 =	vmul.bf16 v12, v3;
	v13 =	vunpack.i.u.bf16.f32 v6  }
0x1c3: {  	v9 =	vadd.bf16 v2, v9;
	v11 =	vpop (erf);
	v6 =	vunpack.i.l.bf16.f32 v6;
	[tilespmem:s20+$0xF0] =	vst v13  }
0x1c4: {  	v5 =	vmul.bf16 v10, v5;
	v12 =	vpop (erf);
	v13 =	vld [tilespmem:s22+$0xF0];
	[tilespmem:s20+$0xE0] =	vst v6;
	v6 =	vunpack.i.u.bf16.f32 v3  }
0x1c5: {  	v10 =	vld [tilespmem:s11+$0x70];
	v3 =	vunpack.i.l.bf16.f32 v3;
	(erf) = vrcp.bf16 v9;
	v9 =	vadd.bf16 v2, v12  }
0x1c6: {  	[tilespmem:s9+$0x60] =	vst v3;
	v3 =	vunpack.i.l.bf16.f32 v5  }
0x1c7: {  	v4 =	vmul.bf16 v8, v4;
	[tilespmem:s20+$0xFFFFFF60] =	vst v3;
	v3 =	vld [tilespmem:s22+$0xFFFFFF70];
	(erf) = vrcp.bf16 v9  }
0x1c8: {  	[tilespmem:s9+$0x70] =	vst v6;
	v5 =	vunpack.i.u.bf16.f32 v5  }
0x1c9: {  	[tilespmem:s20+$0xFFFFFF70] =	vst v5;
	v5 =	vunpack.i.l.bf16.f32 v4;
	v6 =	vmul.bf16 v7, v13  }
0x1ca: {  	v4 =	vunpack.i.u.bf16.f32 v4;
	[tilespmem:s20+$0xFFFFFFE0] =	vst v5;
	v5 =	vmul.bf16 v11, v10  }
0x1cb: {  	[tilespmem:s20+$0xFFFFFFF0] =	vst v4;
	v7 =	vld [tilespmem:s22+$0xFFFFFFF0];
	v4 =	vunpack.i.u.bf16.f32 v6;
	v6 =	vunpack.i.l.bf16.f32 v6;
	v8 =	vpop (erf)  }
0x1cc: {  	[tilespmem:s25+$0xE0] =	vst v6;
	v6 =	vunpack.i.u.bf16.f32 v5;
	v3 =	vmul.bf16 v8, v3  }
0x1cd: {  	[tilespmem:s25+$0xF0] =	vst v4;
	v4 =	vld [tilespmem:s22+$0x70];
	v5 =	vunpack.i.l.bf16.f32 v5  }
0x1ce: {  	[tilespmem:s20+$0x60] =	vst v5;
	v5 =	vunpack.i.l.bf16.f32 v3  }
0x1cf: {  	[tilespmem:s20+$0x70] =	vst v6;
	v6 =	vpop (erf)  }
0x1d0: {  	v6 =	vmul.bf16 v6, v7  }
0x1d1: {  	v3 =	vunpack.i.u.bf16.f32 v3;
	[tilespmem:s25+$0xFFFFFF60] =	vst v5;
	v5 =	vpop (erf)  }
0x1d2: {  	[tilespmem:s25+$0xFFFFFF70] =	vst v3;
	v3 =	vunpack.i.l.bf16.f32 v6;
	v4 =	vmul.bf16 v5, v4  }
0x1d3: {  	[tilespmem:s25+$0xFFFFFFE0] =	vst v3;
	v5 =	vunpack.i.u.bf16.f32 v6  }
0x1d4: {  	[tilespmem:s25+$0xFFFFFFF0] =	vst v5;
	v3 =	vunpack.i.u.bf16.f32 v4  }
0x1d5: {  	v4 =	vunpack.i.l.bf16.f32 v4;
	[tilespmem:s25+$0x70] =	vst v3  }
0x1d6: {  	[tilespmem:s25+$0x60] =	vst v4  }
0x1d7: {  	_ =	swait.ge [sflag:s16], $0x28  }
0x1d8: {  	s2 =	simm.s32 $0x13A80;
	[sflag:s16] =	ssyncset.done $0x0  }
0x1d9: {  	s8 =	simm.s32 $0x18B80;
	s20 =	simm.s32 $0x1;
	[sflag:s16] =	ssyncadd.s32 $0xFFFFFFD8  }
0x1da: {  	[spmem:s26] =	stream.indirect.scatter.add.f32 [tilespmem:s8], [sflag:$0xB], $0x80, s2, s30, $0xb8;
	[tilespmem:$0x1B380] =	vst v63  }
0x1db: {  	_ =	swait.ge [sflag:s20], $0x28  }
0x1dc: {  	[sflag:s20] =	ssyncset.done $0x0  }
0x1dd: {  	s21 =	simm.s32 $0x3;
	[sflag:s20] =	ssyncadd.s32 $0xFFFFFFD8  }
0x1de: {  	_ =	swait.ge [sflag:s21], $0x28  }
0x1df: {  	[sflag:s21] =	ssyncset.done $0x0  }
0x1e0: {  	s22 =	simm.s32 $0x13880;
	s25 =	simm.s32 $0x13B80;
	[sflag:s21] =	ssyncadd.s32 $0xFFFFFFD8  }
0x1e1: {  	[tilespmem:s25], [sflag:$0x7] =	stream.indirect.gather [hbm4b:s1+s30], $0x80, s22, s30, $0xb8;
	[tilespmem:$0x1B380] =	vst v63  }
0x1e2: {  	s9 =	simm.s32 $0x16380;
	s8 =	simm.s32 $0x13980  }
0x1e3: {  	[tilespmem:s9], [sflag:$0x9] =	stream.indirect.gather [hbm4b:s5+s30], $0x80, s8, s30, $0xb8;
	[tilespmem:$0x1B380] =	vst v63  }
0x1e4: {  	_ =	swait.ge [sflag:s23], $0x1400  }
0x1e5: {  	[sflag:s23] =	ssyncset.done $0x0  }
0x1e6: {  	[sflag:s23] =	ssyncadd.s32 $0xFFFFEC00  }
0x1e7: {  	_ =	swait.ge [sflag:s24], $0x1400  }
0x1e8: {  	[sflag:s24] =	ssyncset.done $0x0  }
0x1e9: {  	[sflag:s24] =	ssyncadd.s32 $0xFFFFEC00  }
0x1ea: {  	[tilespmem:s10], [sflag:$0x6] =	stream.linear.gather [hbm4b:s15+s3], $0x28, $0x38;
	[tilespmem:$0x1B380] =	vst v63  }
0x1eb: {  	s11 =	rddreg [dreg:$0xb];
	s15 =	simm.s32 $0x13900  }
0x1ec: {  	[tilespmem:s15], [sflag:$0x2] =	stream.linear.gather [hbm4b:s11+s3], $0x28, $0x38;
	[tilespmem:$0x1B380] =	vst v63  }
0x1ed: {  	s18 =	simm.s32 $0x13A00;
	s19 =	simm.s32 $0x15080;
	s17 =	rddreg [dreg:$0xc]  }
0x1ee: {  	[tilespmem:s18], [sflag:$0x4] =	stream.linear.gather [hbm4b:s17+s3], $0x28, $0x38;
	[tilespmem:$0x1B380] =	vst v63  }
0x1ef: {  	s18 =	simm.s32 $0x17880;
	v3 =	vld [tilespmem:s19+$0x80]  }
0x1f0: {  	v4 =	vld [tilespmem:s18+$0x80];
	_ =	sdelay $0x4  }
0x1f1: {  	v5 =	vld [tilespmem:s18+$0xFFFFFF80];
	v3 =	vadd.bf16 v4, v3  }
0x1f2: {  	v4 =	vld [tilespmem:s19+$0xFFFFFF80]  }
0x1f3: {  	v6 =	vld [tilespmem:s18+$0xFFFFFF00];
	v3 =	vmul.bf16 v1, v3  }
0x1f4: {  	v7 =	vld [tilespmem:s19+$0xFFFFFF00]  }
0x1f5: {  	(erf) = vpow2.bf16 v3  }
0x1f6: {  	v8 =	vld [tilespmem:s18+$0x0]  }
0x1f7: {  	v3 =	vld [tilespmem:s19+$0x0];
	v4 =	vadd.bf16 v5, v4;
	_ =	sdelay $0x1  }
0x1f8: {  	v5 =	vadd.bf16 v6, v7;
	v4 =	vmul.bf16 v1, v4;
	_ =	sdelay $0x1  }
0x1f9: {  	(erf) = vpow2.bf16 v4;
	v4 =	vmul.bf16 v1, v5  }
0x1fa: {  	v3 =	vadd.bf16 v8, v3  }
0x1fb: {  	(erf) = vpow2.bf16 v4  }
0x1fc: {  	v3 =	vmul.bf16 v1, v3  }
0x1fd: {  	v4 =	vpop (erf)  }
0x1fe: {  	(erf) = vpow2.bf16 v3;
	v4 =	vadd.bf16 v2, v4;
	_ =	sdelay $0x1  }
0x1ff: {  	(erf) = vrcp.bf16 v4;
	_ =	sdelay $0x2  }
0x200: {  	v3 =	vpop (erf)  }
0x201: {  	v3 =	vadd.bf16 v2, v3  }
0x202: {  	v5 =	vpop (erf)  }
0x203: {  	v4 =	vld [tilespmem:s19+$0xC0];
	(erf) = vrcp.bf16 v3;
	v3 =	vadd.bf16 v2, v5;
	_ =	sdelay $0x1  }
0x204: {  	v5 =	vpop (erf);
	(erf) = vrcp.bf16 v3  }
0x205: {  	v5 =	vadd.bf16 v2, v5  }
0x206: {  	v3 =	vpop (erf)  }
0x207: {  	(erf) = vrcp.bf16 v5;
	v3 =	vmul.bf16 v3, v4  }
0x208: {  	v4 =	vld [tilespmem:s19+$0xFFFFFFC0]  }
0x209: {  	s9 =	simm.s32 $0x1A080;
	v5 =	vunpack.i.l.bf16.f32 v3  }
0x20a: {  	v6 =	vld [tilespmem:s19+$0xFFFFFF40];
	v3 =	vunpack.i.u.bf16.f32 v3;
	[tilespmem:s9+$0x80] =	vst v5  }
0x20b: {  	v5 =	vld [tilespmem:s19+$0x40];
	[tilespmem:s9+$0x90] =	vst v3  }
0x20c: {  	v3 =	vld [tilespmem:s19+$0x90];
	v7 =	vpop (erf)  }
0x20d: {  	v8 =	vld [tilespmem:s18+$0x90];
	v4 =	vmul.bf16 v7, v4  }
0x20e: {  	v7 =	vpop (erf)  }
0x20f: {  	v9 =	vunpack.i.l.bf16.f32 v4;
	v6 =	vmul.bf16 v7, v6  }
0x210: {  	v4 =	vunpack.i.u.bf16.f32 v4;
	[tilespmem:s9+$0xFFFFFF80] =	vst v9  }
0x211: {  	v7 =	vpop (erf);
	[tilespmem:s9+$0xFFFFFF90] =	vst v4;
	v4 =	vunpack.i.u.bf16.f32 v6  }
0x212: {  	v5 =	vmul.bf16 v7, v5;
	v3 =	vadd.bf16 v8, v3;
	v7 =	vld [tilespmem:s19+$0xFFFFFF90];
	v6 =	vunpack.i.l.bf16.f32 v6;
	[tilespmem:s9+$0xFFFFFF10] =	vst v4  }
0x213: {  	v4 =	vld [tilespmem:s18+$0xFFFFFF90];
	[tilespmem:s9+$0xFFFFFF00] =	vst v6  }
0x214: {  	v6 =	vunpack.i.l.bf16.f32 v5;
	v3 =	vmul.bf16 v1, v3;
	v8 =	vld [tilespmem:s19+$0xFFFFFF10]  }
0x215: {  	v5 =	vunpack.i.u.bf16.f32 v5;
	[tilespmem:s9+$0x0] =	vst v6;
	v6 =	vld [tilespmem:s18+$0xFFFFFF10]  }
0x216: {  	[tilespmem:s9+$0x10] =	vst v5;
	(erf) = vpow2.bf16 v3  }
0x217: {  	v3 =	vld [tilespmem:s19+$0x10]  }
0x218: {  	v5 =	vld [tilespmem:s18+$0x10];
	v4 =	vadd.bf16 v4, v7;
	_ =	sdelay $0x1  }
0x219: {  	v4 =	vmul.bf16 v1, v4;
	v6 =	vadd.bf16 v6, v8;
	_ =	sdelay $0x1  }
0x21a: {  	(erf) = vpow2.bf16 v4;
	v4 =	vmul.bf16 v1, v6  }
0x21b: {  	v3 =	vadd.bf16 v5, v3;
	_ =	sdelay $0x1  }
0x21c: {  	v3 =	vmul.bf16 v1, v3;
	(erf) = vpow2.bf16 v4  }
0x21d: {  	v4 =	vpop (erf)  }
0x21e: {  	(erf) = vpow2.bf16 v3;
	v4 =	vadd.bf16 v2, v4;
	_ =	sdelay $0x1  }
0x21f: {  	(erf) = vrcp.bf16 v4;
	_ =	sdelay $0x3  }
0x220: {  	v3 =	vpop (erf)  }
0x221: {  	v3 =	vadd.bf16 v2, v3  }
0x222: {  	v4 =	vld [tilespmem:s19+$0xD0];
	_ =	sdelay $0x1  }
0x223: {  	s21 =	simm.s32 $0x17A80;
	v5 =	vpop (erf);
	(erf) = vrcp.bf16 v3  }
0x224: {  	s11 =	simm.s32 $0x15280;
	v7 =	vld [tilespmem:s21+$0x80];
	v3 =	vpop (erf)  }
0x225: {  	v6 =	vld [tilespmem:s11+$0x80];
	v8 =	vpop (erf)  }
0x226: {  	v4 =	vmul.bf16 v8, v4;
	_ =	sdelay $0x1  }
0x227: {  	v10 =	vld [tilespmem:s11+$0xFFFFFF80];
	v5 =	vadd.bf16 v2, v5;
	v9 =	vunpack.i.l.bf16.f32 v4  }
0x228: {  	v8 =	vld [tilespmem:s19+$0xFFFFFFD0];
	v4 =	vunpack.i.u.bf16.f32 v4;
	[tilespmem:s9+$0xA0] =	vst v9  }
0x229: {  	v6 =	vadd.bf16 v7, v6;
	(erf) = vrcp.bf16 v5;
	v5 =	vld [tilespmem:s21+$0xFFFFFF80];
	v3 =	vadd.bf16 v2, v3;
	[tilespmem:s9+$0xB0] =	vst v4  }
0x22a: {  	v4 =	vld [tilespmem:s19+$0xA0]  }
0x22b: {  	(erf) = vrcp.bf16 v3;
	v3 =	vmul.bf16 v1, v6;
	v6 =	vld [tilespmem:s18+$0xA0]  }
0x22c: {  	v11 =	vld [tilespmem:s11+$0xFFFFFF00];
	v9 =	vpop (erf)  }
0x22d: {  	v7 =	vld [tilespmem:s21+$0xFFFFFF00];
	v8 =	vmul.bf16 v9, v8  }
0x22e: {  	(erf) = vpow2.bf16 v3;
	v3 =	vld [tilespmem:s11+$0x0];
	v5 =	vadd.bf16 v5, v10  }
0x22f: {  	v9 =	vld [tilespmem:s21+$0x0];
	v10 =	vunpack.i.l.bf16.f32 v8  }
0x230: {  	v5 =	vmul.bf16 v1, v5;
	v4 =	vadd.bf16 v6, v4;
	v6 =	vunpack.i.u.bf16.f32 v8;
	[tilespmem:s9+$0xFFFFFFA0] =	vst v10  }
0x231: {  	[tilespmem:s9+$0xFFFFFFB0] =	vst v6  }
0x232: {  	(erf) = vpow2.bf16 v5;
	v5 =	vadd.bf16 v7, v11;
	v4 =	vmul.bf16 v1, v4;
	v6 =	vld [tilespmem:s19+$0xFFFFFFA0]  }
0x233: {  	v7 =	vld [tilespmem:s18+$0xFFFFFFA0]  }
0x234: {  	v5 =	vmul.bf16 v1, v5;
	v3 =	vadd.bf16 v9, v3;
	(erf) = vpow2.bf16 v4  }
0x235: {  	v4 =	vld [tilespmem:s19+$0xFFFFFF50]  }
0x236: {  	v8 =	vpop (erf);
	v3 =	vmul.bf16 v1, v3;
	(erf) = vpow2.bf16 v5  }
0x237: {  	v9 =	vpop (erf)  }
0x238: {  	v5 =	vpop (erf);
	(erf) = vpow2.bf16 v3;
	v3 =	vadd.bf16 v7, v6  }
0x239: {  	v5 =	vadd.bf16 v2, v5  }
0x23a: {  	v4 =	vmul.bf16 v8, v4;
	v3 =	vmul.bf16 v1, v3  }
0x23b: {  	(erf) = vrcp.bf16 v5;
	v5 =	vld [tilespmem:s19+$0x50]  }
0x23c: {  	v7 =	vpop (erf);
	v6 =	vunpack.i.u.bf16.f32 v4  }
0x23d: {  	[tilespmem:s9+$0xFFFFFF30] =	vst v6;
	v6 =	vadd.bf16 v2, v7;
	(erf) = vpow2.bf16 v3  }
0x23e: {  	v4 =	vunpack.i.l.bf16.f32 v4;
	v3 =	vpop (erf)  }
0x23f: {  	[tilespmem:s9+$0xFFFFFF20] =	vst v4;
	(erf) = vrcp.bf16 v6;
	v3 =	vadd.bf16 v2, v3  }
0x240: {  	v4 =	vld [tilespmem:s19+$0xFFFFFF20];
	v5 =	vmul.bf16 v9, v5;
	v7 =	vpop (erf)  }
0x241: {  	v8 =	vld [tilespmem:s18+$0xFFFFFF20];
	v7 =	vadd.bf16 v2, v7;
	(erf) = vrcp.bf16 v3  }
0x242: {  	v6 =	vld [tilespmem:s11+$0xC0];
	v3 =	vunpack.i.u.bf16.f32 v5;
	v5 =	vunpack.i.l.bf16.f32 v5;
	v9 =	vpop (erf)  }
0x243: {  	[tilespmem:s9+$0x30] =	vst v3;
	v3 =	vadd.bf16 v2, v9;
	(erf) = vrcp.bf16 v7;
	_ =	sdelay $0x1  }
0x244: {  	[tilespmem:s9+$0x20] =	vst v5;
	v7 =	vld [tilespmem:s11+$0xFFFFFFC0];
	v5 =	vpop (erf);
	(erf) = vrcp.bf16 v3  }
0x245: {  	v9 =	vld [tilespmem:s19+$0x20]  }
0x246: {  	v4 =	vadd.bf16 v8, v4;
	v5 =	vmul.bf16 v5, v6;
	v3 =	vld [tilespmem:s18+$0x20]  }
0x247: {  	v8 =	vld [tilespmem:s19+$0xE0]  }
0x248: {  	s20 =	simm.s32 $0x1A280;
	v4 =	vmul.bf16 v1, v4;
	v11 =	vpop (erf);
	v6 =	vunpack.i.l.bf16.f32 v5  }
0x249: {  	v10 =	vld [tilespmem:s11+$0xFFFFFF40];
	v5 =	vunpack.i.u.bf16.f32 v5;
	[tilespmem:s20+$0x80] =	vst v6;
	v12 =	vpop (erf)  }
0x24a: {  	v6 =	vld [tilespmem:s11+$0x40];
	[tilespmem:s20+$0x90] =	vst v5;
	(erf) = vpow2.bf16 v4;
	v4 =	vmul.bf16 v12, v7  }
0x24b: {  	v5 =	vld [tilespmem:s11+$0x90];
	v3 =	vadd.bf16 v3, v9;
	v9 =	vpop (erf)  }
0x24c: {  	v7 =	vld [tilespmem:s21+$0x90];
	v12 =	vunpack.i.l.bf16.f32 v4;
	v8 =	vmul.bf16 v9, v8  }
0x24d: {  	v4 =	vunpack.i.u.bf16.f32 v4;
	v3 =	vmul.bf16 v1, v3;
	[tilespmem:s20+$0xFFFFFF80] =	vst v12;
	v9 =	vpop (erf)  }
0x24e: {  	[tilespmem:s20+$0xFFFFFF90] =	vst v4;
	v4 =	vmul.bf16 v9, v10;
	v9 =	vunpack.i.l.bf16.f32 v8;
	v10 =	vadd.bf16 v2, v11;
	v11 =	vpop (erf)  }
0x24f: {  	(erf) = vpow2.bf16 v3;
	v3 =	vld [tilespmem:s11+$0xFFFFFF90];
	v8 =	vunpack.i.u.bf16.f32 v8;
	[tilespmem:s9+$0xC0] =	vst v9;
	v6 =	vmul.bf16 v11, v6  }
0x250: {  	v9 =	vld [tilespmem:s21+$0xFFFFFF90];
	[tilespmem:s9+$0xD0] =	vst v8;
	v12 =	vunpack.i.u.bf16.f32 v4;
	v4 =	vunpack.i.l.bf16.f32 v4  }
0x251: {  	v5 =	vadd.bf16 v7, v5;
	v7 =	vld [tilespmem:s19+$0xB0];
	[tilespmem:s20+$0xFFFFFF00] =	vst v4;
	v4 =	vunpack.i.l.bf16.f32 v6  }
0x252: {  	v8 =	vld [tilespmem:s18+$0xB0];
	[tilespmem:s20+$0xFFFFFF10] =	vst v12  }
0x253: {  	(erf) = vrcp.bf16 v10;
	v5 =	vmul.bf16 v1, v5;
	v10 =	vld [tilespmem:s11+$0xFFFFFF10]  }
0x254: {  	v6 =	vunpack.i.u.bf16.f32 v6;
	v11 =	vld [tilespmem:s21+$0xFFFFFF10];
	[tilespmem:s20+$0x0] =	vst v4;
	v4 =	vpop (erf)  }
0x255: {  	(erf) = vpow2.bf16 v5;
	v3 =	vadd.bf16 v9, v3;
	v4 =	vadd.bf16 v2, v4  }
0x256: {  	[tilespmem:s20+$0x10] =	vst v6  }
0x257: {  	v5 =	vld [tilespmem:s11+$0x10];
	v3 =	vmul.bf16 v1, v3;
	(erf) = vrcp.bf16 v4;
	v4 =	vadd.bf16 v8, v7  }
0x258: {  	v6 =	vld [tilespmem:s21+$0x10]  }
0x259: {  	(erf) = vpow2.bf16 v3;
	v3 =	vadd.bf16 v11, v10;
	v4 =	vmul.bf16 v1, v4;
	_ =	sdelay $0x1  }
0x25a: {  	v3 =	vmul.bf16 v1, v3;
	(erf) = vpow2.bf16 v4  }
0x25b: {  	v7 =	vld [tilespmem:s19+$0xFFFFFFE0]  }
0x25c: {  	v5 =	vadd.bf16 v6, v5;
	v4 =	vpop (erf);
	(erf) = vpow2.bf16 v3;
	v3 =	vld [tilespmem:s19+$0xFFFFFF60];
	_ =	sdelay $0x1  }
0x25d: {  	v5 =	vmul.bf16 v1, v5;
	v6 =	vpop (erf)  }
0x25e: {  	v8 =	vpop (erf)  }
0x25f: {  	(erf) = vpow2.bf16 v5;
	v5 =	vmul.bf16 v6, v7;
	v8 =	vadd.bf16 v2, v8;
	v7 =	vpop (erf)  }
0x260: {  	v3 =	vmul.bf16 v7, v3  }
0x261: {  	v6 =	vunpack.i.u.bf16.f32 v5;
	(erf) = vrcp.bf16 v8  }
0x262: {  	v7 =	vunpack.i.u.bf16.f32 v3;
	v3 =	vunpack.i.l.bf16.f32 v3  }
0x263: {  	v5 =	vunpack.i.l.bf16.f32 v5;
	[tilespmem:s9+$0xFFFFFFD0] =	vst v6  }
0x264: {  	v4 =	vadd.bf16 v2, v4;
	[tilespmem:s9+$0xFFFFFFC0] =	vst v5;
	v6 =	vpop (erf)  }
0x265: {  	v5 =	vld [tilespmem:s19+$0xFFFFFFB0];
	[tilespmem:s9+$0xFFFFFF40] =	vst v3;
	v3 =	vpop (erf)  }
0x266: {  	v8 =	vld [tilespmem:s18+$0xFFFFFFB0];
	(erf) = vrcp.bf16 v4;
	v6 =	vadd.bf16 v2, v6;
	v3 =	vadd.bf16 v2, v3  }
0x267: {  	v4 =	vld [tilespmem:s11+$0xD0];
	[tilespmem:s9+$0xFFFFFF50] =	vst v7  }
0x268: {  	v9 =	vld [tilespmem:s18+$0xFFFFFF30];
	(erf) = vrcp.bf16 v6  }
0x269: {  	s22 =	simm.s32 $0x15480;
	v6 =	vld [tilespmem:s19+$0xFFFFFF30];
	v7 =	vpop (erf)  }
0x26a: {  	s8 =	simm.s32 $0x17C80;
	v10 =	vld [tilespmem:s22+$0x80];
	v7 =	vadd.bf16 v2, v7;
	(erf) = vrcp.bf16 v3;
	v3 =	vpop (erf)  }
0x26b: {  	v5 =	vadd.bf16 v8, v5;
	v8 =	vld [tilespmem:s8+$0x80];
	v11 =	vpop (erf)  }
0x26c: {  	(erf) = vrcp.bf16 v7;
	v3 =	vadd.bf16 v2, v3;
	v4 =	vmul.bf16 v11, v4  }
0x26d: {  	v13 =	vld [tilespmem:s22+$0x0];
	v5 =	vmul.bf16 v1, v5  }
0x26e: {  	v7 =	vld [tilespmem:s11+$0xFFFFFFD0];
	(erf) = vrcp.bf16 v3;
	v3 =	vadd.bf16 v9, v6;
	v6 =	vunpack.i.l.bf16.f32 v4  }
0x26f: {  	v9 =	vld [tilespmem:s22+$0xFFFFFF80];
	v4 =	vunpack.i.u.bf16.f32 v4;
	[tilespmem:s20+$0xA0] =	vst v6  }
0x270: {  	(erf) = vpow2.bf16 v5;
	v5 =	vld [tilespmem:s8+$0xFFFFFF80];
	v3 =	vmul.bf16 v1, v3;
	v6 =	vadd.bf16 v8, v10;
	[tilespmem:s20+$0xB0] =	vst v4  }
0x271: {  	v4 =	vld [tilespmem:s11+$0xA0]  }
0x272: {  	v10 =	vpop (erf);
	(erf) = vpow2.bf16 v3;
	v3 =	vmul.bf16 v1, v6;
	v6 =	vld [tilespmem:s21+$0xA0]  }
0x273: {  	v12 =	vld [tilespmem:s22+$0xFFFFFF00];
	v11 =	vpop (erf)  }
0x274: {  	v8 =	vld [tilespmem:s8+$0xFFFFFF00];
	(erf) = vpow2.bf16 v3;
	v3 =	vmul.bf16 v11, v7  }
0x275: {  	v7 =	vld [tilespmem:s8+$0x0];
	v5 =	vadd.bf16 v5, v9  }
0x276: {  	v9 =	vunpack.i.l.bf16.f32 v3  }
0x277: {  	v11 =	vunpack.i.u.bf16.f32 v3;
	v5 =	vmul.bf16 v1, v5;
	v4 =	vadd.bf16 v6, v4;
	v6 =	vld [tilespmem:s11+$0xFFFFFF50];
	[tilespmem:s20+$0xFFFFFFA0] =	vst v9  }
0x278: {  	v9 =	vld [tilespmem:s11+$0x50];
	[tilespmem:s20+$0xFFFFFFB0] =	vst v11  }
0x279: {  	v3 =	vpop (erf);
	v11 =	vld [tilespmem:s11+$0xFFFFFFA0];
	(erf) = vpow2.bf16 v5;
	v5 =	vadd.bf16 v8, v12;
	v4 =	vmul.bf16 v1, v4  }
0x27a: {  	v7 =	vadd.bf16 v7, v13;
	v13 =	vld [tilespmem:s21+$0xFFFFFFA0]  }
0x27b: {  	v8 =	vpop (erf);
	v5 =	vmul.bf16 v1, v5;
	(erf) = vpow2.bf16 v4  }
0x27c: {  	v12 =	vpop (erf)  }
0x27d: {  	v4 =	vpop (erf);
	(erf) = vpow2.bf16 v5;
	v5 =	vmul.bf16 v8, v6  }
0x27e: {  	v7 =	vmul.bf16 v1, v7;
	v9 =	vmul.bf16 v12, v9;
	v14 =	vpop (erf)  }
0x27f: {  	v11 =	vadd.bf16 v13, v11;
	v6 =	vpop (erf);
	v8 =	vunpack.i.u.bf16.f32 v5;
	v5 =	vunpack.i.l.bf16.f32 v5  }
0x280: {  	(erf) = vpow2.bf16 v7;
	v7 =	vld [tilespmem:s19+$0x60];
	v6 =	vadd.bf16 v2, v6;
	[tilespmem:s20+$0xFFFFFF20] =	vst v5;
	v5 =	vunpack.i.u.bf16.f32 v9;
	_ =	sdelay $0x1  }
0x281: {  	[tilespmem:s20+$0xFFFFFF30] =	vst v8;
	(erf) = vrcp.bf16 v6;
	v6 =	vmul.bf16 v1, v11  }
0x282: {  	v9 =	vunpack.i.l.bf16.f32 v9;
	[tilespmem:s20+$0x30] =	vst v5;
	v5 =	vpop (erf)  }
0x283: {  	v8 =	vld [tilespmem:s11+$0xFFFFFF20];
	v5 =	vadd.bf16 v2, v5;
	(erf) = vpow2.bf16 v6  }
0x284: {  	v11 =	vld [tilespmem:s21+$0xFFFFFF20];
	v6 =	vmul.bf16 v10, v7  }
0x285: {  	[tilespmem:s20+$0x20] =	vst v9;
	v9 =	vpop (erf);
	(erf) = vrcp.bf16 v5  }
0x286: {  	v7 =	vld [tilespmem:s11+$0x20];
	v5 =	vadd.bf16 v2, v9;
	v9 =	vunpack.i.u.bf16.f32 v6;
	v6 =	vunpack.i.l.bf16.f32 v6  }
0x287: {  	v10 =	vld [tilespmem:s21+$0x20];
	v13 =	vpop (erf);
	[tilespmem:s9+$0x50] =	vst v9  }
0x288: {  	v12 =	vld [tilespmem:s22+$0xC0];
	[tilespmem:s9+$0x40] =	vst v6;
	v9 =	vadd.bf16 v2, v13;
	(erf) = vrcp.bf16 v5  }
0x289: {  	v5 =	vadd.bf16 v11, v8;
	v8 =	vld [tilespmem:s19+$0x30];
	v6 =	vpop (erf)  }
0x28a: {  	v6 =	vadd.bf16 v2, v6;
	(erf) = vrcp.bf16 v9;
	v9 =	vld [tilespmem:s18+$0x30];
	_ =	sdelay $0x1  }
0x28b: {  	v13 =	vld [tilespmem:s22+$0xFFFFFFC0];
	v7 =	vadd.bf16 v10, v7;
	v5 =	vmul.bf16 v1, v5;
	v11 =	vpop (erf);
	(erf) = vrcp.bf16 v6  }
0x28c: {  	v10 =	vmul.bf16 v11, v12  }
0x28d: {  	v6 =	vmul.bf16 v1, v7;
	(erf) = vpow2.bf16 v5;
	v12 =	vpop (erf)  }
0x28e: {  	s25 =	simm.s32 $0x1A480;
	v11 =	vld [tilespmem:s11+$0xE0];
	v7 =	vunpack.i.l.bf16.f32 v10;
	v8 =	vadd.bf16 v9, v8;
	v9 =	vadd.bf16 v2, v12  }
0x28f: {  	v10 =	vunpack.i.u.bf16.f32 v10;
	[tilespmem:s25+$0x80] =	vst v7;
	v12 =	vpop (erf)  }
0x290: {  	v5 =	vld [tilespmem:s22+$0xFFFFFF40];
	[tilespmem:s25+$0x90] =	vst v10;
	(erf) = vpow2.bf16 v6;
	v6 =	vmul.bf16 v12, v13  }
0x291: {  	v10 =	vld [tilespmem:s22+$0x90]  }
0x292: {  	v12 =	vld [tilespmem:s8+$0x90];
	(erf) = vrcp.bf16 v9;
	v9 =	vpop (erf);
	v13 =	vunpack.i.l.bf16.f32 v6  }
0x293: {  	v9 =	vmul.bf16 v9, v11  }
0x294: {  	v7 =	vld [tilespmem:s22+$0x40];
	v8 =	vmul.bf16 v1, v8;
	v6 =	vunpack.i.u.bf16.f32 v6;
	[tilespmem:s25+$0xFFFFFF80] =	vst v13  }
0x295: {  	v11 =	vadd.bf16 v2, v14;
	[tilespmem:s25+$0xFFFFFF90] =	vst v6;
	v13 =	vpop (erf);
	v6 =	vunpack.i.l.bf16.f32 v9  }
0x296: {  	(erf) = vpow2.bf16 v8;
	v8 =	vld [tilespmem:s22+$0xFFFFFF90];
	v9 =	vunpack.i.u.bf16.f32 v9;
	v5 =	vmul.bf16 v13, v5;
	[tilespmem:s20+$0xC0] =	vst v6  }
0x297: {  	v4 =	vadd.bf16 v2, v4;
	v10 =	vadd.bf16 v12, v10;
	v6 =	vld [tilespmem:s8+$0xFFFFFF90];
	[tilespmem:s20+$0xD0] =	vst v9  }
0x298: {  	(erf) = vrcp.bf16 v11;
	v13 =	vpop (erf);
	v9 =	vld [tilespmem:s11+$0xB0];
	v11 =	vunpack.i.u.bf16.f32 v5;
	v5 =	vunpack.i.l.bf16.f32 v5  }
0x299: {  	v7 =	vmul.bf16 v13, v7;
	[tilespmem:s25+$0xFFFFFF00] =	vst v5;
	v5 =	vmul.bf16 v1, v10;
	v10 =	vld [tilespmem:s21+$0xB0]  }
0x29a: {  	(erf) = vrcp.bf16 v4;
	[tilespmem:s25+$0xFFFFFF10] =	vst v11  }
0x29b: {  	v4 =	vunpack.i.l.bf16.f32 v7;
	v12 =	vld [tilespmem:s22+$0xFFFFFF10];
	v11 =	vpop (erf)  }
0x29c: {  	[tilespmem:s25+$0x0] =	vst v4;
	(erf) = vpow2.bf16 v5;
	v5 =	vadd.bf16 v6, v8;
	v4 =	vadd.bf16 v2, v11;
	v11 =	vld [tilespmem:s8+$0xFFFFFF10]  }
0x29d: {  	v7 =	vunpack.i.u.bf16.f32 v7  }
0x29e: {  	[tilespmem:s25+$0x10] =	vst v7;
	v5 =	vmul.bf16 v1, v5;
	(erf) = vrcp.bf16 v4;
	v4 =	vld [tilespmem:s11+$0xFFFFFFE0];
	v8 =	vadd.bf16 v10, v9  }
0x29f: {  	v6 =	vld [tilespmem:s22+$0x10]  }
0x2a0: {  	v7 =	vld [tilespmem:s8+$0x10];
	(erf) = vpow2.bf16 v5;
	v8 =	vmul.bf16 v1, v8  }
0x2a1: {  	v9 =	vpop (erf);
	v5 =	vadd.bf16 v11, v12  }
0x2a2: {  	v10 =	vld [tilespmem:s19+$0xF0];
	v12 =	vpop (erf);
	(erf) = vpow2.bf16 v8  }
0x2a3: {  	v5 =	vmul.bf16 v1, v5;
	v4 =	vmul.bf16 v12, v4  }
0x2a4: {  	v13 =	vpop (erf)  }
0x2a5: {  	v6 =	vadd.bf16 v7, v6;
	v7 =	vld [tilespmem:s11+$0xFFFFFF60];
	v14 =	vpop (erf);
	(erf) = vpow2.bf16 v5;
	v5 =	vunpack.i.u.bf16.f32 v4  }
0x2a6: {  	v12 =	vld [tilespmem:s19+$0xFFFFFF70];
	v4 =	vunpack.i.l.bf16.f32 v4  }
0x2a7: {  	v10 =	vmul.bf16 v3, v10;
	v15 =	vpop (erf)  }
0x2a8: {  	v11 =	vld [tilespmem:s19+$0xFFFFFFF0];
	v8 =	vmul.bf16 v1, v6;
	[tilespmem:s20+$0xFFFFFFD0] =	vst v5;
	v5 =	vpop (erf)  }
0x2a9: {  	v6 =	vld [tilespmem:s11+$0x60];
	v16 =	vunpack.i.u.bf16.f32 v10;
	[tilespmem:s20+$0xFFFFFFC0] =	vst v4;
	v4 =	vpop (erf)  }
0x2aa: {  	(erf) = vpow2.bf16 v8;
	v17 =	vld [tilespmem:s11+$0xFFFFFFB0];
	v5 =	vadd.bf16 v2, v5;
	v4 =	vmul.bf16 v4, v7  }
0x2ab: {  	[tilespmem:s9+$0xF0] =	vst v16;
	v16 =	vld [tilespmem:s21+$0xFFFFFFB0];
	v12 =	vmul.bf16 v14, v12;
	v7 =	vunpack.i.l.bf16.f32 v10;
	v10 =	vadd.bf16 v2, v9  }
0x2ac: {  	v3 =	vld [tilespmem:s19+$0x70];
	[tilespmem:s9+$0xE0] =	vst v7;
	(erf) = vrcp.bf16 v5;
	v5 =	vunpack.i.u.bf16.f32 v4;
	v14 =	vunpack.i.l.bf16.f32 v4  }
0x2ad: {  	v15 =	vmul.bf16 v15, v11;
	v8 =	vld [tilespmem:s22+$0xFFFFFFD0];
	v11 =	vpop (erf);
	[tilespmem:s20+$0xFFFFFF50] =	vst v5  }
0x2ae: {  	v9 =	vld [tilespmem:s22+$0xFFFFFF50];
	v11 =	vadd.bf16 v2, v11;
	v5 =	vunpack.i.l.bf16.f32 v12;
	(erf) = vrcp.bf16 v10;
	[tilespmem:s20+$0xFFFFFF40] =	vst v14  }
0x2af: {  	v7 =	vld [tilespmem:s22+$0x50];
	v10 =	vunpack.i.u.bf16.f32 v12;
	[tilespmem:s9+$0xFFFFFF60] =	vst v5;
	v5 =	vunpack.i.l.bf16.f32 v15;
	v14 =	vpop (erf)  }
0x2b0: {  	v4 =	vld [tilespmem:s11+$0xFFFFFFF0];
	[tilespmem:s9+$0xFFFFFF70] =	vst v10;
	v10 =	vadd.bf16 v16, v17;
	(erf) = vrcp.bf16 v11;
	v16 =	vadd.bf16 v2, v14  }
0x2b1: {  	v12 =	vld [tilespmem:s11+$0xFFFFFF30]  }
0x2b2: {  	v15 =	vunpack.i.u.bf16.f32 v15;
	[tilespmem:s9+$0xFFFFFFE0] =	vst v5;
	v14 =	vld [tilespmem:s22+$0xD0];
	v5 =	vpop (erf)  }
0x2b3: {  	v11 =	vadd.bf16 v2, v13;
	v13 =	vld [tilespmem:s21+$0xFFFFFF30];
	[tilespmem:s9+$0xFFFFFFF0] =	vst v15;
	v15 =	vadd.bf16 v2, v5;
	(erf) = vrcp.bf16 v16  }
0x2b4: {  	s17 =	simm.s32 $0x17C80;
	s18 =	simm.s32 $0x8;
	s19 =	simm.s32 $0x15680;
	v10 =	vmul.bf16 v1, v10;
	v5 =	vld [tilespmem:s11+$0xFFFFFF70];
	v16 =	vpop (erf)  }
.LBB2_8:
0x2b5: {  	v17 =	vld [tilespmem:s19+$0x80];
	v16 =	vadd.bf16 v2, v16;
	s8 =	sadd.s32 $0x200, s8;
	(erf) = vrcp.bf16 v15  }
0x2b6: {  	v15 =	vld [tilespmem:s8+$0x80];
	v18 =	vpop (erf)  }
0x2b7: {  	v19 =	vld [tilespmem:s8+$0xFFFFFF00];
	v14 =	vmul.bf16 v18, v14;
	(erf) = vrcp.bf16 v16  }
0x2b8: {  	v16 =	vld [tilespmem:s19+$0xFFFFFF80];
	v12 =	vadd.bf16 v13, v12;
	v13 =	vpop (erf)  }
0x2b9: {  	v20 =	vunpack.i.l.bf16.f32 v14;
	v6 =	vmul.bf16 v13, v6;
	v13 =	vld [tilespmem:s11+$0xF0];
	(erf) = vpow2.bf16 v10  }
0x2ba: {  	v14 =	vunpack.i.u.bf16.f32 v14;
	v10 =	vld [tilespmem:s8+$0xFFFFFF80];
	[tilespmem:s25+$0xA0] =	vst v20;
	v18 =	vpop (erf);
	v12 =	vmul.bf16 v1, v12  }
0x2bb: {  	v20 =	vld [tilespmem:s19+$0x0];
	v15 =	vadd.bf16 v15, v17;
	v8 =	vmul.bf16 v18, v8;
	[tilespmem:s25+$0xB0] =	vst v14;
	v14 =	vunpack.i.u.bf16.f32 v6  }
0x2bc: {  	s18 =	sadd.s32 $0x4, s18;
	v18 =	vunpack.i.l.bf16.f32 v6;
	v17 =	vld [tilespmem:s22+$0xA0];
	[tilespmem:s20+$0x50] =	vst v14;
	(erf) = vpow2.bf16 v12  }
0x2bd: {  	p0 =	slt.u32 s18, $0x24;
	v21 =	vmul.bf16 v1, v15;
	v14 =	vunpack.i.u.bf16.f32 v8;
	v8 =	vunpack.i.l.bf16.f32 v8;
	v15 =	vld [tilespmem:s17+$0xA0];
	[tilespmem:s20+$0x40] =	vst v18;
	v6 =	vpop (erf)  }
0x2be: {  	v18 =	vld [tilespmem:s8+$0x0];
	[tilespmem:s25+$0xFFFFFFA0] =	vst v8;
	v6 =	vmul.bf16 v6, v13  }
0x2bf: {  	v13 =	vld [tilespmem:s19+$0xFFFFFF00];
	v10 =	vadd.bf16 v10, v16;
	(erf) = vpow2.bf16 v21;
	[tilespmem:s25+$0xFFFFFFB0] =	vst v14;
	v12 =	vpop (erf)  }
0x2c0: {  	v8 =	vld [tilespmem:s19+$0xFFFFFF40];
	v21 =	vmul.bf16 v12, v9;
	v9 =	vunpack.i.u.bf16.f32 v6;
	v6 =	vunpack.i.l.bf16.f32 v6  }
0x2c1: {  	v14 =	vld [tilespmem:s19+$0xFFFFFFC0];
	v10 =	vmul.bf16 v1, v10;
	v16 =	vpop (erf);
	[tilespmem:s20+$0xF0] =	vst v9;
	(erf) = vrcp.bf16 v11  }
0x2c2: {  	v9 =	vld [tilespmem:s19+$0x40];
	v11 =	vunpack.i.u.bf16.f32 v21;
	v7 =	vmul.bf16 v16, v7;
	v15 =	vadd.bf16 v15, v17;
	[tilespmem:s20+$0xE0] =	vst v6  }
0x2c3: {  	v6 =	vadd.bf16 v18, v20;
	(erf) = vpow2.bf16 v10;
	v10 =	vunpack.i.l.bf16.f32 v21;
	[tilespmem:s25+$0xFFFFFF30] =	vst v11;
	v11 =	vld [tilespmem:s22+$0xFFFFFFA0];
	v12 =	vpop (erf)  }
0x2c4: {  	v13 =	vadd.bf16 v19, v13;
	[tilespmem:s25+$0xFFFFFF20] =	vst v10;
	v16 =	vld [tilespmem:s17+$0xFFFFFFA0];
	v10 =	vunpack.i.u.bf16.f32 v7;
	v15 =	vmul.bf16 v1, v15  }
0x2c5: {  	v18 =	vunpack.i.l.bf16.f32 v7;
	v12 =	vadd.bf16 v2, v12;
	v6 =	vmul.bf16 v1, v6;
	v17 =	vld [tilespmem:s22+$0xFFFFFF20];
	[tilespmem:s25+$0x30] =	vst v10  }
0x2c6: {  	v10 =	vmul.bf16 v1, v13;
	v13 =	vld [tilespmem:s17+$0xFFFFFF20];
	[tilespmem:s25+$0x20] =	vst v18;
	(erf) = vpow2.bf16 v15;
	v7 =	vpop (erf)  }
0x2c7: {  	v15 =	vld [tilespmem:s22+$0x20];
	v18 =	vadd.bf16 v2, v7  }
0x2c8: {  	(erf) = vpow2.bf16 v10;
	v19 =	vld [tilespmem:s17+$0x20]  }
0x2c9: {  	v7 =	vpop (erf);
	v10 =	vld [tilespmem:s22+$0xFFFFFF60];
	v11 =	vadd.bf16 v16, v11  }
0x2ca: {  	v16 =	vadd.bf16 v2, v7;
	(erf) = vpow2.bf16 v6;
	v7 =	vld [tilespmem:s22+$0xFFFFFFE0]  }
0x2cb: {  	v13 =	vadd.bf16 v13, v17;
	v11 =	vmul.bf16 v1, v11;
	v6 =	vld [tilespmem:s22+$0x60];
	v17 =	vpop (erf)  }
0x2cc: {  	(erf) = vrcp.bf16 v16;
	v16 =	vld [tilespmem:s11+$0x30];
	v17 =	vmul.bf16 v17, v3  }
0x2cd: {  	v3 =	vpop (erf);
	v13 =	vmul.bf16 v1, v13;
	v15 =	vadd.bf16 v19, v15;
	v19 =	vld [tilespmem:s21+$0x30];
	s21 =	smov.u32 s17;
	s17 =	smov.u32 s8  }
0x2ce: {  	v20 =	vadd.bf16 v2, v3;
	(erf) = vpow2.bf16 v11;
	v3 =	vld [tilespmem:s11+$0x70];
	v21 =	vunpack.i.u.bf16.f32 v17;
	s11 =	smov.u32 s22;
	s22 =	smov.u32 s19  }
0x2cf: {  	v17 =	vunpack.i.l.bf16.f32 v17;
	v15 =	vmul.bf16 v1, v15;
	[tilespmem:s9+$0x70] =	vst v21  }
0x2d0: {  	(erf) = vrcp.bf16 v20;
	v11 =	vpop (erf);
	[tilespmem:s9+$0x60] =	vst v17;
	s9 =	smov.u32 s20;
	s20 =	smov.u32 s25  }
0x2d1: {  	v21 =	vadd.bf16 v2, v11  }
0x2d2: {  	v17 =	vld [tilespmem:s19+$0xC0];
	v20 =	vpop (erf);
	v16 =	vadd.bf16 v19, v16  }
0x2d3: {  	v20 =	vadd.bf16 v2, v20;
	(erf) = vrcp.bf16 v21  }
0x2d4: {  	v11 =	vpop (erf);
	v16 =	vmul.bf16 v1, v16  }
0x2d5: {  	v21 =	vadd.bf16 v2, v11;
	(erf) = vrcp.bf16 v20  }
0x2d6: {  	v19 =	vpop (erf)  }
0x2d7: {  	v22 =	vmul.bf16 v19, v17;
	(erf) = vrcp.bf16 v21  }
0x2d8: {  	v11 =	vpop (erf)  }
0x2d9: {  	s25 =	sadd.s32 $0x200, s25;
	v19 =	vunpack.i.l.bf16.f32 v22;
	v11 =	vadd.bf16 v2, v11;
	v20 =	vld [tilespmem:s11+$0xE0];
	(erf) = vpow2.bf16 v13  }
0x2da: {  	v13 =	vunpack.i.u.bf16.f32 v22;
	[tilespmem:s25+$0x80] =	vst v19;
	v17 =	vpop (erf)  }
0x2db: {  	v14 =	vmul.bf16 v17, v14;
	[tilespmem:s25+$0x90] =	vst v13;
	(erf) = vpow2.bf16 v15  }
0x2dc: {  	v13 =	vld [tilespmem:s19+$0x90]  }
0x2dd: {  	v15 =	vunpack.i.u.bf16.f32 v14;
	v19 =	vunpack.i.l.bf16.f32 v14;
	v17 =	vld [tilespmem:s8+$0x90];
	(erf) = vrcp.bf16 v11;
	v11 =	vpop (erf)  }
0x2de: {  	[tilespmem:s25+$0xFFFFFF80] =	vst v19;
	v11 =	vmul.bf16 v11, v20  }
0x2df: {  	[tilespmem:s25+$0xFFFFFF90] =	vst v15;
	v14 =	vpop (erf);
	(erf) = vpow2.bf16 v16  }
0x2e0: {  	v14 =	vmul.bf16 v14, v8;
	v15 =	vld [tilespmem:s19+$0xFFFFFF90];
	v8 =	vunpack.i.l.bf16.f32 v11  }
0x2e1: {  	v11 =	vunpack.i.u.bf16.f32 v11;
	v16 =	vld [tilespmem:s8+$0xFFFFFF90];
	v19 =	vpop (erf);
	[tilespmem:s20+$0xC0] =	vst v8;
	(erf) = vrcp.bf16 v18  }
0x2e2: {  	v18 =	vunpack.i.u.bf16.f32 v14;
	v8 =	vld [tilespmem:s19+$0xFFFFFFD0];
	v9 =	vmul.bf16 v19, v9;
	v13 =	vadd.bf16 v17, v13;
	[tilespmem:s20+$0xD0] =	vst v11  }
0x2e3: {  	v11 =	vunpack.i.l.bf16.f32 v14;
	[tilespmem:s25+$0xFFFFFF10] =	vst v18;
	v14 =	vld [tilespmem:s11+$0xB0];
	v17 =	vpop (erf);
	(erf) = vrcp.bf16 v12  }
0x2e4: {  	[tilespmem:s25+$0xFFFFFF00] =	vst v11;
	v11 =	vunpack.i.u.bf16.f32 v9;
	v9 =	vunpack.i.l.bf16.f32 v9;
	v12 =	vmul.bf16 v1, v13;
	v13 =	vld [tilespmem:s21+$0xB0]  }
0x2e5: {  	v18 =	vld [tilespmem:s19+$0xFFFFFF10];
	[tilespmem:s25+$0x0] =	vst v9;
	v9 =	vadd.bf16 v2, v17;
	v17 =	vpop (erf)  }
0x2e6: {  	v19 =	vld [tilespmem:s8+$0xFFFFFF10];
	v15 =	vadd.bf16 v16, v15;
	[tilespmem:s25+$0x10] =	vst v11;
	(erf) = vpow2.bf16 v12;
	v12 =	vadd.bf16 v2, v17  }
0x2e7: {  	v16 =	vld [tilespmem:s19+$0x10];
	v11 =	vpop (erf)  }
0x2e8: {  	v15 =	vmul.bf16 v1, v15;
	v17 =	vld [tilespmem:s8+$0x10];
	(erf) = vrcp.bf16 v9  }
0x2e9: {  	v20 =	vmul.bf16 v11, v7;
	v9 =	vld [tilespmem:s19+$0xFFFFFF50];
	v13 =	vadd.bf16 v13, v14;
	v11 =	vpop (erf)  }
0x2ea: {  	v7 =	vld [tilespmem:s19+$0x50];
	(erf) = vpow2.bf16 v15;
	v11 =	vadd.bf16 v2, v11  }
0x2eb: {  	v15 =	vunpack.i.u.bf16.f32 v20;
	v14 =	vadd.bf16 v19, v18;
	v21 =	vmul.bf16 v1, v13;
	v18 =	vpop (erf)  }
0x2ec: {  	v19 =	vunpack.i.l.bf16.f32 v20;
	[tilespmem:s20+$0xFFFFFFD0] =	vst v15;
	v5 =	vmul.bf16 v18, v5  }
0x2ed: {  	v14 =	vmul.bf16 v1, v14;
	v15 =	vadd.bf16 v17, v16;
	[tilespmem:s20+$0xFFFFFFC0] =	vst v19;
	(erf) = vpow2.bf16 v21;
	v13 =	vpop (erf)  }
0x2ee: {  	v16 =	vld [tilespmem:s11+$0xFFFFFFB0];
	v17 =	vunpack.i.u.bf16.f32 v5;
	v18 =	vunpack.i.l.bf16.f32 v5;
	v13 =	vmul.bf16 v13, v4  }
0x2ef: {  	v15 =	vmul.bf16 v1, v15;
	(erf) = vpow2.bf16 v14;
	v14 =	vld [tilespmem:s21+$0xFFFFFFB0];
	[tilespmem:s9+$0xFFFFFF60] =	vst v18  }
0x2f0: {  	v5 =	vpop (erf);
	v4 =	vld [tilespmem:s11+$0xFFFFFFF0];
	[tilespmem:s9+$0xFFFFFF70] =	vst v17;
	v17 =	vunpack.i.u.bf16.f32 v13;
	v18 =	vunpack.i.l.bf16.f32 v13  }
0x2f1: {  	v5 =	vadd.bf16 v2, v5;
	(erf) = vpow2.bf16 v15;
	[tilespmem:s9+$0xFFFFFFE0] =	vst v18  }
0x2f2: {  	v13 =	vpop (erf);
	[tilespmem:s9+$0xFFFFFFF0] =	vst v17  }
0x2f3: {  	(erf) = vrcp.bf16 v5;
	v5 =	vmul.bf16 v13, v10  }
0x2f4: {  	v10 =	vpop (erf);
	v13 =	vadd.bf16 v14, v16  }
0x2f5: {  	v14 =	vadd.bf16 v2, v10;
	v10 =	vunpack.i.u.bf16.f32 v5;
	(erf) = vrcp.bf16 v12  }
0x2f6: {  	v12 =	vunpack.i.l.bf16.f32 v5;
	[tilespmem:s20+$0xFFFFFF50] =	vst v10;
	v10 =	vmul.bf16 v1, v13  }
.Ltmp3:
0x2f7: {  	(erf) = vrcp.bf16 v14;
	[tilespmem:s20+$0xFFFFFF40] =	vst v12;
	v5 =	vpop (erf);
	(pc) =	sbr.rel @p0 .LBB2_8-.Ltmp3, $4  }
0x2f8: {  	v12 =	vld [tilespmem:s11+$0xFFFFFF30];
	v5 =	vadd.bf16 v2, v5  }
0x2f9: {  	v14 =	vld [tilespmem:s19+$0xD0];
	v13 =	vpop (erf)  }
0x2fa: {  	v15 =	vadd.bf16 v2, v13;
	v13 =	vld [tilespmem:s21+$0xFFFFFF30];
	(erf) = vrcp.bf16 v5  }
0x2fb: {  	s19 =	sadd.s32 $0x200, s19;
	v16 =	vpop (erf);
	v5 =	vld [tilespmem:s11+$0xFFFFFF70]  }
0x2fc: {  	_ = 	snop  }
0x2fd: {  	v17 =	vpop (erf)  }
0x2fe: {  	v14 =	vmul.bf16 v17, v14;
	_ =	sdelay $0x1  }
0x2ff: {  	v17 =	vunpack.i.l.bf16.f32 v14  }
0x300: {  	v14 =	vunpack.i.u.bf16.f32 v14;
	[tilespmem:s25+$0xA0] =	vst v17  }
0x301: {  	[tilespmem:s25+$0xB0] =	vst v14  }
0x302: {  	v35 =	vadd.bf16 v2, v16;
	(erf) = vrcp.bf16 v15;
	v36 =	vld [tilespmem:s22+$0xA0]  }
0x303: {  	v37 =	vld [tilespmem:s17+$0xA0]  }
0x304: {  	(erf) = vrcp.bf16 v35;
	v12 =	vadd.bf16 v13, v12;
	_ =	sdelay $0x1  }
0x305: {  	v38 =	vpop (erf);
	(erf) = vpow2.bf16 v10;
	v39 =	vmul.bf16 v1, v12  }
0x306: {  	v40 =	vpop (erf)  }
0x307: {  	v8 =	vmul.bf16 v40, v8;
	(erf) = vpow2.bf16 v39;
	v41 =	vadd.bf16 v37, v36;
	_ =	sdelay $0x1  }
0x308: {  	v12 =	vunpack.i.l.bf16.f32 v8;
	(erf) = vrcp.bf16 v11;
	v10 =	vmul.bf16 v1, v41  }
0x309: {  	v8 =	vunpack.i.u.bf16.f32 v8;
	[tilespmem:s25+$0xFFFFFFA0] =	vst v12  }
0x30a: {  	[tilespmem:s25+$0xFFFFFFB0] =	vst v8;
	(erf) = vpow2.bf16 v10  }
0x30b: {  	v8 =	vld [tilespmem:s22+$0xFFFFFFA0]  }
0x30c: {  	v42 =	vld [tilespmem:s17+$0xFFFFFFA0];
	_ =	sdelay $0x1  }
0x30d: {  	v11 =	vpop (erf)  }
0x30e: {  	v43 =	vpop (erf)  }
0x30f: {  	v14 =	vpop (erf)  }
0x310: {  	v44 =	vpop (erf);
	v8 =	vadd.bf16 v42, v8  }
0x311: {  	v45 =	vpop (erf)  }
0x312: {  	v9 =	vmul.bf16 v43, v9;
	v8 =	vmul.bf16 v1, v8;
	v12 =	vpop (erf)  }
0x313: {  	v46 =	vpop (erf)  }
0x314: {  	v47 =	vunpack.i.u.bf16.f32 v9;
	(erf) = vpow2.bf16 v8;
	v48 =	vadd.bf16 v2, v46  }
0x315: {  	v7 =	vmul.bf16 v14, v7;
	v9 =	vunpack.i.l.bf16.f32 v9;
	[tilespmem:s25+$0xFFFFFF30] =	vst v47  }
0x316: {  	[tilespmem:s25+$0xFFFFFF20] =	vst v9;
	(erf) = vrcp.bf16 v48  }
0x317: {  	v49 =	vunpack.i.u.bf16.f32 v7;
	v9 =	vld [tilespmem:s22+$0xFFFFFF20]  }
0x318: {  	v6 =	vmul.bf16 v38, v6;
	v7 =	vunpack.i.l.bf16.f32 v7;
	v50 =	vld [tilespmem:s17+$0xFFFFFF20];
	[tilespmem:s25+$0x30] =	vst v49  }
0x319: {  	[tilespmem:s25+$0x20] =	vst v7  }
0x31a: {  	v51 =	vunpack.i.u.bf16.f32 v6;
	v52 =	vld [tilespmem:s22+$0x20]  }
0x31b: {  	v6 =	vunpack.i.l.bf16.f32 v6;
	[tilespmem:s20+$0x50] =	vst v51;
	v53 =	vld [tilespmem:s17+$0x20]  }
0x31c: {  	v54 =	vld [tilespmem:s22+$0xE0];
	[tilespmem:s20+$0x40] =	vst v6  }
0x31d: {  	v55 =	vld [tilespmem:s11+$0x30];
	v8 =	vadd.bf16 v50, v9  }
0x31e: {  	v56 =	vld [tilespmem:s21+$0x30]  }
0x31f: {  	v8 =	vmul.bf16 v1, v8;
	v57 =	vpop (erf)  }
0x320: {  	v7 =	vadd.bf16 v53, v52;
	v58 =	vpop (erf)  }
0x321: {  	(erf) = vpow2.bf16 v8;
	v6 =	vmul.bf16 v58, v54  }
0x322: {  	v7 =	vmul.bf16 v1, v7  }
0x323: {  	v59 =	vadd.bf16 v56, v55;
	v60 =	vunpack.i.l.bf16.f32 v6  }
0x324: {  	v61 =	vadd.bf16 v2, v57;
	(erf) = vpow2.bf16 v7;
	v6 =	vunpack.i.u.bf16.f32 v6;
	[tilespmem:s25+$0xC0] =	vst v60  }
0x325: {  	[tilespmem:s25+$0xD0] =	vst v6  }
0x326: {  	v62 =	vmul.bf16 v1, v59;
	(erf) = vrcp.bf16 v61;
	v63 =	vld [tilespmem:s22+$0xB0]  }
0x327: {  	v13 =	vld [tilespmem:s17+$0xB0]  }
0x328: {  	v14 =	vadd.bf16 v2, v45;
	(erf) = vpow2.bf16 v62;
	_ =	sdelay $0x1  }
0x329: {  	v15 =	vadd.bf16 v2, v44;
	(erf) = vrcp.bf16 v14  }
0x32a: {  	v16 =	vpop (erf)  }
0x32b: {  	(erf) = vrcp.bf16 v15;
	v17 =	vadd.bf16 v2, v16;
	v7 =	vadd.bf16 v13, v63;
	_ =	sdelay $0x1  }
0x32c: {  	(erf) = vrcp.bf16 v17;
	v18 =	vmul.bf16 v1, v7  }
0x32d: {  	v19 =	vpop (erf)  }
0x32e: {  	v7 =	vadd.bf16 v2, v19;
	(erf) = vpow2.bf16 v18;
	_ =	sdelay $0x1  }
0x32f: {  	v20 =	vld [tilespmem:s22+$0xFFFFFFE0];
	(erf) = vrcp.bf16 v7;
	_ =	sdelay $0x1  }
0x330: {  	v22 =	vld [tilespmem:s22+$0xFFFFFF60];
	v21 =	vpop (erf)  }
0x331: {  	v23 =	vpop (erf)  }
0x332: {  	v24 =	vpop (erf)  }
0x333: {  	v6 =	vmul.bf16 v21, v20;
	v25 =	vpop (erf)  }
0x334: {  	v26 =	vld [tilespmem:s22+$0x60];
	v27 =	vpop (erf)  }
0x335: {  	v28 =	vunpack.i.u.bf16.f32 v6;
	v8 =	vmul.bf16 v27, v22  }
0x336: {  	v6 =	vunpack.i.l.bf16.f32 v6;
	[tilespmem:s25+$0xFFFFFFD0] =	vst v28  }
0x337: {  	[tilespmem:s25+$0xFFFFFFC0] =	vst v6;
	v29 =	vunpack.i.u.bf16.f32 v8;
	v30 =	vpop (erf)  }
0x338: {  	v15 =	vld [tilespmem:s22+$0xFFFFFFB0];
	v8 =	vunpack.i.l.bf16.f32 v8;
	[tilespmem:s25+$0xFFFFFF50] =	vst v29;
	v31 =	vpop (erf)  }
0x339: {  	v32 =	vld [tilespmem:s17+$0xFFFFFFB0];
	[tilespmem:s25+$0xFFFFFF40] =	vst v8;
	v6 =	vmul.bf16 v31, v26  }
0x33a: {  	v8 =	vld [tilespmem:s22+$0xFFFFFF30]  }
0x33b: {  	v33 =	vld [tilespmem:s17+$0xFFFFFF30];
	v34 =	vunpack.i.u.bf16.f32 v6  }
0x33c: {  	v6 =	vunpack.i.l.bf16.f32 v6;
	[tilespmem:s25+$0x50] =	vst v34  }
0x33d: {  	[tilespmem:s25+$0x40] =	vst v6  }
0x33e: {  	v35 =	vadd.bf16 v32, v15;
	v14 =	vadd.bf16 v2, v30;
	v36 =	vld [tilespmem:s22+$0x30]  }
0x33f: {  	v37 =	vld [tilespmem:s17+$0x30]  }
0x340: {  	v8 =	vadd.bf16 v33, v8;
	(erf) = vrcp.bf16 v14;
	v6 =	vmul.bf16 v1, v35;
	_ =	sdelay $0x1  }
0x341: {  	v38 =	vmul.bf16 v1, v8;
	(erf) = vpow2.bf16 v6;
	_ =	sdelay $0x1  }
0x342: {  	v39 =	vadd.bf16 v2, v23;
	(erf) = vpow2.bf16 v38;
	v40 =	vadd.bf16 v37, v36;
	_ =	sdelay $0x1  }
0x343: {  	(erf) = vrcp.bf16 v39;
	v6 =	vmul.bf16 v1, v40;
	_ =	sdelay $0x1  }
0x344: {  	(erf) = vpow2.bf16 v6;
	_ =	sdelay $0x3  }
0x345: {  	v42 =	vpop (erf)  }
0x346: {  	v43 =	vpop (erf)  }
0x347: {  	v44 =	vpop (erf)  }
0x348: {  	v13 =	vadd.bf16 v2, v44  }
0x349: {  	v3 =	vmul.bf16 v12, v3  }
0x34a: {  	v48 =	vld [tilespmem:s22+$0xF0];
	v9 =	vadd.bf16 v2, v43;
	v45 =	vpop (erf);
	(erf) = vrcp.bf16 v13  }
0x34b: {  	v41 =	vld [tilespmem:s11+$0xF0];
	v50 =	vunpack.i.u.bf16.f32 v3;
	v5 =	vmul.bf16 v24, v5;
	v47 =	vpop (erf)  }
0x34c: {  	v3 =	vunpack.i.l.bf16.f32 v3;
	[tilespmem:s9+$0x70] =	vst v50;
	(erf) = vrcp.bf16 v9;
	v49 =	vadd.bf16 v2, v47  }
0x34d: {  	[tilespmem:s9+$0x60] =	vst v3;
	v3 =	vunpack.i.l.bf16.f32 v5;
	v4 =	vmul.bf16 v25, v4  }
0x34e: {  	v51 =	vld [tilespmem:s11+$0x70];
	v5 =	vunpack.i.u.bf16.f32 v5;
	[tilespmem:s20+$0xFFFFFF60] =	vst v3;
	(erf) = vrcp.bf16 v49  }
0x34f: {  	[tilespmem:s20+$0xFFFFFF70] =	vst v5;
	v52 =	vunpack.i.l.bf16.f32 v4;
	v53 =	vmul.bf16 v42, v48  }
0x350: {  	v4 =	vunpack.i.u.bf16.f32 v4;
	[tilespmem:s20+$0xFFFFFFE0] =	vst v52;
	v3 =	vld [tilespmem:s22+$0xFFFFFF70];
	v6 =	vmul.bf16 v11, v41  }
0x351: {  	[tilespmem:s20+$0xFFFFFFF0] =	vst v4;
	v55 =	vunpack.i.u.bf16.f32 v53  }
0x352: {  	v54 =	vld [tilespmem:s22+$0xFFFFFFF0];
	[tilespmem:s25+$0xF0] =	vst v55;
	v46 =	vunpack.i.u.bf16.f32 v6  }
0x353: {  	v6 =	vunpack.i.l.bf16.f32 v6;
	[tilespmem:s20+$0xF0] =	vst v46;
	v56 =	vmul.bf16 v45, v51  }
0x354: {  	v57 =	vld [tilespmem:s22+$0x70];
	[tilespmem:s20+$0xE0] =	vst v6;
	v6 =	vunpack.i.l.bf16.f32 v53;
	v58 =	vpop (erf)  }
0x355: {  	[tilespmem:s25+$0xE0] =	vst v6;
	v59 =	vunpack.i.u.bf16.f32 v56;
	v3 =	vmul.bf16 v58, v3  }
0x356: {  	v5 =	vunpack.i.l.bf16.f32 v56;
	[tilespmem:s20+$0x70] =	vst v59;
	v60 =	vpop (erf)  }
0x357: {  	[tilespmem:s20+$0x60] =	vst v5;
	v61 =	vunpack.i.l.bf16.f32 v3;
	v6 =	vmul.bf16 v60, v54  }
0x358: {  	v3 =	vunpack.i.u.bf16.f32 v3;
	[tilespmem:s25+$0xFFFFFF60] =	vst v61;
	v62 =	vpop (erf)  }
0x359: {  	[tilespmem:s25+$0xFFFFFF70] =	vst v3;
	v3 =	vunpack.i.l.bf16.f32 v6;
	v4 =	vmul.bf16 v62, v57  }
0x35a: {  	v63 =	vunpack.i.u.bf16.f32 v6;
	[tilespmem:s25+$0xFFFFFFE0] =	vst v3  }
0x35b: {  	[tilespmem:s25+$0xFFFFFFF0] =	vst v63;
	v3 =	vunpack.i.u.bf16.f32 v4  }
0x35c: {  	v4 =	vunpack.i.l.bf16.f32 v4;
	[tilespmem:s25+$0x70] =	vst v3  }
0x35d: {  	[tilespmem:s25+$0x60] =	vst v4  }
0x35e: {  	_ =	swait.ge [sflag:s12], $0x28  }
0x35f: {  	[sflag:s12] =	ssyncset.done $0x0  }
0x360: {  	s2 =	simm.s32 $0x19F80;
	s21 =	simm.s32 $0x0;
	[sflag:s12] =	ssyncadd.s32 $0xFFFFFFD8  }
0x361: {  	[spmem:s26] =	stream.indirect.scatter.add.f32 [tilespmem:s2], [sflag:$0xC], $0x80, s10, s30, $0xb8;
	[tilespmem:$0x1B380] =	vst v63  }
.LBB2_10:
0x362: {  	_ =	swait.ge [sflag:s31], $0x28  }
0x363: {  	[sflag:s31] =	ssyncset.done $0x0  }
0x364: {  	[sflag:s31] =	ssyncadd.s32 $0xFFFFFFD8  }
0x365: {  	_ =	swait.ge [sflag:s0], $0x28  }
0x366: {  	[sflag:s0] =	ssyncset.done $0x0  }
0x367: {  	s2 =	simm.s32 $0x13900;
	s8 =	simm.s32 $0x14F80;
	[sflag:s0] =	ssyncadd.s32 $0xFFFFFFD8  }
0x368: {  	[tilespmem:s8], [sflag:$0x8] =	stream.indirect.gather [hbm4b:s1+s30], $0x80, s2, s30, $0xb8;
	[tilespmem:$0x1B380] =	vst v63  }
0x369: {  	s9 =	simm.s32 $0x13A00;
	s11 =	simm.s32 $0x17780  }
0x36a: {  	[tilespmem:s11], [sflag:$0xA] =	stream.indirect.gather [hbm4b:s5+s30], $0x80, s9, s30, $0xb8;
	[tilespmem:$0x1B380] =	vst v63  }
0x36b: {  	_ =	swait.ge [sflag:s13], $0x1400  }
0x36c: {  	[sflag:s13] =	ssyncset.done $0x0  }
0x36d: {  	[sflag:s13] =	ssyncadd.s32 $0xFFFFEC00  }
0x36e: {  	_ =	swait.ge [sflag:s14], $0x1400  }
0x36f: {  	s17 =	smov.u32 s21;
	s21 =	sadd.s32 $0x1, s21;
	[sflag:s14] =	ssyncset.done $0x0  }
0x370: {  	s9 =	sshll.u32 s21, $0x1;
	s18 =	rddreg [dreg:$0x4];
	[sflag:s14] =	ssyncadd.s32 $0xFFFFEC00  }
0x371: {  	s8 =	sadd.s32 s18, s9;
	_ =	swait.ge [sflag:s28], $0x1400  }
0x372: {  	p0 =	seq.s32 s17, $0x7B;
	s8 =	smul.u32 $0x5, s8;
	s2 =	rddreg [dreg:$0xd]  }
0x373: {  	s11 =	simm.s32 $0x13A80;
	[sflag:s28] =	ssyncset.done $0x0;
	s2 =	sadd.s32 @!p0 s9, s2  }
0x374: {  	[sflag:s28] =	ssyncadd.s32 $0xFFFFEC00;
	s8 =	sadd.s32 s7, s8;
	s2 =	smul.u32 @!p0 $0x5, s2  }
0x375: {  	[tilespmem:s11], [sflag:$0x5] =	stream.linear.gather [hbm4b:s8+s3], $0x28, $0x38;
	[tilespmem:$0x1B380] =	vst v63  }
0x376: {  	s17 =	simm.s32 @!p0 $0x13880;
	s11 =	simm.s32 @!p0 $0x0;
	s8 =	sadd.s32 @!p0 s6, s2  }
0x377: {  	[tilespmem:s17], [sflag:$0x1] =	stream.linear.gather @!p0 [hbm4b:s8+s11], $0x28, $0x38;
	[tilespmem:$0x1B380] =	vst v63  }
0x378: {  	s18 =	simm.s32 $0x13C80;
	s2 =	sadd.s32 @!p0 s7, s2;
	s8 =	simm.s32 @!p0 $0x13980  }
0x379: {  	[tilespmem:s8], [sflag:$0x3] =	stream.linear.gather @!p0 [hbm4b:s2+s11], $0x28, $0x38;
	[tilespmem:$0x1B380] =	vst v63  }
0x37a: {  	s19 =	simm.s32 $0x16480;
	v3 =	vld [tilespmem:s18+$0x80]  }
0x37b: {  	v4 =	vld [tilespmem:s19+$0x80];
	_ =	sdelay $0x4  }
0x37c: {  	v5 =	vld [tilespmem:s19+$0xFFFFFF80];
	v3 =	vadd.bf16 v4, v3  }
0x37d: {  	v4 =	vld [tilespmem:s18+$0xFFFFFF80]  }
0x37e: {  	v6 =	vld [tilespmem:s19+$0xFFFFFF00];
	v3 =	vmul.bf16 v1, v3  }
0x37f: {  	v7 =	vld [tilespmem:s18+$0xFFFFFF00]  }
0x380: {  	(erf) = vpow2.bf16 v3  }
0x381: {  	v8 =	vld [tilespmem:s19+$0x0]  }
0x382: {  	v3 =	vld [tilespmem:s18+$0x0];
	v4 =	vadd.bf16 v5, v4;
	_ =	sdelay $0x1  }
0x383: {  	v5 =	vadd.bf16 v6, v7;
	v4 =	vmul.bf16 v1, v4;
	_ =	sdelay $0x1  }
0x384: {  	(erf) = vpow2.bf16 v4;
	v4 =	vmul.bf16 v1, v5  }
0x385: {  	v3 =	vadd.bf16 v8, v3  }
0x386: {  	(erf) = vpow2.bf16 v4  }
0x387: {  	v3 =	vmul.bf16 v1, v3  }
0x388: {  	v4 =	vpop (erf)  }
0x389: {  	(erf) = vpow2.bf16 v3;
	v4 =	vadd.bf16 v2, v4;
	_ =	sdelay $0x1  }
0x38a: {  	(erf) = vrcp.bf16 v4;
	_ =	sdelay $0x2  }
0x38b: {  	v3 =	vpop (erf)  }
0x38c: {  	v3 =	vadd.bf16 v2, v3  }
0x38d: {  	v5 =	vpop (erf)  }
0x38e: {  	v4 =	vld [tilespmem:s18+$0xC0];
	(erf) = vrcp.bf16 v3;
	v3 =	vadd.bf16 v2, v5;
	_ =	sdelay $0x1  }
0x38f: {  	v5 =	vpop (erf);
	(erf) = vrcp.bf16 v3  }
0x390: {  	v5 =	vadd.bf16 v2, v5  }
0x391: {  	v3 =	vpop (erf)  }
0x392: {  	(erf) = vrcp.bf16 v5;
	v3 =	vmul.bf16 v3, v4  }
0x393: {  	v4 =	vld [tilespmem:s18+$0xFFFFFFC0]  }
0x394: {  	s11 =	simm.s32 $0x18C80;
	v5 =	vunpack.i.l.bf16.f32 v3  }
0x395: {  	v6 =	vld [tilespmem:s18+$0xFFFFFF40];
	v3 =	vunpack.i.u.bf16.f32 v3;
	[tilespmem:s11+$0x80] =	vst v5  }
0x396: {  	v5 =	vld [tilespmem:s18+$0x40];
	[tilespmem:s11+$0x90] =	vst v3  }
0x397: {  	v3 =	vld [tilespmem:s18+$0x90];
	v7 =	vpop (erf)  }
0x398: {  	v8 =	vld [tilespmem:s19+$0x90];
	v4 =	vmul.bf16 v7, v4  }
0x399: {  	v7 =	vpop (erf)  }
0x39a: {  	v9 =	vunpack.i.l.bf16.f32 v4;
	v6 =	vmul.bf16 v7, v6  }
0x39b: {  	v4 =	vunpack.i.u.bf16.f32 v4;
	[tilespmem:s11+$0xFFFFFF80] =	vst v9  }
0x39c: {  	[tilespmem:s11+$0xFFFFFF90] =	vst v4;
	v7 =	vpop (erf);
	v4 =	vunpack.i.u.bf16.f32 v6  }
0x39d: {  	v3 =	vadd.bf16 v8, v3;
	v6 =	vunpack.i.l.bf16.f32 v6;
	v5 =	vmul.bf16 v7, v5;
	v7 =	vld [tilespmem:s18+$0xFFFFFF90];
	[tilespmem:s11+$0xFFFFFF10] =	vst v4  }
0x39e: {  	v4 =	vld [tilespmem:s19+$0xFFFFFF90];
	[tilespmem:s11+$0xFFFFFF00] =	vst v6  }
0x39f: {  	v3 =	vmul.bf16 v1, v3;
	v8 =	vld [tilespmem:s18+$0xFFFFFF10];
	v6 =	vunpack.i.l.bf16.f32 v5  }
0x3a0: {  	v5 =	vunpack.i.u.bf16.f32 v5;
	[tilespmem:s11+$0x0] =	vst v6;
	v6 =	vld [tilespmem:s19+$0xFFFFFF10]  }
0x3a1: {  	[tilespmem:s11+$0x10] =	vst v5;
	(erf) = vpow2.bf16 v3  }
0x3a2: {  	v3 =	vld [tilespmem:s18+$0x10]  }
0x3a3: {  	v5 =	vld [tilespmem:s19+$0x10];
	v4 =	vadd.bf16 v4, v7;
	_ =	sdelay $0x1  }
0x3a4: {  	v4 =	vmul.bf16 v1, v4;
	v6 =	vadd.bf16 v6, v8;
	_ =	sdelay $0x1  }
0x3a5: {  	(erf) = vpow2.bf16 v4;
	v4 =	vmul.bf16 v1, v6  }
0x3a6: {  	v3 =	vadd.bf16 v5, v3;
	_ =	sdelay $0x1  }
0x3a7: {  	v3 =	vmul.bf16 v1, v3;
	(erf) = vpow2.bf16 v4  }
0x3a8: {  	v4 =	vpop (erf)  }
0x3a9: {  	(erf) = vpow2.bf16 v3;
	v4 =	vadd.bf16 v2, v4;
	_ =	sdelay $0x1  }
0x3aa: {  	(erf) = vrcp.bf16 v4;
	_ =	sdelay $0x3  }
0x3ab: {  	v3 =	vpop (erf)  }
0x3ac: {  	v3 =	vadd.bf16 v2, v3  }
0x3ad: {  	v4 =	vld [tilespmem:s18+$0xD0];
	_ =	sdelay $0x1  }
0x3ae: {  	s25 =	simm.s32 $0x16680;
	v5 =	vpop (erf);
	(erf) = vrcp.bf16 v3  }
0x3af: {  	s20 =	simm.s32 $0x13E80;
	v7 =	vld [tilespmem:s25+$0x80];
	v3 =	vpop (erf)  }
0x3b0: {  	v6 =	vld [tilespmem:s20+$0x80];
	v8 =	vpop (erf)  }
0x3b1: {  	v4 =	vmul.bf16 v8, v4;
	_ =	sdelay $0x1  }
0x3b2: {  	v10 =	vld [tilespmem:s20+$0xFFFFFF80];
	v5 =	vadd.bf16 v2, v5;
	v9 =	vunpack.i.l.bf16.f32 v4  }
0x3b3: {  	v8 =	vld [tilespmem:s18+$0xFFFFFFD0];
	v4 =	vunpack.i.u.bf16.f32 v4;
	[tilespmem:s11+$0xA0] =	vst v9  }
0x3b4: {  	v6 =	vadd.bf16 v7, v6;
	v3 =	vadd.bf16 v2, v3;
	(erf) = vrcp.bf16 v5;
	v5 =	vld [tilespmem:s25+$0xFFFFFF80];
	[tilespmem:s11+$0xB0] =	vst v4  }
0x3b5: {  	v4 =	vld [tilespmem:s18+$0xA0]  }
0x3b6: {  	(erf) = vrcp.bf16 v3;
	v3 =	vmul.bf16 v1, v6;
	v6 =	vld [tilespmem:s19+$0xA0]  }
0x3b7: {  	v11 =	vld [tilespmem:s20+$0xFFFFFF00];
	v9 =	vpop (erf)  }
0x3b8: {  	v7 =	vld [tilespmem:s25+$0xFFFFFF00];
	v8 =	vmul.bf16 v9, v8  }
0x3b9: {  	(erf) = vpow2.bf16 v3;
	v3 =	vld [tilespmem:s20+$0x0];
	v5 =	vadd.bf16 v5, v10  }
0x3ba: {  	v9 =	vld [tilespmem:s25+$0x0];
	v10 =	vunpack.i.l.bf16.f32 v8  }
0x3bb: {  	v5 =	vmul.bf16 v1, v5;
	v4 =	vadd.bf16 v6, v4;
	v6 =	vunpack.i.u.bf16.f32 v8;
	[tilespmem:s11+$0xFFFFFFA0] =	vst v10  }
0x3bc: {  	[tilespmem:s11+$0xFFFFFFB0] =	vst v6  }
0x3bd: {  	(erf) = vpow2.bf16 v5;
	v5 =	vadd.bf16 v7, v11;
	v4 =	vmul.bf16 v1, v4;
	v6 =	vld [tilespmem:s18+$0xFFFFFFA0]  }
0x3be: {  	v7 =	vld [tilespmem:s19+$0xFFFFFFA0]  }
0x3bf: {  	v5 =	vmul.bf16 v1, v5;
	v3 =	vadd.bf16 v9, v3;
	(erf) = vpow2.bf16 v4  }
0x3c0: {  	v4 =	vld [tilespmem:s18+$0xFFFFFF50]  }
0x3c1: {  	v8 =	vpop (erf);
	v3 =	vmul.bf16 v1, v3;
	(erf) = vpow2.bf16 v5  }
0x3c2: {  	v9 =	vpop (erf)  }
0x3c3: {  	v5 =	vpop (erf);
	(erf) = vpow2.bf16 v3;
	v3 =	vadd.bf16 v7, v6  }
0x3c4: {  	v5 =	vadd.bf16 v2, v5  }
0x3c5: {  	v4 =	vmul.bf16 v8, v4;
	v3 =	vmul.bf16 v1, v3  }
0x3c6: {  	(erf) = vrcp.bf16 v5;
	v5 =	vld [tilespmem:s18+$0x50]  }
0x3c7: {  	v7 =	vpop (erf);
	v6 =	vunpack.i.u.bf16.f32 v4  }
0x3c8: {  	[tilespmem:s11+$0xFFFFFF30] =	vst v6;
	v6 =	vadd.bf16 v2, v7;
	(erf) = vpow2.bf16 v3  }
0x3c9: {  	v4 =	vunpack.i.l.bf16.f32 v4;
	v3 =	vpop (erf)  }
0x3ca: {  	[tilespmem:s11+$0xFFFFFF20] =	vst v4;
	(erf) = vrcp.bf16 v6;
	v3 =	vadd.bf16 v2, v3  }
0x3cb: {  	v4 =	vld [tilespmem:s18+$0xFFFFFF20];
	v5 =	vmul.bf16 v9, v5;
	v7 =	vpop (erf)  }
0x3cc: {  	v8 =	vld [tilespmem:s19+$0xFFFFFF20];
	v7 =	vadd.bf16 v2, v7;
	(erf) = vrcp.bf16 v3  }
0x3cd: {  	v6 =	vld [tilespmem:s20+$0xC0];
	v3 =	vunpack.i.u.bf16.f32 v5;
	v5 =	vunpack.i.l.bf16.f32 v5;
	v9 =	vpop (erf)  }
0x3ce: {  	[tilespmem:s11+$0x30] =	vst v3;
	v3 =	vadd.bf16 v2, v9;
	(erf) = vrcp.bf16 v7;
	_ =	sdelay $0x1  }
0x3cf: {  	[tilespmem:s11+$0x20] =	vst v5;
	v7 =	vld [tilespmem:s20+$0xFFFFFFC0];
	v5 =	vpop (erf);
	(erf) = vrcp.bf16 v3  }
0x3d0: {  	v9 =	vld [tilespmem:s18+$0x20]  }
0x3d1: {  	v4 =	vadd.bf16 v8, v4;
	v5 =	vmul.bf16 v5, v6;
	v3 =	vld [tilespmem:s19+$0x20]  }
0x3d2: {  	v8 =	vld [tilespmem:s18+$0xE0]  }
0x3d3: {  	s22 =	simm.s32 $0x18E80;
	v4 =	vmul.bf16 v1, v4;
	v11 =	vpop (erf);
	v6 =	vunpack.i.l.bf16.f32 v5  }
0x3d4: {  	v10 =	vld [tilespmem:s20+$0xFFFFFF40];
	v5 =	vunpack.i.u.bf16.f32 v5;
	[tilespmem:s22+$0x80] =	vst v6;
	v12 =	vpop (erf)  }
0x3d5: {  	v6 =	vld [tilespmem:s20+$0x40];
	[tilespmem:s22+$0x90] =	vst v5;
	(erf) = vpow2.bf16 v4;
	v4 =	vmul.bf16 v12, v7  }
0x3d6: {  	v5 =	vld [tilespmem:s20+$0x90];
	v3 =	vadd.bf16 v3, v9;
	v9 =	vpop (erf)  }
0x3d7: {  	v7 =	vld [tilespmem:s25+$0x90];
	v12 =	vunpack.i.l.bf16.f32 v4;
	v8 =	vmul.bf16 v9, v8  }
0x3d8: {  	v4 =	vunpack.i.u.bf16.f32 v4;
	v3 =	vmul.bf16 v1, v3;
	[tilespmem:s22+$0xFFFFFF80] =	vst v12;
	v9 =	vpop (erf)  }
0x3d9: {  	[tilespmem:s22+$0xFFFFFF90] =	vst v4;
	v4 =	vmul.bf16 v9, v10;
	v9 =	vunpack.i.l.bf16.f32 v8;
	v10 =	vadd.bf16 v2, v11;
	v11 =	vpop (erf)  }
0x3da: {  	(erf) = vpow2.bf16 v3;
	v3 =	vld [tilespmem:s20+$0xFFFFFF90];
	v8 =	vunpack.i.u.bf16.f32 v8;
	[tilespmem:s11+$0xC0] =	vst v9;
	v6 =	vmul.bf16 v11, v6  }
0x3db: {  	v9 =	vld [tilespmem:s25+$0xFFFFFF90];
	[tilespmem:s11+$0xD0] =	vst v8;
	v12 =	vunpack.i.u.bf16.f32 v4;
	v4 =	vunpack.i.l.bf16.f32 v4  }
0x3dc: {  	v5 =	vadd.bf16 v7, v5;
	v7 =	vld [tilespmem:s18+$0xB0];
	[tilespmem:s22+$0xFFFFFF00] =	vst v4;
	v4 =	vunpack.i.l.bf16.f32 v6  }
0x3dd: {  	v8 =	vld [tilespmem:s19+$0xB0];
	[tilespmem:s22+$0xFFFFFF10] =	vst v12  }
0x3de: {  	(erf) = vrcp.bf16 v10;
	v5 =	vmul.bf16 v1, v5;
	v10 =	vld [tilespmem:s20+$0xFFFFFF10]  }
0x3df: {  	v6 =	vunpack.i.u.bf16.f32 v6;
	v11 =	vld [tilespmem:s25+$0xFFFFFF10];
	[tilespmem:s22+$0x0] =	vst v4;
	v4 =	vpop (erf)  }
0x3e0: {  	(erf) = vpow2.bf16 v5;
	v3 =	vadd.bf16 v9, v3;
	v4 =	vadd.bf16 v2, v4  }
0x3e1: {  	[tilespmem:s22+$0x10] =	vst v6  }
0x3e2: {  	v5 =	vld [tilespmem:s20+$0x10];
	v3 =	vmul.bf16 v1, v3;
	(erf) = vrcp.bf16 v4;
	v4 =	vadd.bf16 v8, v7  }
0x3e3: {  	v6 =	vld [tilespmem:s25+$0x10]  }
0x3e4: {  	(erf) = vpow2.bf16 v3;
	v3 =	vadd.bf16 v11, v10;
	v4 =	vmul.bf16 v1, v4;
	_ =	sdelay $0x1  }
0x3e5: {  	v3 =	vmul.bf16 v1, v3;
	(erf) = vpow2.bf16 v4  }
0x3e6: {  	v7 =	vld [tilespmem:s18+$0xFFFFFFE0]  }
0x3e7: {  	v5 =	vadd.bf16 v6, v5;
	v4 =	vpop (erf);
	(erf) = vpow2.bf16 v3;
	v3 =	vld [tilespmem:s18+$0xFFFFFF60];
	_ =	sdelay $0x1  }
0x3e8: {  	v5 =	vmul.bf16 v1, v5;
	v6 =	vpop (erf)  }
0x3e9: {  	v8 =	vpop (erf)  }
0x3ea: {  	(erf) = vpow2.bf16 v5;
	v5 =	vmul.bf16 v6, v7;
	v8 =	vadd.bf16 v2, v8;
	v7 =	vpop (erf)  }
0x3eb: {  	v3 =	vmul.bf16 v7, v3  }
0x3ec: {  	v6 =	vunpack.i.u.bf16.f32 v5;
	(erf) = vrcp.bf16 v8  }
0x3ed: {  	v7 =	vunpack.i.u.bf16.f32 v3;
	v3 =	vunpack.i.l.bf16.f32 v3  }
0x3ee: {  	v5 =	vunpack.i.l.bf16.f32 v5;
	[tilespmem:s11+$0xFFFFFFD0] =	vst v6  }
0x3ef: {  	v4 =	vadd.bf16 v2, v4;
	[tilespmem:s11+$0xFFFFFFC0] =	vst v5;
	v6 =	vpop (erf)  }
0x3f0: {  	v5 =	vld [tilespmem:s18+$0xFFFFFFB0];
	[tilespmem:s11+$0xFFFFFF40] =	vst v3;
	v3 =	vpop (erf)  }
0x3f1: {  	v8 =	vld [tilespmem:s19+$0xFFFFFFB0];
	(erf) = vrcp.bf16 v4;
	v6 =	vadd.bf16 v2, v6;
	v3 =	vadd.bf16 v2, v3  }
0x3f2: {  	v4 =	vld [tilespmem:s20+$0xD0];
	[tilespmem:s11+$0xFFFFFF50] =	vst v7  }
0x3f3: {  	v9 =	vld [tilespmem:s19+$0xFFFFFF30];
	(erf) = vrcp.bf16 v6  }
0x3f4: {  	s15 =	smov.u32 s26;
	s26 =	simm.s32 $0x14080;
	v6 =	vld [tilespmem:s18+$0xFFFFFF30];
	v7 =	vpop (erf)  }
0x3f5: {  	s17 =	simm.s32 $0x16880;
	v10 =	vld [tilespmem:s26+$0x80];
	v7 =	vadd.bf16 v2, v7;
	(erf) = vrcp.bf16 v3;
	v3 =	vpop (erf)  }
0x3f6: {  	v5 =	vadd.bf16 v8, v5;
	v8 =	vld [tilespmem:s17+$0x80];
	v11 =	vpop (erf)  }
0x3f7: {  	(erf) = vrcp.bf16 v7;
	v3 =	vadd.bf16 v2, v3;
	v4 =	vmul.bf16 v11, v4  }
0x3f8: {  	v13 =	vld [tilespmem:s26+$0x0];
	v5 =	vmul.bf16 v1, v5  }
0x3f9: {  	v7 =	vld [tilespmem:s20+$0xFFFFFFD0];
	(erf) = vrcp.bf16 v3;
	v3 =	vadd.bf16 v9, v6;
	v6 =	vunpack.i.l.bf16.f32 v4  }
0x3fa: {  	v9 =	vld [tilespmem:s26+$0xFFFFFF80];
	v4 =	vunpack.i.u.bf16.f32 v4;
	[tilespmem:s22+$0xA0] =	vst v6  }
0x3fb: {  	(erf) = vpow2.bf16 v5;
	v5 =	vld [tilespmem:s17+$0xFFFFFF80];
	v3 =	vmul.bf16 v1, v3;
	v6 =	vadd.bf16 v8, v10;
	[tilespmem:s22+$0xB0] =	vst v4  }
0x3fc: {  	v4 =	vld [tilespmem:s20+$0xA0]  }
0x3fd: {  	v10 =	vpop (erf);
	(erf) = vpow2.bf16 v3;
	v3 =	vmul.bf16 v1, v6;
	v6 =	vld [tilespmem:s25+$0xA0]  }
0x3fe: {  	v12 =	vld [tilespmem:s26+$0xFFFFFF00];
	v11 =	vpop (erf)  }
0x3ff: {  	v8 =	vld [tilespmem:s17+$0xFFFFFF00];
	(erf) = vpow2.bf16 v3;
	v3 =	vmul.bf16 v11, v7  }
0x400: {  	v7 =	vld [tilespmem:s17+$0x0];
	v5 =	vadd.bf16 v5, v9  }
0x401: {  	v9 =	vunpack.i.l.bf16.f32 v3  }
0x402: {  	v11 =	vunpack.i.u.bf16.f32 v3;
	v5 =	vmul.bf16 v1, v5;
	v4 =	vadd.bf16 v6, v4;
	v6 =	vld [tilespmem:s20+$0xFFFFFF50];
	[tilespmem:s22+$0xFFFFFFA0] =	vst v9  }
0x403: {  	v9 =	vld [tilespmem:s20+$0x50];
	[tilespmem:s22+$0xFFFFFFB0] =	vst v11  }
0x404: {  	v3 =	vpop (erf);
	v11 =	vld [tilespmem:s20+$0xFFFFFFA0];
	(erf) = vpow2.bf16 v5;
	v5 =	vadd.bf16 v8, v12;
	v4 =	vmul.bf16 v1, v4  }
0x405: {  	v7 =	vadd.bf16 v7, v13;
	v13 =	vld [tilespmem:s25+$0xFFFFFFA0]  }
0x406: {  	v8 =	vpop (erf);
	v5 =	vmul.bf16 v1, v5;
	(erf) = vpow2.bf16 v4  }
0x407: {  	v12 =	vpop (erf)  }
0x408: {  	v4 =	vpop (erf);
	(erf) = vpow2.bf16 v5;
	v5 =	vmul.bf16 v8, v6  }
0x409: {  	v7 =	vmul.bf16 v1, v7;
	v9 =	vmul.bf16 v12, v9;
	v14 =	vpop (erf)  }
0x40a: {  	v11 =	vadd.bf16 v13, v11;
	v6 =	vpop (erf);
	v8 =	vunpack.i.u.bf16.f32 v5;
	v5 =	vunpack.i.l.bf16.f32 v5  }
0x40b: {  	(erf) = vpow2.bf16 v7;
	v7 =	vld [tilespmem:s18+$0x60];
	v6 =	vadd.bf16 v2, v6;
	[tilespmem:s22+$0xFFFFFF20] =	vst v5;
	v5 =	vunpack.i.u.bf16.f32 v9;
	_ =	sdelay $0x1  }
0x40c: {  	[tilespmem:s22+$0xFFFFFF30] =	vst v8;
	(erf) = vrcp.bf16 v6;
	v6 =	vmul.bf16 v1, v11  }
0x40d: {  	v9 =	vunpack.i.l.bf16.f32 v9;
	[tilespmem:s22+$0x30] =	vst v5;
	v5 =	vpop (erf)  }
0x40e: {  	v8 =	vld [tilespmem:s20+$0xFFFFFF20];
	v5 =	vadd.bf16 v2, v5;
	(erf) = vpow2.bf16 v6  }
0x40f: {  	v11 =	vld [tilespmem:s25+$0xFFFFFF20];
	v6 =	vmul.bf16 v10, v7  }
0x410: {  	[tilespmem:s22+$0x20] =	vst v9;
	v9 =	vpop (erf);
	(erf) = vrcp.bf16 v5  }
0x411: {  	v7 =	vld [tilespmem:s20+$0x20];
	v5 =	vadd.bf16 v2, v9;
	v9 =	vunpack.i.u.bf16.f32 v6;
	v6 =	vunpack.i.l.bf16.f32 v6  }
0x412: {  	v10 =	vld [tilespmem:s25+$0x20];
	v13 =	vpop (erf);
	[tilespmem:s11+$0x50] =	vst v9  }
0x413: {  	v12 =	vld [tilespmem:s26+$0xC0];
	[tilespmem:s11+$0x40] =	vst v6;
	v9 =	vadd.bf16 v2, v13;
	(erf) = vrcp.bf16 v5  }
0x414: {  	v5 =	vadd.bf16 v11, v8;
	v8 =	vld [tilespmem:s18+$0x30];
	v6 =	vpop (erf)  }
0x415: {  	v6 =	vadd.bf16 v2, v6;
	(erf) = vrcp.bf16 v9;
	v9 =	vld [tilespmem:s19+$0x30];
	_ =	sdelay $0x1  }
0x416: {  	v13 =	vld [tilespmem:s26+$0xFFFFFFC0];
	v7 =	vadd.bf16 v10, v7;
	v5 =	vmul.bf16 v1, v5;
	v11 =	vpop (erf);
	(erf) = vrcp.bf16 v6  }
0x417: {  	v10 =	vmul.bf16 v11, v12  }
0x418: {  	v6 =	vmul.bf16 v1, v7;
	(erf) = vpow2.bf16 v5;
	v12 =	vpop (erf)  }
0x419: {  	s8 =	simm.s32 $0x19080;
	v11 =	vld [tilespmem:s20+$0xE0];
	v7 =	vunpack.i.l.bf16.f32 v10;
	v8 =	vadd.bf16 v9, v8;
	v9 =	vadd.bf16 v2, v12  }
0x41a: {  	v10 =	vunpack.i.u.bf16.f32 v10;
	[tilespmem:s8+$0x80] =	vst v7;
	v12 =	vpop (erf)  }
0x41b: {  	v5 =	vld [tilespmem:s26+$0xFFFFFF40];
	[tilespmem:s8+$0x90] =	vst v10;
	(erf) = vpow2.bf16 v6;
	v6 =	vmul.bf16 v12, v13  }
0x41c: {  	v10 =	vld [tilespmem:s26+$0x90]  }
0x41d: {  	v12 =	vld [tilespmem:s17+$0x90];
	(erf) = vrcp.bf16 v9;
	v9 =	vpop (erf);
	v13 =	vunpack.i.l.bf16.f32 v6  }
0x41e: {  	v9 =	vmul.bf16 v9, v11  }
0x41f: {  	v7 =	vld [tilespmem:s26+$0x40];
	v8 =	vmul.bf16 v1, v8;
	v6 =	vunpack.i.u.bf16.f32 v6;
	[tilespmem:s8+$0xFFFFFF80] =	vst v13  }
0x420: {  	v11 =	vadd.bf16 v2, v14;
	[tilespmem:s8+$0xFFFFFF90] =	vst v6;
	v13 =	vpop (erf);
	v6 =	vunpack.i.l.bf16.f32 v9  }
0x421: {  	(erf) = vpow2.bf16 v8;
	v8 =	vld [tilespmem:s26+$0xFFFFFF90];
	v9 =	vunpack.i.u.bf16.f32 v9;
	v5 =	vmul.bf16 v13, v5;
	[tilespmem:s22+$0xC0] =	vst v6  }
0x422: {  	v4 =	vadd.bf16 v2, v4;
	v10 =	vadd.bf16 v12, v10;
	v6 =	vld [tilespmem:s17+$0xFFFFFF90];
	[tilespmem:s22+$0xD0] =	vst v9  }
0x423: {  	(erf) = vrcp.bf16 v11;
	v13 =	vpop (erf);
	v9 =	vld [tilespmem:s20+$0xB0];
	v11 =	vunpack.i.u.bf16.f32 v5;
	v5 =	vunpack.i.l.bf16.f32 v5  }
0x424: {  	v7 =	vmul.bf16 v13, v7;
	[tilespmem:s8+$0xFFFFFF00] =	vst v5;
	v5 =	vmul.bf16 v1, v10;
	v10 =	vld [tilespmem:s25+$0xB0]  }
0x425: {  	(erf) = vrcp.bf16 v4;
	[tilespmem:s8+$0xFFFFFF10] =	vst v11  }
0x426: {  	v4 =	vunpack.i.l.bf16.f32 v7;
	v12 =	vld [tilespmem:s26+$0xFFFFFF10];
	v11 =	vpop (erf)  }
0x427: {  	[tilespmem:s8+$0x0] =	vst v4;
	(erf) = vpow2.bf16 v5;
	v5 =	vadd.bf16 v6, v8;
	v4 =	vadd.bf16 v2, v11;
	v11 =	vld [tilespmem:s17+$0xFFFFFF10]  }
0x428: {  	v7 =	vunpack.i.u.bf16.f32 v7  }
0x429: {  	[tilespmem:s8+$0x10] =	vst v7;
	v5 =	vmul.bf16 v1, v5;
	(erf) = vrcp.bf16 v4;
	v4 =	vld [tilespmem:s20+$0xFFFFFFE0];
	v8 =	vadd.bf16 v10, v9  }
0x42a: {  	v6 =	vld [tilespmem:s26+$0x10]  }
0x42b: {  	v7 =	vld [tilespmem:s17+$0x10];
	(erf) = vpow2.bf16 v5;
	v8 =	vmul.bf16 v1, v8  }
0x42c: {  	v9 =	vpop (erf);
	v5 =	vadd.bf16 v11, v12  }
0x42d: {  	v10 =	vld [tilespmem:s18+$0xF0];
	v12 =	vpop (erf);
	(erf) = vpow2.bf16 v8  }
0x42e: {  	v5 =	vmul.bf16 v1, v5;
	v4 =	vmul.bf16 v12, v4  }
0x42f: {  	v13 =	vpop (erf)  }
0x430: {  	v6 =	vadd.bf16 v7, v6;
	v7 =	vld [tilespmem:s20+$0xFFFFFF60];
	v14 =	vpop (erf);
	(erf) = vpow2.bf16 v5;
	v5 =	vunpack.i.u.bf16.f32 v4  }
0x431: {  	v12 =	vld [tilespmem:s18+$0xFFFFFF70];
	v4 =	vunpack.i.l.bf16.f32 v4  }
0x432: {  	v10 =	vmul.bf16 v3, v10;
	v15 =	vpop (erf)  }
0x433: {  	v11 =	vld [tilespmem:s18+$0xFFFFFFF0];
	v8 =	vmul.bf16 v1, v6;
	[tilespmem:s22+$0xFFFFFFD0] =	vst v5;
	v5 =	vpop (erf)  }
0x434: {  	v6 =	vld [tilespmem:s20+$0x60];
	v16 =	vunpack.i.u.bf16.f32 v10;
	[tilespmem:s22+$0xFFFFFFC0] =	vst v4;
	v4 =	vpop (erf)  }
0x435: {  	(erf) = vpow2.bf16 v8;
	v17 =	vld [tilespmem:s20+$0xFFFFFFB0];
	v5 =	vadd.bf16 v2, v5;
	v4 =	vmul.bf16 v4, v7  }
0x436: {  	[tilespmem:s11+$0xF0] =	vst v16;
	v16 =	vld [tilespmem:s25+$0xFFFFFFB0];
	v12 =	vmul.bf16 v14, v12;
	v7 =	vunpack.i.l.bf16.f32 v10;
	v10 =	vadd.bf16 v2, v9  }
0x437: {  	v3 =	vld [tilespmem:s18+$0x70];
	[tilespmem:s11+$0xE0] =	vst v7;
	(erf) = vrcp.bf16 v5;
	v5 =	vunpack.i.u.bf16.f32 v4;
	v14 =	vunpack.i.l.bf16.f32 v4  }
0x438: {  	v15 =	vmul.bf16 v15, v11;
	v8 =	vld [tilespmem:s26+$0xFFFFFFD0];
	v11 =	vpop (erf);
	[tilespmem:s22+$0xFFFFFF50] =	vst v5  }
0x439: {  	v9 =	vld [tilespmem:s26+$0xFFFFFF50];
	v11 =	vadd.bf16 v2, v11;
	v5 =	vunpack.i.l.bf16.f32 v12;
	(erf) = vrcp.bf16 v10;
	[tilespmem:s22+$0xFFFFFF40] =	vst v14  }
0x43a: {  	v7 =	vld [tilespmem:s26+$0x50];
	v10 =	vunpack.i.u.bf16.f32 v12;
	[tilespmem:s11+$0xFFFFFF60] =	vst v5;
	v5 =	vunpack.i.l.bf16.f32 v15;
	v14 =	vpop (erf)  }
0x43b: {  	v4 =	vld [tilespmem:s20+$0xFFFFFFF0];
	[tilespmem:s11+$0xFFFFFF70] =	vst v10;
	v10 =	vadd.bf16 v16, v17;
	(erf) = vrcp.bf16 v11;
	v16 =	vadd.bf16 v2, v14  }
0x43c: {  	v12 =	vld [tilespmem:s20+$0xFFFFFF30]  }
0x43d: {  	v15 =	vunpack.i.u.bf16.f32 v15;
	[tilespmem:s11+$0xFFFFFFE0] =	vst v5;
	v14 =	vld [tilespmem:s26+$0xD0];
	v5 =	vpop (erf)  }
0x43e: {  	v11 =	vadd.bf16 v2, v13;
	v13 =	vld [tilespmem:s25+$0xFFFFFF30];
	[tilespmem:s11+$0xFFFFFFF0] =	vst v15;
	v15 =	vadd.bf16 v2, v5;
	(erf) = vrcp.bf16 v16  }
0x43f: {  	s2 =	simm.s32 $0x14280;
	s19 =	simm.s32 $0x8;
	s18 =	simm.s32 $0x16880;
	v10 =	vmul.bf16 v1, v10;
	v5 =	vld [tilespmem:s20+$0xFFFFFF70];
	v16 =	vpop (erf)  }
.LBB2_11:
0x440: {  	v17 =	vld [tilespmem:s2+$0x80];
	v16 =	vadd.bf16 v2, v16;
	s17 =	sadd.s32 $0x200, s17;
	(erf) = vrcp.bf16 v15  }
0x441: {  	v15 =	vld [tilespmem:s17+$0x80];
	v18 =	vpop (erf)  }
0x442: {  	v19 =	vld [tilespmem:s17+$0xFFFFFF00];
	v14 =	vmul.bf16 v18, v14;
	(erf) = vrcp.bf16 v16  }
0x443: {  	v16 =	vld [tilespmem:s2+$0xFFFFFF80];
	v12 =	vadd.bf16 v13, v12;
	v13 =	vpop (erf)  }
0x444: {  	v20 =	vunpack.i.l.bf16.f32 v14;
	v6 =	vmul.bf16 v13, v6;
	v13 =	vld [tilespmem:s20+$0xF0];
	(erf) = vpow2.bf16 v10  }
0x445: {  	v14 =	vunpack.i.u.bf16.f32 v14;
	v10 =	vld [tilespmem:s17+$0xFFFFFF80];
	[tilespmem:s8+$0xA0] =	vst v20;
	v18 =	vpop (erf);
	v12 =	vmul.bf16 v1, v12  }
0x446: {  	v20 =	vld [tilespmem:s2+$0x0];
	v15 =	vadd.bf16 v15, v17;
	v8 =	vmul.bf16 v18, v8;
	[tilespmem:s8+$0xB0] =	vst v14;
	v14 =	vunpack.i.u.bf16.f32 v6  }
0x447: {  	s19 =	sadd.s32 $0x4, s19;
	v18 =	vunpack.i.l.bf16.f32 v6;
	v17 =	vld [tilespmem:s26+$0xA0];
	[tilespmem:s22+$0x50] =	vst v14;
	(erf) = vpow2.bf16 v12  }
0x448: {  	p1 =	slt.u32 s19, $0x24;
	v21 =	vmul.bf16 v1, v15;
	v14 =	vunpack.i.u.bf16.f32 v8;
	v8 =	vunpack.i.l.bf16.f32 v8;
	v15 =	vld [tilespmem:s18+$0xA0];
	[tilespmem:s22+$0x40] =	vst v18;
	v6 =	vpop (erf)  }
0x449: {  	v18 =	vld [tilespmem:s17+$0x0];
	[tilespmem:s8+$0xFFFFFFA0] =	vst v8;
	v6 =	vmul.bf16 v6, v13  }
0x44a: {  	v13 =	vld [tilespmem:s2+$0xFFFFFF00];
	v10 =	vadd.bf16 v10, v16;
	(erf) = vpow2.bf16 v21;
	[tilespmem:s8+$0xFFFFFFB0] =	vst v14;
	v12 =	vpop (erf)  }
0x44b: {  	v8 =	vld [tilespmem:s2+$0xFFFFFF40];
	v21 =	vmul.bf16 v12, v9;
	v9 =	vunpack.i.u.bf16.f32 v6;
	v6 =	vunpack.i.l.bf16.f32 v6  }
0x44c: {  	v14 =	vld [tilespmem:s2+$0xFFFFFFC0];
	v10 =	vmul.bf16 v1, v10;
	v16 =	vpop (erf);
	[tilespmem:s22+$0xF0] =	vst v9;
	(erf) = vrcp.bf16 v11  }
0x44d: {  	v9 =	vld [tilespmem:s2+$0x40];
	v11 =	vunpack.i.u.bf16.f32 v21;
	v7 =	vmul.bf16 v16, v7;
	v15 =	vadd.bf16 v15, v17;
	[tilespmem:s22+$0xE0] =	vst v6  }
0x44e: {  	v6 =	vadd.bf16 v18, v20;
	(erf) = vpow2.bf16 v10;
	v10 =	vunpack.i.l.bf16.f32 v21;
	[tilespmem:s8+$0xFFFFFF30] =	vst v11;
	v11 =	vld [tilespmem:s26+$0xFFFFFFA0];
	v12 =	vpop (erf)  }
0x44f: {  	v13 =	vadd.bf16 v19, v13;
	[tilespmem:s8+$0xFFFFFF20] =	vst v10;
	v16 =	vld [tilespmem:s18+$0xFFFFFFA0];
	v10 =	vunpack.i.u.bf16.f32 v7;
	v15 =	vmul.bf16 v1, v15  }
0x450: {  	v18 =	vunpack.i.l.bf16.f32 v7;
	v12 =	vadd.bf16 v2, v12;
	v6 =	vmul.bf16 v1, v6;
	v17 =	vld [tilespmem:s26+$0xFFFFFF20];
	[tilespmem:s8+$0x30] =	vst v10  }
0x451: {  	v10 =	vmul.bf16 v1, v13;
	v13 =	vld [tilespmem:s18+$0xFFFFFF20];
	[tilespmem:s8+$0x20] =	vst v18;
	(erf) = vpow2.bf16 v15;
	v7 =	vpop (erf)  }
0x452: {  	v15 =	vld [tilespmem:s26+$0x20];
	v18 =	vadd.bf16 v2, v7  }
0x453: {  	(erf) = vpow2.bf16 v10;
	v19 =	vld [tilespmem:s18+$0x20]  }
0x454: {  	v7 =	vpop (erf);
	v10 =	vld [tilespmem:s26+$0xFFFFFF60];
	v11 =	vadd.bf16 v16, v11  }
0x455: {  	v16 =	vadd.bf16 v2, v7;
	(erf) = vpow2.bf16 v6;
	v7 =	vld [tilespmem:s26+$0xFFFFFFE0]  }
0x456: {  	v13 =	vadd.bf16 v13, v17;
	v11 =	vmul.bf16 v1, v11;
	v6 =	vld [tilespmem:s26+$0x60];
	v17 =	vpop (erf)  }
0x457: {  	(erf) = vrcp.bf16 v16;
	v16 =	vld [tilespmem:s20+$0x30];
	v17 =	vmul.bf16 v17, v3  }
0x458: {  	v3 =	vpop (erf);
	v13 =	vmul.bf16 v1, v13;
	v15 =	vadd.bf16 v19, v15;
	v19 =	vld [tilespmem:s25+$0x30];
	s25 =	smov.u32 s18;
	s18 =	smov.u32 s17  }
0x459: {  	v20 =	vadd.bf16 v2, v3;
	(erf) = vpow2.bf16 v11;
	v3 =	vld [tilespmem:s20+$0x70];
	v21 =	vunpack.i.u.bf16.f32 v17;
	s20 =	smov.u32 s26;
	s26 =	smov.u32 s2  }
0x45a: {  	v17 =	vunpack.i.l.bf16.f32 v17;
	v15 =	vmul.bf16 v1, v15;
	[tilespmem:s11+$0x70] =	vst v21  }
0x45b: {  	(erf) = vrcp.bf16 v20;
	v11 =	vpop (erf);
	[tilespmem:s11+$0x60] =	vst v17;
	s11 =	smov.u32 s22;
	s22 =	smov.u32 s8  }
0x45c: {  	v21 =	vadd.bf16 v2, v11  }
0x45d: {  	v17 =	vld [tilespmem:s2+$0xC0];
	v20 =	vpop (erf);
	v16 =	vadd.bf16 v19, v16  }
0x45e: {  	v20 =	vadd.bf16 v2, v20;
	(erf) = vrcp.bf16 v21  }
0x45f: {  	v11 =	vpop (erf);
	v16 =	vmul.bf16 v1, v16  }
0x460: {  	v21 =	vadd.bf16 v2, v11;
	(erf) = vrcp.bf16 v20  }
0x461: {  	v19 =	vpop (erf)  }
0x462: {  	v22 =	vmul.bf16 v19, v17;
	(erf) = vrcp.bf16 v21  }
0x463: {  	v11 =	vpop (erf)  }
0x464: {  	s8 =	sadd.s32 $0x200, s8;
	v19 =	vunpack.i.l.bf16.f32 v22;
	v11 =	vadd.bf16 v2, v11;
	v20 =	vld [tilespmem:s20+$0xE0];
	(erf) = vpow2.bf16 v13  }
0x465: {  	v13 =	vunpack.i.u.bf16.f32 v22;
	[tilespmem:s8+$0x80] =	vst v19;
	v17 =	vpop (erf)  }
0x466: {  	v14 =	vmul.bf16 v17, v14;
	[tilespmem:s8+$0x90] =	vst v13;
	(erf) = vpow2.bf16 v15  }
0x467: {  	v13 =	vld [tilespmem:s2+$0x90]  }
0x468: {  	v15 =	vunpack.i.u.bf16.f32 v14;
	v19 =	vunpack.i.l.bf16.f32 v14;
	v17 =	vld [tilespmem:s17+$0x90];
	(erf) = vrcp.bf16 v11;
	v11 =	vpop (erf)  }
0x469: {  	[tilespmem:s8+$0xFFFFFF80] =	vst v19;
	v11 =	vmul.bf16 v11, v20  }
0x46a: {  	[tilespmem:s8+$0xFFFFFF90] =	vst v15;
	v14 =	vpop (erf);
	(erf) = vpow2.bf16 v16  }
0x46b: {  	v14 =	vmul.bf16 v14, v8;
	v15 =	vld [tilespmem:s2+$0xFFFFFF90];
	v8 =	vunpack.i.l.bf16.f32 v11  }
0x46c: {  	v11 =	vunpack.i.u.bf16.f32 v11;
	v16 =	vld [tilespmem:s17+$0xFFFFFF90];
	v19 =	vpop (erf);
	[tilespmem:s22+$0xC0] =	vst v8;
	(erf) = vrcp.bf16 v18  }
0x46d: {  	v18 =	vunpack.i.u.bf16.f32 v14;
	v8 =	vld [tilespmem:s2+$0xFFFFFFD0];
	v9 =	vmul.bf16 v19, v9;
	v13 =	vadd.bf16 v17, v13;
	[tilespmem:s22+$0xD0] =	vst v11  }
0x46e: {  	v11 =	vunpack.i.l.bf16.f32 v14;
	[tilespmem:s8+$0xFFFFFF10] =	vst v18;
	v14 =	vld [tilespmem:s20+$0xB0];
	v17 =	vpop (erf);
	(erf) = vrcp.bf16 v12  }
0x46f: {  	[tilespmem:s8+$0xFFFFFF00] =	vst v11;
	v11 =	vunpack.i.u.bf16.f32 v9;
	v9 =	vunpack.i.l.bf16.f32 v9;
	v12 =	vmul.bf16 v1, v13;
	v13 =	vld [tilespmem:s25+$0xB0]  }
0x470: {  	v18 =	vld [tilespmem:s2+$0xFFFFFF10];
	[tilespmem:s8+$0x0] =	vst v9;
	v9 =	vadd.bf16 v2, v17;
	v17 =	vpop (erf)  }
0x471: {  	v19 =	vld [tilespmem:s17+$0xFFFFFF10];
	v15 =	vadd.bf16 v16, v15;
	[tilespmem:s8+$0x10] =	vst v11;
	(erf) = vpow2.bf16 v12;
	v12 =	vadd.bf16 v2, v17  }
0x472: {  	v16 =	vld [tilespmem:s2+$0x10];
	v11 =	vpop (erf)  }
0x473: {  	v15 =	vmul.bf16 v1, v15;
	v17 =	vld [tilespmem:s17+$0x10];
	(erf) = vrcp.bf16 v9  }
0x474: {  	v20 =	vmul.bf16 v11, v7;
	v9 =	vld [tilespmem:s2+$0xFFFFFF50];
	v13 =	vadd.bf16 v13, v14;
	v11 =	vpop (erf)  }
0x475: {  	v7 =	vld [tilespmem:s2+$0x50];
	(erf) = vpow2.bf16 v15;
	v11 =	vadd.bf16 v2, v11  }
0x476: {  	v15 =	vunpack.i.u.bf16.f32 v20;
	v14 =	vadd.bf16 v19, v18;
	v21 =	vmul.bf16 v1, v13;
	v18 =	vpop (erf)  }
0x477: {  	v19 =	vunpack.i.l.bf16.f32 v20;
	[tilespmem:s22+$0xFFFFFFD0] =	vst v15;
	v5 =	vmul.bf16 v18, v5  }
0x478: {  	v14 =	vmul.bf16 v1, v14;
	v15 =	vadd.bf16 v17, v16;
	[tilespmem:s22+$0xFFFFFFC0] =	vst v19;
	(erf) = vpow2.bf16 v21;
	v13 =	vpop (erf)  }
0x479: {  	v16 =	vld [tilespmem:s20+$0xFFFFFFB0];
	v17 =	vunpack.i.u.bf16.f32 v5;
	v18 =	vunpack.i.l.bf16.f32 v5;
	v13 =	vmul.bf16 v13, v4  }
0x47a: {  	v15 =	vmul.bf16 v1, v15;
	(erf) = vpow2.bf16 v14;
	v14 =	vld [tilespmem:s25+$0xFFFFFFB0];
	[tilespmem:s11+$0xFFFFFF60] =	vst v18  }
0x47b: {  	v5 =	vpop (erf);
	v4 =	vld [tilespmem:s20+$0xFFFFFFF0];
	[tilespmem:s11+$0xFFFFFF70] =	vst v17;
	v17 =	vunpack.i.u.bf16.f32 v13;
	v18 =	vunpack.i.l.bf16.f32 v13  }
0x47c: {  	v5 =	vadd.bf16 v2, v5;
	(erf) = vpow2.bf16 v15;
	[tilespmem:s11+$0xFFFFFFE0] =	vst v18  }
0x47d: {  	v13 =	vpop (erf);
	[tilespmem:s11+$0xFFFFFFF0] =	vst v17  }
0x47e: {  	(erf) = vrcp.bf16 v5;
	v5 =	vmul.bf16 v13, v10  }
0x47f: {  	v10 =	vpop (erf);
	v13 =	vadd.bf16 v14, v16  }
0x480: {  	v14 =	vadd.bf16 v2, v10;
	v10 =	vunpack.i.u.bf16.f32 v5;
	(erf) = vrcp.bf16 v12  }
0x481: {  	v12 =	vunpack.i.l.bf16.f32 v5;
	[tilespmem:s22+$0xFFFFFF50] =	vst v10;
	v10 =	vmul.bf16 v1, v13  }
.Ltmp4:
0x482: {  	(erf) = vrcp.bf16 v14;
	[tilespmem:s22+$0xFFFFFF40] =	vst v12;
	v5 =	vpop (erf);
	(pc) =	sbr.rel @p1 .LBB2_11-.Ltmp4, $4  }
0x483: {  	v12 =	vld [tilespmem:s20+$0xFFFFFF30];
	v5 =	vadd.bf16 v2, v5  }
0x484: {  	v14 =	vld [tilespmem:s2+$0xD0];
	v13 =	vpop (erf)  }
0x485: {  	v15 =	vadd.bf16 v2, v13;
	v13 =	vld [tilespmem:s25+$0xFFFFFF30];
	(erf) = vrcp.bf16 v5  }
0x486: {  	s2 =	sadd.s32 $0x200, s2;
	v16 =	vpop (erf);
	v5 =	vld [tilespmem:s20+$0xFFFFFF70]  }
0x487: {  	_ = 	snop  }
0x488: {  	v17 =	vpop (erf)  }
0x489: {  	v14 =	vmul.bf16 v17, v14;
	_ =	sdelay $0x1  }
0x48a: {  	v17 =	vunpack.i.l.bf16.f32 v14  }
0x48b: {  	v14 =	vunpack.i.u.bf16.f32 v14;
	[tilespmem:s8+$0xA0] =	vst v17  }
0x48c: {  	[tilespmem:s8+$0xB0] =	vst v14  }
0x48d: {  	(erf) = vrcp.bf16 v15;
	v14 =	vadd.bf16 v2, v16;
	v15 =	vld [tilespmem:s26+$0xA0]  }
0x48e: {  	v12 =	vadd.bf16 v13, v12;
	v16 =	vld [tilespmem:s18+$0xA0]  }
0x48f: {  	(erf) = vrcp.bf16 v14;
	_ =	sdelay $0x1  }
0x490: {  	v13 =	vpop (erf);
	(erf) = vpow2.bf16 v10;
	v10 =	vmul.bf16 v1, v12  }
0x491: {  	v12 =	vpop (erf)  }
0x492: {  	v8 =	vmul.bf16 v12, v8;
	(erf) = vpow2.bf16 v10;
	v10 =	vadd.bf16 v16, v15;
	_ =	sdelay $0x1  }
0x493: {  	v12 =	vunpack.i.l.bf16.f32 v8;
	(erf) = vrcp.bf16 v11;
	v10 =	vmul.bf16 v1, v10  }
0x494: {  	v8 =	vunpack.i.u.bf16.f32 v8;
	[tilespmem:s8+$0xFFFFFFA0] =	vst v12  }
0x495: {  	[tilespmem:s8+$0xFFFFFFB0] =	vst v8;
	(erf) = vpow2.bf16 v10  }
0x496: {  	v8 =	vld [tilespmem:s26+$0xFFFFFFA0]  }
0x497: {  	v10 =	vld [tilespmem:s18+$0xFFFFFFA0];
	_ =	sdelay $0x1  }
0x498: {  	v11 =	vpop (erf)  }
0x499: {  	v12 =	vpop (erf)  }
0x49a: {  	v14 =	vpop (erf)  }
0x49b: {  	v15 =	vpop (erf);
	v8 =	vadd.bf16 v10, v8  }
0x49c: {  	v9 =	vmul.bf16 v12, v9;
	v10 =	vpop (erf)  }
0x49d: {  	v8 =	vmul.bf16 v1, v8;
	v12 =	vpop (erf)  }
0x49e: {  	v17 =	vunpack.i.u.bf16.f32 v9;
	v7 =	vmul.bf16 v14, v7;
	v16 =	vpop (erf)  }
0x49f: {  	v9 =	vunpack.i.l.bf16.f32 v9;
	[tilespmem:s8+$0xFFFFFF30] =	vst v17;
	(erf) = vpow2.bf16 v8;
	v8 =	vadd.bf16 v2, v16  }
0x4a0: {  	[tilespmem:s8+$0xFFFFFF20] =	vst v9  }
0x4a1: {  	v9 =	vld [tilespmem:s26+$0xFFFFFF20];
	(erf) = vrcp.bf16 v8;
	v8 =	vunpack.i.u.bf16.f32 v7  }
0x4a2: {  	v6 =	vmul.bf16 v13, v6;
	v7 =	vunpack.i.l.bf16.f32 v7;
	[tilespmem:s8+$0x30] =	vst v8;
	v8 =	vld [tilespmem:s18+$0xFFFFFF20]  }
0x4a3: {  	[tilespmem:s8+$0x20] =	vst v7  }
0x4a4: {  	v7 =	vunpack.i.u.bf16.f32 v6;
	v13 =	vld [tilespmem:s26+$0x20]  }
0x4a5: {  	v6 =	vunpack.i.l.bf16.f32 v6;
	[tilespmem:s22+$0x50] =	vst v7;
	v7 =	vld [tilespmem:s18+$0x20]  }
0x4a6: {  	[tilespmem:s22+$0x40] =	vst v6;
	v6 =	vld [tilespmem:s26+$0xE0]  }
0x4a7: {  	v14 =	vld [tilespmem:s25+$0x30];
	v8 =	vadd.bf16 v8, v9  }
0x4a8: {  	v9 =	vld [tilespmem:s20+$0x30]  }
0x4a9: {  	v8 =	vmul.bf16 v1, v8  }
0x4aa: {  	v16 =	vpop (erf);
	v7 =	vadd.bf16 v7, v13  }
0x4ab: {  	v13 =	vpop (erf);
	(erf) = vpow2.bf16 v8  }
0x4ac: {  	v7 =	vmul.bf16 v1, v7;
	v6 =	vmul.bf16 v13, v6  }
0x4ad: {  	v8 =	vadd.bf16 v14, v9  }
0x4ae: {  	v13 =	vadd.bf16 v2, v16;
	(erf) = vpow2.bf16 v7;
	v9 =	vunpack.i.l.bf16.f32 v6  }
0x4af: {  	v6 =	vunpack.i.u.bf16.f32 v6;
	[tilespmem:s8+$0xC0] =	vst v9  }
0x4b0: {  	[tilespmem:s8+$0xD0] =	vst v6;
	v6 =	vmul.bf16 v1, v8;
	(erf) = vrcp.bf16 v13  }
0x4b1: {  	v9 =	vadd.bf16 v2, v10;
	v7 =	vld [tilespmem:s26+$0xB0]  }
0x4b2: {  	v8 =	vld [tilespmem:s18+$0xB0];
	(erf) = vpow2.bf16 v6;
	_ =	sdelay $0x1  }
0x4b3: {  	v6 =	vadd.bf16 v2, v15;
	(erf) = vrcp.bf16 v9  }
0x4b4: {  	v9 =	vpop (erf)  }
0x4b5: {  	(erf) = vrcp.bf16 v6;
	v6 =	vadd.bf16 v2, v9  }
0x4b6: {  	v7 =	vadd.bf16 v8, v7  }
0x4b7: {  	(erf) = vrcp.bf16 v6;
	_ =	sdelay $0x1  }
0x4b8: {  	v6 =	vmul.bf16 v1, v7  }
0x4b9: {  	v7 =	vpop (erf)  }
0x4ba: {  	v7 =	vadd.bf16 v2, v7;
	(erf) = vpow2.bf16 v6;
	v6 =	vld [tilespmem:s26+$0xFFFFFFE0];
	_ =	sdelay $0x1  }
0x4bb: {  	v8 =	vpop (erf);
	(erf) = vrcp.bf16 v7;
	v7 =	vld [tilespmem:s26+$0xFFFFFF60]  }
0x4bc: {  	v9 =	vpop (erf)  }
0x4bd: {  	v10 =	vpop (erf)  }
0x4be: {  	v6 =	vmul.bf16 v8, v6;
	v8 =	vpop (erf)  }
0x4bf: {  	v14 =	vpop (erf)  }
0x4c0: {  	v15 =	vunpack.i.u.bf16.f32 v6;
	v7 =	vmul.bf16 v14, v7  }
0x4c1: {  	v13 =	vld [tilespmem:s26+$0x60];
	v6 =	vunpack.i.l.bf16.f32 v6;
	[tilespmem:s8+$0xFFFFFFD0] =	vst v15  }
0x4c2: {  	[tilespmem:s8+$0xFFFFFFC0] =	vst v6;
	v6 =	vunpack.i.u.bf16.f32 v7  }
0x4c3: {  	v15 =	vld [tilespmem:s26+$0xFFFFFFB0];
	v7 =	vunpack.i.l.bf16.f32 v7;
	[tilespmem:s8+$0xFFFFFF50] =	vst v6  }
0x4c4: {  	v16 =	vld [tilespmem:s18+$0xFFFFFFB0];
	v14 =	vpop (erf);
	[tilespmem:s8+$0xFFFFFF40] =	vst v7  }
0x4c5: {  	v7 =	vld [tilespmem:s26+$0xFFFFFF30];
	v6 =	vpop (erf)  }
0x4c6: {  	v6 =	vmul.bf16 v6, v13;
	v13 =	vld [tilespmem:s18+$0xFFFFFF30];
	_ =	sdelay $0x1  }
0x4c7: {  	v17 =	vunpack.i.u.bf16.f32 v6;
	v6 =	vunpack.i.l.bf16.f32 v6  }
0x4c8: {  	v14 =	vadd.bf16 v2, v14;
	[tilespmem:s8+$0x40] =	vst v6;
	v6 =	vadd.bf16 v16, v15  }
0x4c9: {  	[tilespmem:s8+$0x50] =	vst v17  }
0x4ca: {  	(erf) = vrcp.bf16 v14;
	v15 =	vld [tilespmem:s26+$0x30];
	v6 =	vmul.bf16 v1, v6;
	v7 =	vadd.bf16 v13, v7  }
0x4cb: {  	v16 =	vld [tilespmem:s18+$0x30]  }
0x4cc: {  	(erf) = vpow2.bf16 v6;
	v6 =	vmul.bf16 v1, v7;
	_ =	sdelay $0x1  }
0x4cd: {  	(erf) = vpow2.bf16 v6;
	_ =	sdelay $0x1  }
0x4ce: {  	v7 =	vadd.bf16 v2, v9;
	v6 =	vadd.bf16 v16, v15;
	_ =	sdelay $0x1  }
0x4cf: {  	(erf) = vrcp.bf16 v7;
	v6 =	vmul.bf16 v1, v6;
	_ =	sdelay $0x1  }
0x4d0: {  	(erf) = vpow2.bf16 v6  }
0x4d1: {  	v6 =	vld [tilespmem:s20+$0xF0]  }
0x4d2: {  	v7 =	vpop (erf)  }
0x4d3: {  	v9 =	vpop (erf)  }
0x4d4: {  	v13 =	vpop (erf)  }
0x4d5: {  	v13 =	vadd.bf16 v2, v13  }
0x4d6: {  	v6 =	vmul.bf16 v11, v6  }
0x4d7: {  	(erf) = vrcp.bf16 v13  }
0x4d8: {  	v3 =	vmul.bf16 v12, v3;
	v13 =	vunpack.i.u.bf16.f32 v6  }
0x4d9: {  	v9 =	vadd.bf16 v2, v9;
	v11 =	vpop (erf);
	v6 =	vunpack.i.l.bf16.f32 v6;
	[tilespmem:s22+$0xF0] =	vst v13  }
0x4da: {  	v5 =	vmul.bf16 v10, v5;
	v12 =	vpop (erf);
	v13 =	vld [tilespmem:s26+$0xF0];
	[tilespmem:s22+$0xE0] =	vst v6;
	v6 =	vunpack.i.u.bf16.f32 v3  }
0x4db: {  	v10 =	vld [tilespmem:s20+$0x70];
	v3 =	vunpack.i.l.bf16.f32 v3;
	(erf) = vrcp.bf16 v9;
	v9 =	vadd.bf16 v2, v12  }
0x4dc: {  	[tilespmem:s11+$0x60] =	vst v3;
	v3 =	vunpack.i.l.bf16.f32 v5  }
0x4dd: {  	v4 =	vmul.bf16 v8, v4;
	[tilespmem:s22+$0xFFFFFF60] =	vst v3;
	v3 =	vld [tilespmem:s26+$0xFFFFFF70];
	(erf) = vrcp.bf16 v9  }
0x4de: {  	[tilespmem:s11+$0x70] =	vst v6;
	v5 =	vunpack.i.u.bf16.f32 v5  }
0x4df: {  	[tilespmem:s22+$0xFFFFFF70] =	vst v5;
	v5 =	vunpack.i.l.bf16.f32 v4;
	v6 =	vmul.bf16 v7, v13  }
0x4e0: {  	v4 =	vunpack.i.u.bf16.f32 v4;
	[tilespmem:s22+$0xFFFFFFE0] =	vst v5;
	v5 =	vmul.bf16 v11, v10  }
0x4e1: {  	[tilespmem:s22+$0xFFFFFFF0] =	vst v4;
	v7 =	vld [tilespmem:s26+$0xFFFFFFF0];
	v4 =	vunpack.i.u.bf16.f32 v6;
	v6 =	vunpack.i.l.bf16.f32 v6;
	v8 =	vpop (erf)  }
0x4e2: {  	[tilespmem:s8+$0xE0] =	vst v6;
	v6 =	vunpack.i.u.bf16.f32 v5;
	v3 =	vmul.bf16 v8, v3  }
0x4e3: {  	[tilespmem:s8+$0xF0] =	vst v4;
	v4 =	vld [tilespmem:s26+$0x70];
	v5 =	vunpack.i.l.bf16.f32 v5  }
0x4e4: {  	[tilespmem:s22+$0x60] =	vst v5;
	v5 =	vunpack.i.l.bf16.f32 v3  }
0x4e5: {  	[tilespmem:s22+$0x70] =	vst v6;
	v6 =	vpop (erf)  }
0x4e6: {  	v6 =	vmul.bf16 v6, v7  }
0x4e7: {  	v3 =	vunpack.i.u.bf16.f32 v3;
	[tilespmem:s8+$0xFFFFFF60] =	vst v5;
	v5 =	vpop (erf)  }
0x4e8: {  	[tilespmem:s8+$0xFFFFFF70] =	vst v3;
	v3 =	vunpack.i.l.bf16.f32 v6;
	v4 =	vmul.bf16 v5, v4  }
0x4e9: {  	[tilespmem:s8+$0xFFFFFFE0] =	vst v3;
	v5 =	vunpack.i.u.bf16.f32 v6  }
0x4ea: {  	[tilespmem:s8+$0xFFFFFFF0] =	vst v5;
	v3 =	vunpack.i.u.bf16.f32 v4  }
0x4eb: {  	v4 =	vunpack.i.l.bf16.f32 v4;
	[tilespmem:s8+$0x70] =	vst v3  }
0x4ec: {  	[tilespmem:s8+$0x60] =	vst v4  }
0x4ed: {  	_ =	swait.ge [sflag:s16], $0x28  }
0x4ee: {  	[sflag:s16] =	ssyncset.done $0x0  }
0x4ef: {  	s2 =	simm.s32 $0x13A80;
	s25 =	simm.s32 $0x18B80;
	[sflag:s16] =	ssyncadd.s32 $0xFFFFFFD8  }
0x4f0: {  	[spmem:s15] =	stream.indirect.scatter.add.f32 [tilespmem:s25], [sflag:$0xB], $0x80, s2, s30, $0xb8;
	[tilespmem:$0x1B380] =	vst v63  }
0x4f1: {  	s2 =	simm.s32 @!p0 $0x1  }
0x4f2: {  	_ =	swait.ge @!p0 [sflag:s2], $0x28  }
0x4f3: {  	[sflag:s2] =	ssyncset.done @!p0 $0x0  }
0x4f4: {  	[sflag:s2] =	ssyncadd.s32 @!p0 $0xFFFFFFD8;
	s2 =	simm.s32 @!p0 $0x3  }
0x4f5: {  	_ =	swait.ge @!p0 [sflag:s2], $0x28  }
0x4f6: {  	s11 =	simm.s32 @!p0 $0x13B80;
	[sflag:s2] =	ssyncset.done @!p0 $0x0  }
0x4f7: {  	s8 =	simm.s32 @!p0 $0x13880;
	[sflag:s2] =	ssyncadd.s32 @!p0 $0xFFFFFFD8;
	s2 =	simm.s32 @!p0 $0x28  }
0x4f8: {  	[tilespmem:s11], [sflag:$0x7] =	stream.indirect.gather @!p0 [hbm4b:s1+s2], $0x80, s8, s2, $0xb8;
	[tilespmem:$0x1B380] =	vst v63  }
0x4f9: {  	s8 =	simm.s32 @!p0 $0x13980;
	s11 =	simm.s32 @!p0 $0x16380  }
0x4fa: {  	[tilespmem:s11], [sflag:$0x9] =	stream.indirect.gather @!p0 [hbm4b:s5+s2], $0x80, s8, s2, $0xb8;
	[tilespmem:$0x1B380] =	vst v63  }
0x4fb: {  	_ =	swait.ge [sflag:s23], $0x1400  }
0x4fc: {  	[sflag:s23] =	ssyncset.done $0x0  }
0x4fd: {  	[sflag:s23] =	ssyncadd.s32 $0xFFFFEC00  }
0x4fe: {  	_ =	swait.ge [sflag:s24], $0x1400  }
0x4ff: {  	[sflag:s24] =	ssyncset.done $0x0  }
0x500: {  	s11 =	rddreg [dreg:$0xe];
	[sflag:s24] =	ssyncadd.s32 $0xFFFFEC00  }
0x501: {  	s2 =	sadd.s32 s9, s11;
	_ =	swait.ge [sflag:s29], $0x1400  }
0x502: {  	s2 =	smul.u32 $0x5, s2;
	s8 =	rddreg [dreg:$0xf]  }
0x503: {  	s26 =	smov.u32 s15;
	[sflag:s29] =	ssyncset.done $0x0;
	s8 =	sadd.s32 @!p0 s9, s8  }
0x504: {  	[sflag:s29] =	ssyncadd.s32 $0xFFFFEC00;
	s2 =	sadd.s32 s7, s2;
	s8 =	smul.u32 @!p0 $0x5, s8  }
0x505: {  	[tilespmem:s10], [sflag:$0x6] =	stream.linear.gather [hbm4b:s2+s3], $0x28, $0x38;
	[tilespmem:$0x1B380] =	vst v63  }
0x506: {  	s11 =	simm.s32 @!p0 $0x13900;
	s9 =	simm.s32 @!p0 $0x0;
	s2 =	sadd.s32 @!p0 s6, s8  }
0x507: {  	[tilespmem:s11], [sflag:$0x2] =	stream.linear.gather @!p0 [hbm4b:s2+s9], $0x28, $0x38;
	[tilespmem:$0x1B380] =	vst v63  }
0x508: {  	s15 =	simm.s32 $0x15080;
	s2 =	sadd.s32 @!p0 s7, s8;
	s8 =	simm.s32 @!p0 $0x13A00  }
0x509: {  	[tilespmem:s8], [sflag:$0x4] =	stream.linear.gather @!p0 [hbm4b:s2+s9], $0x28, $0x38;
	[tilespmem:$0x1B380] =	vst v63  }
0x50a: {  	s19 =	simm.s32 $0x17880;
	v3 =	vld [tilespmem:s15+$0x80]  }
0x50b: {  	v4 =	vld [tilespmem:s19+$0x80];
	_ =	sdelay $0x4  }
0x50c: {  	v5 =	vld [tilespmem:s19+$0xFFFFFF80];
	v3 =	vadd.bf16 v4, v3  }
0x50d: {  	v4 =	vld [tilespmem:s15+$0xFFFFFF80]  }
0x50e: {  	v6 =	vld [tilespmem:s19+$0xFFFFFF00];
	v3 =	vmul.bf16 v1, v3  }
0x50f: {  	v7 =	vld [tilespmem:s15+$0xFFFFFF00]  }
0x510: {  	(erf) = vpow2.bf16 v3  }
0x511: {  	v8 =	vld [tilespmem:s19+$0x0]  }
0x512: {  	v3 =	vld [tilespmem:s15+$0x0];
	v4 =	vadd.bf16 v5, v4;
	_ =	sdelay $0x1  }
0x513: {  	v5 =	vadd.bf16 v6, v7;
	v4 =	vmul.bf16 v1, v4;
	_ =	sdelay $0x1  }
0x514: {  	(erf) = vpow2.bf16 v4;
	v4 =	vmul.bf16 v1, v5  }
0x515: {  	v3 =	vadd.bf16 v8, v3  }
0x516: {  	(erf) = vpow2.bf16 v4  }
0x517: {  	v3 =	vmul.bf16 v1, v3  }
0x518: {  	v4 =	vpop (erf)  }
0x519: {  	(erf) = vpow2.bf16 v3;
	v4 =	vadd.bf16 v2, v4;
	_ =	sdelay $0x1  }
0x51a: {  	(erf) = vrcp.bf16 v4;
	_ =	sdelay $0x2  }
0x51b: {  	v3 =	vpop (erf)  }
0x51c: {  	v3 =	vadd.bf16 v2, v3  }
0x51d: {  	v5 =	vpop (erf)  }
0x51e: {  	v4 =	vld [tilespmem:s15+$0xC0];
	(erf) = vrcp.bf16 v3;
	v3 =	vadd.bf16 v2, v5;
	_ =	sdelay $0x1  }
0x51f: {  	v5 =	vpop (erf);
	(erf) = vrcp.bf16 v3  }
0x520: {  	v5 =	vadd.bf16 v2, v5  }
0x521: {  	v3 =	vpop (erf)  }
0x522: {  	(erf) = vrcp.bf16 v5;
	v3 =	vmul.bf16 v3, v4  }
0x523: {  	v4 =	vld [tilespmem:s15+$0xFFFFFFC0]  }
0x524: {  	s9 =	simm.s32 $0x1A080;
	v5 =	vunpack.i.l.bf16.f32 v3  }
0x525: {  	v6 =	vld [tilespmem:s15+$0xFFFFFF40];
	v3 =	vunpack.i.u.bf16.f32 v3;
	[tilespmem:s9+$0x80] =	vst v5  }
0x526: {  	v5 =	vld [tilespmem:s15+$0x40];
	[tilespmem:s9+$0x90] =	vst v3  }
0x527: {  	v3 =	vld [tilespmem:s15+$0x90];
	v7 =	vpop (erf)  }
0x528: {  	v8 =	vld [tilespmem:s19+$0x90];
	v4 =	vmul.bf16 v7, v4  }
0x529: {  	v7 =	vpop (erf)  }
0x52a: {  	v9 =	vunpack.i.l.bf16.f32 v4;
	v6 =	vmul.bf16 v7, v6  }
0x52b: {  	v4 =	vunpack.i.u.bf16.f32 v4;
	[tilespmem:s9+$0xFFFFFF80] =	vst v9  }
0x52c: {  	v7 =	vpop (erf);
	[tilespmem:s9+$0xFFFFFF90] =	vst v4;
	v4 =	vunpack.i.u.bf16.f32 v6  }
0x52d: {  	v5 =	vmul.bf16 v7, v5;
	v3 =	vadd.bf16 v8, v3;
	v7 =	vld [tilespmem:s15+$0xFFFFFF90];
	v6 =	vunpack.i.l.bf16.f32 v6;
	[tilespmem:s9+$0xFFFFFF10] =	vst v4  }
0x52e: {  	v4 =	vld [tilespmem:s19+$0xFFFFFF90];
	[tilespmem:s9+$0xFFFFFF00] =	vst v6  }
0x52f: {  	v6 =	vunpack.i.l.bf16.f32 v5;
	v3 =	vmul.bf16 v1, v3;
	v8 =	vld [tilespmem:s15+$0xFFFFFF10]  }
0x530: {  	v5 =	vunpack.i.u.bf16.f32 v5;
	[tilespmem:s9+$0x0] =	vst v6;
	v6 =	vld [tilespmem:s19+$0xFFFFFF10]  }
0x531: {  	[tilespmem:s9+$0x10] =	vst v5;
	(erf) = vpow2.bf16 v3  }
0x532: {  	v3 =	vld [tilespmem:s15+$0x10]  }
0x533: {  	v5 =	vld [tilespmem:s19+$0x10];
	v4 =	vadd.bf16 v4, v7;
	_ =	sdelay $0x1  }
0x534: {  	v4 =	vmul.bf16 v1, v4;
	v6 =	vadd.bf16 v6, v8;
	_ =	sdelay $0x1  }
0x535: {  	(erf) = vpow2.bf16 v4;
	v4 =	vmul.bf16 v1, v6  }
0x536: {  	v3 =	vadd.bf16 v5, v3;
	_ =	sdelay $0x1  }
0x537: {  	v3 =	vmul.bf16 v1, v3;
	(erf) = vpow2.bf16 v4  }
0x538: {  	v4 =	vpop (erf)  }
0x539: {  	(erf) = vpow2.bf16 v3;
	v4 =	vadd.bf16 v2, v4;
	_ =	sdelay $0x1  }
0x53a: {  	(erf) = vrcp.bf16 v4;
	_ =	sdelay $0x3  }
0x53b: {  	v3 =	vpop (erf)  }
0x53c: {  	v3 =	vadd.bf16 v2, v3  }
0x53d: {  	v4 =	vld [tilespmem:s15+$0xD0];
	_ =	sdelay $0x1  }
0x53e: {  	s22 =	simm.s32 $0x17A80;
	v5 =	vpop (erf);
	(erf) = vrcp.bf16 v3  }
0x53f: {  	s11 =	simm.s32 $0x15280;
	v7 =	vld [tilespmem:s22+$0x80];
	v3 =	vpop (erf)  }
0x540: {  	v6 =	vld [tilespmem:s11+$0x80];
	v8 =	vpop (erf)  }
0x541: {  	v4 =	vmul.bf16 v8, v4;
	_ =	sdelay $0x1  }
0x542: {  	v10 =	vld [tilespmem:s11+$0xFFFFFF80];
	v5 =	vadd.bf16 v2, v5;
	v9 =	vunpack.i.l.bf16.f32 v4  }
0x543: {  	v8 =	vld [tilespmem:s15+$0xFFFFFFD0];
	v4 =	vunpack.i.u.bf16.f32 v4;
	[tilespmem:s9+$0xA0] =	vst v9  }
0x544: {  	v6 =	vadd.bf16 v7, v6;
	(erf) = vrcp.bf16 v5;
	v5 =	vld [tilespmem:s22+$0xFFFFFF80];
	v3 =	vadd.bf16 v2, v3;
	[tilespmem:s9+$0xB0] =	vst v4  }
0x545: {  	v4 =	vld [tilespmem:s15+$0xA0]  }
0x546: {  	(erf) = vrcp.bf16 v3;
	v3 =	vmul.bf16 v1, v6;
	v6 =	vld [tilespmem:s19+$0xA0]  }
0x547: {  	v11 =	vld [tilespmem:s11+$0xFFFFFF00];
	v9 =	vpop (erf)  }
0x548: {  	v7 =	vld [tilespmem:s22+$0xFFFFFF00];
	v8 =	vmul.bf16 v9, v8  }
0x549: {  	(erf) = vpow2.bf16 v3;
	v3 =	vld [tilespmem:s11+$0x0];
	v5 =	vadd.bf16 v5, v10  }
0x54a: {  	v9 =	vld [tilespmem:s22+$0x0];
	v10 =	vunpack.i.l.bf16.f32 v8  }
0x54b: {  	v5 =	vmul.bf16 v1, v5;
	v4 =	vadd.bf16 v6, v4;
	v6 =	vunpack.i.u.bf16.f32 v8;
	[tilespmem:s9+$0xFFFFFFA0] =	vst v10  }
0x54c: {  	[tilespmem:s9+$0xFFFFFFB0] =	vst v6  }
0x54d: {  	(erf) = vpow2.bf16 v5;
	v5 =	vadd.bf16 v7, v11;
	v4 =	vmul.bf16 v1, v4;
	v6 =	vld [tilespmem:s15+$0xFFFFFFA0]  }
0x54e: {  	v7 =	vld [tilespmem:s19+$0xFFFFFFA0]  }
0x54f: {  	v5 =	vmul.bf16 v1, v5;
	v3 =	vadd.bf16 v9, v3;
	(erf) = vpow2.bf16 v4  }
0x550: {  	v4 =	vld [tilespmem:s15+$0xFFFFFF50]  }
0x551: {  	v8 =	vpop (erf);
	v3 =	vmul.bf16 v1, v3;
	(erf) = vpow2.bf16 v5  }
0x552: {  	v9 =	vpop (erf)  }
0x553: {  	v5 =	vpop (erf);
	(erf) = vpow2.bf16 v3;
	v3 =	vadd.bf16 v7, v6  }
0x554: {  	v5 =	vadd.bf16 v2, v5  }
0x555: {  	v4 =	vmul.bf16 v8, v4;
	v3 =	vmul.bf16 v1, v3  }
0x556: {  	(erf) = vrcp.bf16 v5;
	v5 =	vld [tilespmem:s15+$0x50]  }
0x557: {  	v7 =	vpop (erf);
	v6 =	vunpack.i.u.bf16.f32 v4  }
0x558: {  	[tilespmem:s9+$0xFFFFFF30] =	vst v6;
	v6 =	vadd.bf16 v2, v7;
	(erf) = vpow2.bf16 v3  }
0x559: {  	v4 =	vunpack.i.l.bf16.f32 v4;
	v3 =	vpop (erf)  }
0x55a: {  	[tilespmem:s9+$0xFFFFFF20] =	vst v4;
	(erf) = vrcp.bf16 v6;
	v3 =	vadd.bf16 v2, v3  }
0x55b: {  	v4 =	vld [tilespmem:s15+$0xFFFFFF20];
	v5 =	vmul.bf16 v9, v5;
	v7 =	vpop (erf)  }
0x55c: {  	v8 =	vld [tilespmem:s19+$0xFFFFFF20];
	v7 =	vadd.bf16 v2, v7;
	(erf) = vrcp.bf16 v3  }
0x55d: {  	v6 =	vld [tilespmem:s11+$0xC0];
	v3 =	vunpack.i.u.bf16.f32 v5;
	v5 =	vunpack.i.l.bf16.f32 v5;
	v9 =	vpop (erf)  }
0x55e: {  	[tilespmem:s9+$0x30] =	vst v3;
	v3 =	vadd.bf16 v2, v9;
	(erf) = vrcp.bf16 v7;
	_ =	sdelay $0x1  }
0x55f: {  	[tilespmem:s9+$0x20] =	vst v5;
	v7 =	vld [tilespmem:s11+$0xFFFFFFC0];
	v5 =	vpop (erf);
	(erf) = vrcp.bf16 v3  }
0x560: {  	v9 =	vld [tilespmem:s15+$0x20]  }
0x561: {  	v4 =	vadd.bf16 v8, v4;
	v5 =	vmul.bf16 v5, v6;
	v3 =	vld [tilespmem:s19+$0x20]  }
0x562: {  	v8 =	vld [tilespmem:s15+$0xE0]  }
0x563: {  	s20 =	simm.s32 $0x1A280;
	v4 =	vmul.bf16 v1, v4;
	v11 =	vpop (erf);
	v6 =	vunpack.i.l.bf16.f32 v5  }
0x564: {  	v10 =	vld [tilespmem:s11+$0xFFFFFF40];
	v5 =	vunpack.i.u.bf16.f32 v5;
	[tilespmem:s20+$0x80] =	vst v6;
	v12 =	vpop (erf)  }
0x565: {  	v6 =	vld [tilespmem:s11+$0x40];
	[tilespmem:s20+$0x90] =	vst v5;
	(erf) = vpow2.bf16 v4;
	v4 =	vmul.bf16 v12, v7  }
0x566: {  	v5 =	vld [tilespmem:s11+$0x90];
	v3 =	vadd.bf16 v3, v9;
	v9 =	vpop (erf)  }
0x567: {  	v7 =	vld [tilespmem:s22+$0x90];
	v12 =	vunpack.i.l.bf16.f32 v4;
	v8 =	vmul.bf16 v9, v8  }
0x568: {  	v4 =	vunpack.i.u.bf16.f32 v4;
	v3 =	vmul.bf16 v1, v3;
	[tilespmem:s20+$0xFFFFFF80] =	vst v12;
	v9 =	vpop (erf)  }
0x569: {  	[tilespmem:s20+$0xFFFFFF90] =	vst v4;
	v4 =	vmul.bf16 v9, v10;
	v9 =	vunpack.i.l.bf16.f32 v8;
	v10 =	vadd.bf16 v2, v11;
	v11 =	vpop (erf)  }
0x56a: {  	(erf) = vpow2.bf16 v3;
	v3 =	vld [tilespmem:s11+$0xFFFFFF90];
	v8 =	vunpack.i.u.bf16.f32 v8;
	[tilespmem:s9+$0xC0] =	vst v9;
	v6 =	vmul.bf16 v11, v6  }
0x56b: {  	v9 =	vld [tilespmem:s22+$0xFFFFFF90];
	[tilespmem:s9+$0xD0] =	vst v8;
	v12 =	vunpack.i.u.bf16.f32 v4;
	v4 =	vunpack.i.l.bf16.f32 v4  }
0x56c: {  	v5 =	vadd.bf16 v7, v5;
	v7 =	vld [tilespmem:s15+$0xB0];
	[tilespmem:s20+$0xFFFFFF00] =	vst v4;
	v4 =	vunpack.i.l.bf16.f32 v6  }
0x56d: {  	v8 =	vld [tilespmem:s19+$0xB0];
	[tilespmem:s20+$0xFFFFFF10] =	vst v12  }
0x56e: {  	(erf) = vrcp.bf16 v10;
	v5 =	vmul.bf16 v1, v5;
	v10 =	vld [tilespmem:s11+$0xFFFFFF10]  }
0x56f: {  	v6 =	vunpack.i.u.bf16.f32 v6;
	v11 =	vld [tilespmem:s22+$0xFFFFFF10];
	[tilespmem:s20+$0x0] =	vst v4;
	v4 =	vpop (erf)  }
0x570: {  	(erf) = vpow2.bf16 v5;
	v3 =	vadd.bf16 v9, v3;
	v4 =	vadd.bf16 v2, v4  }
0x571: {  	[tilespmem:s20+$0x10] =	vst v6  }
0x572: {  	v5 =	vld [tilespmem:s11+$0x10];
	v3 =	vmul.bf16 v1, v3;
	(erf) = vrcp.bf16 v4;
	v4 =	vadd.bf16 v8, v7  }
0x573: {  	v6 =	vld [tilespmem:s22+$0x10]  }
0x574: {  	(erf) = vpow2.bf16 v3;
	v3 =	vadd.bf16 v11, v10;
	v4 =	vmul.bf16 v1, v4;
	_ =	sdelay $0x1  }
0x575: {  	v3 =	vmul.bf16 v1, v3;
	(erf) = vpow2.bf16 v4  }
0x576: {  	v7 =	vld [tilespmem:s15+$0xFFFFFFE0]  }
0x577: {  	v5 =	vadd.bf16 v6, v5;
	v4 =	vpop (erf);
	(erf) = vpow2.bf16 v3;
	v3 =	vld [tilespmem:s15+$0xFFFFFF60];
	_ =	sdelay $0x1  }
0x578: {  	v5 =	vmul.bf16 v1, v5;
	v6 =	vpop (erf)  }
0x579: {  	v8 =	vpop (erf)  }
0x57a: {  	(erf) = vpow2.bf16 v5;
	v5 =	vmul.bf16 v6, v7;
	v8 =	vadd.bf16 v2, v8;
	v7 =	vpop (erf)  }
0x57b: {  	v3 =	vmul.bf16 v7, v3  }
0x57c: {  	v6 =	vunpack.i.u.bf16.f32 v5;
	(erf) = vrcp.bf16 v8  }
0x57d: {  	v7 =	vunpack.i.u.bf16.f32 v3;
	v3 =	vunpack.i.l.bf16.f32 v3  }
0x57e: {  	v5 =	vunpack.i.l.bf16.f32 v5;
	[tilespmem:s9+$0xFFFFFFD0] =	vst v6  }
0x57f: {  	v4 =	vadd.bf16 v2, v4;
	[tilespmem:s9+$0xFFFFFFC0] =	vst v5;
	v6 =	vpop (erf)  }
0x580: {  	v5 =	vld [tilespmem:s15+$0xFFFFFFB0];
	[tilespmem:s9+$0xFFFFFF40] =	vst v3;
	v3 =	vpop (erf)  }
0x581: {  	v8 =	vld [tilespmem:s19+$0xFFFFFFB0];
	(erf) = vrcp.bf16 v4;
	v6 =	vadd.bf16 v2, v6;
	v3 =	vadd.bf16 v2, v3  }
0x582: {  	v4 =	vld [tilespmem:s11+$0xD0];
	[tilespmem:s9+$0xFFFFFF50] =	vst v7  }
0x583: {  	v9 =	vld [tilespmem:s19+$0xFFFFFF30];
	(erf) = vrcp.bf16 v6  }
0x584: {  	s25 =	simm.s32 $0x15480;
	v6 =	vld [tilespmem:s15+$0xFFFFFF30];
	v7 =	vpop (erf)  }
0x585: {  	s17 =	simm.s32 $0x17C80;
	v10 =	vld [tilespmem:s25+$0x80];
	v7 =	vadd.bf16 v2, v7;
	(erf) = vrcp.bf16 v3;
	v3 =	vpop (erf)  }
0x586: {  	v5 =	vadd.bf16 v8, v5;
	v8 =	vld [tilespmem:s17+$0x80];
	v11 =	vpop (erf)  }
0x587: {  	(erf) = vrcp.bf16 v7;
	v3 =	vadd.bf16 v2, v3;
	v4 =	vmul.bf16 v11, v4  }
0x588: {  	v13 =	vld [tilespmem:s25+$0x0];
	v5 =	vmul.bf16 v1, v5  }
0x589: {  	v7 =	vld [tilespmem:s11+$0xFFFFFFD0];
	(erf) = vrcp.bf16 v3;
	v3 =	vadd.bf16 v9, v6;
	v6 =	vunpack.i.l.bf16.f32 v4  }
0x58a: {  	v9 =	vld [tilespmem:s25+$0xFFFFFF80];
	v4 =	vunpack.i.u.bf16.f32 v4;
	[tilespmem:s20+$0xA0] =	vst v6  }
0x58b: {  	(erf) = vpow2.bf16 v5;
	v5 =	vld [tilespmem:s17+$0xFFFFFF80];
	v3 =	vmul.bf16 v1, v3;
	v6 =	vadd.bf16 v8, v10;
	[tilespmem:s20+$0xB0] =	vst v4  }
0x58c: {  	v4 =	vld [tilespmem:s11+$0xA0]  }
0x58d: {  	v10 =	vpop (erf);
	(erf) = vpow2.bf16 v3;
	v3 =	vmul.bf16 v1, v6;
	v6 =	vld [tilespmem:s22+$0xA0]  }
0x58e: {  	v12 =	vld [tilespmem:s25+$0xFFFFFF00];
	v11 =	vpop (erf)  }
0x58f: {  	v8 =	vld [tilespmem:s17+$0xFFFFFF00];
	(erf) = vpow2.bf16 v3;
	v3 =	vmul.bf16 v11, v7  }
0x590: {  	v7 =	vld [tilespmem:s17+$0x0];
	v5 =	vadd.bf16 v5, v9  }
0x591: {  	v9 =	vunpack.i.l.bf16.f32 v3  }
0x592: {  	v11 =	vunpack.i.u.bf16.f32 v3;
	v5 =	vmul.bf16 v1, v5;
	v4 =	vadd.bf16 v6, v4;
	v6 =	vld [tilespmem:s11+$0xFFFFFF50];
	[tilespmem:s20+$0xFFFFFFA0] =	vst v9  }
0x593: {  	v9 =	vld [tilespmem:s11+$0x50];
	[tilespmem:s20+$0xFFFFFFB0] =	vst v11  }
0x594: {  	v3 =	vpop (erf);
	v11 =	vld [tilespmem:s11+$0xFFFFFFA0];
	(erf) = vpow2.bf16 v5;
	v5 =	vadd.bf16 v8, v12;
	v4 =	vmul.bf16 v1, v4  }
0x595: {  	v7 =	vadd.bf16 v7, v13;
	v13 =	vld [tilespmem:s22+$0xFFFFFFA0]  }
0x596: {  	v8 =	vpop (erf);
	v5 =	vmul.bf16 v1, v5;
	(erf) = vpow2.bf16 v4  }
0x597: {  	v12 =	vpop (erf)  }
0x598: {  	v4 =	vpop (erf);
	(erf) = vpow2.bf16 v5;
	v5 =	vmul.bf16 v8, v6  }
0x599: {  	v7 =	vmul.bf16 v1, v7;
	v9 =	vmul.bf16 v12, v9;
	v14 =	vpop (erf)  }
0x59a: {  	v11 =	vadd.bf16 v13, v11;
	v6 =	vpop (erf);
	v8 =	vunpack.i.u.bf16.f32 v5;
	v5 =	vunpack.i.l.bf16.f32 v5  }
0x59b: {  	(erf) = vpow2.bf16 v7;
	v7 =	vld [tilespmem:s15+$0x60];
	v6 =	vadd.bf16 v2, v6;
	[tilespmem:s20+$0xFFFFFF20] =	vst v5;
	v5 =	vunpack.i.u.bf16.f32 v9;
	_ =	sdelay $0x1  }
0x59c: {  	[tilespmem:s20+$0xFFFFFF30] =	vst v8;
	(erf) = vrcp.bf16 v6;
	v6 =	vmul.bf16 v1, v11  }
0x59d: {  	v9 =	vunpack.i.l.bf16.f32 v9;
	[tilespmem:s20+$0x30] =	vst v5;
	v5 =	vpop (erf)  }
0x59e: {  	v8 =	vld [tilespmem:s11+$0xFFFFFF20];
	v5 =	vadd.bf16 v2, v5;
	(erf) = vpow2.bf16 v6  }
0x59f: {  	v11 =	vld [tilespmem:s22+$0xFFFFFF20];
	v6 =	vmul.bf16 v10, v7  }
0x5a0: {  	[tilespmem:s20+$0x20] =	vst v9;
	v9 =	vpop (erf);
	(erf) = vrcp.bf16 v5  }
0x5a1: {  	v7 =	vld [tilespmem:s11+$0x20];
	v5 =	vadd.bf16 v2, v9;
	v9 =	vunpack.i.u.bf16.f32 v6;
	v6 =	vunpack.i.l.bf16.f32 v6  }
0x5a2: {  	v10 =	vld [tilespmem:s22+$0x20];
	v13 =	vpop (erf);
	[tilespmem:s9+$0x50] =	vst v9  }
0x5a3: {  	v12 =	vld [tilespmem:s25+$0xC0];
	[tilespmem:s9+$0x40] =	vst v6;
	v9 =	vadd.bf16 v2, v13;
	(erf) = vrcp.bf16 v5  }
0x5a4: {  	v5 =	vadd.bf16 v11, v8;
	v8 =	vld [tilespmem:s15+$0x30];
	v6 =	vpop (erf)  }
0x5a5: {  	v6 =	vadd.bf16 v2, v6;
	(erf) = vrcp.bf16 v9;
	v9 =	vld [tilespmem:s19+$0x30];
	_ =	sdelay $0x1  }
0x5a6: {  	v13 =	vld [tilespmem:s25+$0xFFFFFFC0];
	v7 =	vadd.bf16 v10, v7;
	v5 =	vmul.bf16 v1, v5;
	v11 =	vpop (erf);
	(erf) = vrcp.bf16 v6  }
0x5a7: {  	v10 =	vmul.bf16 v11, v12  }
0x5a8: {  	v6 =	vmul.bf16 v1, v7;
	(erf) = vpow2.bf16 v5;
	v12 =	vpop (erf)  }
0x5a9: {  	s8 =	simm.s32 $0x1A480;
	v11 =	vld [tilespmem:s11+$0xE0];
	v7 =	vunpack.i.l.bf16.f32 v10;
	v8 =	vadd.bf16 v9, v8;
	v9 =	vadd.bf16 v2, v12  }
0x5aa: {  	v10 =	vunpack.i.u.bf16.f32 v10;
	[tilespmem:s8+$0x80] =	vst v7;
	v12 =	vpop (erf)  }
0x5ab: {  	v5 =	vld [tilespmem:s25+$0xFFFFFF40];
	[tilespmem:s8+$0x90] =	vst v10;
	(erf) = vpow2.bf16 v6;
	v6 =	vmul.bf16 v12, v13  }
0x5ac: {  	v10 =	vld [tilespmem:s25+$0x90]  }
0x5ad: {  	v12 =	vld [tilespmem:s17+$0x90];
	(erf) = vrcp.bf16 v9;
	v9 =	vpop (erf);
	v13 =	vunpack.i.l.bf16.f32 v6  }
0x5ae: {  	v9 =	vmul.bf16 v9, v11  }
0x5af: {  	v7 =	vld [tilespmem:s25+$0x40];
	v8 =	vmul.bf16 v1, v8;
	v6 =	vunpack.i.u.bf16.f32 v6;
	[tilespmem:s8+$0xFFFFFF80] =	vst v13  }
0x5b0: {  	v11 =	vadd.bf16 v2, v14;
	[tilespmem:s8+$0xFFFFFF90] =	vst v6;
	v13 =	vpop (erf);
	v6 =	vunpack.i.l.bf16.f32 v9  }
0x5b1: {  	(erf) = vpow2.bf16 v8;
	v8 =	vld [tilespmem:s25+$0xFFFFFF90];
	v9 =	vunpack.i.u.bf16.f32 v9;
	v5 =	vmul.bf16 v13, v5;
	[tilespmem:s20+$0xC0] =	vst v6  }
0x5b2: {  	v4 =	vadd.bf16 v2, v4;
	v10 =	vadd.bf16 v12, v10;
	v6 =	vld [tilespmem:s17+$0xFFFFFF90];
	[tilespmem:s20+$0xD0] =	vst v9  }
0x5b3: {  	(erf) = vrcp.bf16 v11;
	v13 =	vpop (erf);
	v9 =	vld [tilespmem:s11+$0xB0];
	v11 =	vunpack.i.u.bf16.f32 v5;
	v5 =	vunpack.i.l.bf16.f32 v5  }
0x5b4: {  	v7 =	vmul.bf16 v13, v7;
	[tilespmem:s8+$0xFFFFFF00] =	vst v5;
	v5 =	vmul.bf16 v1, v10;
	v10 =	vld [tilespmem:s22+$0xB0]  }
0x5b5: {  	(erf) = vrcp.bf16 v4;
	[tilespmem:s8+$0xFFFFFF10] =	vst v11  }
0x5b6: {  	v4 =	vunpack.i.l.bf16.f32 v7;
	v12 =	vld [tilespmem:s25+$0xFFFFFF10];
	v11 =	vpop (erf)  }
0x5b7: {  	[tilespmem:s8+$0x0] =	vst v4;
	(erf) = vpow2.bf16 v5;
	v5 =	vadd.bf16 v6, v8;
	v4 =	vadd.bf16 v2, v11;
	v11 =	vld [tilespmem:s17+$0xFFFFFF10]  }
0x5b8: {  	v7 =	vunpack.i.u.bf16.f32 v7  }
0x5b9: {  	[tilespmem:s8+$0x10] =	vst v7;
	v5 =	vmul.bf16 v1, v5;
	(erf) = vrcp.bf16 v4;
	v4 =	vld [tilespmem:s11+$0xFFFFFFE0];
	v8 =	vadd.bf16 v10, v9  }
0x5ba: {  	v6 =	vld [tilespmem:s25+$0x10]  }
0x5bb: {  	v7 =	vld [tilespmem:s17+$0x10];
	(erf) = vpow2.bf16 v5;
	v8 =	vmul.bf16 v1, v8  }
0x5bc: {  	v9 =	vpop (erf);
	v5 =	vadd.bf16 v11, v12  }
0x5bd: {  	v10 =	vld [tilespmem:s15+$0xF0];
	v12 =	vpop (erf);
	(erf) = vpow2.bf16 v8  }
0x5be: {  	v5 =	vmul.bf16 v1, v5;
	v4 =	vmul.bf16 v12, v4  }
0x5bf: {  	v13 =	vpop (erf)  }
0x5c0: {  	v6 =	vadd.bf16 v7, v6;
	v7 =	vld [tilespmem:s11+$0xFFFFFF60];
	v14 =	vpop (erf);
	(erf) = vpow2.bf16 v5;
	v5 =	vunpack.i.u.bf16.f32 v4  }
0x5c1: {  	v12 =	vld [tilespmem:s15+$0xFFFFFF70];
	v4 =	vunpack.i.l.bf16.f32 v4  }
0x5c2: {  	v10 =	vmul.bf16 v3, v10;
	v15 =	vpop (erf)  }
0x5c3: {  	v11 =	vld [tilespmem:s15+$0xFFFFFFF0];
	v8 =	vmul.bf16 v1, v6;
	[tilespmem:s20+$0xFFFFFFD0] =	vst v5;
	v5 =	vpop (erf)  }
0x5c4: {  	v6 =	vld [tilespmem:s11+$0x60];
	v16 =	vunpack.i.u.bf16.f32 v10;
	[tilespmem:s20+$0xFFFFFFC0] =	vst v4;
	v4 =	vpop (erf)  }
0x5c5: {  	(erf) = vpow2.bf16 v8;
	v17 =	vld [tilespmem:s11+$0xFFFFFFB0];
	v5 =	vadd.bf16 v2, v5;
	v4 =	vmul.bf16 v4, v7  }
0x5c6: {  	[tilespmem:s9+$0xF0] =	vst v16;
	v16 =	vld [tilespmem:s22+$0xFFFFFFB0];
	v12 =	vmul.bf16 v14, v12;
	v7 =	vunpack.i.l.bf16.f32 v10;
	v10 =	vadd.bf16 v2, v9  }
0x5c7: {  	v3 =	vld [tilespmem:s15+$0x70];
	[tilespmem:s9+$0xE0] =	vst v7;
	(erf) = vrcp.bf16 v5;
	v5 =	vunpack.i.u.bf16.f32 v4;
	v14 =	vunpack.i.l.bf16.f32 v4  }
0x5c8: {  	v15 =	vmul.bf16 v15, v11;
	v8 =	vld [tilespmem:s25+$0xFFFFFFD0];
	v11 =	vpop (erf);
	[tilespmem:s20+$0xFFFFFF50] =	vst v5  }
0x5c9: {  	v9 =	vld [tilespmem:s25+$0xFFFFFF50];
	v11 =	vadd.bf16 v2, v11;
	v5 =	vunpack.i.l.bf16.f32 v12;
	(erf) = vrcp.bf16 v10;
	[tilespmem:s20+$0xFFFFFF40] =	vst v14  }
0x5ca: {  	v7 =	vld [tilespmem:s25+$0x50];
	v10 =	vunpack.i.u.bf16.f32 v12;
	[tilespmem:s9+$0xFFFFFF60] =	vst v5;
	v5 =	vunpack.i.l.bf16.f32 v15;
	v14 =	vpop (erf)  }
0x5cb: {  	v4 =	vld [tilespmem:s11+$0xFFFFFFF0];
	[tilespmem:s9+$0xFFFFFF70] =	vst v10;
	v10 =	vadd.bf16 v16, v17;
	(erf) = vrcp.bf16 v11;
	v16 =	vadd.bf16 v2, v14  }
0x5cc: {  	v12 =	vld [tilespmem:s11+$0xFFFFFF30]  }
0x5cd: {  	v15 =	vunpack.i.u.bf16.f32 v15;
	[tilespmem:s9+$0xFFFFFFE0] =	vst v5;
	v14 =	vld [tilespmem:s25+$0xD0];
	v5 =	vpop (erf)  }
0x5ce: {  	v11 =	vadd.bf16 v2, v13;
	v13 =	vld [tilespmem:s22+$0xFFFFFF30];
	[tilespmem:s9+$0xFFFFFFF0] =	vst v15;
	v15 =	vadd.bf16 v2, v5;
	(erf) = vrcp.bf16 v16  }
0x5cf: {  	s18 =	simm.s32 $0x17C80;
	s2 =	simm.s32 $0x15680;
	s19 =	simm.s32 $0x8;
	v10 =	vmul.bf16 v1, v10;
	v5 =	vld [tilespmem:s11+$0xFFFFFF70];
	v16 =	vpop (erf)  }
.LBB2_13:
0x5d0: {  	v17 =	vld [tilespmem:s2+$0x80];
	v16 =	vadd.bf16 v2, v16;
	s17 =	sadd.s32 $0x200, s17;
	(erf) = vrcp.bf16 v15  }
0x5d1: {  	v15 =	vld [tilespmem:s17+$0x80];
	v18 =	vpop (erf)  }
0x5d2: {  	v19 =	vld [tilespmem:s17+$0xFFFFFF00];
	v14 =	vmul.bf16 v18, v14;
	(erf) = vrcp.bf16 v16  }
0x5d3: {  	v16 =	vld [tilespmem:s2+$0xFFFFFF80];
	v12 =	vadd.bf16 v13, v12;
	v13 =	vpop (erf)  }
0x5d4: {  	v20 =	vunpack.i.l.bf16.f32 v14;
	v6 =	vmul.bf16 v13, v6;
	v13 =	vld [tilespmem:s11+$0xF0];
	(erf) = vpow2.bf16 v10  }
0x5d5: {  	v14 =	vunpack.i.u.bf16.f32 v14;
	v10 =	vld [tilespmem:s17+$0xFFFFFF80];
	[tilespmem:s8+$0xA0] =	vst v20;
	v18 =	vpop (erf);
	v12 =	vmul.bf16 v1, v12  }
0x5d6: {  	v20 =	vld [tilespmem:s2+$0x0];
	v15 =	vadd.bf16 v15, v17;
	v8 =	vmul.bf16 v18, v8;
	[tilespmem:s8+$0xB0] =	vst v14;
	v14 =	vunpack.i.u.bf16.f32 v6  }
0x5d7: {  	s19 =	sadd.s32 $0x4, s19;
	v18 =	vunpack.i.l.bf16.f32 v6;
	v17 =	vld [tilespmem:s25+$0xA0];
	[tilespmem:s20+$0x50] =	vst v14;
	(erf) = vpow2.bf16 v12  }
0x5d8: {  	p0 =	slt.u32 s19, $0x24;
	v21 =	vmul.bf16 v1, v15;
	v14 =	vunpack.i.u.bf16.f32 v8;
	v8 =	vunpack.i.l.bf16.f32 v8;
	v15 =	vld [tilespmem:s18+$0xA0];
	[tilespmem:s20+$0x40] =	vst v18;
	v6 =	vpop (erf)  }
0x5d9: {  	v18 =	vld [tilespmem:s17+$0x0];
	[tilespmem:s8+$0xFFFFFFA0] =	vst v8;
	v6 =	vmul.bf16 v6, v13  }
0x5da: {  	v13 =	vld [tilespmem:s2+$0xFFFFFF00];
	v10 =	vadd.bf16 v10, v16;
	(erf) = vpow2.bf16 v21;
	[tilespmem:s8+$0xFFFFFFB0] =	vst v14;
	v12 =	vpop (erf)  }
0x5db: {  	v8 =	vld [tilespmem:s2+$0xFFFFFF40];
	v21 =	vmul.bf16 v12, v9;
	v9 =	vunpack.i.u.bf16.f32 v6;
	v6 =	vunpack.i.l.bf16.f32 v6  }
0x5dc: {  	v14 =	vld [tilespmem:s2+$0xFFFFFFC0];
	v10 =	vmul.bf16 v1, v10;
	v16 =	vpop (erf);
	[tilespmem:s20+$0xF0] =	vst v9;
	(erf) = vrcp.bf16 v11  }
0x5dd: {  	v9 =	vld [tilespmem:s2+$0x40];
	v11 =	vunpack.i.u.bf16.f32 v21;
	v7 =	vmul.bf16 v16, v7;
	v15 =	vadd.bf16 v15, v17;
	[tilespmem:s20+$0xE0] =	vst v6  }
0x5de: {  	v6 =	vadd.bf16 v18, v20;
	(erf) = vpow2.bf16 v10;
	v10 =	vunpack.i.l.bf16.f32 v21;
	[tilespmem:s8+$0xFFFFFF30] =	vst v11;
	v11 =	vld [tilespmem:s25+$0xFFFFFFA0];
	v12 =	vpop (erf)  }
0x5df: {  	v13 =	vadd.bf16 v19, v13;
	[tilespmem:s8+$0xFFFFFF20] =	vst v10;
	v16 =	vld [tilespmem:s18+$0xFFFFFFA0];
	v10 =	vunpack.i.u.bf16.f32 v7;
	v15 =	vmul.bf16 v1, v15  }
0x5e0: {  	v18 =	vunpack.i.l.bf16.f32 v7;
	v12 =	vadd.bf16 v2, v12;
	v6 =	vmul.bf16 v1, v6;
	v17 =	vld [tilespmem:s25+$0xFFFFFF20];
	[tilespmem:s8+$0x30] =	vst v10  }
0x5e1: {  	v10 =	vmul.bf16 v1, v13;
	v13 =	vld [tilespmem:s18+$0xFFFFFF20];
	[tilespmem:s8+$0x20] =	vst v18;
	(erf) = vpow2.bf16 v15;
	v7 =	vpop (erf)  }
0x5e2: {  	v15 =	vld [tilespmem:s25+$0x20];
	v18 =	vadd.bf16 v2, v7  }
0x5e3: {  	(erf) = vpow2.bf16 v10;
	v19 =	vld [tilespmem:s18+$0x20]  }
0x5e4: {  	v7 =	vpop (erf);
	v10 =	vld [tilespmem:s25+$0xFFFFFF60];
	v11 =	vadd.bf16 v16, v11  }
0x5e5: {  	v16 =	vadd.bf16 v2, v7;
	(erf) = vpow2.bf16 v6;
	v7 =	vld [tilespmem:s25+$0xFFFFFFE0]  }
0x5e6: {  	v13 =	vadd.bf16 v13, v17;
	v11 =	vmul.bf16 v1, v11;
	v6 =	vld [tilespmem:s25+$0x60];
	v17 =	vpop (erf)  }
0x5e7: {  	(erf) = vrcp.bf16 v16;
	v16 =	vld [tilespmem:s11+$0x30];
	v17 =	vmul.bf16 v17, v3  }
0x5e8: {  	v3 =	vpop (erf);
	v13 =	vmul.bf16 v1, v13;
	v15 =	vadd.bf16 v19, v15;
	v19 =	vld [tilespmem:s22+$0x30];
	s22 =	smov.u32 s18;
	s18 =	smov.u32 s17  }
0x5e9: {  	v20 =	vadd.bf16 v2, v3;
	(erf) = vpow2.bf16 v11;
	v3 =	vld [tilespmem:s11+$0x70];
	v21 =	vunpack.i.u.bf16.f32 v17;
	s11 =	smov.u32 s25;
	s25 =	smov.u32 s2  }
0x5ea: {  	v17 =	vunpack.i.l.bf16.f32 v17;
	v15 =	vmul.bf16 v1, v15;
	[tilespmem:s9+$0x70] =	vst v21  }
0x5eb: {  	(erf) = vrcp.bf16 v20;
	v11 =	vpop (erf);
	[tilespmem:s9+$0x60] =	vst v17;
	s9 =	smov.u32 s20;
	s20 =	smov.u32 s8  }
0x5ec: {  	v21 =	vadd.bf16 v2, v11  }
0x5ed: {  	v17 =	vld [tilespmem:s2+$0xC0];
	v20 =	vpop (erf);
	v16 =	vadd.bf16 v19, v16  }
0x5ee: {  	v20 =	vadd.bf16 v2, v20;
	(erf) = vrcp.bf16 v21  }
0x5ef: {  	v11 =	vpop (erf);
	v16 =	vmul.bf16 v1, v16  }
0x5f0: {  	v21 =	vadd.bf16 v2, v11;
	(erf) = vrcp.bf16 v20  }
0x5f1: {  	v19 =	vpop (erf)  }
0x5f2: {  	v22 =	vmul.bf16 v19, v17;
	(erf) = vrcp.bf16 v21  }
0x5f3: {  	v11 =	vpop (erf)  }
0x5f4: {  	s8 =	sadd.s32 $0x200, s8;
	v19 =	vunpack.i.l.bf16.f32 v22;
	v11 =	vadd.bf16 v2, v11;
	v20 =	vld [tilespmem:s11+$0xE0];
	(erf) = vpow2.bf16 v13  }
0x5f5: {  	v13 =	vunpack.i.u.bf16.f32 v22;
	[tilespmem:s8+$0x80] =	vst v19;
	v17 =	vpop (erf)  }
0x5f6: {  	v14 =	vmul.bf16 v17, v14;
	[tilespmem:s8+$0x90] =	vst v13;
	(erf) = vpow2.bf16 v15  }
0x5f7: {  	v13 =	vld [tilespmem:s2+$0x90]  }
0x5f8: {  	v15 =	vunpack.i.u.bf16.f32 v14;
	v19 =	vunpack.i.l.bf16.f32 v14;
	v17 =	vld [tilespmem:s17+$0x90];
	(erf) = vrcp.bf16 v11;
	v11 =	vpop (erf)  }
0x5f9: {  	[tilespmem:s8+$0xFFFFFF80] =	vst v19;
	v11 =	vmul.bf16 v11, v20  }
0x5fa: {  	[tilespmem:s8+$0xFFFFFF90] =	vst v15;
	v14 =	vpop (erf);
	(erf) = vpow2.bf16 v16  }
0x5fb: {  	v14 =	vmul.bf16 v14, v8;
	v15 =	vld [tilespmem:s2+$0xFFFFFF90];
	v8 =	vunpack.i.l.bf16.f32 v11  }
0x5fc: {  	v11 =	vunpack.i.u.bf16.f32 v11;
	v16 =	vld [tilespmem:s17+$0xFFFFFF90];
	v19 =	vpop (erf);
	[tilespmem:s20+$0xC0] =	vst v8;
	(erf) = vrcp.bf16 v18  }
0x5fd: {  	v18 =	vunpack.i.u.bf16.f32 v14;
	v8 =	vld [tilespmem:s2+$0xFFFFFFD0];
	v9 =	vmul.bf16 v19, v9;
	v13 =	vadd.bf16 v17, v13;
	[tilespmem:s20+$0xD0] =	vst v11  }
0x5fe: {  	v11 =	vunpack.i.l.bf16.f32 v14;
	[tilespmem:s8+$0xFFFFFF10] =	vst v18;
	v14 =	vld [tilespmem:s11+$0xB0];
	v17 =	vpop (erf);
	(erf) = vrcp.bf16 v12  }
0x5ff: {  	[tilespmem:s8+$0xFFFFFF00] =	vst v11;
	v11 =	vunpack.i.u.bf16.f32 v9;
	v9 =	vunpack.i.l.bf16.f32 v9;
	v12 =	vmul.bf16 v1, v13;
	v13 =	vld [tilespmem:s22+$0xB0]  }
0x600: {  	v18 =	vld [tilespmem:s2+$0xFFFFFF10];
	[tilespmem:s8+$0x0] =	vst v9;
	v9 =	vadd.bf16 v2, v17;
	v17 =	vpop (erf)  }
0x601: {  	v19 =	vld [tilespmem:s17+$0xFFFFFF10];
	v15 =	vadd.bf16 v16, v15;
	[tilespmem:s8+$0x10] =	vst v11;
	(erf) = vpow2.bf16 v12;
	v12 =	vadd.bf16 v2, v17  }
0x602: {  	v16 =	vld [tilespmem:s2+$0x10];
	v11 =	vpop (erf)  }
0x603: {  	v15 =	vmul.bf16 v1, v15;
	v17 =	vld [tilespmem:s17+$0x10];
	(erf) = vrcp.bf16 v9  }
0x604: {  	v20 =	vmul.bf16 v11, v7;
	v9 =	vld [tilespmem:s2+$0xFFFFFF50];
	v13 =	vadd.bf16 v13, v14;
	v11 =	vpop (erf)  }
0x605: {  	v7 =	vld [tilespmem:s2+$0x50];
	(erf) = vpow2.bf16 v15;
	v11 =	vadd.bf16 v2, v11  }
0x606: {  	v15 =	vunpack.i.u.bf16.f32 v20;
	v14 =	vadd.bf16 v19, v18;
	v21 =	vmul.bf16 v1, v13;
	v18 =	vpop (erf)  }
0x607: {  	v19 =	vunpack.i.l.bf16.f32 v20;
	[tilespmem:s20+$0xFFFFFFD0] =	vst v15;
	v5 =	vmul.bf16 v18, v5  }
0x608: {  	v14 =	vmul.bf16 v1, v14;
	v15 =	vadd.bf16 v17, v16;
	[tilespmem:s20+$0xFFFFFFC0] =	vst v19;
	(erf) = vpow2.bf16 v21;
	v13 =	vpop (erf)  }
0x609: {  	v16 =	vld [tilespmem:s11+$0xFFFFFFB0];
	v17 =	vunpack.i.u.bf16.f32 v5;
	v18 =	vunpack.i.l.bf16.f32 v5;
	v13 =	vmul.bf16 v13, v4  }
0x60a: {  	v15 =	vmul.bf16 v1, v15;
	(erf) = vpow2.bf16 v14;
	v14 =	vld [tilespmem:s22+$0xFFFFFFB0];
	[tilespmem:s9+$0xFFFFFF60] =	vst v18  }
0x60b: {  	v5 =	vpop (erf);
	v4 =	vld [tilespmem:s11+$0xFFFFFFF0];
	[tilespmem:s9+$0xFFFFFF70] =	vst v17;
	v17 =	vunpack.i.u.bf16.f32 v13;
	v18 =	vunpack.i.l.bf16.f32 v13  }
0x60c: {  	v5 =	vadd.bf16 v2, v5;
	(erf) = vpow2.bf16 v15;
	[tilespmem:s9+$0xFFFFFFE0] =	vst v18  }
0x60d: {  	v13 =	vpop (erf);
	[tilespmem:s9+$0xFFFFFFF0] =	vst v17  }
0x60e: {  	(erf) = vrcp.bf16 v5;
	v5 =	vmul.bf16 v13, v10  }
0x60f: {  	v10 =	vpop (erf);
	v13 =	vadd.bf16 v14, v16  }
0x610: {  	v14 =	vadd.bf16 v2, v10;
	v10 =	vunpack.i.u.bf16.f32 v5;
	(erf) = vrcp.bf16 v12  }
0x611: {  	v12 =	vunpack.i.l.bf16.f32 v5;
	[tilespmem:s20+$0xFFFFFF50] =	vst v10;
	v10 =	vmul.bf16 v1, v13  }
.Ltmp5:
0x612: {  	(erf) = vrcp.bf16 v14;
	[tilespmem:s20+$0xFFFFFF40] =	vst v12;
	v5 =	vpop (erf);
	(pc) =	sbr.rel @p0 .LBB2_13-.Ltmp5, $4  }
0x613: {  	v12 =	vld [tilespmem:s11+$0xFFFFFF30];
	v5 =	vadd.bf16 v2, v5  }
0x614: {  	v14 =	vld [tilespmem:s2+$0xD0];
	v13 =	vpop (erf)  }
0x615: {  	v15 =	vadd.bf16 v2, v13;
	v13 =	vld [tilespmem:s22+$0xFFFFFF30];
	(erf) = vrcp.bf16 v5  }
0x616: {  	s2 =	sadd.s32 $0x200, s2;
	v16 =	vpop (erf);
	v5 =	vld [tilespmem:s11+$0xFFFFFF70]  }
0x617: {  	_ = 	snop  }
0x618: {  	v17 =	vpop (erf)  }
0x619: {  	v14 =	vmul.bf16 v17, v14;
	_ =	sdelay $0x1  }
0x61a: {  	v17 =	vunpack.i.l.bf16.f32 v14  }
0x61b: {  	v14 =	vunpack.i.u.bf16.f32 v14;
	[tilespmem:s8+$0xA0] =	vst v17  }
0x61c: {  	[tilespmem:s8+$0xB0] =	vst v14  }
0x61d: {  	v35 =	vadd.bf16 v2, v16;
	(erf) = vrcp.bf16 v15;
	v36 =	vld [tilespmem:s25+$0xA0]  }
0x61e: {  	v37 =	vld [tilespmem:s18+$0xA0]  }
0x61f: {  	(erf) = vrcp.bf16 v35;
	v12 =	vadd.bf16 v13, v12;
	_ =	sdelay $0x1  }
0x620: {  	v38 =	vpop (erf);
	(erf) = vpow2.bf16 v10;
	v39 =	vmul.bf16 v1, v12  }
0x621: {  	v40 =	vpop (erf)  }
0x622: {  	v8 =	vmul.bf16 v40, v8;
	(erf) = vpow2.bf16 v39;
	v41 =	vadd.bf16 v37, v36;
	_ =	sdelay $0x1  }
0x623: {  	v12 =	vunpack.i.l.bf16.f32 v8;
	(erf) = vrcp.bf16 v11;
	v10 =	vmul.bf16 v1, v41  }
0x624: {  	v8 =	vunpack.i.u.bf16.f32 v8;
	[tilespmem:s8+$0xFFFFFFA0] =	vst v12  }
0x625: {  	[tilespmem:s8+$0xFFFFFFB0] =	vst v8;
	(erf) = vpow2.bf16 v10  }
0x626: {  	v8 =	vld [tilespmem:s25+$0xFFFFFFA0]  }
0x627: {  	v42 =	vld [tilespmem:s18+$0xFFFFFFA0];
	_ =	sdelay $0x1  }
0x628: {  	v11 =	vpop (erf)  }
0x629: {  	v43 =	vpop (erf)  }
0x62a: {  	v14 =	vpop (erf)  }
0x62b: {  	v44 =	vpop (erf);
	v8 =	vadd.bf16 v42, v8  }
0x62c: {  	v45 =	vpop (erf)  }
0x62d: {  	v9 =	vmul.bf16 v43, v9;
	v8 =	vmul.bf16 v1, v8;
	v12 =	vpop (erf)  }
0x62e: {  	v46 =	vpop (erf)  }
0x62f: {  	v47 =	vunpack.i.u.bf16.f32 v9;
	(erf) = vpow2.bf16 v8;
	v48 =	vadd.bf16 v2, v46  }
0x630: {  	v7 =	vmul.bf16 v14, v7;
	v9 =	vunpack.i.l.bf16.f32 v9;
	[tilespmem:s8+$0xFFFFFF30] =	vst v47  }
0x631: {  	[tilespmem:s8+$0xFFFFFF20] =	vst v9;
	(erf) = vrcp.bf16 v48  }
0x632: {  	v49 =	vunpack.i.u.bf16.f32 v7;
	v9 =	vld [tilespmem:s25+$0xFFFFFF20]  }
0x633: {  	v6 =	vmul.bf16 v38, v6;
	v7 =	vunpack.i.l.bf16.f32 v7;
	v50 =	vld [tilespmem:s18+$0xFFFFFF20];
	[tilespmem:s8+$0x30] =	vst v49  }
0x634: {  	[tilespmem:s8+$0x20] =	vst v7  }
0x635: {  	v51 =	vunpack.i.u.bf16.f32 v6;
	v52 =	vld [tilespmem:s25+$0x20]  }
0x636: {  	v6 =	vunpack.i.l.bf16.f32 v6;
	[tilespmem:s20+$0x50] =	vst v51;
	v53 =	vld [tilespmem:s18+$0x20]  }
0x637: {  	v54 =	vld [tilespmem:s25+$0xE0];
	[tilespmem:s20+$0x40] =	vst v6  }
0x638: {  	v55 =	vld [tilespmem:s11+$0x30];
	v8 =	vadd.bf16 v50, v9  }
0x639: {  	v56 =	vld [tilespmem:s22+$0x30]  }
0x63a: {  	v8 =	vmul.bf16 v1, v8;
	v57 =	vpop (erf)  }
0x63b: {  	v7 =	vadd.bf16 v53, v52;
	v58 =	vpop (erf)  }
0x63c: {  	(erf) = vpow2.bf16 v8;
	v6 =	vmul.bf16 v58, v54  }
0x63d: {  	v7 =	vmul.bf16 v1, v7  }
0x63e: {  	v59 =	vadd.bf16 v56, v55;
	v60 =	vunpack.i.l.bf16.f32 v6  }
0x63f: {  	v61 =	vadd.bf16 v2, v57;
	(erf) = vpow2.bf16 v7;
	v6 =	vunpack.i.u.bf16.f32 v6;
	[tilespmem:s8+$0xC0] =	vst v60  }
0x640: {  	[tilespmem:s8+$0xD0] =	vst v6  }
0x641: {  	v62 =	vmul.bf16 v1, v59;
	(erf) = vrcp.bf16 v61;
	v63 =	vld [tilespmem:s25+$0xB0]  }
0x642: {  	v13 =	vld [tilespmem:s18+$0xB0]  }
0x643: {  	v14 =	vadd.bf16 v2, v45;
	(erf) = vpow2.bf16 v62;
	_ =	sdelay $0x1  }
0x644: {  	v15 =	vadd.bf16 v2, v44;
	(erf) = vrcp.bf16 v14  }
0x645: {  	v16 =	vpop (erf)  }
0x646: {  	(erf) = vrcp.bf16 v15;
	v17 =	vadd.bf16 v2, v16;
	v7 =	vadd.bf16 v13, v63;
	_ =	sdelay $0x1  }
0x647: {  	(erf) = vrcp.bf16 v17;
	v18 =	vmul.bf16 v1, v7  }
0x648: {  	v19 =	vpop (erf)  }
0x649: {  	v7 =	vadd.bf16 v2, v19;
	(erf) = vpow2.bf16 v18;
	_ =	sdelay $0x1  }
0x64a: {  	v20 =	vld [tilespmem:s25+$0xFFFFFFE0];
	(erf) = vrcp.bf16 v7;
	_ =	sdelay $0x1  }
0x64b: {  	v22 =	vld [tilespmem:s25+$0xFFFFFF60];
	v21 =	vpop (erf)  }
0x64c: {  	v23 =	vpop (erf)  }
0x64d: {  	v24 =	vpop (erf)  }
0x64e: {  	v6 =	vmul.bf16 v21, v20;
	v25 =	vpop (erf)  }
0x64f: {  	v26 =	vld [tilespmem:s25+$0x60];
	v27 =	vpop (erf)  }
0x650: {  	v28 =	vunpack.i.u.bf16.f32 v6;
	v8 =	vmul.bf16 v27, v22  }
0x651: {  	v6 =	vunpack.i.l.bf16.f32 v6;
	[tilespmem:s8+$0xFFFFFFD0] =	vst v28  }
0x652: {  	[tilespmem:s8+$0xFFFFFFC0] =	vst v6;
	v29 =	vunpack.i.u.bf16.f32 v8;
	v30 =	vpop (erf)  }
0x653: {  	v15 =	vld [tilespmem:s25+$0xFFFFFFB0];
	v8 =	vunpack.i.l.bf16.f32 v8;
	[tilespmem:s8+$0xFFFFFF50] =	vst v29;
	v31 =	vpop (erf)  }
0x654: {  	v32 =	vld [tilespmem:s18+$0xFFFFFFB0];
	[tilespmem:s8+$0xFFFFFF40] =	vst v8;
	v6 =	vmul.bf16 v31, v26  }
0x655: {  	v8 =	vld [tilespmem:s25+$0xFFFFFF30]  }
0x656: {  	v33 =	vld [tilespmem:s18+$0xFFFFFF30];
	v34 =	vunpack.i.u.bf16.f32 v6  }
0x657: {  	v6 =	vunpack.i.l.bf16.f32 v6;
	[tilespmem:s8+$0x50] =	vst v34  }
0x658: {  	[tilespmem:s8+$0x40] =	vst v6  }
0x659: {  	v35 =	vadd.bf16 v32, v15;
	v14 =	vadd.bf16 v2, v30;
	v36 =	vld [tilespmem:s25+$0x30]  }
0x65a: {  	v37 =	vld [tilespmem:s18+$0x30]  }
0x65b: {  	v8 =	vadd.bf16 v33, v8;
	(erf) = vrcp.bf16 v14;
	v6 =	vmul.bf16 v1, v35;
	_ =	sdelay $0x1  }
0x65c: {  	v38 =	vmul.bf16 v1, v8;
	(erf) = vpow2.bf16 v6;
	_ =	sdelay $0x1  }
0x65d: {  	v39 =	vadd.bf16 v2, v23;
	(erf) = vpow2.bf16 v38;
	v40 =	vadd.bf16 v37, v36;
	_ =	sdelay $0x1  }
0x65e: {  	(erf) = vrcp.bf16 v39;
	v6 =	vmul.bf16 v1, v40;
	_ =	sdelay $0x1  }
0x65f: {  	(erf) = vpow2.bf16 v6;
	_ =	sdelay $0x3  }
0x660: {  	v42 =	vpop (erf)  }
0x661: {  	v43 =	vpop (erf)  }
0x662: {  	v44 =	vpop (erf)  }
0x663: {  	v13 =	vadd.bf16 v2, v44  }
0x664: {  	v3 =	vmul.bf16 v12, v3  }
0x665: {  	v48 =	vld [tilespmem:s25+$0xF0];
	v9 =	vadd.bf16 v2, v43;
	v45 =	vpop (erf);
	(erf) = vrcp.bf16 v13  }
0x666: {  	v41 =	vld [tilespmem:s11+$0xF0];
	v50 =	vunpack.i.u.bf16.f32 v3;
	v5 =	vmul.bf16 v24, v5;
	v47 =	vpop (erf)  }
0x667: {  	v3 =	vunpack.i.l.bf16.f32 v3;
	[tilespmem:s9+$0x70] =	vst v50;
	(erf) = vrcp.bf16 v9;
	v49 =	vadd.bf16 v2, v47  }
0x668: {  	[tilespmem:s9+$0x60] =	vst v3;
	v3 =	vunpack.i.l.bf16.f32 v5;
	v4 =	vmul.bf16 v25, v4  }
0x669: {  	v51 =	vld [tilespmem:s11+$0x70];
	v5 =	vunpack.i.u.bf16.f32 v5;
	[tilespmem:s20+$0xFFFFFF60] =	vst v3;
	(erf) = vrcp.bf16 v49  }
0x66a: {  	[tilespmem:s20+$0xFFFFFF70] =	vst v5;
	v52 =	vunpack.i.l.bf16.f32 v4;
	v53 =	vmul.bf16 v42, v48  }
0x66b: {  	v4 =	vunpack.i.u.bf16.f32 v4;
	[tilespmem:s20+$0xFFFFFFE0] =	vst v52;
	v3 =	vld [tilespmem:s25+$0xFFFFFF70];
	v6 =	vmul.bf16 v11, v41  }
0x66c: {  	[tilespmem:s20+$0xFFFFFFF0] =	vst v4;
	v55 =	vunpack.i.u.bf16.f32 v53  }
0x66d: {  	v54 =	vld [tilespmem:s25+$0xFFFFFFF0];
	[tilespmem:s8+$0xF0] =	vst v55;
	v46 =	vunpack.i.u.bf16.f32 v6  }
0x66e: {  	v6 =	vunpack.i.l.bf16.f32 v6;
	[tilespmem:s20+$0xF0] =	vst v46;
	v56 =	vmul.bf16 v45, v51  }
0x66f: {  	v57 =	vld [tilespmem:s25+$0x70];
	[tilespmem:s20+$0xE0] =	vst v6;
	v6 =	vunpack.i.l.bf16.f32 v53;
	v58 =	vpop (erf)  }
0x670: {  	[tilespmem:s8+$0xE0] =	vst v6;
	v59 =	vunpack.i.u.bf16.f32 v56;
	v3 =	vmul.bf16 v58, v3  }
0x671: {  	v5 =	vunpack.i.l.bf16.f32 v56;
	[tilespmem:s20+$0x70] =	vst v59;
	v60 =	vpop (erf)  }
0x672: {  	[tilespmem:s20+$0x60] =	vst v5;
	v61 =	vunpack.i.l.bf16.f32 v3;
	v6 =	vmul.bf16 v60, v54  }
0x673: {  	v3 =	vunpack.i.u.bf16.f32 v3;
	[tilespmem:s8+$0xFFFFFF60] =	vst v61;
	v62 =	vpop (erf)  }
0x674: {  	[tilespmem:s8+$0xFFFFFF70] =	vst v3;
	v3 =	vunpack.i.l.bf16.f32 v6;
	v4 =	vmul.bf16 v62, v57  }
0x675: {  	v63 =	vunpack.i.u.bf16.f32 v6;
	[tilespmem:s8+$0xFFFFFFE0] =	vst v3  }
0x676: {  	[tilespmem:s8+$0xFFFFFFF0] =	vst v63;
	v3 =	vunpack.i.u.bf16.f32 v4  }
0x677: {  	p0 =	sne.s32 s21, $0x7C;
	v4 =	vunpack.i.l.bf16.f32 v4;
	[tilespmem:s8+$0x70] =	vst v3  }
.Ltmp6:
0x678: {  	[tilespmem:s8+$0x60] =	vst v4;
	(pc) =	sbr.rel @p0 .LBB2_10-.Ltmp6, $4  }
0x679: {  	_ =	swait.ge [sflag:s12], $0x28  }
0x67a: {  	[sflag:s12] =	ssyncset.done $0x0  }
0x67b: {  	s2 =	simm.s32 $0x19F80;
	[sflag:s12] =	ssyncadd.s32 $0xFFFFFFD8  }
0x67c: {  	[spmem:s26] =	stream.indirect.scatter.add.f32 [tilespmem:s2], [sflag:$0xC], $0x80, s10, s30, $0xb8;
	[tilespmem:$0x1B380] =	vst v63  }
0x67d: {  	_ =	swait.ge [sflag:s28], $0x1400  }
0x67e: {  	[sflag:s28] =	ssyncset.done $0x0  }
0x67f: {  	[sflag:s28] =	ssyncadd.s32 $0xFFFFEC00  }
0x680: {  	_ =	swait.ge [sflag:s29], $0x1400  }
0x681: {  	[sflag:s29] =	ssyncset.done $0x0  }
0x682: {  	s2 =	sadd.s32 $0x0, s4;
	[sflag:s29] =	ssyncadd.s32 $0xFFFFEC00  }
0x683: {  	p0 =	sgt.u32 s2, $0xF9;
	[bflag:$0x0] =	sbarrier.arrive $0xFFFF  }
0x684: {  	s2 =	sshll.u32 @!p0 s4, $0x6;
	s11 =	simm.s32 @!p0 $0xD;
	s20 =	rddreg [dreg:$0x11]  }
0x685: {  	s2 =	sor.u32 @!p0 $0x1C0D, s2;
	s15 =	rddreg [dreg:$0x12];
	s8 =	sshrl.u32 @!p0 s20, $0x3  }
0x686: {  	[hbm:s15], [sflag:s2] =	dma.local @!p0 [spmem:s8], $0x280  }
0x687: {  	s9 =	simm.s32 $0x20;
	s17 =	sadd.s32 $0x10, s4;
	_ =	swait.ge @!p0 [sflag:s11], $0x280  }
0x688: {  	s2 =	sadd.s32 $0x14000, s20;
	s8 =	sadd.s32 $0x2800, s15;
	[sflag:s11] =	ssyncset.done @!p0 $0x0  }
.LBB2_16:
0x689: {  	[sflag:s11] =	ssyncadd.s32 @!p0 $0xFFFFFD80  }
0x68a: {  	p0 =	sgt.u32 s17, $0xF9;
	s17 =	smov.u32 s9;
	s9 =	sadd.s32 $0x10, s9  }
0x68b: {  	p1 =	sne.s32 s9, $0x100  }
.Ltmp7:
0x68c: {  	s11 =	sshll.u32 @!p0 s4, $0x6;
	s18 =	sshrl.u32 @!p0 s2, $0x3;
	(pc) =	sbr.rel @p1 .LBB2_16-.Ltmp7, $4  }
0x68d: {  	s19 =	sor.u32 @!p0 $0x1C0D, s11;
	s11 =	simm.s32 @!p0 $0xD  }
0x68e: {  	[hbm:s8], [sflag:s19] =	dma.local @!p0 [spmem:s18], $0x280  }
0x68f: {  	s2 =	sadd.s32 $0x14000, s2;
	_ =	swait.ge @!p0 [sflag:s11], $0x280  }
0x690: {  	s17 =	sadd.s32 s17, s4;
	s8 =	sadd.s32 $0x2800, s8;
	[sflag:s11] =	ssyncset.done @!p0 $0x0  }
0x691: {  	p1 =	sgt.u32 s17, $0xF9  }
0x692: {  	[sflag:s11] =	ssyncadd.s32 @!p0 $0xFFFFFD80;
	s9 =	sshll.u32 @!p1 s4, $0x6  }
0x693: {  	s2 =	sshrl.u32 @!p1 s2, $0x3;
	s11 =	simm.s32 @!p1 $0xD;
	s9 =	sor.u32 @!p1 $0x1C0D, s9  }
0x694: {  	[hbm:s8], [sflag:s9] =	dma.local @!p1 [spmem:s2], $0x280  }
0x695: {  	_ =	swait.ge @!p1 [sflag:s11], $0x280  }
0x696: {  	s22 =	rddreg [dreg:$0x13]  }
0x697: {  	s25 =	rddreg [dreg:$0x10];
	s8 =	sadd.s32 $0x1, s22  }
0x698: {  	p0 =	sne.s32 s8, s25  }
.Ltmp8:
0x699: {  	_ = 	snop;
	(pc) =	sbr.rel @p0 .LBB2_1-.Ltmp8, $3  }
0x69a: {  	_ =	sdelay $0x1  }
0x69b: {  	[sflag:s11] =	ssyncset.done @!p1 $0x0  }
0x69c: {  	s15 =	rddreg [dreg:$0x8];
	[sflag:s11] =	ssyncadd.s32 @!p1 $0xFFFFFD80  }
0x69d: {  	_ =	sfence.sel $0x180000  }
0x69e: {  	[bflag:$0x0] =	sbarrier.arrive $0xFFFF  }
0x69f: {  	_ =	strace $0x90000047  }
0x6a0: {  	[bflag:$0x2] =	sbarrier.arrive $0xFFFF  }
0x6a1: {  	p0 =	sne.s32 s4, $0x0;
	s0 =	rddreg [dreg:$0x3]  }
0x6a2: {  	s0 =	sadd.s32 @!p0 $0x100000, s0  }
0x6a3: {  	[sflag:s0] =	ssyncadd.tile.s32 @!p0 $0x1;
	_ =	shalt  }
.Lfunc_end2:
_tile_overlayer_lowered:
.L_overlay_start_2:
0x6a4: {  	(tag) =	ssettag $0x2  }
0x6a5: {  	s0 =	rddreg [dreg:$0x0];
	s2 =	stileid.u32  }
0x6a6: {  	s1 =	rddreg [dreg:$0x1];
	p0 =	sne.s32 s2, $0x0  }
0x6a7: {  	s3 =	rddreg [dreg:$0x2];
	[bflag:$0x3] =	sbarrier.arrive $0xFFFF;
	s2 =	simm.s32 @!p0 $0x1C0D  }
0x6a8: {  	[timem:s3], [sflag:s2] =	dma.local @!p0 [hbm:s0], s1  }
0x6a9: {  	s0 =	simm.s32 @!p0 $0xD  }
0x6aa: {  	_ =	swait.ge @!p0 [sflag:s0], s1  }
0x6ab: {  	s1 =	ssub.s32 @!p0 $0x0, s1;
	[sflag:s0] =	ssyncset.done @!p0 $0x0  }
0x6ac: {  	[sflag:s0] =	ssyncadd.s32 @!p0 s1  }
0x6ad: {  	[bflag:$0x3] =	sbarrier.arrive $0xFFFF  }
0x6ae: {  	_ =	shalt  }

</sc_bundles>
